<compile_context>
chip_gen: v7x
topology: tpu7x:2x2x1
jax: 0.10.2.dev20260603
libtpu: 0.0.44.dev20260713+nightly
codegen_flags: <defaults>
</compile_context>

<pallas_src>
import functools

import jax
import jax.numpy as jnp
from jax import lax
from jax.experimental import pallas as pl
from jax.experimental.pallas import tpu as pltpu
from jax.experimental.pallas import tpu_sc as plsc

HIDDEN = 2048
TOOL_HID = 512
MAX_TOOLS = 128
TOOL_EMB = 256
TOP_K = 3

TOKEN_BLOCK = 256

SC_CORES = 2
SC_SUBCORES = 16
SC_WORKERS = SC_CORES * SC_SUBCORES
GATHER_CHUNK = 128
TABLE_REP = 256


def _tc_body(x_ref, wgt_ref, bg_ref, w1_ref, b1_ref, w2_ref, b2_ref,
             enh_ref, probs_ref, gate_ref, idx_ref, idxs_ref):
    x = x_ref[...]
    enh_ref[...] = x

    xb = x.astype(jnp.bfloat16).astype(jnp.float32)
    wb = wgt_ref[...].astype(jnp.bfloat16).astype(jnp.float32)
    z = jnp.sum(xb * wb, axis=-1, keepdims=True) + bg_ref[...]
    gate_ref[...] = z > 0.0

    h = jnp.maximum(
        jnp.dot(x, w1_ref[...], preferred_element_type=jnp.float32)
        + b1_ref[...], 0.0)
    logits = (jnp.dot(h, w2_ref[...], preferred_element_type=jnp.float32)
              + b2_ref[...])
    m = jnp.max(logits, axis=-1, keepdims=True)
    e = jnp.exp(logits - m)
    probs = e / jnp.sum(e, axis=-1, keepdims=True)
    probs_ref[...] = probs

    iota = lax.broadcasted_iota(jnp.int32, probs.shape, 1)
    p = probs
    cols = []
    for _ in range(TOP_K):
        pm = jnp.max(p, axis=-1, keepdims=True)
        a = jnp.min(jnp.where(p == pm, iota, MAX_TOOLS), axis=-1,
                    keepdims=True)
        cols.append(a)
        p = jnp.where(iota == a, -1.0, p)
    idx = jnp.concatenate(cols, axis=1)
    idx_ref[...] = idx
    r3 = 3 * lax.broadcasted_iota(jnp.int32, idx.shape, 0)
    kk = lax.broadcasted_iota(jnp.int32, idx.shape, 1)
    idxs_ref[...] = idx + MAX_TOOLS * ((r3 + kk) % TABLE_REP)


def _run_tc(x2d, wg_t, b_gate, W_sel1, b_sel1, W_sel2, b_sel2):
    n = x2d.shape[0]
    grid = (n // TOKEN_BLOCK,)
    tok = lambda i: (i, 0)
    rep = lambda i: (0, 0)
    return pl.pallas_call(
        _tc_body,
        grid=grid,
        in_specs=[
            pl.BlockSpec((TOKEN_BLOCK, HIDDEN), tok),
            pl.BlockSpec((1, HIDDEN), rep),
            pl.BlockSpec((1, 1), rep),
            pl.BlockSpec((HIDDEN, TOOL_HID), rep),
            pl.BlockSpec((1, TOOL_HID), rep),
            pl.BlockSpec((TOOL_HID, MAX_TOOLS), rep),
            pl.BlockSpec((1, MAX_TOOLS), rep),
        ],
        out_specs=[
            pl.BlockSpec((TOKEN_BLOCK, HIDDEN), tok),
            pl.BlockSpec((TOKEN_BLOCK, MAX_TOOLS), tok),
            pl.BlockSpec((TOKEN_BLOCK, 1), tok),
            pl.BlockSpec((TOKEN_BLOCK, TOP_K), tok),
            pl.BlockSpec((TOKEN_BLOCK, TOP_K), tok),
        ],
        out_shape=[
            jax.ShapeDtypeStruct((n, HIDDEN), jnp.float32),
            jax.ShapeDtypeStruct((n, MAX_TOOLS), jnp.float32),
            jax.ShapeDtypeStruct((n, 1), jnp.bool_),
            jax.ShapeDtypeStruct((n, TOP_K), jnp.int32),
            jax.ShapeDtypeStruct((n, TOP_K), jnp.int32),
        ],
        compiler_params=pltpu.CompilerParams(
            dimension_semantics=("arbitrary",)),
    )(x2d, wg_t, b_gate, W_sel1, b_sel1, W_sel2, b_sel2)


def _sc_gather(table_lo, table_hi, idx_flat):
    total = idx_flat.shape[0]
    per_worker = total // SC_WORKERS
    chunks = per_worker // GATHER_CHUNK
    mesh = plsc.VectorSubcoreMesh(core_axis_name="c", subcore_axis_name="s")
    half = TOOL_EMB // 2
    L = 16

    @functools.partial(
        pl.kernel,
        out_type=[
            jax.ShapeDtypeStruct((total, half), jnp.float32),
            jax.ShapeDtypeStruct((total, half), jnp.float32),
        ],
        mesh=mesh,
        scratch_types=[
            pltpu.VMEM((per_worker,), jnp.int32),
            pltpu.VMEM((chunks, GATHER_CHUNK), jnp.int32),
            pltpu.VMEM((GATHER_CHUNK, half), jnp.float32),
            pltpu.VMEM((GATHER_CHUNK, half), jnp.float32),
            pltpu.VMEM((GATHER_CHUNK, half), jnp.float32),
            pltpu.VMEM((GATHER_CHUNK, half), jnp.float32),
            pltpu.SemaphoreType.DMA,
            pltpu.SemaphoreType.DMA,
            pltpu.SemaphoreType.DMA,
            pltpu.SemaphoreType.DMA,
            pltpu.SemaphoreType.DMA,
            pltpu.SemaphoreType.DMA,
            pltpu.SemaphoreType.DMA,
            pltpu.SemaphoreType.DMA,
        ],
    )
    def gather_kernel(tlo_hbm, thi_hbm, idx_hbm, lo_hbm, hi_hbm,
                      idx_all, dest_all, lo0, lo1, hi0, hi1,
                      sgl0, sgl1, sgh0, sgh1, ssl0, ssl1, ssh0, ssh1):
        wid = lax.axis_index("s") * SC_CORES + lax.axis_index("c")
        base = wid * per_worker
        pltpu.sync_copy(idx_hbm.at[pl.ds(base, per_worker)], idx_all)
        lane = lax.iota(jnp.int32, L)
        base3 = wid * (per_worker // 3)
        for j in range(chunks):
            off_j = j * GATHER_CHUNK
            r0 = off_j % 3
            t0 = base3 + off_j // 3
            for v in range(GATHER_CHUNK // L):
                su = v * L + r0 + lane
                tq = (su * 21846) >> 16
                t = t0 + tq
                k = su - 3 * tq
                bb = t >> 12
                ss_ = t & 4095
                dest_all[j, pl.ds(v * L, L)] = (bb * 12288 + k * 4096
                                                + ss_)
        lob = (lo0, lo1)
        hib = (hi0, hi1)
        sgl = (sgl0, sgl1)
        sgh = (sgh0, sgh1)
        ssl = (ssl0, ssl1)
        ssh = (ssh0, ssh1)
        gl, gh, sl, sh = {}, {}, {}, {}

        def idx_view(i):
            return idx_all.at[pl.ds(i * GATHER_CHUNK, GATHER_CHUNK)]

        gl[0] = pltpu.async_copy(tlo_hbm.at[idx_view(0)], lo0, sgl0)
        gh[0] = pltpu.async_copy(thi_hbm.at[idx_view(0)], hi0, sgh0)
        for i in range(chunks):
            bi = i & 1
            dv = dest_all.at[i]
            gl[i].wait()
            sl[i] = pltpu.async_copy(lob[bi], lo_hbm.at[dv], ssl[bi])
            gh[i].wait()
            sh[i] = pltpu.async_copy(hib[bi], hi_hbm.at[dv], ssh[bi])
            ni = i + 1
            if ni < chunks:
                nb = ni & 1
                if ni >= 2:
                    sl[ni - 2].wait()
                    sh[ni - 2].wait()
                gl[ni] = pltpu.async_copy(tlo_hbm.at[idx_view(ni)],
                                          lob[nb], sgl[nb])
                gh[ni] = pltpu.async_copy(thi_hbm.at[idx_view(ni)],
                                          hib[nb], sgh[nb])
        sl[chunks - 2].wait()
        sh[chunks - 2].wait()
        sl[chunks - 1].wait()
        sh[chunks - 1].wait()

    return gather_kernel(table_lo, table_hi, idx_flat)


def _finish_body(lo_ref, hi_ref, out_ref):
    lo = lo_ref[...]
    hi = hi_ref[...]
    out_ref[...] = jnp.concatenate([lo, hi], axis=-1)


def _tc_finish(lo4, hi4):
    b, k, s, half = lo4.shape
    sblk = TOKEN_BLOCK
    grid = (b * (s // sblk),)
    nsb = s // sblk
    return pl.pallas_call(
        _finish_body,
        grid=grid,
        in_specs=[
            pl.BlockSpec((1, k, sblk, half),
                         lambda i: (i // nsb, 0, i % nsb, 0)),
            pl.BlockSpec((1, k, sblk, half),
                         lambda i: (i // nsb, 0, i % nsb, 0)),
        ],
        out_specs=pl.BlockSpec((1, k, sblk, 2 * half),
                               lambda i: (i // nsb, 0, i % nsb, 0)),
        out_shape=jax.ShapeDtypeStruct((b, k, s, 2 * half), jnp.float32),
        compiler_params=pltpu.CompilerParams(
            dimension_semantics=("arbitrary",)),
    )(lo4, hi4)


def kernel(hidden_states, W_gate, b_gate, W_sel1, b_sel1, W_sel2, b_sel2,
           tool_table):
    b, s, hdim = hidden_states.shape
    n = b * s
    x2d = hidden_states.reshape(n, hdim)
    wg_t = W_gate.reshape(1, hdim)
    enh, probs, gate, idx, idx_sp = _run_tc(
        x2d, wg_t, b_gate.reshape(1, 1), W_sel1, b_sel1.reshape(1, TOOL_HID),
        W_sel2, b_sel2.reshape(1, MAX_TOOLS))
    half = TOOL_EMB // 2
    table_lo = jnp.tile(tool_table[:, :half], (TABLE_REP, 1))
    table_hi = jnp.tile(tool_table[:, half:], (TABLE_REP, 1))
    lo, hi = _sc_gather(table_lo, table_hi, idx_sp.reshape(n * TOP_K))
    lo4 = lo.reshape(b, TOP_K, s, half)
    hi4 = hi.reshape(b, TOP_K, s, half)
    embs = _tc_finish(lo4, hi4).transpose(0, 2, 1, 3)
    return (
        enh.reshape(b, s, hdim),
        probs.reshape(b, s, MAX_TOOLS),
        gate.reshape(b, s, 1),
        idx.reshape(b, s, TOP_K),
        embs,
    )

# --- scband reference (transcript-rebuilt; emitter-appended) ---
"""Pipeline reference for scband-tool-calling-module-54503134986906 (READ-ONLY COPY).

The authoritative reference and input builder live on the scoring server;
editing this copy changes nothing except your own understanding.
"""

import jax, jax.numpy as jnp
import numpy as np

HIDDEN = 2048
TOOL_HID = 512
MAX_TOOLS = 128
TOOL_EMB = 256
BATCH = 4
SEQ = 4096


def setup_inputs(seed: int = 0) -> dict:
    key = jax.random.key(seed)
    ks = jax.random.split(key, 12)
    hidden_states = jax.random.normal(ks[0], (BATCH, SEQ, HIDDEN), dtype=jnp.float32)
    # parameters
    W_gate = jax.random.normal(ks[1], (HIDDEN, 1), dtype=jnp.float32) * 0.02
    b_gate = jnp.zeros((1,), dtype=jnp.float32)
    W_sel1 = jax.random.normal(ks[2], (HIDDEN, TOOL_HID), dtype=jnp.float32) * 0.02
    b_sel1 = jnp.zeros((TOOL_HID,), dtype=jnp.float32)
    W_sel2 = jax.random.normal(ks[3], (TOOL_HID, MAX_TOOLS), dtype=jnp.float32) * 0.02
    b_sel2 = jnp.zeros((MAX_TOOLS,), dtype=jnp.float32)
    tool_table = jax.random.normal(ks[4], (MAX_TOOLS, TOOL_EMB), dtype=jnp.float32)
    return {
        'hidden_states': hidden_states,
        'W_gate': W_gate, 'b_gate': b_gate,
        'W_sel1': W_sel1, 'b_sel1': b_sel1,
        'W_sel2': W_sel2, 'b_sel2': b_sel2,
        'tool_table': tool_table,
    }


def reference(hidden_states, W_gate, b_gate, W_sel1, b_sel1, W_sel2, b_sel2, tool_table):
    # tool gate (dropout inactive in eval)
    tool_gate_scores = jax.nn.sigmoid(hidden_states @ W_gate + b_gate)  # [B,S,1]
    should_call_tools = tool_gate_scores > 0.5
    # function selector MLP
    h = jax.nn.relu(hidden_states @ W_sel1 + b_sel1)
    function_logits = h @ W_sel2 + b_sel2  # [B,S,MAX_TOOLS]
    tool_probs = jax.nn.softmax(function_logits, axis=-1)
    top_k = 3
    _, top_tool_indices = jax.lax.top_k(tool_probs, top_k)  # [B,S,3]
    # gather tool embeddings for top-k routed tools (SparseCore gather)
    tool_embs = jnp.take(tool_table, top_tool_indices, axis=0)  # [B,S,3,TOOL_EMB]
    # no tool execution (tool_registry=None in eval): enhanced_states == hidden_states
    enhanced_states = hidden_states
    return (enhanced_states, tool_probs, should_call_tools, top_tool_indices, tool_embs)

if __name__ == "__main__":
    import jax
    _d = setup_inputs()
    print(jax.jit(kernel)(*tuple(_d.values())))

</pallas_src>

<mosaic_0001>
#map = affine_map<(d0, d1) -> (0, 0)>
#map1 = affine_map<(d0, d1) -> (0)>
module attributes {stable_mosaic.version = 14 : i64} {
  func.func @gather_kernel(%arg0: i32, %arg1: i32, %arg2: memref<32768x128xf32, #tpu.memory_space<hbm>>, %arg3: memref<32768x128xf32, #tpu.memory_space<hbm>>, %arg4: memref<49152xi32, #tpu.memory_space<hbm>>, %arg5: memref<49152x128xf32, #tpu.memory_space<hbm>>, %arg6: memref<49152x128xf32, #tpu.memory_space<hbm>>, %arg7: memref<1536xi32, #tpu.memory_space<vmem>>, %arg8: memref<12x128xi32, #tpu.memory_space<vmem>>, %arg9: memref<128x128xf32, #tpu.memory_space<vmem>>, %arg10: memref<128x128xf32, #tpu.memory_space<vmem>>, %arg11: memref<128x128xf32, #tpu.memory_space<vmem>>, %arg12: memref<128x128xf32, #tpu.memory_space<vmem>>, %arg13: memref<!tpu.dma_semaphore, #tpu.memory_space<semaphore_mem>>, %arg14: memref<!tpu.dma_semaphore, #tpu.memory_space<semaphore_mem>>, %arg15: memref<!tpu.dma_semaphore, #tpu.memory_space<semaphore_mem>>, %arg16: memref<!tpu.dma_semaphore, #tpu.memory_space<semaphore_mem>>, %arg17: memref<!tpu.dma_semaphore, #tpu.memory_space<semaphore_mem>>, %arg18: memref<!tpu.dma_semaphore, #tpu.memory_space<semaphore_mem>>, %arg19: memref<!tpu.dma_semaphore, #tpu.memory_space<semaphore_mem>>, %arg20: memref<!tpu.dma_semaphore, #tpu.memory_space<semaphore_mem>>) attributes {dimension_semantics = [#tpu.dimension_semantics<core_parallel>, #tpu.dimension_semantics<subcore_parallel>], iteration_bounds = array<i64: 2, 16>, scalar_prefetch = 0 : i64, scratch_operands = 14 : i64, tpu.core_type = #tpu.core_type<sc_vector_subcore>, window_params = [{transform_indices = #map}, {transform_indices = #map}, {transform_indices = #map1}, {transform_indices = #map}, {transform_indices = #map}]} {
    %mul3A = arith.constant 2 : i32
    %mul3A_0 = arith.muli %arg1, %mul3A : i32
    %add3A = arith.addi %mul3A_0, %arg0 : i32
    %mul3A_1 = arith.constant 1536 : i32
    %mul3A_2 = arith.muli %add3A, %mul3A_1 : i32
    "tpu.region"() ({
      %run_scoped3A = tpu.sem_alloc : memref<!tpu.dma_semaphore, #tpu.memory_space<semaphore_mem>>
      %dma_start3A_3959 = tpu.memref_slice %arg4[%mul3A_2] : memref<49152xi32, #tpu.memory_space<hbm>> -> memref<1536xi32, #tpu.memory_space<hbm>>
      %dma_start3A_3960 = tpu.memref_slice %arg4[%mul3A_2] : memref<49152xi32, #tpu.memory_space<hbm>> -> memref<1536xi32, #tpu.memory_space<hbm>>
      tpu.enqueue_dma source(%dma_start3A_3960 : memref<1536xi32, #tpu.memory_space<hbm>>) target(%arg7 : memref<1536xi32, #tpu.memory_space<vmem>>) target_semaphore(%run_scoped3A : memref<!tpu.dma_semaphore, #tpu.memory_space<semaphore_mem>>)
      %dma_wait3A_3961 = tpu.memref_slice %arg4[%mul3A_2] : memref<49152xi32, #tpu.memory_space<hbm>> -> memref<1536xi32, #tpu.memory_space<hbm>>
      %dma_wait3A_3962 = tpu.memref_slice %arg4[%mul3A_2] : memref<49152xi32, #tpu.memory_space<hbm>> -> memref<1536xi32, #tpu.memory_space<hbm>>
      tpu.wait_dma2 semaphore(%run_scoped3A : memref<!tpu.dma_semaphore, #tpu.memory_space<semaphore_mem>>) src(%dma_wait3A_3962 : memref<1536xi32, #tpu.memory_space<hbm>>) dst(%arg7 : memref<1536xi32, #tpu.memory_space<vmem>>)
      tpu.yield
    }) : () -> ()
    %iota3A = tpu.iota {dimensions = array<i32: 0>} : vector<16xi32>
    %mul3A_3 = arith.constant 512 : i32
    %mul3A_4 = arith.muli %add3A, %mul3A_3 : i32
    %add3A_5 = arith.constant 0 : i32
    %add3A_6 = arith.addi %mul3A_4, %add3A_5 : i32
    %add3A_7 = arith.constant 0 : i32
    %add3A_8 = vector.broadcast %add3A_7 : i32 to vector<16xi32>
    %add3A_9 = arith.addi %add3A_8, %iota3A : vector<16xi32>
    %mul3A_10 = arith.constant 21846 : i32
    %mul3A_11 = vector.broadcast %mul3A_10 : i32 to vector<16xi32>
    %mul3A_12 = arith.muli %add3A_9, %mul3A_11 : vector<16xi32>
    %shift_right_arithmetic3A = arith.constant 16 : i32
    %shift_right_arithmetic3A_13 = vector.broadcast %shift_right_arithmetic3A : i32 to vector<16xi32>
    %shift_right_arithmetic3A_14 = arith.shrsi %mul3A_12, %shift_right_arithmetic3A_13 : vector<16xi32>
    %add3A_15 = vector.broadcast %add3A_6 : i32 to vector<16xi32>
    %add3A_16 = arith.addi %add3A_15, %shift_right_arithmetic3A_14 : vector<16xi32>
    %mul3A_17 = arith.constant 3 : i32
    %mul3A_18 = vector.broadcast %mul3A_17 : i32 to vector<16xi32>
    %mul3A_19 = arith.muli %mul3A_18, %shift_right_arithmetic3A_14 : vector<16xi32>
    %sub3A = arith.subi %add3A_9, %mul3A_19 : vector<16xi32>
    %shift_right_arithmetic3A_20 = arith.constant 12 : i32
    %shift_right_arithmetic3A_21 = vector.broadcast %shift_right_arithmetic3A_20 : i32 to vector<16xi32>
    %shift_right_arithmetic3A_22 = arith.shrsi %add3A_16, %shift_right_arithmetic3A_21 : vector<16xi32>
    %and3A = arith.constant 4095 : i32
    %and3A_23 = vector.broadcast %and3A : i32 to vector<16xi32>
    %and3A_24 = arith.andi %add3A_16, %and3A_23 : vector<16xi32>
    %mul3A_25 = arith.constant 12288 : i32
    %mul3A_26 = vector.broadcast %mul3A_25 : i32 to vector<16xi32>
    %mul3A_27 = arith.muli %shift_right_arithmetic3A_22, %mul3A_26 : vector<16xi32>
    %mul3A_28 = arith.constant 4096 : i32
    %mul3A_29 = vector.broadcast %mul3A_28 : i32 to vector<16xi32>
    %mul3A_30 = arith.muli %sub3A, %mul3A_29 : vector<16xi32>
    %add3A_31 = arith.addi %mul3A_27, %mul3A_30 : vector<16xi32>
    %add3A_32 = arith.addi %add3A_31, %and3A_24 : vector<16xi32>
    %swap3A = arith.constant 0 : i32
    %swap3A_33 = arith.index_cast %swap3A : i32 to index
    %swap3A_34 = arith.constant 0 : index
    %swap3A_35 = tpu.vector_load %arg8[%swap3A_33, %swap3A_34] {strides = array<i32>} : memref<12x128xi32, #tpu.memory_space<vmem>>, vector<1x16xi32>,
    %swap3A_36 = vector.shape_cast %swap3A_35 : vector<1x16xi32> to vector<16xi32>
    %swap3A_37 = vector.shape_cast %add3A_32 : vector<16xi32> to vector<1x16xi32>
    tpu.vector_store %arg8[%swap3A_33, %swap3A_34], %swap3A_37 {strides = array<i32>} : memref<12x128xi32, #tpu.memory_space<vmem>>, vector<1x16xi32>,
    %add3A_38 = arith.constant 16 : i32
    %add3A_39 = vector.broadcast %add3A_38 : i32 to vector<16xi32>
    %add3A_40 = arith.addi %add3A_39, %iota3A : vector<16xi32>
    %mul3A_41 = arith.constant 21846 : i32
    %mul3A_42 = vector.broadcast %mul3A_41 : i32 to vector<16xi32>
    %mul3A_43 = arith.muli %add3A_40, %mul3A_42 : vector<16xi32>
    %shift_right_arithmetic3A_44 = arith.constant 16 : i32
    %shift_right_arithmetic3A_45 = vector.broadcast %shift_right_arithmetic3A_44 : i32 to vector<16xi32>
    %shift_right_arithmetic3A_46 = arith.shrsi %mul3A_43, %shift_right_arithmetic3A_45 : vector<16xi32>
    %add3A_47 = vector.broadcast %add3A_6 : i32 to vector<16xi32>
    %add3A_48 = arith.addi %add3A_47, %shift_right_arithmetic3A_46 : vector<16xi32>
    %mul3A_49 = arith.constant 3 : i32
    %mul3A_50 = vector.broadcast %mul3A_49 : i32 to vector<16xi32>
    %mul3A_51 = arith.muli %mul3A_50, %shift_right_arithmetic3A_46 : vector<16xi32>
    %sub3A_52 = arith.subi %add3A_40, %mul3A_51 : vector<16xi32>
    %shift_right_arithmetic3A_53 = arith.constant 12 : i32
    %shift_right_arithmetic3A_54 = vector.broadcast %shift_right_arithmetic3A_53 : i32 to vector<16xi32>
    %shift_right_arithmetic3A_55 = arith.shrsi %add3A_48, %shift_right_arithmetic3A_54 : vector<16xi32>
    %and3A_56 = arith.constant 4095 : i32
    %and3A_57 = vector.broadcast %and3A_56 : i32 to vector<16xi32>
    %and3A_58 = arith.andi %add3A_48, %and3A_57 : vector<16xi32>
    %mul3A_59 = arith.constant 12288 : i32
    %mul3A_60 = vector.broadcast %mul3A_59 : i32 to vector<16xi32>
    %mul3A_61 = arith.muli %shift_right_arithmetic3A_55, %mul3A_60 : vector<16xi32>
    %mul3A_62 = arith.constant 4096 : i32
    %mul3A_63 = vector.broadcast %mul3A_62 : i32 to vector<16xi32>
    %mul3A_64 = arith.muli %sub3A_52, %mul3A_63 : vector<16xi32>
    %add3A_65 = arith.addi %mul3A_61, %mul3A_64 : vector<16xi32>
    %add3A_66 = arith.addi %add3A_65, %and3A_58 : vector<16xi32>
    %swap3A_67 = arith.constant 0 : i32
    %swap3A_68 = arith.index_cast %swap3A_67 : i32 to index
    %swap3A_69 = arith.constant 16 : index
    %swap3A_70 = tpu.vector_load %arg8[%swap3A_68, %swap3A_69] {strides = array<i32>} : memref<12x128xi32, #tpu.memory_space<vmem>>, vector<1x16xi32>,
    %swap3A_71 = vector.shape_cast %swap3A_70 : vector<1x16xi32> to vector<16xi32>
    %swap3A_72 = vector.shape_cast %add3A_66 : vector<16xi32> to vector<1x16xi32>
    tpu.vector_store %arg8[%swap3A_68, %swap3A_69], %swap3A_72 {strides = array<i32>} : memref<12x128xi32, #tpu.memory_space<vmem>>, vector<1x16xi32>,
    %add3A_73 = arith.constant 32 : i32
    %add3A_74 = vector.broadcast %add3A_73 : i32 to vector<16xi32>
    %add3A_75 = arith.addi %add3A_74, %iota3A : vector<16xi32>
    %mul3A_76 = arith.constant 21846 : i32
    %mul3A_77 = vector.broadcast %mul3A_76 : i32 to vector<16xi32>
    %mul3A_78 = arith.muli %add3A_75, %mul3A_77 : vector<16xi32>
    %shift_right_arithmetic3A_79 = arith.constant 16 : i32
    %shift_right_arithmetic3A_80 = vector.broadcast %shift_right_arithmetic3A_79 : i32 to vector<16xi32>
    %shift_right_arithmetic3A_81 = arith.shrsi %mul3A_78, %shift_right_arithmetic3A_80 : vector<16xi32>
    %add3A_82 = vector.broadcast %add3A_6 : i32 to vector<16xi32>
    %add3A_83 = arith.addi %add3A_82, %shift_right_arithmetic3A_81 : vector<16xi32>
    %mul3A_84 = arith.constant 3 : i32
    %mul3A_85 = vector.broadcast %mul3A_84 : i32 to vector<16xi32>
    %mul3A_86 = arith.muli %mul3A_85, %shift_right_arithmetic3A_81 : vector<16xi32>
    %sub3A_87 = arith.subi %add3A_75, %mul3A_86 : vector<16xi32>
    %shift_right_arithmetic3A_88 = arith.constant 12 : i32
    %shift_right_arithmetic3A_89 = vector.broadcast %shift_right_arithmetic3A_88 : i32 to vector<16xi32>
    %shift_right_arithmetic3A_90 = arith.shrsi %add3A_83, %shift_right_arithmetic3A_89 : vector<16xi32>
    %and3A_91 = arith.constant 4095 : i32
    %and3A_92 = vector.broadcast %and3A_91 : i32 to vector<16xi32>
    %and3A_93 = arith.andi %add3A_83, %and3A_92 : vector<16xi32>
    %mul3A_94 = arith.constant 12288 : i32
    %mul3A_95 = vector.broadcast %mul3A_94 : i32 to vector<16xi32>
    %mul3A_96 = arith.muli %shift_right_arithmetic3A_90, %mul3A_95 : vector<16xi32>
    %mul3A_97 = arith.constant 4096 : i32
    %mul3A_98 = vector.broadcast %mul3A_97 : i32 to vector<16xi32>
    %mul3A_99 = arith.muli %sub3A_87, %mul3A_98 : vector<16xi32>
    %add3A_100 = arith.addi %mul3A_96, %mul3A_99 : vector<16xi32>
    %add3A_101 = arith.addi %add3A_100, %and3A_93 : vector<16xi32>
    %swap3A_102 = arith.constant 0 : i32
    %swap3A_103 = arith.index_cast %swap3A_102 : i32 to index
    %swap3A_104 = arith.constant 32 : index
    %swap3A_105 = tpu.vector_load %arg8[%swap3A_103, %swap3A_104] {strides = array<i32>} : memref<12x128xi32, #tpu.memory_space<vmem>>, vector<1x16xi32>,
    %swap3A_106 = vector.shape_cast %swap3A_105 : vector<1x16xi32> to vector<16xi32>
    %swap3A_107 = vector.shape_cast %add3A_101 : vector<16xi32> to vector<1x16xi32>
    tpu.vector_store %arg8[%swap3A_103, %swap3A_104], %swap3A_107 {strides = array<i32>} : memref<12x128xi32, #tpu.memory_space<vmem>>, vector<1x16xi32>,
    %add3A_108 = arith.constant 48 : i32
    %add3A_109 = vector.broadcast %add3A_108 : i32 to vector<16xi32>
    %add3A_110 = arith.addi %add3A_109, %iota3A : vector<16xi32>
    %mul3A_111 = arith.constant 21846 : i32
    %mul3A_112 = vector.broadcast %mul3A_111 : i32 to vector<16xi32>
    %mul3A_113 = arith.muli %add3A_110, %mul3A_112 : vector<16xi32>
    %shift_right_arithmetic3A_114 = arith.constant 16 : i32
    %shift_right_arithmetic3A_115 = vector.broadcast %shift_right_arithmetic3A_114 : i32 to vector<16xi32>
    %shift_right_arithmetic3A_116 = arith.shrsi %mul3A_113, %shift_right_arithmetic3A_115 : vector<16xi32>
    %add3A_117 = vector.broadcast %add3A_6 : i32 to vector<16xi32>
    %add3A_118 = arith.addi %add3A_117, %shift_right_arithmetic3A_116 : vector<16xi32>
    %mul3A_119 = arith.constant 3 : i32
    %mul3A_120 = vector.broadcast %mul3A_119 : i32 to vector<16xi32>
    %mul3A_121 = arith.muli %mul3A_120, %shift_right_arithmetic3A_116 : vector<16xi32>
    %sub3A_122 = arith.subi %add3A_110, %mul3A_121 : vector<16xi32>
    %shift_right_arithmetic3A_123 = arith.constant 12 : i32
    %shift_right_arithmetic3A_124 = vector.broadcast %shift_right_arithmetic3A_123 : i32 to vector<16xi32>
    %shift_right_arithmetic3A_125 = arith.shrsi %add3A_118, %shift_right_arithmetic3A_124 : vector<16xi32>
    %and3A_126 = arith.constant 4095 : i32
    %and3A_127 = vector.broadcast %and3A_126 : i32 to vector<16xi32>
    %and3A_128 = arith.andi %add3A_118, %and3A_127 : vector<16xi32>
    %mul3A_129 = arith.constant 12288 : i32
    %mul3A_130 = vector.broadcast %mul3A_129 : i32 to vector<16xi32>
    %mul3A_131 = arith.muli %shift_right_arithmetic3A_125, %mul3A_130 : vector<16xi32>
    %mul3A_132 = arith.constant 4096 : i32
    %mul3A_133 = vector.broadcast %mul3A_132 : i32 to vector<16xi32>
    %mul3A_134 = arith.muli %sub3A_122, %mul3A_133 : vector<16xi32>
    %add3A_135 = arith.addi %mul3A_131, %mul3A_134 : vector<16xi32>
    %add3A_136 = arith.addi %add3A_135, %and3A_128 : vector<16xi32>
    %swap3A_137 = arith.constant 0 : i32
    %swap3A_138 = arith.index_cast %swap3A_137 : i32 to index
    %swap3A_139 = arith.constant 48 : index
    %swap3A_140 = tpu.vector_load %arg8[%swap3A_138, %swap3A_139] {strides = array<i32>} : memref<12x128xi32, #tpu.memory_space<vmem>>, vector<1x16xi32>,
    %swap3A_141 = vector.shape_cast %swap3A_140 : vector<1x16xi32> to vector<16xi32>
    %swap3A_142 = vector.shape_cast %add3A_136 : vector<16xi32> to vector<1x16xi32>
    tpu.vector_store %arg8[%swap3A_138, %swap3A_139], %swap3A_142 {strides = array<i32>} : memref<12x128xi32, #tpu.memory_space<vmem>>, vector<1x16xi32>,
    %add3A_143 = arith.constant 64 : i32
    %add3A_144 = vector.broadcast %add3A_143 : i32 to vector<16xi32>
    %add3A_145 = arith.addi %add3A_144, %iota3A : vector<16xi32>
    %mul3A_146 = arith.constant 21846 : i32
    %mul3A_147 = vector.broadcast %mul3A_146 : i32 to vector<16xi32>
    %mul3A_148 = arith.muli %add3A_145, %mul3A_147 : vector<16xi32>
    %shift_right_arithmetic3A_149 = arith.constant 16 : i32
    %shift_right_arithmetic3A_150 = vector.broadcast %shift_right_arithmetic3A_149 : i32 to vector<16xi32>
    %shift_right_arithmetic3A_151 = arith.shrsi %mul3A_148, %shift_right_arithmetic3A_150 : vector<16xi32>
    %add3A_152 = vector.broadcast %add3A_6 : i32 to vector<16xi32>
    %add3A_153 = arith.addi %add3A_152, %shift_right_arithmetic3A_151 : vector<16xi32>
    %mul3A_154 = arith.constant 3 : i32
    %mul3A_155 = vector.broadcast %mul3A_154 : i32 to vector<16xi32>
    %mul3A_156 = arith.muli %mul3A_155, %shift_right_arithmetic3A_151 : vector<16xi32>
    %sub3A_157 = arith.subi %add3A_145, %mul3A_156 : vector<16xi32>
    %shift_right_arithmetic3A_158 = arith.constant 12 : i32
    %shift_right_arithmetic3A_159 = vector.broadcast %shift_right_arithmetic3A_158 : i32 to vector<16xi32>
    %shift_right_arithmetic3A_160 = arith.shrsi %add3A_153, %shift_right_arithmetic3A_159 : vector<16xi32>
    %and3A_161 = arith.constant 4095 : i32
    %and3A_162 = vector.broadcast %and3A_161 : i32 to vector<16xi32>
    %and3A_163 = arith.andi %add3A_153, %and3A_162 : vector<16xi32>
    %mul3A_164 = arith.constant 12288 : i32
    %mul3A_165 = vector.broadcast %mul3A_164 : i32 to vector<16xi32>
    %mul3A_166 = arith.muli %shift_right_arithmetic3A_160, %mul3A_165 : vector<16xi32>
    %mul3A_167 = arith.constant 4096 : i32
    %mul3A_168 = vector.broadcast %mul3A_167 : i32 to vector<16xi32>
    %mul3A_169 = arith.muli %sub3A_157, %mul3A_168 : vector<16xi32>
    %add3A_170 = arith.addi %mul3A_166, %mul3A_169 : vector<16xi32>
    %add3A_171 = arith.addi %add3A_170, %and3A_163 : vector<16xi32>
    %swap3A_172 = arith.constant 0 : i32
    %swap3A_173 = arith.index_cast %swap3A_172 : i32 to index
    %swap3A_174 = arith.constant 64 : index
    %swap3A_175 = tpu.vector_load %arg8[%swap3A_173, %swap3A_174] {strides = array<i32>} : memref<12x128xi32, #tpu.memory_space<vmem>>, vector<1x16xi32>,
    %swap3A_176 = vector.shape_cast %swap3A_175 : vector<1x16xi32> to vector<16xi32>
    %swap3A_177 = vector.shape_cast %add3A_171 : vector<16xi32> to vector<1x16xi32>
    tpu.vector_store %arg8[%swap3A_173, %swap3A_174], %swap3A_177 {strides = array<i32>} : memref<12x128xi32, #tpu.memory_space<vmem>>, vector<1x16xi32>,
    %add3A_178 = arith.constant 80 : i32
    %add3A_179 = vector.broadcast %add3A_178 : i32 to vector<16xi32>
    %add3A_180 = arith.addi %add3A_179, %iota3A : vector<16xi32>
    %mul3A_181 = arith.constant 21846 : i32
    %mul3A_182 = vector.broadcast %mul3A_181 : i32 to vector<16xi32>
    %mul3A_183 = arith.muli %add3A_180, %mul3A_182 : vector<16xi32>
    %shift_right_arithmetic3A_184 = arith.constant 16 : i32
    %shift_right_arithmetic3A_185 = vector.broadcast %shift_right_arithmetic3A_184 : i32 to vector<16xi32>
    %shift_right_arithmetic3A_186 = arith.shrsi %mul3A_183, %shift_right_arithmetic3A_185 : vector<16xi32>
    %add3A_187 = vector.broadcast %add3A_6 : i32 to vector<16xi32>
    %add3A_188 = arith.addi %add3A_187, %shift_right_arithmetic3A_186 : vector<16xi32>
    %mul3A_189 = arith.constant 3 : i32
    %mul3A_190 = vector.broadcast %mul3A_189 : i32 to vector<16xi32>
    %mul3A_191 = arith.muli %mul3A_190, %shift_right_arithmetic3A_186 : vector<16xi32>
    %sub3A_192 = arith.subi %add3A_180, %mul3A_191 : vector<16xi32>
    %shift_right_arithmetic3A_193 = arith.constant 12 : i32
    %shift_right_arithmetic3A_194 = vector.broadcast %shift_right_arithmetic3A_193 : i32 to vector<16xi32>
    %shift_right_arithmetic3A_195 = arith.shrsi %add3A_188, %shift_right_arithmetic3A_194 : vector<16xi32>
    %and3A_196 = arith.constant 4095 : i32
    %and3A_197 = vector.broadcast %and3A_196 : i32 to vector<16xi32>
    %and3A_198 = arith.andi %add3A_188, %and3A_197 : vector<16xi32>
    %mul3A_199 = arith.constant 12288 : i32
    %mul3A_200 = vector.broadcast %mul3A_199 : i32 to vector<16xi32>
    %mul3A_201 = arith.muli %shift_right_arithmetic3A_195, %mul3A_200 : vector<16xi32>
    %mul3A_202 = arith.constant 4096 : i32
    %mul3A_203 = vector.broadcast %mul3A_202 : i32 to vector<16xi32>
    %mul3A_204 = arith.muli %sub3A_192, %mul3A_203 : vector<16xi32>
    %add3A_205 = arith.addi %mul3A_201, %mul3A_204 : vector<16xi32>
    %add3A_206 = arith.addi %add3A_205, %and3A_198 : vector<16xi32>
    %swap3A_207 = arith.constant 0 : i32
    %swap3A_208 = arith.index_cast %swap3A_207 : i32 to index
    %swap3A_209 = arith.constant 80 : index
    %swap3A_210 = tpu.vector_load %arg8[%swap3A_208, %swap3A_209] {strides = array<i32>} : memref<12x128xi32, #tpu.memory_space<vmem>>, vector<1x16xi32>,
    %swap3A_211 = vector.shape_cast %swap3A_210 : vector<1x16xi32> to vector<16xi32>
    %swap3A_212 = vector.shape_cast %add3A_206 : vector<16xi32> to vector<1x16xi32>
    tpu.vector_store %arg8[%swap3A_208, %swap3A_209], %swap3A_212 {strides = array<i32>} : memref<12x128xi32, #tpu.memory_space<vmem>>, vector<1x16xi32>,
    %add3A_213 = arith.constant 96 : i32
    %add3A_214 = vector.broadcast %add3A_213 : i32 to vector<16xi32>
    %add3A_215 = arith.addi %add3A_214, %iota3A : vector<16xi32>
    %mul3A_216 = arith.constant 21846 : i32
    %mul3A_217 = vector.broadcast %mul3A_216 : i32 to vector<16xi32>
    %mul3A_218 = arith.muli %add3A_215, %mul3A_217 : vector<16xi32>
    %shift_right_arithmetic3A_219 = arith.constant 16 : i32
    %shift_right_arithmetic3A_220 = vector.broadcast %shift_right_arithmetic3A_219 : i32 to vector<16xi32>
    %shift_right_arithmetic3A_221 = arith.shrsi %mul3A_218, %shift_right_arithmetic3A_220 : vector<16xi32>
    %add3A_222 = vector.broadcast %add3A_6 : i32 to vector<16xi32>
    %add3A_223 = arith.addi %add3A_222, %shift_right_arithmetic3A_221 : vector<16xi32>
    %mul3A_224 = arith.constant 3 : i32
    %mul3A_225 = vector.broadcast %mul3A_224 : i32 to vector<16xi32>
    %mul3A_226 = arith.muli %mul3A_225, %shift_right_arithmetic3A_221 : vector<16xi32>
    %sub3A_227 = arith.subi %add3A_215, %mul3A_226 : vector<16xi32>
    %shift_right_arithmetic3A_228 = arith.constant 12 : i32
    %shift_right_arithmetic3A_229 = vector.broadcast %shift_right_arithmetic3A_228 : i32 to vector<16xi32>
    %shift_right_arithmetic3A_230 = arith.shrsi %add3A_223, %shift_right_arithmetic3A_229 : vector<16xi32>
    %and3A_231 = arith.constant 4095 : i32
    %and3A_232 = vector.broadcast %and3A_231 : i32 to vector<16xi32>
    %and3A_233 = arith.andi %add3A_223, %and3A_232 : vector<16xi32>
    %mul3A_234 = arith.constant 12288 : i32
    %mul3A_235 = vector.broadcast %mul3A_234 : i32 to vector<16xi32>
    %mul3A_236 = arith.muli %shift_right_arithmetic3A_230, %mul3A_235 : vector<16xi32>
    %mul3A_237 = arith.constant 4096 : i32
    %mul3A_238 = vector.broadcast %mul3A_237 : i32 to vector<16xi32>
    %mul3A_239 = arith.muli %sub3A_227, %mul3A_238 : vector<16xi32>
    %add3A_240 = arith.addi %mul3A_236, %mul3A_239 : vector<16xi32>
    %add3A_241 = arith.addi %add3A_240, %and3A_233 : vector<16xi32>
    %swap3A_242 = arith.constant 0 : i32
    %swap3A_243 = arith.index_cast %swap3A_242 : i32 to index
    %swap3A_244 = arith.constant 96 : index
    %swap3A_245 = tpu.vector_load %arg8[%swap3A_243, %swap3A_244] {strides = array<i32>} : memref<12x128xi32, #tpu.memory_space<vmem>>, vector<1x16xi32>,
    %swap3A_246 = vector.shape_cast %swap3A_245 : vector<1x16xi32> to vector<16xi32>
    %swap3A_247 = vector.shape_cast %add3A_241 : vector<16xi32> to vector<1x16xi32>
    tpu.vector_store %arg8[%swap3A_243, %swap3A_244], %swap3A_247 {strides = array<i32>} : memref<12x128xi32, #tpu.memory_space<vmem>>, vector<1x16xi32>,
    %add3A_248 = arith.constant 112 : i32
    %add3A_249 = vector.broadcast %add3A_248 : i32 to vector<16xi32>
    %add3A_250 = arith.addi %add3A_249, %iota3A : vector<16xi32>
    %mul3A_251 = arith.constant 21846 : i32
    %mul3A_252 = vector.broadcast %mul3A_251 : i32 to vector<16xi32>
    %mul3A_253 = arith.muli %add3A_250, %mul3A_252 : vector<16xi32>
    %shift_right_arithmetic3A_254 = arith.constant 16 : i32
    %shift_right_arithmetic3A_255 = vector.broadcast %shift_right_arithmetic3A_254 : i32 to vector<16xi32>
    %shift_right_arithmetic3A_256 = arith.shrsi %mul3A_253, %shift_right_arithmetic3A_255 : vector<16xi32>
    %add3A_257 = vector.broadcast %add3A_6 : i32 to vector<16xi32>
    %add3A_258 = arith.addi %add3A_257, %shift_right_arithmetic3A_256 : vector<16xi32>
    %mul3A_259 = arith.constant 3 : i32
    %mul3A_260 = vector.broadcast %mul3A_259 : i32 to vector<16xi32>
    %mul3A_261 = arith.muli %mul3A_260, %shift_right_arithmetic3A_256 : vector<16xi32>
    %sub3A_262 = arith.subi %add3A_250, %mul3A_261 : vector<16xi32>
    %shift_right_arithmetic3A_263 = arith.constant 12 : i32
    %shift_right_arithmetic3A_264 = vector.broadcast %shift_right_arithmetic3A_263 : i32 to vector<16xi32>
    %shift_right_arithmetic3A_265 = arith.shrsi %add3A_258, %shift_right_arithmetic3A_264 : vector<16xi32>
    %and3A_266 = arith.constant 4095 : i32
    %and3A_267 = vector.broadcast %and3A_266 : i32 to vector<16xi32>
    %and3A_268 = arith.andi %add3A_258, %and3A_267 : vector<16xi32>
    %mul3A_269 = arith.constant 12288 : i32
    %mul3A_270 = vector.broadcast %mul3A_269 : i32 to vector<16xi32>
    %mul3A_271 = arith.muli %shift_right_arithmetic3A_265, %mul3A_270 : vector<16xi32>
    %mul3A_272 = arith.constant 4096 : i32
    %mul3A_273 = vector.broadcast %mul3A_272 : i32 to vector<16xi32>
    %mul3A_274 = arith.muli %sub3A_262, %mul3A_273 : vector<16xi32>
    %add3A_275 = arith.addi %mul3A_271, %mul3A_274 : vector<16xi32>
    %add3A_276 = arith.addi %add3A_275, %and3A_268 : vector<16xi32>
    %swap3A_277 = arith.constant 0 : i32
    %swap3A_278 = arith.index_cast %swap3A_277 : i32 to index
    %swap3A_279 = arith.constant 112 : index
    %swap3A_280 = tpu.vector_load %arg8[%swap3A_278, %swap3A_279] {strides = array<i32>} : memref<12x128xi32, #tpu.memory_space<vmem>>, vector<1x16xi32>,
    %swap3A_281 = vector.shape_cast %swap3A_280 : vector<1x16xi32> to vector<16xi32>
    %swap3A_282 = vector.shape_cast %add3A_276 : vector<16xi32> to vector<1x16xi32>
    tpu.vector_store %arg8[%swap3A_278, %swap3A_279], %swap3A_282 {strides = array<i32>} : memref<12x128xi32, #tpu.memory_space<vmem>>, vector<1x16xi32>,
    %add3A_283 = arith.constant 42 : i32
    %add3A_284 = arith.addi %mul3A_4, %add3A_283 : i32
    %add3A_285 = arith.constant 2 : i32
    %add3A_286 = vector.broadcast %add3A_285 : i32 to vector<16xi32>
    %add3A_287 = arith.addi %add3A_286, %iota3A : vector<16xi32>
    %mul3A_288 = arith.constant 21846 : i32
    %mul3A_289 = vector.broadcast %mul3A_288 : i32 to vector<16xi32>
    %mul3A_290 = arith.muli %add3A_287, %mul3A_289 : vector<16xi32>
    %shift_right_arithmetic3A_291 = arith.constant 16 : i32
    %shift_right_arithmetic3A_292 = vector.broadcast %shift_right_arithmetic3A_291 : i32 to vector<16xi32>
    %shift_right_arithmetic3A_293 = arith.shrsi %mul3A_290, %shift_right_arithmetic3A_292 : vector<16xi32>
    %add3A_294 = vector.broadcast %add3A_284 : i32 to vector<16xi32>
    %add3A_295 = arith.addi %add3A_294, %shift_right_arithmetic3A_293 : vector<16xi32>
    %mul3A_296 = arith.constant 3 : i32
    %mul3A_297 = vector.broadcast %mul3A_296 : i32 to vector<16xi32>
    %mul3A_298 = arith.muli %mul3A_297, %shift_right_arithmetic3A_293 : vector<16xi32>
    %sub3A_299 = arith.subi %add3A_287, %mul3A_298 : vector<16xi32>
    %shift_right_arithmetic3A_300 = arith.constant 12 : i32
    %shift_right_arithmetic3A_301 = vector.broadcast %shift_right_arithmetic3A_300 : i32 to vector<16xi32>
    %shift_right_arithmetic3A_302 = arith.shrsi %add3A_295, %shift_right_arithmetic3A_301 : vector<16xi32>
    %and3A_303 = arith.constant 4095 : i32
    %and3A_304 = vector.broadcast %and3A_303 : i32 to vector<16xi32>
    %and3A_305 = arith.andi %add3A_295, %and3A_304 : vector<16xi32>
    %mul3A_306 = arith.constant 12288 : i32
    %mul3A_307 = vector.broadcast %mul3A_306 : i32 to vector<16xi32>
    %mul3A_308 = arith.muli %shift_right_arithmetic3A_302, %mul3A_307 : vector<16xi32>
    %mul3A_309 = arith.constant 4096 : i32
    %mul3A_310 = vector.broadcast %mul3A_309 : i32 to vector<16xi32>
    %mul3A_311 = arith.muli %sub3A_299, %mul3A_310 : vector<16xi32>
    %add3A_312 = arith.addi %mul3A_308, %mul3A_311 : vector<16xi32>
    %add3A_313 = arith.addi %add3A_312, %and3A_305 : vector<16xi32>
    %swap3A_314 = arith.constant 1 : i32
    %swap3A_315 = arith.index_cast %swap3A_314 : i32 to index
    %swap3A_316 = arith.constant 0 : index
    %swap3A_317 = tpu.vector_load %arg8[%swap3A_315, %swap3A_316] {strides = array<i32>} : memref<12x128xi32, #tpu.memory_space<vmem>>, vector<1x16xi32>,
    %swap3A_318 = vector.shape_cast %swap3A_317 : vector<1x16xi32> to vector<16xi32>
    %swap3A_319 = vector.shape_cast %add3A_313 : vector<16xi32> to vector<1x16xi32>
    tpu.vector_store %arg8[%swap3A_315, %swap3A_316], %swap3A_319 {strides = array<i32>} : memref<12x128xi32, #tpu.memory_space<vmem>>, vector<1x16xi32>,
    %add3A_320 = arith.constant 18 : i32
    %add3A_321 = vector.broadcast %add3A_320 : i32 to vector<16xi32>
    %add3A_322 = arith.addi %add3A_321, %iota3A : vector<16xi32>
    %mul3A_323 = arith.constant 21846 : i32
    %mul3A_324 = vector.broadcast %mul3A_323 : i32 to vector<16xi32>
    %mul3A_325 = arith.muli %add3A_322, %mul3A_324 : vector<16xi32>
    %shift_right_arithmetic3A_326 = arith.constant 16 : i32
    %shift_right_arithmetic3A_327 = vector.broadcast %shift_right_arithmetic3A_326 : i32 to vector<16xi32>
    %shift_right_arithmetic3A_328 = arith.shrsi %mul3A_325, %shift_right_arithmetic3A_327 : vector<16xi32>
    %add3A_329 = vector.broadcast %add3A_284 : i32 to vector<16xi32>
    %add3A_330 = arith.addi %add3A_329, %shift_right_arithmetic3A_328 : vector<16xi32>
    %mul3A_331 = arith.constant 3 : i32
    %mul3A_332 = vector.broadcast %mul3A_331 : i32 to vector<16xi32>
    %mul3A_333 = arith.muli %mul3A_332, %shift_right_arithmetic3A_328 : vector<16xi32>
    %sub3A_334 = arith.subi %add3A_322, %mul3A_333 : vector<16xi32>
    %shift_right_arithmetic3A_335 = arith.constant 12 : i32
    %shift_right_arithmetic3A_336 = vector.broadcast %shift_right_arithmetic3A_335 : i32 to vector<16xi32>
    %shift_right_arithmetic3A_337 = arith.shrsi %add3A_330, %shift_right_arithmetic3A_336 : vector<16xi32>
    %and3A_338 = arith.constant 4095 : i32
    %and3A_339 = vector.broadcast %and3A_338 : i32 to vector<16xi32>
    %and3A_340 = arith.andi %add3A_330, %and3A_339 : vector<16xi32>
    %mul3A_341 = arith.constant 12288 : i32
    %mul3A_342 = vector.broadcast %mul3A_341 : i32 to vector<16xi32>
    %mul3A_343 = arith.muli %shift_right_arithmetic3A_337, %mul3A_342 : vector<16xi32>
    %mul3A_344 = arith.constant 4096 : i32
    %mul3A_345 = vector.broadcast %mul3A_344 : i32 to vector<16xi32>
    %mul3A_346 = arith.muli %sub3A_334, %mul3A_345 : vector<16xi32>
    %add3A_347 = arith.addi %mul3A_343, %mul3A_346 : vector<16xi32>
    %add3A_348 = arith.addi %add3A_347, %and3A_340 : vector<16xi32>
    %swap3A_349 = arith.constant 1 : i32
    %swap3A_350 = arith.index_cast %swap3A_349 : i32 to index
    %swap3A_351 = arith.constant 16 : index
    %swap3A_352 = tpu.vector_load %arg8[%swap3A_350, %swap3A_351] {strides = array<i32>} : memref<12x128xi32, #tpu.memory_space<vmem>>, vector<1x16xi32>,
    %swap3A_353 = vector.shape_cast %swap3A_352 : vector<1x16xi32> to vector<16xi32>
    %swap3A_354 = vector.shape_cast %add3A_348 : vector<16xi32> to vector<1x16xi32>
    tpu.vector_store %arg8[%swap3A_350, %swap3A_351], %swap3A_354 {strides = array<i32>} : memref<12x128xi32, #tpu.memory_space<vmem>>, vector<1x16xi32>,
    %add3A_355 = arith.constant 34 : i32
    %add3A_356 = vector.broadcast %add3A_355 : i32 to vector<16xi32>
    %add3A_357 = arith.addi %add3A_356, %iota3A : vector<16xi32>
    %mul3A_358 = arith.constant 21846 : i32
    %mul3A_359 = vector.broadcast %mul3A_358 : i32 to vector<16xi32>
    %mul3A_360 = arith.muli %add3A_357, %mul3A_359 : vector<16xi32>
    %shift_right_arithmetic3A_361 = arith.constant 16 : i32
    %shift_right_arithmetic3A_362 = vector.broadcast %shift_right_arithmetic3A_361 : i32 to vector<16xi32>
    %shift_right_arithmetic3A_363 = arith.shrsi %mul3A_360, %shift_right_arithmetic3A_362 : vector<16xi32>
    %add3A_364 = vector.broadcast %add3A_284 : i32 to vector<16xi32>
    %add3A_365 = arith.addi %add3A_364, %shift_right_arithmetic3A_363 : vector<16xi32>
    %mul3A_366 = arith.constant 3 : i32
    %mul3A_367 = vector.broadcast %mul3A_366 : i32 to vector<16xi32>
    %mul3A_368 = arith.muli %mul3A_367, %shift_right_arithmetic3A_363 : vector<16xi32>
    %sub3A_369 = arith.subi %add3A_357, %mul3A_368 : vector<16xi32>
    %shift_right_arithmetic3A_370 = arith.constant 12 : i32
    %shift_right_arithmetic3A_371 = vector.broadcast %shift_right_arithmetic3A_370 : i32 to vector<16xi32>
    %shift_right_arithmetic3A_372 = arith.shrsi %add3A_365, %shift_right_arithmetic3A_371 : vector<16xi32>
    %and3A_373 = arith.constant 4095 : i32
    %and3A_374 = vector.broadcast %and3A_373 : i32 to vector<16xi32>
    %and3A_375 = arith.andi %add3A_365, %and3A_374 : vector<16xi32>
    %mul3A_376 = arith.constant 12288 : i32
    %mul3A_377 = vector.broadcast %mul3A_376 : i32 to vector<16xi32>
    %mul3A_378 = arith.muli %shift_right_arithmetic3A_372, %mul3A_377 : vector<16xi32>
    %mul3A_379 = arith.constant 4096 : i32
    %mul3A_380 = vector.broadcast %mul3A_379 : i32 to vector<16xi32>
    %mul3A_381 = arith.muli %sub3A_369, %mul3A_380 : vector<16xi32>
    %add3A_382 = arith.addi %mul3A_378, %mul3A_381 : vector<16xi32>
    %add3A_383 = arith.addi %add3A_382, %and3A_375 : vector<16xi32>
    %swap3A_384 = arith.constant 1 : i32
    %swap3A_385 = arith.index_cast %swap3A_384 : i32 to index
    %swap3A_386 = arith.constant 32 : index
    %swap3A_387 = tpu.vector_load %arg8[%swap3A_385, %swap3A_386] {strides = array<i32>} : memref<12x128xi32, #tpu.memory_space<vmem>>, vector<1x16xi32>,
    %swap3A_388 = vector.shape_cast %swap3A_387 : vector<1x16xi32> to vector<16xi32>
    %swap3A_389 = vector.shape_cast %add3A_383 : vector<16xi32> to vector<1x16xi32>
    tpu.vector_store %arg8[%swap3A_385, %swap3A_386], %swap3A_389 {strides = array<i32>} : memref<12x128xi32, #tpu.memory_space<vmem>>, vector<1x16xi32>,
    %add3A_390 = arith.constant 50 : i32
    %add3A_391 = vector.broadcast %add3A_390 : i32 to vector<16xi32>
    %add3A_392 = arith.addi %add3A_391, %iota3A : vector<16xi32>
    %mul3A_393 = arith.constant 21846 : i32
    %mul3A_394 = vector.broadcast %mul3A_393 : i32 to vector<16xi32>
    %mul3A_395 = arith.muli %add3A_392, %mul3A_394 : vector<16xi32>
    %shift_right_arithmetic3A_396 = arith.constant 16 : i32
    %shift_right_arithmetic3A_397 = vector.broadcast %shift_right_arithmetic3A_396 : i32 to vector<16xi32>
    %shift_right_arithmetic3A_398 = arith.shrsi %mul3A_395, %shift_right_arithmetic3A_397 : vector<16xi32>
    %add3A_399 = vector.broadcast %add3A_284 : i32 to vector<16xi32>
    %add3A_400 = arith.addi %add3A_399, %shift_right_arithmetic3A_398 : vector<16xi32>
    %mul3A_401 = arith.constant 3 : i32
    %mul3A_402 = vector.broadcast %mul3A_401 : i32 to vector<16xi32>
    %mul3A_403 = arith.muli %mul3A_402, %shift_right_arithmetic3A_398 : vector<16xi32>
    %sub3A_404 = arith.subi %add3A_392, %mul3A_403 : vector<16xi32>
    %shift_right_arithmetic3A_405 = arith.constant 12 : i32
    %shift_right_arithmetic3A_406 = vector.broadcast %shift_right_arithmetic3A_405 : i32 to vector<16xi32>
    %shift_right_arithmetic3A_407 = arith.shrsi %add3A_400, %shift_right_arithmetic3A_406 : vector<16xi32>
    %and3A_408 = arith.constant 4095 : i32
    %and3A_409 = vector.broadcast %and3A_408 : i32 to vector<16xi32>
    %and3A_410 = arith.andi %add3A_400, %and3A_409 : vector<16xi32>
    %mul3A_411 = arith.constant 12288 : i32
    %mul3A_412 = vector.broadcast %mul3A_411 : i32 to vector<16xi32>
    %mul3A_413 = arith.muli %shift_right_arithmetic3A_407, %mul3A_412 : vector<16xi32>
    %mul3A_414 = arith.constant 4096 : i32
    %mul3A_415 = vector.broadcast %mul3A_414 : i32 to vector<16xi32>
    %mul3A_416 = arith.muli %sub3A_404, %mul3A_415 : vector<16xi32>
    %add3A_417 = arith.addi %mul3A_413, %mul3A_416 : vector<16xi32>
    %add3A_418 = arith.addi %add3A_417, %and3A_410 : vector<16xi32>
    %swap3A_419 = arith.constant 1 : i32
    %swap3A_420 = arith.index_cast %swap3A_419 : i32 to index
    %swap3A_421 = arith.constant 48 : index
    %swap3A_422 = tpu.vector_load %arg8[%swap3A_420, %swap3A_421] {strides = array<i32>} : memref<12x128xi32, #tpu.memory_space<vmem>>, vector<1x16xi32>,
    %swap3A_423 = vector.shape_cast %swap3A_422 : vector<1x16xi32> to vector<16xi32>
    %swap3A_424 = vector.shape_cast %add3A_418 : vector<16xi32> to vector<1x16xi32>
    tpu.vector_store %arg8[%swap3A_420, %swap3A_421], %swap3A_424 {strides = array<i32>} : memref<12x128xi32, #tpu.memory_space<vmem>>, vector<1x16xi32>,
    %add3A_425 = arith.constant 66 : i32
    %add3A_426 = vector.broadcast %add3A_425 : i32 to vector<16xi32>
    %add3A_427 = arith.addi %add3A_426, %iota3A : vector<16xi32>
    %mul3A_428 = arith.constant 21846 : i32
    %mul3A_429 = vector.broadcast %mul3A_428 : i32 to vector<16xi32>
    %mul3A_430 = arith.muli %add3A_427, %mul3A_429 : vector<16xi32>
    %shift_right_arithmetic3A_431 = arith.constant 16 : i32
    %shift_right_arithmetic3A_432 = vector.broadcast %shift_right_arithmetic3A_431 : i32 to vector<16xi32>
    %shift_right_arithmetic3A_433 = arith.shrsi %mul3A_430, %shift_right_arithmetic3A_432 : vector<16xi32>
    %add3A_434 = vector.broadcast %add3A_284 : i32 to vector<16xi32>
    %add3A_435 = arith.addi %add3A_434, %shift_right_arithmetic3A_433 : vector<16xi32>
    %mul3A_436 = arith.constant 3 : i32
    %mul3A_437 = vector.broadcast %mul3A_436 : i32 to vector<16xi32>
    %mul3A_438 = arith.muli %mul3A_437, %shift_right_arithmetic3A_433 : vector<16xi32>
    %sub3A_439 = arith.subi %add3A_427, %mul3A_438 : vector<16xi32>
    %shift_right_arithmetic3A_440 = arith.constant 12 : i32
    %shift_right_arithmetic3A_441 = vector.broadcast %shift_right_arithmetic3A_440 : i32 to vector<16xi32>
    %shift_right_arithmetic3A_442 = arith.shrsi %add3A_435, %shift_right_arithmetic3A_441 : vector<16xi32>
    %and3A_443 = arith.constant 4095 : i32
    %and3A_444 = vector.broadcast %and3A_443 : i32 to vector<16xi32>
    %and3A_445 = arith.andi %add3A_435, %and3A_444 : vector<16xi32>
    %mul3A_446 = arith.constant 12288 : i32
    %mul3A_447 = vector.broadcast %mul3A_446 : i32 to vector<16xi32>
    %mul3A_448 = arith.muli %shift_right_arithmetic3A_442, %mul3A_447 : vector<16xi32>
    %mul3A_449 = arith.constant 4096 : i32
    %mul3A_450 = vector.broadcast %mul3A_449 : i32 to vector<16xi32>
    %mul3A_451 = arith.muli %sub3A_439, %mul3A_450 : vector<16xi32>
    %add3A_452 = arith.addi %mul3A_448, %mul3A_451 : vector<16xi32>
    %add3A_453 = arith.addi %add3A_452, %and3A_445 : vector<16xi32>
    %swap3A_454 = arith.constant 1 : i32
    %swap3A_455 = arith.index_cast %swap3A_454 : i32 to index
    %swap3A_456 = arith.constant 64 : index
    %swap3A_457 = tpu.vector_load %arg8[%swap3A_455, %swap3A_456] {strides = array<i32>} : memref<12x128xi32, #tpu.memory_space<vmem>>, vector<1x16xi32>,
    %swap3A_458 = vector.shape_cast %swap3A_457 : vector<1x16xi32> to vector<16xi32>
    %swap3A_459 = vector.shape_cast %add3A_453 : vector<16xi32> to vector<1x16xi32>
    tpu.vector_store %arg8[%swap3A_455, %swap3A_456], %swap3A_459 {strides = array<i32>} : memref<12x128xi32, #tpu.memory_space<vmem>>, vector<1x16xi32>,
    %add3A_460 = arith.constant 82 : i32
    %add3A_461 = vector.broadcast %add3A_460 : i32 to vector<16xi32>
    %add3A_462 = arith.addi %add3A_461, %iota3A : vector<16xi32>
    %mul3A_463 = arith.constant 21846 : i32
    %mul3A_464 = vector.broadcast %mul3A_463 : i32 to vector<16xi32>
    %mul3A_465 = arith.muli %add3A_462, %mul3A_464 : vector<16xi32>
    %shift_right_arithmetic3A_466 = arith.constant 16 : i32
    %shift_right_arithmetic3A_467 = vector.broadcast %shift_right_arithmetic3A_466 : i32 to vector<16xi32>
    %shift_right_arithmetic3A_468 = arith.shrsi %mul3A_465, %shift_right_arithmetic3A_467 : vector<16xi32>
    %add3A_469 = vector.broadcast %add3A_284 : i32 to vector<16xi32>
    %add3A_470 = arith.addi %add3A_469, %shift_right_arithmetic3A_468 : vector<16xi32>
    %mul3A_471 = arith.constant 3 : i32
    %mul3A_472 = vector.broadcast %mul3A_471 : i32 to vector<16xi32>
    %mul3A_473 = arith.muli %mul3A_472, %shift_right_arithmetic3A_468 : vector<16xi32>
    %sub3A_474 = arith.subi %add3A_462, %mul3A_473 : vector<16xi32>
    %shift_right_arithmetic3A_475 = arith.constant 12 : i32
    %shift_right_arithmetic3A_476 = vector.broadcast %shift_right_arithmetic3A_475 : i32 to vector<16xi32>
    %shift_right_arithmetic3A_477 = arith.shrsi %add3A_470, %shift_right_arithmetic3A_476 : vector<16xi32>
    %and3A_478 = arith.constant 4095 : i32
    %and3A_479 = vector.broadcast %and3A_478 : i32 to vector<16xi32>
    %and3A_480 = arith.andi %add3A_470, %and3A_479 : vector<16xi32>
    %mul3A_481 = arith.constant 12288 : i32
    %mul3A_482 = vector.broadcast %mul3A_481 : i32 to vector<16xi32>
    %mul3A_483 = arith.muli %shift_right_arithmetic3A_477, %mul3A_482 : vector<16xi32>
    %mul3A_484 = arith.constant 4096 : i32
    %mul3A_485 = vector.broadcast %mul3A_484 : i32 to vector<16xi32>
    %mul3A_486 = arith.muli %sub3A_474, %mul3A_485 : vector<16xi32>
    %add3A_487 = arith.addi %mul3A_483, %mul3A_486 : vector<16xi32>
    %add3A_488 = arith.addi %add3A_487, %and3A_480 : vector<16xi32>
    %swap3A_489 = arith.constant 1 : i32
    %swap3A_490 = arith.index_cast %swap3A_489 : i32 to index
    %swap3A_491 = arith.constant 80 : index
    %swap3A_492 = tpu.vector_load %arg8[%swap3A_490, %swap3A_491] {strides = array<i32>} : memref<12x128xi32, #tpu.memory_space<vmem>>, vector<1x16xi32>,
    %swap3A_493 = vector.shape_cast %swap3A_492 : vector<1x16xi32> to vector<16xi32>
    %swap3A_494 = vector.shape_cast %add3A_488 : vector<16xi32> to vector<1x16xi32>
    tpu.vector_store %arg8[%swap3A_490, %swap3A_491], %swap3A_494 {strides = array<i32>} : memref<12x128xi32, #tpu.memory_space<vmem>>, vector<1x16xi32>,
    %add3A_495 = arith.constant 98 : i32
    %add3A_496 = vector.broadcast %add3A_495 : i32 to vector<16xi32>
    %add3A_497 = arith.addi %add3A_496, %iota3A : vector<16xi32>
    %mul3A_498 = arith.constant 21846 : i32
    %mul3A_499 = vector.broadcast %mul3A_498 : i32 to vector<16xi32>
    %mul3A_500 = arith.muli %add3A_497, %mul3A_499 : vector<16xi32>
    %shift_right_arithmetic3A_501 = arith.constant 16 : i32
    %shift_right_arithmetic3A_502 = vector.broadcast %shift_right_arithmetic3A_501 : i32 to vector<16xi32>
    %shift_right_arithmetic3A_503 = arith.shrsi %mul3A_500, %shift_right_arithmetic3A_502 : vector<16xi32>
    %add3A_504 = vector.broadcast %add3A_284 : i32 to vector<16xi32>
    %add3A_505 = arith.addi %add3A_504, %shift_right_arithmetic3A_503 : vector<16xi32>
    %mul3A_506 = arith.constant 3 : i32
    %mul3A_507 = vector.broadcast %mul3A_506 : i32 to vector<16xi32>
    %mul3A_508 = arith.muli %mul3A_507, %shift_right_arithmetic3A_503 : vector<16xi32>
    %sub3A_509 = arith.subi %add3A_497, %mul3A_508 : vector<16xi32>
    %shift_right_arithmetic3A_510 = arith.constant 12 : i32
    %shift_right_arithmetic3A_511 = vector.broadcast %shift_right_arithmetic3A_510 : i32 to vector<16xi32>
    %shift_right_arithmetic3A_512 = arith.shrsi %add3A_505, %shift_right_arithmetic3A_511 : vector<16xi32>
    %and3A_513 = arith.constant 4095 : i32
    %and3A_514 = vector.broadcast %and3A_513 : i32 to vector<16xi32>
    %and3A_515 = arith.andi %add3A_505, %and3A_514 : vector<16xi32>
    %mul3A_516 = arith.constant 12288 : i32
    %mul3A_517 = vector.broadcast %mul3A_516 : i32 to vector<16xi32>
    %mul3A_518 = arith.muli %shift_right_arithmetic3A_512, %mul3A_517 : vector<16xi32>
    %mul3A_519 = arith.constant 4096 : i32
    %mul3A_520 = vector.broadcast %mul3A_519 : i32 to vector<16xi32>
    %mul3A_521 = arith.muli %sub3A_509, %mul3A_520 : vector<16xi32>
    %add3A_522 = arith.addi %mul3A_518, %mul3A_521 : vector<16xi32>
    %add3A_523 = arith.addi %add3A_522, %and3A_515 : vector<16xi32>
    %swap3A_524 = arith.constant 1 : i32
    %swap3A_525 = arith.index_cast %swap3A_524 : i32 to index
    %swap3A_526 = arith.constant 96 : index
    %swap3A_527 = tpu.vector_load %arg8[%swap3A_525, %swap3A_526] {strides = array<i32>} : memref<12x128xi32, #tpu.memory_space<vmem>>, vector<1x16xi32>,
    %swap3A_528 = vector.shape_cast %swap3A_527 : vector<1x16xi32> to vector<16xi32>
    %swap3A_529 = vector.shape_cast %add3A_523 : vector<16xi32> to vector<1x16xi32>
    tpu.vector_store %arg8[%swap3A_525, %swap3A_526], %swap3A_529 {strides = array<i32>} : memref<12x128xi32, #tpu.memory_space<vmem>>, vector<1x16xi32>,
    %add3A_530 = arith.constant 114 : i32
    %add3A_531 = vector.broadcast %add3A_530 : i32 to vector<16xi32>
    %add3A_532 = arith.addi %add3A_531, %iota3A : vector<16xi32>
    %mul3A_533 = arith.constant 21846 : i32
    %mul3A_534 = vector.broadcast %mul3A_533 : i32 to vector<16xi32>
    %mul3A_535 = arith.muli %add3A_532, %mul3A_534 : vector<16xi32>
    %shift_right_arithmetic3A_536 = arith.constant 16 : i32
    %shift_right_arithmetic3A_537 = vector.broadcast %shift_right_arithmetic3A_536 : i32 to vector<16xi32>
    %shift_right_arithmetic3A_538 = arith.shrsi %mul3A_535, %shift_right_arithmetic3A_537 : vector<16xi32>
    %add3A_539 = vector.broadcast %add3A_284 : i32 to vector<16xi32>
    %add3A_540 = arith.addi %add3A_539, %shift_right_arithmetic3A_538 : vector<16xi32>
    %mul3A_541 = arith.constant 3 : i32
    %mul3A_542 = vector.broadcast %mul3A_541 : i32 to vector<16xi32>
    %mul3A_543 = arith.muli %mul3A_542, %shift_right_arithmetic3A_538 : vector<16xi32>
    %sub3A_544 = arith.subi %add3A_532, %mul3A_543 : vector<16xi32>
    %shift_right_arithmetic3A_545 = arith.constant 12 : i32
    %shift_right_arithmetic3A_546 = vector.broadcast %shift_right_arithmetic3A_545 : i32 to vector<16xi32>
    %shift_right_arithmetic3A_547 = arith.shrsi %add3A_540, %shift_right_arithmetic3A_546 : vector<16xi32>
    %and3A_548 = arith.constant 4095 : i32
    %and3A_549 = vector.broadcast %and3A_548 : i32 to vector<16xi32>
    %and3A_550 = arith.andi %add3A_540, %and3A_549 : vector<16xi32>
    %mul3A_551 = arith.constant 12288 : i32
    %mul3A_552 = vector.broadcast %mul3A_551 : i32 to vector<16xi32>
    %mul3A_553 = arith.muli %shift_right_arithmetic3A_547, %mul3A_552 : vector<16xi32>
    %mul3A_554 = arith.constant 4096 : i32
    %mul3A_555 = vector.broadcast %mul3A_554 : i32 to vector<16xi32>
    %mul3A_556 = arith.muli %sub3A_544, %mul3A_555 : vector<16xi32>
    %add3A_557 = arith.addi %mul3A_553, %mul3A_556 : vector<16xi32>
    %add3A_558 = arith.addi %add3A_557, %and3A_550 : vector<16xi32>
    %swap3A_559 = arith.constant 1 : i32
    %swap3A_560 = arith.index_cast %swap3A_559 : i32 to index
    %swap3A_561 = arith.constant 112 : index
    %swap3A_562 = tpu.vector_load %arg8[%swap3A_560, %swap3A_561] {strides = array<i32>} : memref<12x128xi32, #tpu.memory_space<vmem>>, vector<1x16xi32>,
    %swap3A_563 = vector.shape_cast %swap3A_562 : vector<1x16xi32> to vector<16xi32>
    %swap3A_564 = vector.shape_cast %add3A_558 : vector<16xi32> to vector<1x16xi32>
    tpu.vector_store %arg8[%swap3A_560, %swap3A_561], %swap3A_564 {strides = array<i32>} : memref<12x128xi32, #tpu.memory_space<vmem>>, vector<1x16xi32>,
    %add3A_565 = arith.constant 85 : i32
    %add3A_566 = arith.addi %mul3A_4, %add3A_565 : i32
    %add3A_567 = arith.constant 1 : i32
    %add3A_568 = vector.broadcast %add3A_567 : i32 to vector<16xi32>
    %add3A_569 = arith.addi %add3A_568, %iota3A : vector<16xi32>
    %mul3A_570 = arith.constant 21846 : i32
    %mul3A_571 = vector.broadcast %mul3A_570 : i32 to vector<16xi32>
    %mul3A_572 = arith.muli %add3A_569, %mul3A_571 : vector<16xi32>
    %shift_right_arithmetic3A_573 = arith.constant 16 : i32
    %shift_right_arithmetic3A_574 = vector.broadcast %shift_right_arithmetic3A_573 : i32 to vector<16xi32>
    %shift_right_arithmetic3A_575 = arith.shrsi %mul3A_572, %shift_right_arithmetic3A_574 : vector<16xi32>
    %add3A_576 = vector.broadcast %add3A_566 : i32 to vector<16xi32>
    %add3A_577 = arith.addi %add3A_576, %shift_right_arithmetic3A_575 : vector<16xi32>
    %mul3A_578 = arith.constant 3 : i32
    %mul3A_579 = vector.broadcast %mul3A_578 : i32 to vector<16xi32>
    %mul3A_580 = arith.muli %mul3A_579, %shift_right_arithmetic3A_575 : vector<16xi32>
    %sub3A_581 = arith.subi %add3A_569, %mul3A_580 : vector<16xi32>
    %shift_right_arithmetic3A_582 = arith.constant 12 : i32
    %shift_right_arithmetic3A_583 = vector.broadcast %shift_right_arithmetic3A_582 : i32 to vector<16xi32>
    %shift_right_arithmetic3A_584 = arith.shrsi %add3A_577, %shift_right_arithmetic3A_583 : vector<16xi32>
    %and3A_585 = arith.constant 4095 : i32
    %and3A_586 = vector.broadcast %and3A_585 : i32 to vector<16xi32>
    %and3A_587 = arith.andi %add3A_577, %and3A_586 : vector<16xi32>
    %mul3A_588 = arith.constant 12288 : i32
    %mul3A_589 = vector.broadcast %mul3A_588 : i32 to vector<16xi32>
    %mul3A_590 = arith.muli %shift_right_arithmetic3A_584, %mul3A_589 : vector<16xi32>
    %mul3A_591 = arith.constant 4096 : i32
    %mul3A_592 = vector.broadcast %mul3A_591 : i32 to vector<16xi32>
    %mul3A_593 = arith.muli %sub3A_581, %mul3A_592 : vector<16xi32>
    %add3A_594 = arith.addi %mul3A_590, %mul3A_593 : vector<16xi32>
    %add3A_595 = arith.addi %add3A_594, %and3A_587 : vector<16xi32>
    %swap3A_596 = arith.constant 2 : i32
    %swap3A_597 = arith.index_cast %swap3A_596 : i32 to index
    %swap3A_598 = arith.constant 0 : index
    %swap3A_599 = tpu.vector_load %arg8[%swap3A_597, %swap3A_598] {strides = array<i32>} : memref<12x128xi32, #tpu.memory_space<vmem>>, vector<1x16xi32>,
    %swap3A_600 = vector.shape_cast %swap3A_599 : vector<1x16xi32> to vector<16xi32>
    %swap3A_601 = vector.shape_cast %add3A_595 : vector<16xi32> to vector<1x16xi32>
    tpu.vector_store %arg8[%swap3A_597, %swap3A_598], %swap3A_601 {strides = array<i32>} : memref<12x128xi32, #tpu.memory_space<vmem>>, vector<1x16xi32>,
    %add3A_602 = arith.constant 17 : i32
    %add3A_603 = vector.broadcast %add3A_602 : i32 to vector<16xi32>
    %add3A_604 = arith.addi %add3A_603, %iota3A : vector<16xi32>
    %mul3A_605 = arith.constant 21846 : i32
    %mul3A_606 = vector.broadcast %mul3A_605 : i32 to vector<16xi32>
    %mul3A_607 = arith.muli %add3A_604, %mul3A_606 : vector<16xi32>
    %shift_right_arithmetic3A_608 = arith.constant 16 : i32
    %shift_right_arithmetic3A_609 = vector.broadcast %shift_right_arithmetic3A_608 : i32 to vector<16xi32>
    %shift_right_arithmetic3A_610 = arith.shrsi %mul3A_607, %shift_right_arithmetic3A_609 : vector<16xi32>
    %add3A_611 = vector.broadcast %add3A_566 : i32 to vector<16xi32>
    %add3A_612 = arith.addi %add3A_611, %shift_right_arithmetic3A_610 : vector<16xi32>
    %mul3A_613 = arith.constant 3 : i32
    %mul3A_614 = vector.broadcast %mul3A_613 : i32 to vector<16xi32>
    %mul3A_615 = arith.muli %mul3A_614, %shift_right_arithmetic3A_610 : vector<16xi32>
    %sub3A_616 = arith.subi %add3A_604, %mul3A_615 : vector<16xi32>
    %shift_right_arithmetic3A_617 = arith.constant 12 : i32
    %shift_right_arithmetic3A_618 = vector.broadcast %shift_right_arithmetic3A_617 : i32 to vector<16xi32>
    %shift_right_arithmetic3A_619 = arith.shrsi %add3A_612, %shift_right_arithmetic3A_618 : vector<16xi32>
    %and3A_620 = arith.constant 4095 : i32
    %and3A_621 = vector.broadcast %and3A_620 : i32 to vector<16xi32>
    %and3A_622 = arith.andi %add3A_612, %and3A_621 : vector<16xi32>
    %mul3A_623 = arith.constant 12288 : i32
    %mul3A_624 = vector.broadcast %mul3A_623 : i32 to vector<16xi32>
    %mul3A_625 = arith.muli %shift_right_arithmetic3A_619, %mul3A_624 : vector<16xi32>
    %mul3A_626 = arith.constant 4096 : i32
    %mul3A_627 = vector.broadcast %mul3A_626 : i32 to vector<16xi32>
    %mul3A_628 = arith.muli %sub3A_616, %mul3A_627 : vector<16xi32>
    %add3A_629 = arith.addi %mul3A_625, %mul3A_628 : vector<16xi32>
    %add3A_630 = arith.addi %add3A_629, %and3A_622 : vector<16xi32>
    %swap3A_631 = arith.constant 2 : i32
    %swap3A_632 = arith.index_cast %swap3A_631 : i32 to index
    %swap3A_633 = arith.constant 16 : index
    %swap3A_634 = tpu.vector_load %arg8[%swap3A_632, %swap3A_633] {strides = array<i32>} : memref<12x128xi32, #tpu.memory_space<vmem>>, vector<1x16xi32>,
    %swap3A_635 = vector.shape_cast %swap3A_634 : vector<1x16xi32> to vector<16xi32>
    %swap3A_636 = vector.shape_cast %add3A_630 : vector<16xi32> to vector<1x16xi32>
    tpu.vector_store %arg8[%swap3A_632, %swap3A_633], %swap3A_636 {strides = array<i32>} : memref<12x128xi32, #tpu.memory_space<vmem>>, vector<1x16xi32>,
    %add3A_637 = arith.constant 33 : i32
    %add3A_638 = vector.broadcast %add3A_637 : i32 to vector<16xi32>
    %add3A_639 = arith.addi %add3A_638, %iota3A : vector<16xi32>
    %mul3A_640 = arith.constant 21846 : i32
    %mul3A_641 = vector.broadcast %mul3A_640 : i32 to vector<16xi32>
    %mul3A_642 = arith.muli %add3A_639, %mul3A_641 : vector<16xi32>
    %shift_right_arithmetic3A_643 = arith.constant 16 : i32
    %shift_right_arithmetic3A_644 = vector.broadcast %shift_right_arithmetic3A_643 : i32 to vector<16xi32>
    %shift_right_arithmetic3A_645 = arith.shrsi %mul3A_642, %shift_right_arithmetic3A_644 : vector<16xi32>
    %add3A_646 = vector.broadcast %add3A_566 : i32 to vector<16xi32>
    %add3A_647 = arith.addi %add3A_646, %shift_right_arithmetic3A_645 : vector<16xi32>
    %mul3A_648 = arith.constant 3 : i32
    %mul3A_649 = vector.broadcast %mul3A_648 : i32 to vector<16xi32>
    %mul3A_650 = arith.muli %mul3A_649, %shift_right_arithmetic3A_645 : vector<16xi32>
    %sub3A_651 = arith.subi %add3A_639, %mul3A_650 : vector<16xi32>
    %shift_right_arithmetic3A_652 = arith.constant 12 : i32
    %shift_right_arithmetic3A_653 = vector.broadcast %shift_right_arithmetic3A_652 : i32 to vector<16xi32>
    %shift_right_arithmetic3A_654 = arith.shrsi %add3A_647, %shift_right_arithmetic3A_653 : vector<16xi32>
    %and3A_655 = arith.constant 4095 : i32
    %and3A_656 = vector.broadcast %and3A_655 : i32 to vector<16xi32>
    %and3A_657 = arith.andi %add3A_647, %and3A_656 : vector<16xi32>
    %mul3A_658 = arith.constant 12288 : i32
    %mul3A_659 = vector.broadcast %mul3A_658 : i32 to vector<16xi32>
    %mul3A_660 = arith.muli %shift_right_arithmetic3A_654, %mul3A_659 : vector<16xi32>
    %mul3A_661 = arith.constant 4096 : i32
    %mul3A_662 = vector.broadcast %mul3A_661 : i32 to vector<16xi32>
    %mul3A_663 = arith.muli %sub3A_651, %mul3A_662 : vector<16xi32>
    %add3A_664 = arith.addi %mul3A_660, %mul3A_663 : vector<16xi32>
    %add3A_665 = arith.addi %add3A_664, %and3A_657 : vector<16xi32>
    %swap3A_666 = arith.constant 2 : i32
    %swap3A_667 = arith.index_cast %swap3A_666 : i32 to index
    %swap3A_668 = arith.constant 32 : index
    %swap3A_669 = tpu.vector_load %arg8[%swap3A_667, %swap3A_668] {strides = array<i32>} : memref<12x128xi32, #tpu.memory_space<vmem>>, vector<1x16xi32>,
    %swap3A_670 = vector.shape_cast %swap3A_669 : vector<1x16xi32> to vector<16xi32>
    %swap3A_671 = vector.shape_cast %add3A_665 : vector<16xi32> to vector<1x16xi32>
    tpu.vector_store %arg8[%swap3A_667, %swap3A_668], %swap3A_671 {strides = array<i32>} : memref<12x128xi32, #tpu.memory_space<vmem>>, vector<1x16xi32>,
    %add3A_672 = arith.constant 49 : i32
    %add3A_673 = vector.broadcast %add3A_672 : i32 to vector<16xi32>
    %add3A_674 = arith.addi %add3A_673, %iota3A : vector<16xi32>
    %mul3A_675 = arith.constant 21846 : i32
    %mul3A_676 = vector.broadcast %mul3A_675 : i32 to vector<16xi32>
    %mul3A_677 = arith.muli %add3A_674, %mul3A_676 : vector<16xi32>
    %shift_right_arithmetic3A_678 = arith.constant 16 : i32
    %shift_right_arithmetic3A_679 = vector.broadcast %shift_right_arithmetic3A_678 : i32 to vector<16xi32>
    %shift_right_arithmetic3A_680 = arith.shrsi %mul3A_677, %shift_right_arithmetic3A_679 : vector<16xi32>
    %add3A_681 = vector.broadcast %add3A_566 : i32 to vector<16xi32>
    %add3A_682 = arith.addi %add3A_681, %shift_right_arithmetic3A_680 : vector<16xi32>
    %mul3A_683 = arith.constant 3 : i32
    %mul3A_684 = vector.broadcast %mul3A_683 : i32 to vector<16xi32>
    %mul3A_685 = arith.muli %mul3A_684, %shift_right_arithmetic3A_680 : vector<16xi32>
    %sub3A_686 = arith.subi %add3A_674, %mul3A_685 : vector<16xi32>
    %shift_right_arithmetic3A_687 = arith.constant 12 : i32
    %shift_right_arithmetic3A_688 = vector.broadcast %shift_right_arithmetic3A_687 : i32 to vector<16xi32>
    %shift_right_arithmetic3A_689 = arith.shrsi %add3A_682, %shift_right_arithmetic3A_688 : vector<16xi32>
    %and3A_690 = arith.constant 4095 : i32
    %and3A_691 = vector.broadcast %and3A_690 : i32 to vector<16xi32>
    %and3A_692 = arith.andi %add3A_682, %and3A_691 : vector<16xi32>
    %mul3A_693 = arith.constant 12288 : i32
    %mul3A_694 = vector.broadcast %mul3A_693 : i32 to vector<16xi32>
    %mul3A_695 = arith.muli %shift_right_arithmetic3A_689, %mul3A_694 : vector<16xi32>
    %mul3A_696 = arith.constant 4096 : i32
    %mul3A_697 = vector.broadcast %mul3A_696 : i32 to vector<16xi32>
    %mul3A_698 = arith.muli %sub3A_686, %mul3A_697 : vector<16xi32>
    %add3A_699 = arith.addi %mul3A_695, %mul3A_698 : vector<16xi32>
    %add3A_700 = arith.addi %add3A_699, %and3A_692 : vector<16xi32>
    %swap3A_701 = arith.constant 2 : i32
    %swap3A_702 = arith.index_cast %swap3A_701 : i32 to index
    %swap3A_703 = arith.constant 48 : index
    %swap3A_704 = tpu.vector_load %arg8[%swap3A_702, %swap3A_703] {strides = array<i32>} : memref<12x128xi32, #tpu.memory_space<vmem>>, vector<1x16xi32>,
    %swap3A_705 = vector.shape_cast %swap3A_704 : vector<1x16xi32> to vector<16xi32>
    %swap3A_706 = vector.shape_cast %add3A_700 : vector<16xi32> to vector<1x16xi32>
    tpu.vector_store %arg8[%swap3A_702, %swap3A_703], %swap3A_706 {strides = array<i32>} : memref<12x128xi32, #tpu.memory_space<vmem>>, vector<1x16xi32>,
    %add3A_707 = arith.constant 65 : i32
    %add3A_708 = vector.broadcast %add3A_707 : i32 to vector<16xi32>
    %add3A_709 = arith.addi %add3A_708, %iota3A : vector<16xi32>
    %mul3A_710 = arith.constant 21846 : i32
    %mul3A_711 = vector.broadcast %mul3A_710 : i32 to vector<16xi32>
    %mul3A_712 = arith.muli %add3A_709, %mul3A_711 : vector<16xi32>
    %shift_right_arithmetic3A_713 = arith.constant 16 : i32
    %shift_right_arithmetic3A_714 = vector.broadcast %shift_right_arithmetic3A_713 : i32 to vector<16xi32>
    %shift_right_arithmetic3A_715 = arith.shrsi %mul3A_712, %shift_right_arithmetic3A_714 : vector<16xi32>
    %add3A_716 = vector.broadcast %add3A_566 : i32 to vector<16xi32>
    %add3A_717 = arith.addi %add3A_716, %shift_right_arithmetic3A_715 : vector<16xi32>
    %mul3A_718 = arith.constant 3 : i32
    %mul3A_719 = vector.broadcast %mul3A_718 : i32 to vector<16xi32>
    %mul3A_720 = arith.muli %mul3A_719, %shift_right_arithmetic3A_715 : vector<16xi32>
    %sub3A_721 = arith.subi %add3A_709, %mul3A_720 : vector<16xi32>
    %shift_right_arithmetic3A_722 = arith.constant 12 : i32
    %shift_right_arithmetic3A_723 = vector.broadcast %shift_right_arithmetic3A_722 : i32 to vector<16xi32>
    %shift_right_arithmetic3A_724 = arith.shrsi %add3A_717, %shift_right_arithmetic3A_723 : vector<16xi32>
    %and3A_725 = arith.constant 4095 : i32
    %and3A_726 = vector.broadcast %and3A_725 : i32 to vector<16xi32>
    %and3A_727 = arith.andi %add3A_717, %and3A_726 : vector<16xi32>
    %mul3A_728 = arith.constant 12288 : i32
    %mul3A_729 = vector.broadcast %mul3A_728 : i32 to vector<16xi32>
    %mul3A_730 = arith.muli %shift_right_arithmetic3A_724, %mul3A_729 : vector<16xi32>
    %mul3A_731 = arith.constant 4096 : i32
    %mul3A_732 = vector.broadcast %mul3A_731 : i32 to vector<16xi32>
    %mul3A_733 = arith.muli %sub3A_721, %mul3A_732 : vector<16xi32>
    %add3A_734 = arith.addi %mul3A_730, %mul3A_733 : vector<16xi32>
    %add3A_735 = arith.addi %add3A_734, %and3A_727 : vector<16xi32>
    %swap3A_736 = arith.constant 2 : i32
    %swap3A_737 = arith.index_cast %swap3A_736 : i32 to index
    %swap3A_738 = arith.constant 64 : index
    %swap3A_739 = tpu.vector_load %arg8[%swap3A_737, %swap3A_738] {strides = array<i32>} : memref<12x128xi32, #tpu.memory_space<vmem>>, vector<1x16xi32>,
    %swap3A_740 = vector.shape_cast %swap3A_739 : vector<1x16xi32> to vector<16xi32>
    %swap3A_741 = vector.shape_cast %add3A_735 : vector<16xi32> to vector<1x16xi32>
    tpu.vector_store %arg8[%swap3A_737, %swap3A_738], %swap3A_741 {strides = array<i32>} : memref<12x128xi32, #tpu.memory_space<vmem>>, vector<1x16xi32>,
    %add3A_742 = arith.constant 81 : i32
    %add3A_743 = vector.broadcast %add3A_742 : i32 to vector<16xi32>
    %add3A_744 = arith.addi %add3A_743, %iota3A : vector<16xi32>
    %mul3A_745 = arith.constant 21846 : i32
    %mul3A_746 = vector.broadcast %mul3A_745 : i32 to vector<16xi32>
    %mul3A_747 = arith.muli %add3A_744, %mul3A_746 : vector<16xi32>
    %shift_right_arithmetic3A_748 = arith.constant 16 : i32
    %shift_right_arithmetic3A_749 = vector.broadcast %shift_right_arithmetic3A_748 : i32 to vector<16xi32>
    %shift_right_arithmetic3A_750 = arith.shrsi %mul3A_747, %shift_right_arithmetic3A_749 : vector<16xi32>
    %add3A_751 = vector.broadcast %add3A_566 : i32 to vector<16xi32>
    %add3A_752 = arith.addi %add3A_751, %shift_right_arithmetic3A_750 : vector<16xi32>
    %mul3A_753 = arith.constant 3 : i32
    %mul3A_754 = vector.broadcast %mul3A_753 : i32 to vector<16xi32>
    %mul3A_755 = arith.muli %mul3A_754, %shift_right_arithmetic3A_750 : vector<16xi32>
    %sub3A_756 = arith.subi %add3A_744, %mul3A_755 : vector<16xi32>
    %shift_right_arithmetic3A_757 = arith.constant 12 : i32
    %shift_right_arithmetic3A_758 = vector.broadcast %shift_right_arithmetic3A_757 : i32 to vector<16xi32>
    %shift_right_arithmetic3A_759 = arith.shrsi %add3A_752, %shift_right_arithmetic3A_758 : vector<16xi32>
    %and3A_760 = arith.constant 4095 : i32
    %and3A_761 = vector.broadcast %and3A_760 : i32 to vector<16xi32>
    %and3A_762 = arith.andi %add3A_752, %and3A_761 : vector<16xi32>
    %mul3A_763 = arith.constant 12288 : i32
    %mul3A_764 = vector.broadcast %mul3A_763 : i32 to vector<16xi32>
    %mul3A_765 = arith.muli %shift_right_arithmetic3A_759, %mul3A_764 : vector<16xi32>
    %mul3A_766 = arith.constant 4096 : i32
    %mul3A_767 = vector.broadcast %mul3A_766 : i32 to vector<16xi32>
    %mul3A_768 = arith.muli %sub3A_756, %mul3A_767 : vector<16xi32>
    %add3A_769 = arith.addi %mul3A_765, %mul3A_768 : vector<16xi32>
    %add3A_770 = arith.addi %add3A_769, %and3A_762 : vector<16xi32>
    %swap3A_771 = arith.constant 2 : i32
    %swap3A_772 = arith.index_cast %swap3A_771 : i32 to index
    %swap3A_773 = arith.constant 80 : index
    %swap3A_774 = tpu.vector_load %arg8[%swap3A_772, %swap3A_773] {strides = array<i32>} : memref<12x128xi32, #tpu.memory_space<vmem>>, vector<1x16xi32>,
    %swap3A_775 = vector.shape_cast %swap3A_774 : vector<1x16xi32> to vector<16xi32>
    %swap3A_776 = vector.shape_cast %add3A_770 : vector<16xi32> to vector<1x16xi32>
    tpu.vector_store %arg8[%swap3A_772, %swap3A_773], %swap3A_776 {strides = array<i32>} : memref<12x128xi32, #tpu.memory_space<vmem>>, vector<1x16xi32>,
    %add3A_777 = arith.constant 97 : i32
    %add3A_778 = vector.broadcast %add3A_777 : i32 to vector<16xi32>
    %add3A_779 = arith.addi %add3A_778, %iota3A : vector<16xi32>
    %mul3A_780 = arith.constant 21846 : i32
    %mul3A_781 = vector.broadcast %mul3A_780 : i32 to vector<16xi32>
    %mul3A_782 = arith.muli %add3A_779, %mul3A_781 : vector<16xi32>
    %shift_right_arithmetic3A_783 = arith.constant 16 : i32
    %shift_right_arithmetic3A_784 = vector.broadcast %shift_right_arithmetic3A_783 : i32 to vector<16xi32>
    %shift_right_arithmetic3A_785 = arith.shrsi %mul3A_782, %shift_right_arithmetic3A_784 : vector<16xi32>
    %add3A_786 = vector.broadcast %add3A_566 : i32 to vector<16xi32>
    %add3A_787 = arith.addi %add3A_786, %shift_right_arithmetic3A_785 : vector<16xi32>
    %mul3A_788 = arith.constant 3 : i32
    %mul3A_789 = vector.broadcast %mul3A_788 : i32 to vector<16xi32>
    %mul3A_790 = arith.muli %mul3A_789, %shift_right_arithmetic3A_785 : vector<16xi32>
    %sub3A_791 = arith.subi %add3A_779, %mul3A_790 : vector<16xi32>
    %shift_right_arithmetic3A_792 = arith.constant 12 : i32
    %shift_right_arithmetic3A_793 = vector.broadcast %shift_right_arithmetic3A_792 : i32 to vector<16xi32>
    %shift_right_arithmetic3A_794 = arith.shrsi %add3A_787, %shift_right_arithmetic3A_793 : vector<16xi32>
    %and3A_795 = arith.constant 4095 : i32
    %and3A_796 = vector.broadcast %and3A_795 : i32 to vector<16xi32>
    %and3A_797 = arith.andi %add3A_787, %and3A_796 : vector<16xi32>
    %mul3A_798 = arith.constant 12288 : i32
    %mul3A_799 = vector.broadcast %mul3A_798 : i32 to vector<16xi32>
    %mul3A_800 = arith.muli %shift_right_arithmetic3A_794, %mul3A_799 : vector<16xi32>
    %mul3A_801 = arith.constant 4096 : i32
    %mul3A_802 = vector.broadcast %mul3A_801 : i32 to vector<16xi32>
    %mul3A_803 = arith.muli %sub3A_791, %mul3A_802 : vector<16xi32>
    %add3A_804 = arith.addi %mul3A_800, %mul3A_803 : vector<16xi32>
    %add3A_805 = arith.addi %add3A_804, %and3A_797 : vector<16xi32>
    %swap3A_806 = arith.constant 2 : i32
    %swap3A_807 = arith.index_cast %swap3A_806 : i32 to index
    %swap3A_808 = arith.constant 96 : index
    %swap3A_809 = tpu.vector_load %arg8[%swap3A_807, %swap3A_808] {strides = array<i32>} : memref<12x128xi32, #tpu.memory_space<vmem>>, vector<1x16xi32>,
    %swap3A_810 = vector.shape_cast %swap3A_809 : vector<1x16xi32> to vector<16xi32>
    %swap3A_811 = vector.shape_cast %add3A_805 : vector<16xi32> to vector<1x16xi32>
    tpu.vector_store %arg8[%swap3A_807, %swap3A_808], %swap3A_811 {strides = array<i32>} : memref<12x128xi32, #tpu.memory_space<vmem>>, vector<1x16xi32>,
    %add3A_812 = arith.constant 113 : i32
    %add3A_813 = vector.broadcast %add3A_812 : i32 to vector<16xi32>
    %add3A_814 = arith.addi %add3A_813, %iota3A : vector<16xi32>
    %mul3A_815 = arith.constant 21846 : i32
    %mul3A_816 = vector.broadcast %mul3A_815 : i32 to vector<16xi32>
    %mul3A_817 = arith.muli %add3A_814, %mul3A_816 : vector<16xi32>
    %shift_right_arithmetic3A_818 = arith.constant 16 : i32
    %shift_right_arithmetic3A_819 = vector.broadcast %shift_right_arithmetic3A_818 : i32 to vector<16xi32>
    %shift_right_arithmetic3A_820 = arith.shrsi %mul3A_817, %shift_right_arithmetic3A_819 : vector<16xi32>
    %add3A_821 = vector.broadcast %add3A_566 : i32 to vector<16xi32>
    %add3A_822 = arith.addi %add3A_821, %shift_right_arithmetic3A_820 : vector<16xi32>
    %mul3A_823 = arith.constant 3 : i32
    %mul3A_824 = vector.broadcast %mul3A_823 : i32 to vector<16xi32>
    %mul3A_825 = arith.muli %mul3A_824, %shift_right_arithmetic3A_820 : vector<16xi32>
    %sub3A_826 = arith.subi %add3A_814, %mul3A_825 : vector<16xi32>
    %shift_right_arithmetic3A_827 = arith.constant 12 : i32
    %shift_right_arithmetic3A_828 = vector.broadcast %shift_right_arithmetic3A_827 : i32 to vector<16xi32>
    %shift_right_arithmetic3A_829 = arith.shrsi %add3A_822, %shift_right_arithmetic3A_828 : vector<16xi32>
    %and3A_830 = arith.constant 4095 : i32
    %and3A_831 = vector.broadcast %and3A_830 : i32 to vector<16xi32>
    %and3A_832 = arith.andi %add3A_822, %and3A_831 : vector<16xi32>
    %mul3A_833 = arith.constant 12288 : i32
    %mul3A_834 = vector.broadcast %mul3A_833 : i32 to vector<16xi32>
    %mul3A_835 = arith.muli %shift_right_arithmetic3A_829, %mul3A_834 : vector<16xi32>
    %mul3A_836 = arith.constant 4096 : i32
    %mul3A_837 = vector.broadcast %mul3A_836 : i32 to vector<16xi32>
    %mul3A_838 = arith.muli %sub3A_826, %mul3A_837 : vector<16xi32>
    %add3A_839 = arith.addi %mul3A_835, %mul3A_838 : vector<16xi32>
    %add3A_840 = arith.addi %add3A_839, %and3A_832 : vector<16xi32>
    %swap3A_841 = arith.constant 2 : i32
    %swap3A_842 = arith.index_cast %swap3A_841 : i32 to index
    %swap3A_843 = arith.constant 112 : index
    %swap3A_844 = tpu.vector_load %arg8[%swap3A_842, %swap3A_843] {strides = array<i32>} : memref<12x128xi32, #tpu.memory_space<vmem>>, vector<1x16xi32>,
    %swap3A_845 = vector.shape_cast %swap3A_844 : vector<1x16xi32> to vector<16xi32>
    %swap3A_846 = vector.shape_cast %add3A_840 : vector<16xi32> to vector<1x16xi32>
    tpu.vector_store %arg8[%swap3A_842, %swap3A_843], %swap3A_846 {strides = array<i32>} : memref<12x128xi32, #tpu.memory_space<vmem>>, vector<1x16xi32>,
    %add3A_847 = arith.constant 128 : i32
    %add3A_848 = arith.addi %mul3A_4, %add3A_847 : i32
    %add3A_849 = arith.constant 0 : i32
    %add3A_850 = vector.broadcast %add3A_849 : i32 to vector<16xi32>
    %add3A_851 = arith.addi %add3A_850, %iota3A : vector<16xi32>
    %mul3A_852 = arith.constant 21846 : i32
    %mul3A_853 = vector.broadcast %mul3A_852 : i32 to vector<16xi32>
    %mul3A_854 = arith.muli %add3A_851, %mul3A_853 : vector<16xi32>
    %shift_right_arithmetic3A_855 = arith.constant 16 : i32
    %shift_right_arithmetic3A_856 = vector.broadcast %shift_right_arithmetic3A_855 : i32 to vector<16xi32>
    %shift_right_arithmetic3A_857 = arith.shrsi %mul3A_854, %shift_right_arithmetic3A_856 : vector<16xi32>
    %add3A_858 = vector.broadcast %add3A_848 : i32 to vector<16xi32>
    %add3A_859 = arith.addi %add3A_858, %shift_right_arithmetic3A_857 : vector<16xi32>
    %mul3A_860 = arith.constant 3 : i32
    %mul3A_861 = vector.broadcast %mul3A_860 : i32 to vector<16xi32>
    %mul3A_862 = arith.muli %mul3A_861, %shift_right_arithmetic3A_857 : vector<16xi32>
    %sub3A_863 = arith.subi %add3A_851, %mul3A_862 : vector<16xi32>
    %shift_right_arithmetic3A_864 = arith.constant 12 : i32
    %shift_right_arithmetic3A_865 = vector.broadcast %shift_right_arithmetic3A_864 : i32 to vector<16xi32>
    %shift_right_arithmetic3A_866 = arith.shrsi %add3A_859, %shift_right_arithmetic3A_865 : vector<16xi32>
    %and3A_867 = arith.constant 4095 : i32
    %and3A_868 = vector.broadcast %and3A_867 : i32 to vector<16xi32>
    %and3A_869 = arith.andi %add3A_859, %and3A_868 : vector<16xi32>
    %mul3A_870 = arith.constant 12288 : i32
    %mul3A_871 = vector.broadcast %mul3A_870 : i32 to vector<16xi32>
    %mul3A_872 = arith.muli %shift_right_arithmetic3A_866, %mul3A_871 : vector<16xi32>
    %mul3A_873 = arith.constant 4096 : i32
    %mul3A_874 = vector.broadcast %mul3A_873 : i32 to vector<16xi32>
    %mul3A_875 = arith.muli %sub3A_863, %mul3A_874 : vector<16xi32>
    %add3A_876 = arith.addi %mul3A_872, %mul3A_875 : vector<16xi32>
    %add3A_877 = arith.addi %add3A_876, %and3A_869 : vector<16xi32>
    %swap3A_878 = arith.constant 3 : i32
    %swap3A_879 = arith.index_cast %swap3A_878 : i32 to index
    %swap3A_880 = arith.constant 0 : index
    %swap3A_881 = tpu.vector_load %arg8[%swap3A_879, %swap3A_880] {strides = array<i32>} : memref<12x128xi32, #tpu.memory_space<vmem>>, vector<1x16xi32>,
    %swap3A_882 = vector.shape_cast %swap3A_881 : vector<1x16xi32> to vector<16xi32>
    %swap3A_883 = vector.shape_cast %add3A_877 : vector<16xi32> to vector<1x16xi32>
    tpu.vector_store %arg8[%swap3A_879, %swap3A_880], %swap3A_883 {strides = array<i32>} : memref<12x128xi32, #tpu.memory_space<vmem>>, vector<1x16xi32>,
    %add3A_884 = arith.constant 16 : i32
    %add3A_885 = vector.broadcast %add3A_884 : i32 to vector<16xi32>
    %add3A_886 = arith.addi %add3A_885, %iota3A : vector<16xi32>
    %mul3A_887 = arith.constant 21846 : i32
    %mul3A_888 = vector.broadcast %mul3A_887 : i32 to vector<16xi32>
    %mul3A_889 = arith.muli %add3A_886, %mul3A_888 : vector<16xi32>
    %shift_right_arithmetic3A_890 = arith.constant 16 : i32
    %shift_right_arithmetic3A_891 = vector.broadcast %shift_right_arithmetic3A_890 : i32 to vector<16xi32>
    %shift_right_arithmetic3A_892 = arith.shrsi %mul3A_889, %shift_right_arithmetic3A_891 : vector<16xi32>
    %add3A_893 = vector.broadcast %add3A_848 : i32 to vector<16xi32>
    %add3A_894 = arith.addi %add3A_893, %shift_right_arithmetic3A_892 : vector<16xi32>
    %mul3A_895 = arith.constant 3 : i32
    %mul3A_896 = vector.broadcast %mul3A_895 : i32 to vector<16xi32>
    %mul3A_897 = arith.muli %mul3A_896, %shift_right_arithmetic3A_892 : vector<16xi32>
    %sub3A_898 = arith.subi %add3A_886, %mul3A_897 : vector<16xi32>
    %shift_right_arithmetic3A_899 = arith.constant 12 : i32
    %shift_right_arithmetic3A_900 = vector.broadcast %shift_right_arithmetic3A_899 : i32 to vector<16xi32>
    %shift_right_arithmetic3A_901 = arith.shrsi %add3A_894, %shift_right_arithmetic3A_900 : vector<16xi32>
    %and3A_902 = arith.constant 4095 : i32
    %and3A_903 = vector.broadcast %and3A_902 : i32 to vector<16xi32>
    %and3A_904 = arith.andi %add3A_894, %and3A_903 : vector<16xi32>
    %mul3A_905 = arith.constant 12288 : i32
    %mul3A_906 = vector.broadcast %mul3A_905 : i32 to vector<16xi32>
    %mul3A_907 = arith.muli %shift_right_arithmetic3A_901, %mul3A_906 : vector<16xi32>
    %mul3A_908 = arith.constant 4096 : i32
    %mul3A_909 = vector.broadcast %mul3A_908 : i32 to vector<16xi32>
    %mul3A_910 = arith.muli %sub3A_898, %mul3A_909 : vector<16xi32>
    %add3A_911 = arith.addi %mul3A_907, %mul3A_910 : vector<16xi32>
    %add3A_912 = arith.addi %add3A_911, %and3A_904 : vector<16xi32>
    %swap3A_913 = arith.constant 3 : i32
    %swap3A_914 = arith.index_cast %swap3A_913 : i32 to index
    %swap3A_915 = arith.constant 16 : index
    %swap3A_916 = tpu.vector_load %arg8[%swap3A_914, %swap3A_915] {strides = array<i32>} : memref<12x128xi32, #tpu.memory_space<vmem>>, vector<1x16xi32>,
    %swap3A_917 = vector.shape_cast %swap3A_916 : vector<1x16xi32> to vector<16xi32>
    %swap3A_918 = vector.shape_cast %add3A_912 : vector<16xi32> to vector<1x16xi32>
    tpu.vector_store %arg8[%swap3A_914, %swap3A_915], %swap3A_918 {strides = array<i32>} : memref<12x128xi32, #tpu.memory_space<vmem>>, vector<1x16xi32>,
    %add3A_919 = arith.constant 32 : i32
    %add3A_920 = vector.broadcast %add3A_919 : i32 to vector<16xi32>
    %add3A_921 = arith.addi %add3A_920, %iota3A : vector<16xi32>
    %mul3A_922 = arith.constant 21846 : i32
    %mul3A_923 = vector.broadcast %mul3A_922 : i32 to vector<16xi32>
    %mul3A_924 = arith.muli %add3A_921, %mul3A_923 : vector<16xi32>
    %shift_right_arithmetic3A_925 = arith.constant 16 : i32
    %shift_right_arithmetic3A_926 = vector.broadcast %shift_right_arithmetic3A_925 : i32 to vector<16xi32>
    %shift_right_arithmetic3A_927 = arith.shrsi %mul3A_924, %shift_right_arithmetic3A_926 : vector<16xi32>
    %add3A_928 = vector.broadcast %add3A_848 : i32 to vector<16xi32>
    %add3A_929 = arith.addi %add3A_928, %shift_right_arithmetic3A_927 : vector<16xi32>
    %mul3A_930 = arith.constant 3 : i32
    %mul3A_931 = vector.broadcast %mul3A_930 : i32 to vector<16xi32>
    %mul3A_932 = arith.muli %mul3A_931, %shift_right_arithmetic3A_927 : vector<16xi32>
    %sub3A_933 = arith.subi %add3A_921, %mul3A_932 : vector<16xi32>
    %shift_right_arithmetic3A_934 = arith.constant 12 : i32
    %shift_right_arithmetic3A_935 = vector.broadcast %shift_right_arithmetic3A_934 : i32 to vector<16xi32>
    %shift_right_arithmetic3A_936 = arith.shrsi %add3A_929, %shift_right_arithmetic3A_935 : vector<16xi32>
    %and3A_937 = arith.constant 4095 : i32
    %and3A_938 = vector.broadcast %and3A_937 : i32 to vector<16xi32>
    %and3A_939 = arith.andi %add3A_929, %and3A_938 : vector<16xi32>
    %mul3A_940 = arith.constant 12288 : i32
    %mul3A_941 = vector.broadcast %mul3A_940 : i32 to vector<16xi32>
    %mul3A_942 = arith.muli %shift_right_arithmetic3A_936, %mul3A_941 : vector<16xi32>
    %mul3A_943 = arith.constant 4096 : i32
    %mul3A_944 = vector.broadcast %mul3A_943 : i32 to vector<16xi32>
    %mul3A_945 = arith.muli %sub3A_933, %mul3A_944 : vector<16xi32>
    %add3A_946 = arith.addi %mul3A_942, %mul3A_945 : vector<16xi32>
    %add3A_947 = arith.addi %add3A_946, %and3A_939 : vector<16xi32>
    %swap3A_948 = arith.constant 3 : i32
    %swap3A_949 = arith.index_cast %swap3A_948 : i32 to index
    %swap3A_950 = arith.constant 32 : index
    %swap3A_951 = tpu.vector_load %arg8[%swap3A_949, %swap3A_950] {strides = array<i32>} : memref<12x128xi32, #tpu.memory_space<vmem>>, vector<1x16xi32>,
    %swap3A_952 = vector.shape_cast %swap3A_951 : vector<1x16xi32> to vector<16xi32>
    %swap3A_953 = vector.shape_cast %add3A_947 : vector<16xi32> to vector<1x16xi32>
    tpu.vector_store %arg8[%swap3A_949, %swap3A_950], %swap3A_953 {strides = array<i32>} : memref<12x128xi32, #tpu.memory_space<vmem>>, vector<1x16xi32>,
    %add3A_954 = arith.constant 48 : i32
    %add3A_955 = vector.broadcast %add3A_954 : i32 to vector<16xi32>
    %add3A_956 = arith.addi %add3A_955, %iota3A : vector<16xi32>
    %mul3A_957 = arith.constant 21846 : i32
    %mul3A_958 = vector.broadcast %mul3A_957 : i32 to vector<16xi32>
    %mul3A_959 = arith.muli %add3A_956, %mul3A_958 : vector<16xi32>
    %shift_right_arithmetic3A_960 = arith.constant 16 : i32
    %shift_right_arithmetic3A_961 = vector.broadcast %shift_right_arithmetic3A_960 : i32 to vector<16xi32>
    %shift_right_arithmetic3A_962 = arith.shrsi %mul3A_959, %shift_right_arithmetic3A_961 : vector<16xi32>
    %add3A_963 = vector.broadcast %add3A_848 : i32 to vector<16xi32>
    %add3A_964 = arith.addi %add3A_963, %shift_right_arithmetic3A_962 : vector<16xi32>
    %mul3A_965 = arith.constant 3 : i32
    %mul3A_966 = vector.broadcast %mul3A_965 : i32 to vector<16xi32>
    %mul3A_967 = arith.muli %mul3A_966, %shift_right_arithmetic3A_962 : vector<16xi32>
    %sub3A_968 = arith.subi %add3A_956, %mul3A_967 : vector<16xi32>
    %shift_right_arithmetic3A_969 = arith.constant 12 : i32
    %shift_right_arithmetic3A_970 = vector.broadcast %shift_right_arithmetic3A_969 : i32 to vector<16xi32>
    %shift_right_arithmetic3A_971 = arith.shrsi %add3A_964, %shift_right_arithmetic3A_970 : vector<16xi32>
    %and3A_972 = arith.constant 4095 : i32
    %and3A_973 = vector.broadcast %and3A_972 : i32 to vector<16xi32>
    %and3A_974 = arith.andi %add3A_964, %and3A_973 : vector<16xi32>
    %mul3A_975 = arith.constant 12288 : i32
    %mul3A_976 = vector.broadcast %mul3A_975 : i32 to vector<16xi32>
    %mul3A_977 = arith.muli %shift_right_arithmetic3A_971, %mul3A_976 : vector<16xi32>
    %mul3A_978 = arith.constant 4096 : i32
    %mul3A_979 = vector.broadcast %mul3A_978 : i32 to vector<16xi32>
    %mul3A_980 = arith.muli %sub3A_968, %mul3A_979 : vector<16xi32>
    %add3A_981 = arith.addi %mul3A_977, %mul3A_980 : vector<16xi32>
    %add3A_982 = arith.addi %add3A_981, %and3A_974 : vector<16xi32>
    %swap3A_983 = arith.constant 3 : i32
    %swap3A_984 = arith.index_cast %swap3A_983 : i32 to index
    %swap3A_985 = arith.constant 48 : index
    %swap3A_986 = tpu.vector_load %arg8[%swap3A_984, %swap3A_985] {strides = array<i32>} : memref<12x128xi32, #tpu.memory_space<vmem>>, vector<1x16xi32>,
    %swap3A_987 = vector.shape_cast %swap3A_986 : vector<1x16xi32> to vector<16xi32>
    %swap3A_988 = vector.shape_cast %add3A_982 : vector<16xi32> to vector<1x16xi32>
    tpu.vector_store %arg8[%swap3A_984, %swap3A_985], %swap3A_988 {strides = array<i32>} : memref<12x128xi32, #tpu.memory_space<vmem>>, vector<1x16xi32>,
    %add3A_989 = arith.constant 64 : i32
    %add3A_990 = vector.broadcast %add3A_989 : i32 to vector<16xi32>
    %add3A_991 = arith.addi %add3A_990, %iota3A : vector<16xi32>
    %mul3A_992 = arith.constant 21846 : i32
    %mul3A_993 = vector.broadcast %mul3A_992 : i32 to vector<16xi32>
    %mul3A_994 = arith.muli %add3A_991, %mul3A_993 : vector<16xi32>
    %shift_right_arithmetic3A_995 = arith.constant 16 : i32
    %shift_right_arithmetic3A_996 = vector.broadcast %shift_right_arithmetic3A_995 : i32 to vector<16xi32>
    %shift_right_arithmetic3A_997 = arith.shrsi %mul3A_994, %shift_right_arithmetic3A_996 : vector<16xi32>
    %add3A_998 = vector.broadcast %add3A_848 : i32 to vector<16xi32>
    %add3A_999 = arith.addi %add3A_998, %shift_right_arithmetic3A_997 : vector<16xi32>
    %mul3A_1000 = arith.constant 3 : i32
    %mul3A_1001 = vector.broadcast %mul3A_1000 : i32 to vector<16xi32>
    %mul3A_1002 = arith.muli %mul3A_1001, %shift_right_arithmetic3A_997 : vector<16xi32>
    %sub3A_1003 = arith.subi %add3A_991, %mul3A_1002 : vector<16xi32>
    %shift_right_arithmetic3A_1004 = arith.constant 12 : i32
    %shift_right_arithmetic3A_1005 = vector.broadcast %shift_right_arithmetic3A_1004 : i32 to vector<16xi32>
    %shift_right_arithmetic3A_1006 = arith.shrsi %add3A_999, %shift_right_arithmetic3A_1005 : vector<16xi32>
    %and3A_1007 = arith.constant 4095 : i32
    %and3A_1008 = vector.broadcast %and3A_1007 : i32 to vector<16xi32>
    %and3A_1009 = arith.andi %add3A_999, %and3A_1008 : vector<16xi32>
    %mul3A_1010 = arith.constant 12288 : i32
    %mul3A_1011 = vector.broadcast %mul3A_1010 : i32 to vector<16xi32>
    %mul3A_1012 = arith.muli %shift_right_arithmetic3A_1006, %mul3A_1011 : vector<16xi32>
    %mul3A_1013 = arith.constant 4096 : i32
    %mul3A_1014 = vector.broadcast %mul3A_1013 : i32 to vector<16xi32>
    %mul3A_1015 = arith.muli %sub3A_1003, %mul3A_1014 : vector<16xi32>
    %add3A_1016 = arith.addi %mul3A_1012, %mul3A_1015 : vector<16xi32>
    %add3A_1017 = arith.addi %add3A_1016, %and3A_1009 : vector<16xi32>
    %swap3A_1018 = arith.constant 3 : i32
    %swap3A_1019 = arith.index_cast %swap3A_1018 : i32 to index
    %swap3A_1020 = arith.constant 64 : index
    %swap3A_1021 = tpu.vector_load %arg8[%swap3A_1019, %swap3A_1020] {strides = array<i32>} : memref<12x128xi32, #tpu.memory_space<vmem>>, vector<1x16xi32>,
    %swap3A_1022 = vector.shape_cast %swap3A_1021 : vector<1x16xi32> to vector<16xi32>
    %swap3A_1023 = vector.shape_cast %add3A_1017 : vector<16xi32> to vector<1x16xi32>
    tpu.vector_store %arg8[%swap3A_1019, %swap3A_1020], %swap3A_1023 {strides = array<i32>} : memref<12x128xi32, #tpu.memory_space<vmem>>, vector<1x16xi32>,
    %add3A_1024 = arith.constant 80 : i32
    %add3A_1025 = vector.broadcast %add3A_1024 : i32 to vector<16xi32>
    %add3A_1026 = arith.addi %add3A_1025, %iota3A : vector<16xi32>
    %mul3A_1027 = arith.constant 21846 : i32
    %mul3A_1028 = vector.broadcast %mul3A_1027 : i32 to vector<16xi32>
    %mul3A_1029 = arith.muli %add3A_1026, %mul3A_1028 : vector<16xi32>
    %shift_right_arithmetic3A_1030 = arith.constant 16 : i32
    %shift_right_arithmetic3A_1031 = vector.broadcast %shift_right_arithmetic3A_1030 : i32 to vector<16xi32>
    %shift_right_arithmetic3A_1032 = arith.shrsi %mul3A_1029, %shift_right_arithmetic3A_1031 : vector<16xi32>
    %add3A_1033 = vector.broadcast %add3A_848 : i32 to vector<16xi32>
    %add3A_1034 = arith.addi %add3A_1033, %shift_right_arithmetic3A_1032 : vector<16xi32>
    %mul3A_1035 = arith.constant 3 : i32
    %mul3A_1036 = vector.broadcast %mul3A_1035 : i32 to vector<16xi32>
    %mul3A_1037 = arith.muli %mul3A_1036, %shift_right_arithmetic3A_1032 : vector<16xi32>
    %sub3A_1038 = arith.subi %add3A_1026, %mul3A_1037 : vector<16xi32>
    %shift_right_arithmetic3A_1039 = arith.constant 12 : i32
    %shift_right_arithmetic3A_1040 = vector.broadcast %shift_right_arithmetic3A_1039 : i32 to vector<16xi32>
    %shift_right_arithmetic3A_1041 = arith.shrsi %add3A_1034, %shift_right_arithmetic3A_1040 : vector<16xi32>
    %and3A_1042 = arith.constant 4095 : i32
    %and3A_1043 = vector.broadcast %and3A_1042 : i32 to vector<16xi32>
    %and3A_1044 = arith.andi %add3A_1034, %and3A_1043 : vector<16xi32>
    %mul3A_1045 = arith.constant 12288 : i32
    %mul3A_1046 = vector.broadcast %mul3A_1045 : i32 to vector<16xi32>
    %mul3A_1047 = arith.muli %shift_right_arithmetic3A_1041, %mul3A_1046 : vector<16xi32>
    %mul3A_1048 = arith.constant 4096 : i32
    %mul3A_1049 = vector.broadcast %mul3A_1048 : i32 to vector<16xi32>
    %mul3A_1050 = arith.muli %sub3A_1038, %mul3A_1049 : vector<16xi32>
    %add3A_1051 = arith.addi %mul3A_1047, %mul3A_1050 : vector<16xi32>
    %add3A_1052 = arith.addi %add3A_1051, %and3A_1044 : vector<16xi32>
    %swap3A_1053 = arith.constant 3 : i32
    %swap3A_1054 = arith.index_cast %swap3A_1053 : i32 to index
    %swap3A_1055 = arith.constant 80 : index
    %swap3A_1056 = tpu.vector_load %arg8[%swap3A_1054, %swap3A_1055] {strides = array<i32>} : memref<12x128xi32, #tpu.memory_space<vmem>>, vector<1x16xi32>,
    %swap3A_1057 = vector.shape_cast %swap3A_1056 : vector<1x16xi32> to vector<16xi32>
    %swap3A_1058 = vector.shape_cast %add3A_1052 : vector<16xi32> to vector<1x16xi32>
    tpu.vector_store %arg8[%swap3A_1054, %swap3A_1055], %swap3A_1058 {strides = array<i32>} : memref<12x128xi32, #tpu.memory_space<vmem>>, vector<1x16xi32>,
    %add3A_1059 = arith.constant 96 : i32
    %add3A_1060 = vector.broadcast %add3A_1059 : i32 to vector<16xi32>
    %add3A_1061 = arith.addi %add3A_1060, %iota3A : vector<16xi32>
    %mul3A_1062 = arith.constant 21846 : i32
    %mul3A_1063 = vector.broadcast %mul3A_1062 : i32 to vector<16xi32>
    %mul3A_1064 = arith.muli %add3A_1061, %mul3A_1063 : vector<16xi32>
    %shift_right_arithmetic3A_1065 = arith.constant 16 : i32
    %shift_right_arithmetic3A_1066 = vector.broadcast %shift_right_arithmetic3A_1065 : i32 to vector<16xi32>
    %shift_right_arithmetic3A_1067 = arith.shrsi %mul3A_1064, %shift_right_arithmetic3A_1066 : vector<16xi32>
    %add3A_1068 = vector.broadcast %add3A_848 : i32 to vector<16xi32>
    %add3A_1069 = arith.addi %add3A_1068, %shift_right_arithmetic3A_1067 : vector<16xi32>
    %mul3A_1070 = arith.constant 3 : i32
    %mul3A_1071 = vector.broadcast %mul3A_1070 : i32 to vector<16xi32>
    %mul3A_1072 = arith.muli %mul3A_1071, %shift_right_arithmetic3A_1067 : vector<16xi32>
    %sub3A_1073 = arith.subi %add3A_1061, %mul3A_1072 : vector<16xi32>
    %shift_right_arithmetic3A_1074 = arith.constant 12 : i32
    %shift_right_arithmetic3A_1075 = vector.broadcast %shift_right_arithmetic3A_1074 : i32 to vector<16xi32>
    %shift_right_arithmetic3A_1076 = arith.shrsi %add3A_1069, %shift_right_arithmetic3A_1075 : vector<16xi32>
    %and3A_1077 = arith.constant 4095 : i32
    %and3A_1078 = vector.broadcast %and3A_1077 : i32 to vector<16xi32>
    %and3A_1079 = arith.andi %add3A_1069, %and3A_1078 : vector<16xi32>
    %mul3A_1080 = arith.constant 12288 : i32
    %mul3A_1081 = vector.broadcast %mul3A_1080 : i32 to vector<16xi32>
    %mul3A_1082 = arith.muli %shift_right_arithmetic3A_1076, %mul3A_1081 : vector<16xi32>
    %mul3A_1083 = arith.constant 4096 : i32
    %mul3A_1084 = vector.broadcast %mul3A_1083 : i32 to vector<16xi32>
    %mul3A_1085 = arith.muli %sub3A_1073, %mul3A_1084 : vector<16xi32>
    %add3A_1086 = arith.addi %mul3A_1082, %mul3A_1085 : vector<16xi32>
    %add3A_1087 = arith.addi %add3A_1086, %and3A_1079 : vector<16xi32>
    %swap3A_1088 = arith.constant 3 : i32
    %swap3A_1089 = arith.index_cast %swap3A_1088 : i32 to index
    %swap3A_1090 = arith.constant 96 : index
    %swap3A_1091 = tpu.vector_load %arg8[%swap3A_1089, %swap3A_1090] {strides = array<i32>} : memref<12x128xi32, #tpu.memory_space<vmem>>, vector<1x16xi32>,
    %swap3A_1092 = vector.shape_cast %swap3A_1091 : vector<1x16xi32> to vector<16xi32>
    %swap3A_1093 = vector.shape_cast %add3A_1087 : vector<16xi32> to vector<1x16xi32>
    tpu.vector_store %arg8[%swap3A_1089, %swap3A_1090], %swap3A_1093 {strides = array<i32>} : memref<12x128xi32, #tpu.memory_space<vmem>>, vector<1x16xi32>,
    %add3A_1094 = arith.constant 112 : i32
    %add3A_1095 = vector.broadcast %add3A_1094 : i32 to vector<16xi32>
    %add3A_1096 = arith.addi %add3A_1095, %iota3A : vector<16xi32>
    %mul3A_1097 = arith.constant 21846 : i32
    %mul3A_1098 = vector.broadcast %mul3A_1097 : i32 to vector<16xi32>
    %mul3A_1099 = arith.muli %add3A_1096, %mul3A_1098 : vector<16xi32>
    %shift_right_arithmetic3A_1100 = arith.constant 16 : i32
    %shift_right_arithmetic3A_1101 = vector.broadcast %shift_right_arithmetic3A_1100 : i32 to vector<16xi32>
    %shift_right_arithmetic3A_1102 = arith.shrsi %mul3A_1099, %shift_right_arithmetic3A_1101 : vector<16xi32>
    %add3A_1103 = vector.broadcast %add3A_848 : i32 to vector<16xi32>
    %add3A_1104 = arith.addi %add3A_1103, %shift_right_arithmetic3A_1102 : vector<16xi32>
    %mul3A_1105 = arith.constant 3 : i32
    %mul3A_1106 = vector.broadcast %mul3A_1105 : i32 to vector<16xi32>
    %mul3A_1107 = arith.muli %mul3A_1106, %shift_right_arithmetic3A_1102 : vector<16xi32>
    %sub3A_1108 = arith.subi %add3A_1096, %mul3A_1107 : vector<16xi32>
    %shift_right_arithmetic3A_1109 = arith.constant 12 : i32
    %shift_right_arithmetic3A_1110 = vector.broadcast %shift_right_arithmetic3A_1109 : i32 to vector<16xi32>
    %shift_right_arithmetic3A_1111 = arith.shrsi %add3A_1104, %shift_right_arithmetic3A_1110 : vector<16xi32>
    %and3A_1112 = arith.constant 4095 : i32
    %and3A_1113 = vector.broadcast %and3A_1112 : i32 to vector<16xi32>
    %and3A_1114 = arith.andi %add3A_1104, %and3A_1113 : vector<16xi32>
    %mul3A_1115 = arith.constant 12288 : i32
    %mul3A_1116 = vector.broadcast %mul3A_1115 : i32 to vector<16xi32>
    %mul3A_1117 = arith.muli %shift_right_arithmetic3A_1111, %mul3A_1116 : vector<16xi32>
    %mul3A_1118 = arith.constant 4096 : i32
    %mul3A_1119 = vector.broadcast %mul3A_1118 : i32 to vector<16xi32>
    %mul3A_1120 = arith.muli %sub3A_1108, %mul3A_1119 : vector<16xi32>
    %add3A_1121 = arith.addi %mul3A_1117, %mul3A_1120 : vector<16xi32>
    %add3A_1122 = arith.addi %add3A_1121, %and3A_1114 : vector<16xi32>
    %swap3A_1123 = arith.constant 3 : i32
    %swap3A_1124 = arith.index_cast %swap3A_1123 : i32 to index
    %swap3A_1125 = arith.constant 112 : index
    %swap3A_1126 = tpu.vector_load %arg8[%swap3A_1124, %swap3A_1125] {strides = array<i32>} : memref<12x128xi32, #tpu.memory_space<vmem>>, vector<1x16xi32>,
    %swap3A_1127 = vector.shape_cast %swap3A_1126 : vector<1x16xi32> to vector<16xi32>
    %swap3A_1128 = vector.shape_cast %add3A_1122 : vector<16xi32> to vector<1x16xi32>
    tpu.vector_store %arg8[%swap3A_1124, %swap3A_1125], %swap3A_1128 {strides = array<i32>} : memref<12x128xi32, #tpu.memory_space<vmem>>, vector<1x16xi32>,
    %add3A_1129 = arith.constant 170 : i32
    %add3A_1130 = arith.addi %mul3A_4, %add3A_1129 : i32
    %add3A_1131 = arith.constant 2 : i32
    %add3A_1132 = vector.broadcast %add3A_1131 : i32 to vector<16xi32>
    %add3A_1133 = arith.addi %add3A_1132, %iota3A : vector<16xi32>
    %mul3A_1134 = arith.constant 21846 : i32
    %mul3A_1135 = vector.broadcast %mul3A_1134 : i32 to vector<16xi32>
    %mul3A_1136 = arith.muli %add3A_1133, %mul3A_1135 : vector<16xi32>
    %shift_right_arithmetic3A_1137 = arith.constant 16 : i32
    %shift_right_arithmetic3A_1138 = vector.broadcast %shift_right_arithmetic3A_1137 : i32 to vector<16xi32>
    %shift_right_arithmetic3A_1139 = arith.shrsi %mul3A_1136, %shift_right_arithmetic3A_1138 : vector<16xi32>
    %add3A_1140 = vector.broadcast %add3A_1130 : i32 to vector<16xi32>
    %add3A_1141 = arith.addi %add3A_1140, %shift_right_arithmetic3A_1139 : vector<16xi32>
    %mul3A_1142 = arith.constant 3 : i32
    %mul3A_1143 = vector.broadcast %mul3A_1142 : i32 to vector<16xi32>
    %mul3A_1144 = arith.muli %mul3A_1143, %shift_right_arithmetic3A_1139 : vector<16xi32>
    %sub3A_1145 = arith.subi %add3A_1133, %mul3A_1144 : vector<16xi32>
    %shift_right_arithmetic3A_1146 = arith.constant 12 : i32
    %shift_right_arithmetic3A_1147 = vector.broadcast %shift_right_arithmetic3A_1146 : i32 to vector<16xi32>
    %shift_right_arithmetic3A_1148 = arith.shrsi %add3A_1141, %shift_right_arithmetic3A_1147 : vector<16xi32>
    %and3A_1149 = arith.constant 4095 : i32
    %and3A_1150 = vector.broadcast %and3A_1149 : i32 to vector<16xi32>
    %and3A_1151 = arith.andi %add3A_1141, %and3A_1150 : vector<16xi32>
    %mul3A_1152 = arith.constant 12288 : i32
    %mul3A_1153 = vector.broadcast %mul3A_1152 : i32 to vector<16xi32>
    %mul3A_1154 = arith.muli %shift_right_arithmetic3A_1148, %mul3A_1153 : vector<16xi32>
    %mul3A_1155 = arith.constant 4096 : i32
    %mul3A_1156 = vector.broadcast %mul3A_1155 : i32 to vector<16xi32>
    %mul3A_1157 = arith.muli %sub3A_1145, %mul3A_1156 : vector<16xi32>
    %add3A_1158 = arith.addi %mul3A_1154, %mul3A_1157 : vector<16xi32>
    %add3A_1159 = arith.addi %add3A_1158, %and3A_1151 : vector<16xi32>
    %swap3A_1160 = arith.constant 4 : i32
    %swap3A_1161 = arith.index_cast %swap3A_1160 : i32 to index
    %swap3A_1162 = arith.constant 0 : index
    %swap3A_1163 = tpu.vector_load %arg8[%swap3A_1161, %swap3A_1162] {strides = array<i32>} : memref<12x128xi32, #tpu.memory_space<vmem>>, vector<1x16xi32>,
    %swap3A_1164 = vector.shape_cast %swap3A_1163 : vector<1x16xi32> to vector<16xi32>
    %swap3A_1165 = vector.shape_cast %add3A_1159 : vector<16xi32> to vector<1x16xi32>
    tpu.vector_store %arg8[%swap3A_1161, %swap3A_1162], %swap3A_1165 {strides = array<i32>} : memref<12x128xi32, #tpu.memory_space<vmem>>, vector<1x16xi32>,
    %add3A_1166 = arith.constant 18 : i32
    %add3A_1167 = vector.broadcast %add3A_1166 : i32 to vector<16xi32>
    %add3A_1168 = arith.addi %add3A_1167, %iota3A : vector<16xi32>
    %mul3A_1169 = arith.constant 21846 : i32
    %mul3A_1170 = vector.broadcast %mul3A_1169 : i32 to vector<16xi32>
    %mul3A_1171 = arith.muli %add3A_1168, %mul3A_1170 : vector<16xi32>
    %shift_right_arithmetic3A_1172 = arith.constant 16 : i32
    %shift_right_arithmetic3A_1173 = vector.broadcast %shift_right_arithmetic3A_1172 : i32 to vector<16xi32>
    %shift_right_arithmetic3A_1174 = arith.shrsi %mul3A_1171, %shift_right_arithmetic3A_1173 : vector<16xi32>
    %add3A_1175 = vector.broadcast %add3A_1130 : i32 to vector<16xi32>
    %add3A_1176 = arith.addi %add3A_1175, %shift_right_arithmetic3A_1174 : vector<16xi32>
    %mul3A_1177 = arith.constant 3 : i32
    %mul3A_1178 = vector.broadcast %mul3A_1177 : i32 to vector<16xi32>
    %mul3A_1179 = arith.muli %mul3A_1178, %shift_right_arithmetic3A_1174 : vector<16xi32>
    %sub3A_1180 = arith.subi %add3A_1168, %mul3A_1179 : vector<16xi32>
    %shift_right_arithmetic3A_1181 = arith.constant 12 : i32
    %shift_right_arithmetic3A_1182 = vector.broadcast %shift_right_arithmetic3A_1181 : i32 to vector<16xi32>
    %shift_right_arithmetic3A_1183 = arith.shrsi %add3A_1176, %shift_right_arithmetic3A_1182 : vector<16xi32>
    %and3A_1184 = arith.constant 4095 : i32
    %and3A_1185 = vector.broadcast %and3A_1184 : i32 to vector<16xi32>
    %and3A_1186 = arith.andi %add3A_1176, %and3A_1185 : vector<16xi32>
    %mul3A_1187 = arith.constant 12288 : i32
    %mul3A_1188 = vector.broadcast %mul3A_1187 : i32 to vector<16xi32>
    %mul3A_1189 = arith.muli %shift_right_arithmetic3A_1183, %mul3A_1188 : vector<16xi32>
    %mul3A_1190 = arith.constant 4096 : i32
    %mul3A_1191 = vector.broadcast %mul3A_1190 : i32 to vector<16xi32>
    %mul3A_1192 = arith.muli %sub3A_1180, %mul3A_1191 : vector<16xi32>
    %add3A_1193 = arith.addi %mul3A_1189, %mul3A_1192 : vector<16xi32>
    %add3A_1194 = arith.addi %add3A_1193, %and3A_1186 : vector<16xi32>
    %swap3A_1195 = arith.constant 4 : i32
    %swap3A_1196 = arith.index_cast %swap3A_1195 : i32 to index
    %swap3A_1197 = arith.constant 16 : index
    %swap3A_1198 = tpu.vector_load %arg8[%swap3A_1196, %swap3A_1197] {strides = array<i32>} : memref<12x128xi32, #tpu.memory_space<vmem>>, vector<1x16xi32>,
    %swap3A_1199 = vector.shape_cast %swap3A_1198 : vector<1x16xi32> to vector<16xi32>
    %swap3A_1200 = vector.shape_cast %add3A_1194 : vector<16xi32> to vector<1x16xi32>
    tpu.vector_store %arg8[%swap3A_1196, %swap3A_1197], %swap3A_1200 {strides = array<i32>} : memref<12x128xi32, #tpu.memory_space<vmem>>, vector<1x16xi32>,
    %add3A_1201 = arith.constant 34 : i32
    %add3A_1202 = vector.broadcast %add3A_1201 : i32 to vector<16xi32>
    %add3A_1203 = arith.addi %add3A_1202, %iota3A : vector<16xi32>
    %mul3A_1204 = arith.constant 21846 : i32
    %mul3A_1205 = vector.broadcast %mul3A_1204 : i32 to vector<16xi32>
    %mul3A_1206 = arith.muli %add3A_1203, %mul3A_1205 : vector<16xi32>
    %shift_right_arithmetic3A_1207 = arith.constant 16 : i32
    %shift_right_arithmetic3A_1208 = vector.broadcast %shift_right_arithmetic3A_1207 : i32 to vector<16xi32>
    %shift_right_arithmetic3A_1209 = arith.shrsi %mul3A_1206, %shift_right_arithmetic3A_1208 : vector<16xi32>
    %add3A_1210 = vector.broadcast %add3A_1130 : i32 to vector<16xi32>
    %add3A_1211 = arith.addi %add3A_1210, %shift_right_arithmetic3A_1209 : vector<16xi32>
    %mul3A_1212 = arith.constant 3 : i32
    %mul3A_1213 = vector.broadcast %mul3A_1212 : i32 to vector<16xi32>
    %mul3A_1214 = arith.muli %mul3A_1213, %shift_right_arithmetic3A_1209 : vector<16xi32>
    %sub3A_1215 = arith.subi %add3A_1203, %mul3A_1214 : vector<16xi32>
    %shift_right_arithmetic3A_1216 = arith.constant 12 : i32
    %shift_right_arithmetic3A_1217 = vector.broadcast %shift_right_arithmetic3A_1216 : i32 to vector<16xi32>
    %shift_right_arithmetic3A_1218 = arith.shrsi %add3A_1211, %shift_right_arithmetic3A_1217 : vector<16xi32>
    %and3A_1219 = arith.constant 4095 : i32
    %and3A_1220 = vector.broadcast %and3A_1219 : i32 to vector<16xi32>
    %and3A_1221 = arith.andi %add3A_1211, %and3A_1220 : vector<16xi32>
    %mul3A_1222 = arith.constant 12288 : i32
    %mul3A_1223 = vector.broadcast %mul3A_1222 : i32 to vector<16xi32>
    %mul3A_1224 = arith.muli %shift_right_arithmetic3A_1218, %mul3A_1223 : vector<16xi32>
    %mul3A_1225 = arith.constant 4096 : i32
    %mul3A_1226 = vector.broadcast %mul3A_1225 : i32 to vector<16xi32>
    %mul3A_1227 = arith.muli %sub3A_1215, %mul3A_1226 : vector<16xi32>
    %add3A_1228 = arith.addi %mul3A_1224, %mul3A_1227 : vector<16xi32>
    %add3A_1229 = arith.addi %add3A_1228, %and3A_1221 : vector<16xi32>
    %swap3A_1230 = arith.constant 4 : i32
    %swap3A_1231 = arith.index_cast %swap3A_1230 : i32 to index
    %swap3A_1232 = arith.constant 32 : index
    %swap3A_1233 = tpu.vector_load %arg8[%swap3A_1231, %swap3A_1232] {strides = array<i32>} : memref<12x128xi32, #tpu.memory_space<vmem>>, vector<1x16xi32>,
    %swap3A_1234 = vector.shape_cast %swap3A_1233 : vector<1x16xi32> to vector<16xi32>
    %swap3A_1235 = vector.shape_cast %add3A_1229 : vector<16xi32> to vector<1x16xi32>
    tpu.vector_store %arg8[%swap3A_1231, %swap3A_1232], %swap3A_1235 {strides = array<i32>} : memref<12x128xi32, #tpu.memory_space<vmem>>, vector<1x16xi32>,
    %add3A_1236 = arith.constant 50 : i32
    %add3A_1237 = vector.broadcast %add3A_1236 : i32 to vector<16xi32>
    %add3A_1238 = arith.addi %add3A_1237, %iota3A : vector<16xi32>
    %mul3A_1239 = arith.constant 21846 : i32
    %mul3A_1240 = vector.broadcast %mul3A_1239 : i32 to vector<16xi32>
    %mul3A_1241 = arith.muli %add3A_1238, %mul3A_1240 : vector<16xi32>
    %shift_right_arithmetic3A_1242 = arith.constant 16 : i32
    %shift_right_arithmetic3A_1243 = vector.broadcast %shift_right_arithmetic3A_1242 : i32 to vector<16xi32>
    %shift_right_arithmetic3A_1244 = arith.shrsi %mul3A_1241, %shift_right_arithmetic3A_1243 : vector<16xi32>
    %add3A_1245 = vector.broadcast %add3A_1130 : i32 to vector<16xi32>
    %add3A_1246 = arith.addi %add3A_1245, %shift_right_arithmetic3A_1244 : vector<16xi32>
    %mul3A_1247 = arith.constant 3 : i32
    %mul3A_1248 = vector.broadcast %mul3A_1247 : i32 to vector<16xi32>
    %mul3A_1249 = arith.muli %mul3A_1248, %shift_right_arithmetic3A_1244 : vector<16xi32>
    %sub3A_1250 = arith.subi %add3A_1238, %mul3A_1249 : vector<16xi32>
    %shift_right_arithmetic3A_1251 = arith.constant 12 : i32
    %shift_right_arithmetic3A_1252 = vector.broadcast %shift_right_arithmetic3A_1251 : i32 to vector<16xi32>
    %shift_right_arithmetic3A_1253 = arith.shrsi %add3A_1246, %shift_right_arithmetic3A_1252 : vector<16xi32>
    %and3A_1254 = arith.constant 4095 : i32
    %and3A_1255 = vector.broadcast %and3A_1254 : i32 to vector<16xi32>
    %and3A_1256 = arith.andi %add3A_1246, %and3A_1255 : vector<16xi32>
    %mul3A_1257 = arith.constant 12288 : i32
    %mul3A_1258 = vector.broadcast %mul3A_1257 : i32 to vector<16xi32>
    %mul3A_1259 = arith.muli %shift_right_arithmetic3A_1253, %mul3A_1258 : vector<16xi32>
    %mul3A_1260 = arith.constant 4096 : i32
    %mul3A_1261 = vector.broadcast %mul3A_1260 : i32 to vector<16xi32>
    %mul3A_1262 = arith.muli %sub3A_1250, %mul3A_1261 : vector<16xi32>
    %add3A_1263 = arith.addi %mul3A_1259, %mul3A_1262 : vector<16xi32>
    %add3A_1264 = arith.addi %add3A_1263, %and3A_1256 : vector<16xi32>
    %swap3A_1265 = arith.constant 4 : i32
    %swap3A_1266 = arith.index_cast %swap3A_1265 : i32 to index
    %swap3A_1267 = arith.constant 48 : index
    %swap3A_1268 = tpu.vector_load %arg8[%swap3A_1266, %swap3A_1267] {strides = array<i32>} : memref<12x128xi32, #tpu.memory_space<vmem>>, vector<1x16xi32>,
    %swap3A_1269 = vector.shape_cast %swap3A_1268 : vector<1x16xi32> to vector<16xi32>
    %swap3A_1270 = vector.shape_cast %add3A_1264 : vector<16xi32> to vector<1x16xi32>
    tpu.vector_store %arg8[%swap3A_1266, %swap3A_1267], %swap3A_1270 {strides = array<i32>} : memref<12x128xi32, #tpu.memory_space<vmem>>, vector<1x16xi32>,
    %add3A_1271 = arith.constant 66 : i32
    %add3A_1272 = vector.broadcast %add3A_1271 : i32 to vector<16xi32>
    %add3A_1273 = arith.addi %add3A_1272, %iota3A : vector<16xi32>
    %mul3A_1274 = arith.constant 21846 : i32
    %mul3A_1275 = vector.broadcast %mul3A_1274 : i32 to vector<16xi32>
    %mul3A_1276 = arith.muli %add3A_1273, %mul3A_1275 : vector<16xi32>
    %shift_right_arithmetic3A_1277 = arith.constant 16 : i32
    %shift_right_arithmetic3A_1278 = vector.broadcast %shift_right_arithmetic3A_1277 : i32 to vector<16xi32>
    %shift_right_arithmetic3A_1279 = arith.shrsi %mul3A_1276, %shift_right_arithmetic3A_1278 : vector<16xi32>
    %add3A_1280 = vector.broadcast %add3A_1130 : i32 to vector<16xi32>
    %add3A_1281 = arith.addi %add3A_1280, %shift_right_arithmetic3A_1279 : vector<16xi32>
    %mul3A_1282 = arith.constant 3 : i32
    %mul3A_1283 = vector.broadcast %mul3A_1282 : i32 to vector<16xi32>
    %mul3A_1284 = arith.muli %mul3A_1283, %shift_right_arithmetic3A_1279 : vector<16xi32>
    %sub3A_1285 = arith.subi %add3A_1273, %mul3A_1284 : vector<16xi32>
    %shift_right_arithmetic3A_1286 = arith.constant 12 : i32
    %shift_right_arithmetic3A_1287 = vector.broadcast %shift_right_arithmetic3A_1286 : i32 to vector<16xi32>
    %shift_right_arithmetic3A_1288 = arith.shrsi %add3A_1281, %shift_right_arithmetic3A_1287 : vector<16xi32>
    %and3A_1289 = arith.constant 4095 : i32
    %and3A_1290 = vector.broadcast %and3A_1289 : i32 to vector<16xi32>
    %and3A_1291 = arith.andi %add3A_1281, %and3A_1290 : vector<16xi32>
    %mul3A_1292 = arith.constant 12288 : i32
    %mul3A_1293 = vector.broadcast %mul3A_1292 : i32 to vector<16xi32>
    %mul3A_1294 = arith.muli %shift_right_arithmetic3A_1288, %mul3A_1293 : vector<16xi32>
    %mul3A_1295 = arith.constant 4096 : i32
    %mul3A_1296 = vector.broadcast %mul3A_1295 : i32 to vector<16xi32>
    %mul3A_1297 = arith.muli %sub3A_1285, %mul3A_1296 : vector<16xi32>
    %add3A_1298 = arith.addi %mul3A_1294, %mul3A_1297 : vector<16xi32>
    %add3A_1299 = arith.addi %add3A_1298, %and3A_1291 : vector<16xi32>
    %swap3A_1300 = arith.constant 4 : i32
    %swap3A_1301 = arith.index_cast %swap3A_1300 : i32 to index
    %swap3A_1302 = arith.constant 64 : index
    %swap3A_1303 = tpu.vector_load %arg8[%swap3A_1301, %swap3A_1302] {strides = array<i32>} : memref<12x128xi32, #tpu.memory_space<vmem>>, vector<1x16xi32>,
    %swap3A_1304 = vector.shape_cast %swap3A_1303 : vector<1x16xi32> to vector<16xi32>
    %swap3A_1305 = vector.shape_cast %add3A_1299 : vector<16xi32> to vector<1x16xi32>
    tpu.vector_store %arg8[%swap3A_1301, %swap3A_1302], %swap3A_1305 {strides = array<i32>} : memref<12x128xi32, #tpu.memory_space<vmem>>, vector<1x16xi32>,
    %add3A_1306 = arith.constant 82 : i32
    %add3A_1307 = vector.broadcast %add3A_1306 : i32 to vector<16xi32>
    %add3A_1308 = arith.addi %add3A_1307, %iota3A : vector<16xi32>
    %mul3A_1309 = arith.constant 21846 : i32
    %mul3A_1310 = vector.broadcast %mul3A_1309 : i32 to vector<16xi32>
    %mul3A_1311 = arith.muli %add3A_1308, %mul3A_1310 : vector<16xi32>
    %shift_right_arithmetic3A_1312 = arith.constant 16 : i32
    %shift_right_arithmetic3A_1313 = vector.broadcast %shift_right_arithmetic3A_1312 : i32 to vector<16xi32>
    %shift_right_arithmetic3A_1314 = arith.shrsi %mul3A_1311, %shift_right_arithmetic3A_1313 : vector<16xi32>
    %add3A_1315 = vector.broadcast %add3A_1130 : i32 to vector<16xi32>
    %add3A_1316 = arith.addi %add3A_1315, %shift_right_arithmetic3A_1314 : vector<16xi32>
    %mul3A_1317 = arith.constant 3 : i32
    %mul3A_1318 = vector.broadcast %mul3A_1317 : i32 to vector<16xi32>
    %mul3A_1319 = arith.muli %mul3A_1318, %shift_right_arithmetic3A_1314 : vector<16xi32>
    %sub3A_1320 = arith.subi %add3A_1308, %mul3A_1319 : vector<16xi32>
    %shift_right_arithmetic3A_1321 = arith.constant 12 : i32
    %shift_right_arithmetic3A_1322 = vector.broadcast %shift_right_arithmetic3A_1321 : i32 to vector<16xi32>
    %shift_right_arithmetic3A_1323 = arith.shrsi %add3A_1316, %shift_right_arithmetic3A_1322 : vector<16xi32>
    %and3A_1324 = arith.constant 4095 : i32
    %and3A_1325 = vector.broadcast %and3A_1324 : i32 to vector<16xi32>
    %and3A_1326 = arith.andi %add3A_1316, %and3A_1325 : vector<16xi32>
    %mul3A_1327 = arith.constant 12288 : i32
    %mul3A_1328 = vector.broadcast %mul3A_1327 : i32 to vector<16xi32>
    %mul3A_1329 = arith.muli %shift_right_arithmetic3A_1323, %mul3A_1328 : vector<16xi32>
    %mul3A_1330 = arith.constant 4096 : i32
    %mul3A_1331 = vector.broadcast %mul3A_1330 : i32 to vector<16xi32>
    %mul3A_1332 = arith.muli %sub3A_1320, %mul3A_1331 : vector<16xi32>
    %add3A_1333 = arith.addi %mul3A_1329, %mul3A_1332 : vector<16xi32>
    %add3A_1334 = arith.addi %add3A_1333, %and3A_1326 : vector<16xi32>
    %swap3A_1335 = arith.constant 4 : i32
    %swap3A_1336 = arith.index_cast %swap3A_1335 : i32 to index
    %swap3A_1337 = arith.constant 80 : index
    %swap3A_1338 = tpu.vector_load %arg8[%swap3A_1336, %swap3A_1337] {strides = array<i32>} : memref<12x128xi32, #tpu.memory_space<vmem>>, vector<1x16xi32>,
    %swap3A_1339 = vector.shape_cast %swap3A_1338 : vector<1x16xi32> to vector<16xi32>
    %swap3A_1340 = vector.shape_cast %add3A_1334 : vector<16xi32> to vector<1x16xi32>
    tpu.vector_store %arg8[%swap3A_1336, %swap3A_1337], %swap3A_1340 {strides = array<i32>} : memref<12x128xi32, #tpu.memory_space<vmem>>, vector<1x16xi32>,
    %add3A_1341 = arith.constant 98 : i32
    %add3A_1342 = vector.broadcast %add3A_1341 : i32 to vector<16xi32>
    %add3A_1343 = arith.addi %add3A_1342, %iota3A : vector<16xi32>
    %mul3A_1344 = arith.constant 21846 : i32
    %mul3A_1345 = vector.broadcast %mul3A_1344 : i32 to vector<16xi32>
    %mul3A_1346 = arith.muli %add3A_1343, %mul3A_1345 : vector<16xi32>
    %shift_right_arithmetic3A_1347 = arith.constant 16 : i32
    %shift_right_arithmetic3A_1348 = vector.broadcast %shift_right_arithmetic3A_1347 : i32 to vector<16xi32>
    %shift_right_arithmetic3A_1349 = arith.shrsi %mul3A_1346, %shift_right_arithmetic3A_1348 : vector<16xi32>
    %add3A_1350 = vector.broadcast %add3A_1130 : i32 to vector<16xi32>
    %add3A_1351 = arith.addi %add3A_1350, %shift_right_arithmetic3A_1349 : vector<16xi32>
    %mul3A_1352 = arith.constant 3 : i32
    %mul3A_1353 = vector.broadcast %mul3A_1352 : i32 to vector<16xi32>
    %mul3A_1354 = arith.muli %mul3A_1353, %shift_right_arithmetic3A_1349 : vector<16xi32>
    %sub3A_1355 = arith.subi %add3A_1343, %mul3A_1354 : vector<16xi32>
    %shift_right_arithmetic3A_1356 = arith.constant 12 : i32
    %shift_right_arithmetic3A_1357 = vector.broadcast %shift_right_arithmetic3A_1356 : i32 to vector<16xi32>
    %shift_right_arithmetic3A_1358 = arith.shrsi %add3A_1351, %shift_right_arithmetic3A_1357 : vector<16xi32>
    %and3A_1359 = arith.constant 4095 : i32
    %and3A_1360 = vector.broadcast %and3A_1359 : i32 to vector<16xi32>
    %and3A_1361 = arith.andi %add3A_1351, %and3A_1360 : vector<16xi32>
    %mul3A_1362 = arith.constant 12288 : i32
    %mul3A_1363 = vector.broadcast %mul3A_1362 : i32 to vector<16xi32>
    %mul3A_1364 = arith.muli %shift_right_arithmetic3A_1358, %mul3A_1363 : vector<16xi32>
    %mul3A_1365 = arith.constant 4096 : i32
    %mul3A_1366 = vector.broadcast %mul3A_1365 : i32 to vector<16xi32>
    %mul3A_1367 = arith.muli %sub3A_1355, %mul3A_1366 : vector<16xi32>
    %add3A_1368 = arith.addi %mul3A_1364, %mul3A_1367 : vector<16xi32>
    %add3A_1369 = arith.addi %add3A_1368, %and3A_1361 : vector<16xi32>
    %swap3A_1370 = arith.constant 4 : i32
    %swap3A_1371 = arith.index_cast %swap3A_1370 : i32 to index
    %swap3A_1372 = arith.constant 96 : index
    %swap3A_1373 = tpu.vector_load %arg8[%swap3A_1371, %swap3A_1372] {strides = array<i32>} : memref<12x128xi32, #tpu.memory_space<vmem>>, vector<1x16xi32>,
    %swap3A_1374 = vector.shape_cast %swap3A_1373 : vector<1x16xi32> to vector<16xi32>
    %swap3A_1375 = vector.shape_cast %add3A_1369 : vector<16xi32> to vector<1x16xi32>
    tpu.vector_store %arg8[%swap3A_1371, %swap3A_1372], %swap3A_1375 {strides = array<i32>} : memref<12x128xi32, #tpu.memory_space<vmem>>, vector<1x16xi32>,
    %add3A_1376 = arith.constant 114 : i32
    %add3A_1377 = vector.broadcast %add3A_1376 : i32 to vector<16xi32>
    %add3A_1378 = arith.addi %add3A_1377, %iota3A : vector<16xi32>
    %mul3A_1379 = arith.constant 21846 : i32
    %mul3A_1380 = vector.broadcast %mul3A_1379 : i32 to vector<16xi32>
    %mul3A_1381 = arith.muli %add3A_1378, %mul3A_1380 : vector<16xi32>
    %shift_right_arithmetic3A_1382 = arith.constant 16 : i32
    %shift_right_arithmetic3A_1383 = vector.broadcast %shift_right_arithmetic3A_1382 : i32 to vector<16xi32>
    %shift_right_arithmetic3A_1384 = arith.shrsi %mul3A_1381, %shift_right_arithmetic3A_1383 : vector<16xi32>
    %add3A_1385 = vector.broadcast %add3A_1130 : i32 to vector<16xi32>
    %add3A_1386 = arith.addi %add3A_1385, %shift_right_arithmetic3A_1384 : vector<16xi32>
    %mul3A_1387 = arith.constant 3 : i32
    %mul3A_1388 = vector.broadcast %mul3A_1387 : i32 to vector<16xi32>
    %mul3A_1389 = arith.muli %mul3A_1388, %shift_right_arithmetic3A_1384 : vector<16xi32>
    %sub3A_1390 = arith.subi %add3A_1378, %mul3A_1389 : vector<16xi32>
    %shift_right_arithmetic3A_1391 = arith.constant 12 : i32
    %shift_right_arithmetic3A_1392 = vector.broadcast %shift_right_arithmetic3A_1391 : i32 to vector<16xi32>
    %shift_right_arithmetic3A_1393 = arith.shrsi %add3A_1386, %shift_right_arithmetic3A_1392 : vector<16xi32>
    %and3A_1394 = arith.constant 4095 : i32
    %and3A_1395 = vector.broadcast %and3A_1394 : i32 to vector<16xi32>
    %and3A_1396 = arith.andi %add3A_1386, %and3A_1395 : vector<16xi32>
    %mul3A_1397 = arith.constant 12288 : i32
    %mul3A_1398 = vector.broadcast %mul3A_1397 : i32 to vector<16xi32>
    %mul3A_1399 = arith.muli %shift_right_arithmetic3A_1393, %mul3A_1398 : vector<16xi32>
    %mul3A_1400 = arith.constant 4096 : i32
    %mul3A_1401 = vector.broadcast %mul3A_1400 : i32 to vector<16xi32>
    %mul3A_1402 = arith.muli %sub3A_1390, %mul3A_1401 : vector<16xi32>
    %add3A_1403 = arith.addi %mul3A_1399, %mul3A_1402 : vector<16xi32>
    %add3A_1404 = arith.addi %add3A_1403, %and3A_1396 : vector<16xi32>
    %swap3A_1405 = arith.constant 4 : i32
    %swap3A_1406 = arith.index_cast %swap3A_1405 : i32 to index
    %swap3A_1407 = arith.constant 112 : index
    %swap3A_1408 = tpu.vector_load %arg8[%swap3A_1406, %swap3A_1407] {strides = array<i32>} : memref<12x128xi32, #tpu.memory_space<vmem>>, vector<1x16xi32>,
    %swap3A_1409 = vector.shape_cast %swap3A_1408 : vector<1x16xi32> to vector<16xi32>
    %swap3A_1410 = vector.shape_cast %add3A_1404 : vector<16xi32> to vector<1x16xi32>
    tpu.vector_store %arg8[%swap3A_1406, %swap3A_1407], %swap3A_1410 {strides = array<i32>} : memref<12x128xi32, #tpu.memory_space<vmem>>, vector<1x16xi32>,
    %add3A_1411 = arith.constant 213 : i32
    %add3A_1412 = arith.addi %mul3A_4, %add3A_1411 : i32
    %add3A_1413 = arith.constant 1 : i32
    %add3A_1414 = vector.broadcast %add3A_1413 : i32 to vector<16xi32>
    %add3A_1415 = arith.addi %add3A_1414, %iota3A : vector<16xi32>
    %mul3A_1416 = arith.constant 21846 : i32
    %mul3A_1417 = vector.broadcast %mul3A_1416 : i32 to vector<16xi32>
    %mul3A_1418 = arith.muli %add3A_1415, %mul3A_1417 : vector<16xi32>
    %shift_right_arithmetic3A_1419 = arith.constant 16 : i32
    %shift_right_arithmetic3A_1420 = vector.broadcast %shift_right_arithmetic3A_1419 : i32 to vector<16xi32>
    %shift_right_arithmetic3A_1421 = arith.shrsi %mul3A_1418, %shift_right_arithmetic3A_1420 : vector<16xi32>
    %add3A_1422 = vector.broadcast %add3A_1412 : i32 to vector<16xi32>
    %add3A_1423 = arith.addi %add3A_1422, %shift_right_arithmetic3A_1421 : vector<16xi32>
    %mul3A_1424 = arith.constant 3 : i32
    %mul3A_1425 = vector.broadcast %mul3A_1424 : i32 to vector<16xi32>
    %mul3A_1426 = arith.muli %mul3A_1425, %shift_right_arithmetic3A_1421 : vector<16xi32>
    %sub3A_1427 = arith.subi %add3A_1415, %mul3A_1426 : vector<16xi32>
    %shift_right_arithmetic3A_1428 = arith.constant 12 : i32
    %shift_right_arithmetic3A_1429 = vector.broadcast %shift_right_arithmetic3A_1428 : i32 to vector<16xi32>
    %shift_right_arithmetic3A_1430 = arith.shrsi %add3A_1423, %shift_right_arithmetic3A_1429 : vector<16xi32>
    %and3A_1431 = arith.constant 4095 : i32
    %and3A_1432 = vector.broadcast %and3A_1431 : i32 to vector<16xi32>
    %and3A_1433 = arith.andi %add3A_1423, %and3A_1432 : vector<16xi32>
    %mul3A_1434 = arith.constant 12288 : i32
    %mul3A_1435 = vector.broadcast %mul3A_1434 : i32 to vector<16xi32>
    %mul3A_1436 = arith.muli %shift_right_arithmetic3A_1430, %mul3A_1435 : vector<16xi32>
    %mul3A_1437 = arith.constant 4096 : i32
    %mul3A_1438 = vector.broadcast %mul3A_1437 : i32 to vector<16xi32>
    %mul3A_1439 = arith.muli %sub3A_1427, %mul3A_1438 : vector<16xi32>
    %add3A_1440 = arith.addi %mul3A_1436, %mul3A_1439 : vector<16xi32>
    %add3A_1441 = arith.addi %add3A_1440, %and3A_1433 : vector<16xi32>
    %swap3A_1442 = arith.constant 5 : i32
    %swap3A_1443 = arith.index_cast %swap3A_1442 : i32 to index
    %swap3A_1444 = arith.constant 0 : index
    %swap3A_1445 = tpu.vector_load %arg8[%swap3A_1443, %swap3A_1444] {strides = array<i32>} : memref<12x128xi32, #tpu.memory_space<vmem>>, vector<1x16xi32>,
    %swap3A_1446 = vector.shape_cast %swap3A_1445 : vector<1x16xi32> to vector<16xi32>
    %swap3A_1447 = vector.shape_cast %add3A_1441 : vector<16xi32> to vector<1x16xi32>
    tpu.vector_store %arg8[%swap3A_1443, %swap3A_1444], %swap3A_1447 {strides = array<i32>} : memref<12x128xi32, #tpu.memory_space<vmem>>, vector<1x16xi32>,
    %add3A_1448 = arith.constant 17 : i32
    %add3A_1449 = vector.broadcast %add3A_1448 : i32 to vector<16xi32>
    %add3A_1450 = arith.addi %add3A_1449, %iota3A : vector<16xi32>
    %mul3A_1451 = arith.constant 21846 : i32
    %mul3A_1452 = vector.broadcast %mul3A_1451 : i32 to vector<16xi32>
    %mul3A_1453 = arith.muli %add3A_1450, %mul3A_1452 : vector<16xi32>
    %shift_right_arithmetic3A_1454 = arith.constant 16 : i32
    %shift_right_arithmetic3A_1455 = vector.broadcast %shift_right_arithmetic3A_1454 : i32 to vector<16xi32>
    %shift_right_arithmetic3A_1456 = arith.shrsi %mul3A_1453, %shift_right_arithmetic3A_1455 : vector<16xi32>
    %add3A_1457 = vector.broadcast %add3A_1412 : i32 to vector<16xi32>
    %add3A_1458 = arith.addi %add3A_1457, %shift_right_arithmetic3A_1456 : vector<16xi32>
    %mul3A_1459 = arith.constant 3 : i32
    %mul3A_1460 = vector.broadcast %mul3A_1459 : i32 to vector<16xi32>
    %mul3A_1461 = arith.muli %mul3A_1460, %shift_right_arithmetic3A_1456 : vector<16xi32>
    %sub3A_1462 = arith.subi %add3A_1450, %mul3A_1461 : vector<16xi32>
    %shift_right_arithmetic3A_1463 = arith.constant 12 : i32
    %shift_right_arithmetic3A_1464 = vector.broadcast %shift_right_arithmetic3A_1463 : i32 to vector<16xi32>
    %shift_right_arithmetic3A_1465 = arith.shrsi %add3A_1458, %shift_right_arithmetic3A_1464 : vector<16xi32>
    %and3A_1466 = arith.constant 4095 : i32
    %and3A_1467 = vector.broadcast %and3A_1466 : i32 to vector<16xi32>
    %and3A_1468 = arith.andi %add3A_1458, %and3A_1467 : vector<16xi32>
    %mul3A_1469 = arith.constant 12288 : i32
    %mul3A_1470 = vector.broadcast %mul3A_1469 : i32 to vector<16xi32>
    %mul3A_1471 = arith.muli %shift_right_arithmetic3A_1465, %mul3A_1470 : vector<16xi32>
    %mul3A_1472 = arith.constant 4096 : i32
    %mul3A_1473 = vector.broadcast %mul3A_1472 : i32 to vector<16xi32>
    %mul3A_1474 = arith.muli %sub3A_1462, %mul3A_1473 : vector<16xi32>
    %add3A_1475 = arith.addi %mul3A_1471, %mul3A_1474 : vector<16xi32>
    %add3A_1476 = arith.addi %add3A_1475, %and3A_1468 : vector<16xi32>
    %swap3A_1477 = arith.constant 5 : i32
    %swap3A_1478 = arith.index_cast %swap3A_1477 : i32 to index
    %swap3A_1479 = arith.constant 16 : index
    %swap3A_1480 = tpu.vector_load %arg8[%swap3A_1478, %swap3A_1479] {strides = array<i32>} : memref<12x128xi32, #tpu.memory_space<vmem>>, vector<1x16xi32>,
    %swap3A_1481 = vector.shape_cast %swap3A_1480 : vector<1x16xi32> to vector<16xi32>
    %swap3A_1482 = vector.shape_cast %add3A_1476 : vector<16xi32> to vector<1x16xi32>
    tpu.vector_store %arg8[%swap3A_1478, %swap3A_1479], %swap3A_1482 {strides = array<i32>} : memref<12x128xi32, #tpu.memory_space<vmem>>, vector<1x16xi32>,
    %add3A_1483 = arith.constant 33 : i32
    %add3A_1484 = vector.broadcast %add3A_1483 : i32 to vector<16xi32>
    %add3A_1485 = arith.addi %add3A_1484, %iota3A : vector<16xi32>
    %mul3A_1486 = arith.constant 21846 : i32
    %mul3A_1487 = vector.broadcast %mul3A_1486 : i32 to vector<16xi32>
    %mul3A_1488 = arith.muli %add3A_1485, %mul3A_1487 : vector<16xi32>
    %shift_right_arithmetic3A_1489 = arith.constant 16 : i32
    %shift_right_arithmetic3A_1490 = vector.broadcast %shift_right_arithmetic3A_1489 : i32 to vector<16xi32>
    %shift_right_arithmetic3A_1491 = arith.shrsi %mul3A_1488, %shift_right_arithmetic3A_1490 : vector<16xi32>
    %add3A_1492 = vector.broadcast %add3A_1412 : i32 to vector<16xi32>
    %add3A_1493 = arith.addi %add3A_1492, %shift_right_arithmetic3A_1491 : vector<16xi32>
    %mul3A_1494 = arith.constant 3 : i32
    %mul3A_1495 = vector.broadcast %mul3A_1494 : i32 to vector<16xi32>
    %mul3A_1496 = arith.muli %mul3A_1495, %shift_right_arithmetic3A_1491 : vector<16xi32>
    %sub3A_1497 = arith.subi %add3A_1485, %mul3A_1496 : vector<16xi32>
    %shift_right_arithmetic3A_1498 = arith.constant 12 : i32
    %shift_right_arithmetic3A_1499 = vector.broadcast %shift_right_arithmetic3A_1498 : i32 to vector<16xi32>
    %shift_right_arithmetic3A_1500 = arith.shrsi %add3A_1493, %shift_right_arithmetic3A_1499 : vector<16xi32>
    %and3A_1501 = arith.constant 4095 : i32
    %and3A_1502 = vector.broadcast %and3A_1501 : i32 to vector<16xi32>
    %and3A_1503 = arith.andi %add3A_1493, %and3A_1502 : vector<16xi32>
    %mul3A_1504 = arith.constant 12288 : i32
    %mul3A_1505 = vector.broadcast %mul3A_1504 : i32 to vector<16xi32>
    %mul3A_1506 = arith.muli %shift_right_arithmetic3A_1500, %mul3A_1505 : vector<16xi32>
    %mul3A_1507 = arith.constant 4096 : i32
    %mul3A_1508 = vector.broadcast %mul3A_1507 : i32 to vector<16xi32>
    %mul3A_1509 = arith.muli %sub3A_1497, %mul3A_1508 : vector<16xi32>
    %add3A_1510 = arith.addi %mul3A_1506, %mul3A_1509 : vector<16xi32>
    %add3A_1511 = arith.addi %add3A_1510, %and3A_1503 : vector<16xi32>
    %swap3A_1512 = arith.constant 5 : i32
    %swap3A_1513 = arith.index_cast %swap3A_1512 : i32 to index
    %swap3A_1514 = arith.constant 32 : index
    %swap3A_1515 = tpu.vector_load %arg8[%swap3A_1513, %swap3A_1514] {strides = array<i32>} : memref<12x128xi32, #tpu.memory_space<vmem>>, vector<1x16xi32>,
    %swap3A_1516 = vector.shape_cast %swap3A_1515 : vector<1x16xi32> to vector<16xi32>
    %swap3A_1517 = vector.shape_cast %add3A_1511 : vector<16xi32> to vector<1x16xi32>
    tpu.vector_store %arg8[%swap3A_1513, %swap3A_1514], %swap3A_1517 {strides = array<i32>} : memref<12x128xi32, #tpu.memory_space<vmem>>, vector<1x16xi32>,
    %add3A_1518 = arith.constant 49 : i32
    %add3A_1519 = vector.broadcast %add3A_1518 : i32 to vector<16xi32>
    %add3A_1520 = arith.addi %add3A_1519, %iota3A : vector<16xi32>
    %mul3A_1521 = arith.constant 21846 : i32
    %mul3A_1522 = vector.broadcast %mul3A_1521 : i32 to vector<16xi32>
    %mul3A_1523 = arith.muli %add3A_1520, %mul3A_1522 : vector<16xi32>
    %shift_right_arithmetic3A_1524 = arith.constant 16 : i32
    %shift_right_arithmetic3A_1525 = vector.broadcast %shift_right_arithmetic3A_1524 : i32 to vector<16xi32>
    %shift_right_arithmetic3A_1526 = arith.shrsi %mul3A_1523, %shift_right_arithmetic3A_1525 : vector<16xi32>
    %add3A_1527 = vector.broadcast %add3A_1412 : i32 to vector<16xi32>
    %add3A_1528 = arith.addi %add3A_1527, %shift_right_arithmetic3A_1526 : vector<16xi32>
    %mul3A_1529 = arith.constant 3 : i32
    %mul3A_1530 = vector.broadcast %mul3A_1529 : i32 to vector<16xi32>
    %mul3A_1531 = arith.muli %mul3A_1530, %shift_right_arithmetic3A_1526 : vector<16xi32>
    %sub3A_1532 = arith.subi %add3A_1520, %mul3A_1531 : vector<16xi32>
    %shift_right_arithmetic3A_1533 = arith.constant 12 : i32
    %shift_right_arithmetic3A_1534 = vector.broadcast %shift_right_arithmetic3A_1533 : i32 to vector<16xi32>
    %shift_right_arithmetic3A_1535 = arith.shrsi %add3A_1528, %shift_right_arithmetic3A_1534 : vector<16xi32>
    %and3A_1536 = arith.constant 4095 : i32
    %and3A_1537 = vector.broadcast %and3A_1536 : i32 to vector<16xi32>
    %and3A_1538 = arith.andi %add3A_1528, %and3A_1537 : vector<16xi32>
    %mul3A_1539 = arith.constant 12288 : i32
    %mul3A_1540 = vector.broadcast %mul3A_1539 : i32 to vector<16xi32>
    %mul3A_1541 = arith.muli %shift_right_arithmetic3A_1535, %mul3A_1540 : vector<16xi32>
    %mul3A_1542 = arith.constant 4096 : i32
    %mul3A_1543 = vector.broadcast %mul3A_1542 : i32 to vector<16xi32>
    %mul3A_1544 = arith.muli %sub3A_1532, %mul3A_1543 : vector<16xi32>
    %add3A_1545 = arith.addi %mul3A_1541, %mul3A_1544 : vector<16xi32>
    %add3A_1546 = arith.addi %add3A_1545, %and3A_1538 : vector<16xi32>
    %swap3A_1547 = arith.constant 5 : i32
    %swap3A_1548 = arith.index_cast %swap3A_1547 : i32 to index
    %swap3A_1549 = arith.constant 48 : index
    %swap3A_1550 = tpu.vector_load %arg8[%swap3A_1548, %swap3A_1549] {strides = array<i32>} : memref<12x128xi32, #tpu.memory_space<vmem>>, vector<1x16xi32>,
    %swap3A_1551 = vector.shape_cast %swap3A_1550 : vector<1x16xi32> to vector<16xi32>
    %swap3A_1552 = vector.shape_cast %add3A_1546 : vector<16xi32> to vector<1x16xi32>
    tpu.vector_store %arg8[%swap3A_1548, %swap3A_1549], %swap3A_1552 {strides = array<i32>} : memref<12x128xi32, #tpu.memory_space<vmem>>, vector<1x16xi32>,
    %add3A_1553 = arith.constant 65 : i32
    %add3A_1554 = vector.broadcast %add3A_1553 : i32 to vector<16xi32>
    %add3A_1555 = arith.addi %add3A_1554, %iota3A : vector<16xi32>
    %mul3A_1556 = arith.constant 21846 : i32
    %mul3A_1557 = vector.broadcast %mul3A_1556 : i32 to vector<16xi32>
    %mul3A_1558 = arith.muli %add3A_1555, %mul3A_1557 : vector<16xi32>
    %shift_right_arithmetic3A_1559 = arith.constant 16 : i32
    %shift_right_arithmetic3A_1560 = vector.broadcast %shift_right_arithmetic3A_1559 : i32 to vector<16xi32>
    %shift_right_arithmetic3A_1561 = arith.shrsi %mul3A_1558, %shift_right_arithmetic3A_1560 : vector<16xi32>
    %add3A_1562 = vector.broadcast %add3A_1412 : i32 to vector<16xi32>
    %add3A_1563 = arith.addi %add3A_1562, %shift_right_arithmetic3A_1561 : vector<16xi32>
    %mul3A_1564 = arith.constant 3 : i32
    %mul3A_1565 = vector.broadcast %mul3A_1564 : i32 to vector<16xi32>
    %mul3A_1566 = arith.muli %mul3A_1565, %shift_right_arithmetic3A_1561 : vector<16xi32>
    %sub3A_1567 = arith.subi %add3A_1555, %mul3A_1566 : vector<16xi32>
    %shift_right_arithmetic3A_1568 = arith.constant 12 : i32
    %shift_right_arithmetic3A_1569 = vector.broadcast %shift_right_arithmetic3A_1568 : i32 to vector<16xi32>
    %shift_right_arithmetic3A_1570 = arith.shrsi %add3A_1563, %shift_right_arithmetic3A_1569 : vector<16xi32>
    %and3A_1571 = arith.constant 4095 : i32
    %and3A_1572 = vector.broadcast %and3A_1571 : i32 to vector<16xi32>
    %and3A_1573 = arith.andi %add3A_1563, %and3A_1572 : vector<16xi32>
    %mul3A_1574 = arith.constant 12288 : i32
    %mul3A_1575 = vector.broadcast %mul3A_1574 : i32 to vector<16xi32>
    %mul3A_1576 = arith.muli %shift_right_arithmetic3A_1570, %mul3A_1575 : vector<16xi32>
    %mul3A_1577 = arith.constant 4096 : i32
    %mul3A_1578 = vector.broadcast %mul3A_1577 : i32 to vector<16xi32>
    %mul3A_1579 = arith.muli %sub3A_1567, %mul3A_1578 : vector<16xi32>
    %add3A_1580 = arith.addi %mul3A_1576, %mul3A_1579 : vector<16xi32>
    %add3A_1581 = arith.addi %add3A_1580, %and3A_1573 : vector<16xi32>
    %swap3A_1582 = arith.constant 5 : i32
    %swap3A_1583 = arith.index_cast %swap3A_1582 : i32 to index
    %swap3A_1584 = arith.constant 64 : index
    %swap3A_1585 = tpu.vector_load %arg8[%swap3A_1583, %swap3A_1584] {strides = array<i32>} : memref<12x128xi32, #tpu.memory_space<vmem>>, vector<1x16xi32>,
    %swap3A_1586 = vector.shape_cast %swap3A_1585 : vector<1x16xi32> to vector<16xi32>
    %swap3A_1587 = vector.shape_cast %add3A_1581 : vector<16xi32> to vector<1x16xi32>
    tpu.vector_store %arg8[%swap3A_1583, %swap3A_1584], %swap3A_1587 {strides = array<i32>} : memref<12x128xi32, #tpu.memory_space<vmem>>, vector<1x16xi32>,
    %add3A_1588 = arith.constant 81 : i32
    %add3A_1589 = vector.broadcast %add3A_1588 : i32 to vector<16xi32>
    %add3A_1590 = arith.addi %add3A_1589, %iota3A : vector<16xi32>
    %mul3A_1591 = arith.constant 21846 : i32
    %mul3A_1592 = vector.broadcast %mul3A_1591 : i32 to vector<16xi32>
    %mul3A_1593 = arith.muli %add3A_1590, %mul3A_1592 : vector<16xi32>
    %shift_right_arithmetic3A_1594 = arith.constant 16 : i32
    %shift_right_arithmetic3A_1595 = vector.broadcast %shift_right_arithmetic3A_1594 : i32 to vector<16xi32>
    %shift_right_arithmetic3A_1596 = arith.shrsi %mul3A_1593, %shift_right_arithmetic3A_1595 : vector<16xi32>
    %add3A_1597 = vector.broadcast %add3A_1412 : i32 to vector<16xi32>
    %add3A_1598 = arith.addi %add3A_1597, %shift_right_arithmetic3A_1596 : vector<16xi32>
    %mul3A_1599 = arith.constant 3 : i32
    %mul3A_1600 = vector.broadcast %mul3A_1599 : i32 to vector<16xi32>
    %mul3A_1601 = arith.muli %mul3A_1600, %shift_right_arithmetic3A_1596 : vector<16xi32>
    %sub3A_1602 = arith.subi %add3A_1590, %mul3A_1601 : vector<16xi32>
    %shift_right_arithmetic3A_1603 = arith.constant 12 : i32
    %shift_right_arithmetic3A_1604 = vector.broadcast %shift_right_arithmetic3A_1603 : i32 to vector<16xi32>
    %shift_right_arithmetic3A_1605 = arith.shrsi %add3A_1598, %shift_right_arithmetic3A_1604 : vector<16xi32>
    %and3A_1606 = arith.constant 4095 : i32
    %and3A_1607 = vector.broadcast %and3A_1606 : i32 to vector<16xi32>
    %and3A_1608 = arith.andi %add3A_1598, %and3A_1607 : vector<16xi32>
    %mul3A_1609 = arith.constant 12288 : i32
    %mul3A_1610 = vector.broadcast %mul3A_1609 : i32 to vector<16xi32>
    %mul3A_1611 = arith.muli %shift_right_arithmetic3A_1605, %mul3A_1610 : vector<16xi32>
    %mul3A_1612 = arith.constant 4096 : i32
    %mul3A_1613 = vector.broadcast %mul3A_1612 : i32 to vector<16xi32>
    %mul3A_1614 = arith.muli %sub3A_1602, %mul3A_1613 : vector<16xi32>
    %add3A_1615 = arith.addi %mul3A_1611, %mul3A_1614 : vector<16xi32>
    %add3A_1616 = arith.addi %add3A_1615, %and3A_1608 : vector<16xi32>
    %swap3A_1617 = arith.constant 5 : i32
    %swap3A_1618 = arith.index_cast %swap3A_1617 : i32 to index
    %swap3A_1619 = arith.constant 80 : index
    %swap3A_1620 = tpu.vector_load %arg8[%swap3A_1618, %swap3A_1619] {strides = array<i32>} : memref<12x128xi32, #tpu.memory_space<vmem>>, vector<1x16xi32>,
    %swap3A_1621 = vector.shape_cast %swap3A_1620 : vector<1x16xi32> to vector<16xi32>
    %swap3A_1622 = vector.shape_cast %add3A_1616 : vector<16xi32> to vector<1x16xi32>
    tpu.vector_store %arg8[%swap3A_1618, %swap3A_1619], %swap3A_1622 {strides = array<i32>} : memref<12x128xi32, #tpu.memory_space<vmem>>, vector<1x16xi32>,
    %add3A_1623 = arith.constant 97 : i32
    %add3A_1624 = vector.broadcast %add3A_1623 : i32 to vector<16xi32>
    %add3A_1625 = arith.addi %add3A_1624, %iota3A : vector<16xi32>
    %mul3A_1626 = arith.constant 21846 : i32
    %mul3A_1627 = vector.broadcast %mul3A_1626 : i32 to vector<16xi32>
    %mul3A_1628 = arith.muli %add3A_1625, %mul3A_1627 : vector<16xi32>
    %shift_right_arithmetic3A_1629 = arith.constant 16 : i32
    %shift_right_arithmetic3A_1630 = vector.broadcast %shift_right_arithmetic3A_1629 : i32 to vector<16xi32>
    %shift_right_arithmetic3A_1631 = arith.shrsi %mul3A_1628, %shift_right_arithmetic3A_1630 : vector<16xi32>
    %add3A_1632 = vector.broadcast %add3A_1412 : i32 to vector<16xi32>
    %add3A_1633 = arith.addi %add3A_1632, %shift_right_arithmetic3A_1631 : vector<16xi32>
    %mul3A_1634 = arith.constant 3 : i32
    %mul3A_1635 = vector.broadcast %mul3A_1634 : i32 to vector<16xi32>
    %mul3A_1636 = arith.muli %mul3A_1635, %shift_right_arithmetic3A_1631 : vector<16xi32>
    %sub3A_1637 = arith.subi %add3A_1625, %mul3A_1636 : vector<16xi32>
    %shift_right_arithmetic3A_1638 = arith.constant 12 : i32
    %shift_right_arithmetic3A_1639 = vector.broadcast %shift_right_arithmetic3A_1638 : i32 to vector<16xi32>
    %shift_right_arithmetic3A_1640 = arith.shrsi %add3A_1633, %shift_right_arithmetic3A_1639 : vector<16xi32>
    %and3A_1641 = arith.constant 4095 : i32
    %and3A_1642 = vector.broadcast %and3A_1641 : i32 to vector<16xi32>
    %and3A_1643 = arith.andi %add3A_1633, %and3A_1642 : vector<16xi32>
    %mul3A_1644 = arith.constant 12288 : i32
    %mul3A_1645 = vector.broadcast %mul3A_1644 : i32 to vector<16xi32>
    %mul3A_1646 = arith.muli %shift_right_arithmetic3A_1640, %mul3A_1645 : vector<16xi32>
    %mul3A_1647 = arith.constant 4096 : i32
    %mul3A_1648 = vector.broadcast %mul3A_1647 : i32 to vector<16xi32>
    %mul3A_1649 = arith.muli %sub3A_1637, %mul3A_1648 : vector<16xi32>
    %add3A_1650 = arith.addi %mul3A_1646, %mul3A_1649 : vector<16xi32>
    %add3A_1651 = arith.addi %add3A_1650, %and3A_1643 : vector<16xi32>
    %swap3A_1652 = arith.constant 5 : i32
    %swap3A_1653 = arith.index_cast %swap3A_1652 : i32 to index
    %swap3A_1654 = arith.constant 96 : index
    %swap3A_1655 = tpu.vector_load %arg8[%swap3A_1653, %swap3A_1654] {strides = array<i32>} : memref<12x128xi32, #tpu.memory_space<vmem>>, vector<1x16xi32>,
    %swap3A_1656 = vector.shape_cast %swap3A_1655 : vector<1x16xi32> to vector<16xi32>
    %swap3A_1657 = vector.shape_cast %add3A_1651 : vector<16xi32> to vector<1x16xi32>
    tpu.vector_store %arg8[%swap3A_1653, %swap3A_1654], %swap3A_1657 {strides = array<i32>} : memref<12x128xi32, #tpu.memory_space<vmem>>, vector<1x16xi32>,
    %add3A_1658 = arith.constant 113 : i32
    %add3A_1659 = vector.broadcast %add3A_1658 : i32 to vector<16xi32>
    %add3A_1660 = arith.addi %add3A_1659, %iota3A : vector<16xi32>
    %mul3A_1661 = arith.constant 21846 : i32
    %mul3A_1662 = vector.broadcast %mul3A_1661 : i32 to vector<16xi32>
    %mul3A_1663 = arith.muli %add3A_1660, %mul3A_1662 : vector<16xi32>
    %shift_right_arithmetic3A_1664 = arith.constant 16 : i32
    %shift_right_arithmetic3A_1665 = vector.broadcast %shift_right_arithmetic3A_1664 : i32 to vector<16xi32>
    %shift_right_arithmetic3A_1666 = arith.shrsi %mul3A_1663, %shift_right_arithmetic3A_1665 : vector<16xi32>
    %add3A_1667 = vector.broadcast %add3A_1412 : i32 to vector<16xi32>
    %add3A_1668 = arith.addi %add3A_1667, %shift_right_arithmetic3A_1666 : vector<16xi32>
    %mul3A_1669 = arith.constant 3 : i32
    %mul3A_1670 = vector.broadcast %mul3A_1669 : i32 to vector<16xi32>
    %mul3A_1671 = arith.muli %mul3A_1670, %shift_right_arithmetic3A_1666 : vector<16xi32>
    %sub3A_1672 = arith.subi %add3A_1660, %mul3A_1671 : vector<16xi32>
    %shift_right_arithmetic3A_1673 = arith.constant 12 : i32
    %shift_right_arithmetic3A_1674 = vector.broadcast %shift_right_arithmetic3A_1673 : i32 to vector<16xi32>
    %shift_right_arithmetic3A_1675 = arith.shrsi %add3A_1668, %shift_right_arithmetic3A_1674 : vector<16xi32>
    %and3A_1676 = arith.constant 4095 : i32
    %and3A_1677 = vector.broadcast %and3A_1676 : i32 to vector<16xi32>
    %and3A_1678 = arith.andi %add3A_1668, %and3A_1677 : vector<16xi32>
    %mul3A_1679 = arith.constant 12288 : i32
    %mul3A_1680 = vector.broadcast %mul3A_1679 : i32 to vector<16xi32>
    %mul3A_1681 = arith.muli %shift_right_arithmetic3A_1675, %mul3A_1680 : vector<16xi32>
    %mul3A_1682 = arith.constant 4096 : i32
    %mul3A_1683 = vector.broadcast %mul3A_1682 : i32 to vector<16xi32>
    %mul3A_1684 = arith.muli %sub3A_1672, %mul3A_1683 : vector<16xi32>
    %add3A_1685 = arith.addi %mul3A_1681, %mul3A_1684 : vector<16xi32>
    %add3A_1686 = arith.addi %add3A_1685, %and3A_1678 : vector<16xi32>
    %swap3A_1687 = arith.constant 5 : i32
    %swap3A_1688 = arith.index_cast %swap3A_1687 : i32 to index
    %swap3A_1689 = arith.constant 112 : index
    %swap3A_1690 = tpu.vector_load %arg8[%swap3A_1688, %swap3A_1689] {strides = array<i32>} : memref<12x128xi32, #tpu.memory_space<vmem>>, vector<1x16xi32>,
    %swap3A_1691 = vector.shape_cast %swap3A_1690 : vector<1x16xi32> to vector<16xi32>
    %swap3A_1692 = vector.shape_cast %add3A_1686 : vector<16xi32> to vector<1x16xi32>
    tpu.vector_store %arg8[%swap3A_1688, %swap3A_1689], %swap3A_1692 {strides = array<i32>} : memref<12x128xi32, #tpu.memory_space<vmem>>, vector<1x16xi32>,
    %add3A_1693 = arith.constant 256 : i32
    %add3A_1694 = arith.addi %mul3A_4, %add3A_1693 : i32
    %add3A_1695 = arith.constant 0 : i32
    %add3A_1696 = vector.broadcast %add3A_1695 : i32 to vector<16xi32>
    %add3A_1697 = arith.addi %add3A_1696, %iota3A : vector<16xi32>
    %mul3A_1698 = arith.constant 21846 : i32
    %mul3A_1699 = vector.broadcast %mul3A_1698 : i32 to vector<16xi32>
    %mul3A_1700 = arith.muli %add3A_1697, %mul3A_1699 : vector<16xi32>
    %shift_right_arithmetic3A_1701 = arith.constant 16 : i32
    %shift_right_arithmetic3A_1702 = vector.broadcast %shift_right_arithmetic3A_1701 : i32 to vector<16xi32>
    %shift_right_arithmetic3A_1703 = arith.shrsi %mul3A_1700, %shift_right_arithmetic3A_1702 : vector<16xi32>
    %add3A_1704 = vector.broadcast %add3A_1694 : i32 to vector<16xi32>
    %add3A_1705 = arith.addi %add3A_1704, %shift_right_arithmetic3A_1703 : vector<16xi32>
    %mul3A_1706 = arith.constant 3 : i32
    %mul3A_1707 = vector.broadcast %mul3A_1706 : i32 to vector<16xi32>
    %mul3A_1708 = arith.muli %mul3A_1707, %shift_right_arithmetic3A_1703 : vector<16xi32>
    %sub3A_1709 = arith.subi %add3A_1697, %mul3A_1708 : vector<16xi32>
    %shift_right_arithmetic3A_1710 = arith.constant 12 : i32
    %shift_right_arithmetic3A_1711 = vector.broadcast %shift_right_arithmetic3A_1710 : i32 to vector<16xi32>
    %shift_right_arithmetic3A_1712 = arith.shrsi %add3A_1705, %shift_right_arithmetic3A_1711 : vector<16xi32>
    %and3A_1713 = arith.constant 4095 : i32
    %and3A_1714 = vector.broadcast %and3A_1713 : i32 to vector<16xi32>
    %and3A_1715 = arith.andi %add3A_1705, %and3A_1714 : vector<16xi32>
    %mul3A_1716 = arith.constant 12288 : i32
    %mul3A_1717 = vector.broadcast %mul3A_1716 : i32 to vector<16xi32>
    %mul3A_1718 = arith.muli %shift_right_arithmetic3A_1712, %mul3A_1717 : vector<16xi32>
    %mul3A_1719 = arith.constant 4096 : i32
    %mul3A_1720 = vector.broadcast %mul3A_1719 : i32 to vector<16xi32>
    %mul3A_1721 = arith.muli %sub3A_1709, %mul3A_1720 : vector<16xi32>
    %add3A_1722 = arith.addi %mul3A_1718, %mul3A_1721 : vector<16xi32>
    %add3A_1723 = arith.addi %add3A_1722, %and3A_1715 : vector<16xi32>
    %swap3A_1724 = arith.constant 6 : i32
    %swap3A_1725 = arith.index_cast %swap3A_1724 : i32 to index
    %swap3A_1726 = arith.constant 0 : index
    %swap3A_1727 = tpu.vector_load %arg8[%swap3A_1725, %swap3A_1726] {strides = array<i32>} : memref<12x128xi32, #tpu.memory_space<vmem>>, vector<1x16xi32>,
    %swap3A_1728 = vector.shape_cast %swap3A_1727 : vector<1x16xi32> to vector<16xi32>
    %swap3A_1729 = vector.shape_cast %add3A_1723 : vector<16xi32> to vector<1x16xi32>
    tpu.vector_store %arg8[%swap3A_1725, %swap3A_1726], %swap3A_1729 {strides = array<i32>} : memref<12x128xi32, #tpu.memory_space<vmem>>, vector<1x16xi32>,
    %add3A_1730 = arith.constant 16 : i32
    %add3A_1731 = vector.broadcast %add3A_1730 : i32 to vector<16xi32>
    %add3A_1732 = arith.addi %add3A_1731, %iota3A : vector<16xi32>
    %mul3A_1733 = arith.constant 21846 : i32
    %mul3A_1734 = vector.broadcast %mul3A_1733 : i32 to vector<16xi32>
    %mul3A_1735 = arith.muli %add3A_1732, %mul3A_1734 : vector<16xi32>
    %shift_right_arithmetic3A_1736 = arith.constant 16 : i32
    %shift_right_arithmetic3A_1737 = vector.broadcast %shift_right_arithmetic3A_1736 : i32 to vector<16xi32>
    %shift_right_arithmetic3A_1738 = arith.shrsi %mul3A_1735, %shift_right_arithmetic3A_1737 : vector<16xi32>
    %add3A_1739 = vector.broadcast %add3A_1694 : i32 to vector<16xi32>
    %add3A_1740 = arith.addi %add3A_1739, %shift_right_arithmetic3A_1738 : vector<16xi32>
    %mul3A_1741 = arith.constant 3 : i32
    %mul3A_1742 = vector.broadcast %mul3A_1741 : i32 to vector<16xi32>
    %mul3A_1743 = arith.muli %mul3A_1742, %shift_right_arithmetic3A_1738 : vector<16xi32>
    %sub3A_1744 = arith.subi %add3A_1732, %mul3A_1743 : vector<16xi32>
    %shift_right_arithmetic3A_1745 = arith.constant 12 : i32
    %shift_right_arithmetic3A_1746 = vector.broadcast %shift_right_arithmetic3A_1745 : i32 to vector<16xi32>
    %shift_right_arithmetic3A_1747 = arith.shrsi %add3A_1740, %shift_right_arithmetic3A_1746 : vector<16xi32>
    %and3A_1748 = arith.constant 4095 : i32
    %and3A_1749 = vector.broadcast %and3A_1748 : i32 to vector<16xi32>
    %and3A_1750 = arith.andi %add3A_1740, %and3A_1749 : vector<16xi32>
    %mul3A_1751 = arith.constant 12288 : i32
    %mul3A_1752 = vector.broadcast %mul3A_1751 : i32 to vector<16xi32>
    %mul3A_1753 = arith.muli %shift_right_arithmetic3A_1747, %mul3A_1752 : vector<16xi32>
    %mul3A_1754 = arith.constant 4096 : i32
    %mul3A_1755 = vector.broadcast %mul3A_1754 : i32 to vector<16xi32>
    %mul3A_1756 = arith.muli %sub3A_1744, %mul3A_1755 : vector<16xi32>
    %add3A_1757 = arith.addi %mul3A_1753, %mul3A_1756 : vector<16xi32>
    %add3A_1758 = arith.addi %add3A_1757, %and3A_1750 : vector<16xi32>
    %swap3A_1759 = arith.constant 6 : i32
    %swap3A_1760 = arith.index_cast %swap3A_1759 : i32 to index
    %swap3A_1761 = arith.constant 16 : index
    %swap3A_1762 = tpu.vector_load %arg8[%swap3A_1760, %swap3A_1761] {strides = array<i32>} : memref<12x128xi32, #tpu.memory_space<vmem>>, vector<1x16xi32>,
    %swap3A_1763 = vector.shape_cast %swap3A_1762 : vector<1x16xi32> to vector<16xi32>
    %swap3A_1764 = vector.shape_cast %add3A_1758 : vector<16xi32> to vector<1x16xi32>
    tpu.vector_store %arg8[%swap3A_1760, %swap3A_1761], %swap3A_1764 {strides = array<i32>} : memref<12x128xi32, #tpu.memory_space<vmem>>, vector<1x16xi32>,
    %add3A_1765 = arith.constant 32 : i32
    %add3A_1766 = vector.broadcast %add3A_1765 : i32 to vector<16xi32>
    %add3A_1767 = arith.addi %add3A_1766, %iota3A : vector<16xi32>
    %mul3A_1768 = arith.constant 21846 : i32
    %mul3A_1769 = vector.broadcast %mul3A_1768 : i32 to vector<16xi32>
    %mul3A_1770 = arith.muli %add3A_1767, %mul3A_1769 : vector<16xi32>
    %shift_right_arithmetic3A_1771 = arith.constant 16 : i32
    %shift_right_arithmetic3A_1772 = vector.broadcast %shift_right_arithmetic3A_1771 : i32 to vector<16xi32>
    %shift_right_arithmetic3A_1773 = arith.shrsi %mul3A_1770, %shift_right_arithmetic3A_1772 : vector<16xi32>
    %add3A_1774 = vector.broadcast %add3A_1694 : i32 to vector<16xi32>
    %add3A_1775 = arith.addi %add3A_1774, %shift_right_arithmetic3A_1773 : vector<16xi32>
    %mul3A_1776 = arith.constant 3 : i32
    %mul3A_1777 = vector.broadcast %mul3A_1776 : i32 to vector<16xi32>
    %mul3A_1778 = arith.muli %mul3A_1777, %shift_right_arithmetic3A_1773 : vector<16xi32>
    %sub3A_1779 = arith.subi %add3A_1767, %mul3A_1778 : vector<16xi32>
    %shift_right_arithmetic3A_1780 = arith.constant 12 : i32
    %shift_right_arithmetic3A_1781 = vector.broadcast %shift_right_arithmetic3A_1780 : i32 to vector<16xi32>
    %shift_right_arithmetic3A_1782 = arith.shrsi %add3A_1775, %shift_right_arithmetic3A_1781 : vector<16xi32>
    %and3A_1783 = arith.constant 4095 : i32
    %and3A_1784 = vector.broadcast %and3A_1783 : i32 to vector<16xi32>
    %and3A_1785 = arith.andi %add3A_1775, %and3A_1784 : vector<16xi32>
    %mul3A_1786 = arith.constant 12288 : i32
    %mul3A_1787 = vector.broadcast %mul3A_1786 : i32 to vector<16xi32>
    %mul3A_1788 = arith.muli %shift_right_arithmetic3A_1782, %mul3A_1787 : vector<16xi32>
    %mul3A_1789 = arith.constant 4096 : i32
    %mul3A_1790 = vector.broadcast %mul3A_1789 : i32 to vector<16xi32>
    %mul3A_1791 = arith.muli %sub3A_1779, %mul3A_1790 : vector<16xi32>
    %add3A_1792 = arith.addi %mul3A_1788, %mul3A_1791 : vector<16xi32>
    %add3A_1793 = arith.addi %add3A_1792, %and3A_1785 : vector<16xi32>
    %swap3A_1794 = arith.constant 6 : i32
    %swap3A_1795 = arith.index_cast %swap3A_1794 : i32 to index
    %swap3A_1796 = arith.constant 32 : index
    %swap3A_1797 = tpu.vector_load %arg8[%swap3A_1795, %swap3A_1796] {strides = array<i32>} : memref<12x128xi32, #tpu.memory_space<vmem>>, vector<1x16xi32>,
    %swap3A_1798 = vector.shape_cast %swap3A_1797 : vector<1x16xi32> to vector<16xi32>
    %swap3A_1799 = vector.shape_cast %add3A_1793 : vector<16xi32> to vector<1x16xi32>
    tpu.vector_store %arg8[%swap3A_1795, %swap3A_1796], %swap3A_1799 {strides = array<i32>} : memref<12x128xi32, #tpu.memory_space<vmem>>, vector<1x16xi32>,
    %add3A_1800 = arith.constant 48 : i32
    %add3A_1801 = vector.broadcast %add3A_1800 : i32 to vector<16xi32>
    %add3A_1802 = arith.addi %add3A_1801, %iota3A : vector<16xi32>
    %mul3A_1803 = arith.constant 21846 : i32
    %mul3A_1804 = vector.broadcast %mul3A_1803 : i32 to vector<16xi32>
    %mul3A_1805 = arith.muli %add3A_1802, %mul3A_1804 : vector<16xi32>
    %shift_right_arithmetic3A_1806 = arith.constant 16 : i32
    %shift_right_arithmetic3A_1807 = vector.broadcast %shift_right_arithmetic3A_1806 : i32 to vector<16xi32>
    %shift_right_arithmetic3A_1808 = arith.shrsi %mul3A_1805, %shift_right_arithmetic3A_1807 : vector<16xi32>
    %add3A_1809 = vector.broadcast %add3A_1694 : i32 to vector<16xi32>
    %add3A_1810 = arith.addi %add3A_1809, %shift_right_arithmetic3A_1808 : vector<16xi32>
    %mul3A_1811 = arith.constant 3 : i32
    %mul3A_1812 = vector.broadcast %mul3A_1811 : i32 to vector<16xi32>
    %mul3A_1813 = arith.muli %mul3A_1812, %shift_right_arithmetic3A_1808 : vector<16xi32>
    %sub3A_1814 = arith.subi %add3A_1802, %mul3A_1813 : vector<16xi32>
    %shift_right_arithmetic3A_1815 = arith.constant 12 : i32
    %shift_right_arithmetic3A_1816 = vector.broadcast %shift_right_arithmetic3A_1815 : i32 to vector<16xi32>
    %shift_right_arithmetic3A_1817 = arith.shrsi %add3A_1810, %shift_right_arithmetic3A_1816 : vector<16xi32>
    %and3A_1818 = arith.constant 4095 : i32
    %and3A_1819 = vector.broadcast %and3A_1818 : i32 to vector<16xi32>
    %and3A_1820 = arith.andi %add3A_1810, %and3A_1819 : vector<16xi32>
    %mul3A_1821 = arith.constant 12288 : i32
    %mul3A_1822 = vector.broadcast %mul3A_1821 : i32 to vector<16xi32>
    %mul3A_1823 = arith.muli %shift_right_arithmetic3A_1817, %mul3A_1822 : vector<16xi32>
    %mul3A_1824 = arith.constant 4096 : i32
    %mul3A_1825 = vector.broadcast %mul3A_1824 : i32 to vector<16xi32>
    %mul3A_1826 = arith.muli %sub3A_1814, %mul3A_1825 : vector<16xi32>
    %add3A_1827 = arith.addi %mul3A_1823, %mul3A_1826 : vector<16xi32>
    %add3A_1828 = arith.addi %add3A_1827, %and3A_1820 : vector<16xi32>
    %swap3A_1829 = arith.constant 6 : i32
    %swap3A_1830 = arith.index_cast %swap3A_1829 : i32 to index
    %swap3A_1831 = arith.constant 48 : index
    %swap3A_1832 = tpu.vector_load %arg8[%swap3A_1830, %swap3A_1831] {strides = array<i32>} : memref<12x128xi32, #tpu.memory_space<vmem>>, vector<1x16xi32>,
    %swap3A_1833 = vector.shape_cast %swap3A_1832 : vector<1x16xi32> to vector<16xi32>
    %swap3A_1834 = vector.shape_cast %add3A_1828 : vector<16xi32> to vector<1x16xi32>
    tpu.vector_store %arg8[%swap3A_1830, %swap3A_1831], %swap3A_1834 {strides = array<i32>} : memref<12x128xi32, #tpu.memory_space<vmem>>, vector<1x16xi32>,
    %add3A_1835 = arith.constant 64 : i32
    %add3A_1836 = vector.broadcast %add3A_1835 : i32 to vector<16xi32>
    %add3A_1837 = arith.addi %add3A_1836, %iota3A : vector<16xi32>
    %mul3A_1838 = arith.constant 21846 : i32
    %mul3A_1839 = vector.broadcast %mul3A_1838 : i32 to vector<16xi32>
    %mul3A_1840 = arith.muli %add3A_1837, %mul3A_1839 : vector<16xi32>
    %shift_right_arithmetic3A_1841 = arith.constant 16 : i32
    %shift_right_arithmetic3A_1842 = vector.broadcast %shift_right_arithmetic3A_1841 : i32 to vector<16xi32>
    %shift_right_arithmetic3A_1843 = arith.shrsi %mul3A_1840, %shift_right_arithmetic3A_1842 : vector<16xi32>
    %add3A_1844 = vector.broadcast %add3A_1694 : i32 to vector<16xi32>
    %add3A_1845 = arith.addi %add3A_1844, %shift_right_arithmetic3A_1843 : vector<16xi32>
    %mul3A_1846 = arith.constant 3 : i32
    %mul3A_1847 = vector.broadcast %mul3A_1846 : i32 to vector<16xi32>
    %mul3A_1848 = arith.muli %mul3A_1847, %shift_right_arithmetic3A_1843 : vector<16xi32>
    %sub3A_1849 = arith.subi %add3A_1837, %mul3A_1848 : vector<16xi32>
    %shift_right_arithmetic3A_1850 = arith.constant 12 : i32
    %shift_right_arithmetic3A_1851 = vector.broadcast %shift_right_arithmetic3A_1850 : i32 to vector<16xi32>
    %shift_right_arithmetic3A_1852 = arith.shrsi %add3A_1845, %shift_right_arithmetic3A_1851 : vector<16xi32>
    %and3A_1853 = arith.constant 4095 : i32
    %and3A_1854 = vector.broadcast %and3A_1853 : i32 to vector<16xi32>
    %and3A_1855 = arith.andi %add3A_1845, %and3A_1854 : vector<16xi32>
    %mul3A_1856 = arith.constant 12288 : i32
    %mul3A_1857 = vector.broadcast %mul3A_1856 : i32 to vector<16xi32>
    %mul3A_1858 = arith.muli %shift_right_arithmetic3A_1852, %mul3A_1857 : vector<16xi32>
    %mul3A_1859 = arith.constant 4096 : i32
    %mul3A_1860 = vector.broadcast %mul3A_1859 : i32 to vector<16xi32>
    %mul3A_1861 = arith.muli %sub3A_1849, %mul3A_1860 : vector<16xi32>
    %add3A_1862 = arith.addi %mul3A_1858, %mul3A_1861 : vector<16xi32>
    %add3A_1863 = arith.addi %add3A_1862, %and3A_1855 : vector<16xi32>
    %swap3A_1864 = arith.constant 6 : i32
    %swap3A_1865 = arith.index_cast %swap3A_1864 : i32 to index
    %swap3A_1866 = arith.constant 64 : index
    %swap3A_1867 = tpu.vector_load %arg8[%swap3A_1865, %swap3A_1866] {strides = array<i32>} : memref<12x128xi32, #tpu.memory_space<vmem>>, vector<1x16xi32>,
    %swap3A_1868 = vector.shape_cast %swap3A_1867 : vector<1x16xi32> to vector<16xi32>
    %swap3A_1869 = vector.shape_cast %add3A_1863 : vector<16xi32> to vector<1x16xi32>
    tpu.vector_store %arg8[%swap3A_1865, %swap3A_1866], %swap3A_1869 {strides = array<i32>} : memref<12x128xi32, #tpu.memory_space<vmem>>, vector<1x16xi32>,
    %add3A_1870 = arith.constant 80 : i32
    %add3A_1871 = vector.broadcast %add3A_1870 : i32 to vector<16xi32>
    %add3A_1872 = arith.addi %add3A_1871, %iota3A : vector<16xi32>
    %mul3A_1873 = arith.constant 21846 : i32
    %mul3A_1874 = vector.broadcast %mul3A_1873 : i32 to vector<16xi32>
    %mul3A_1875 = arith.muli %add3A_1872, %mul3A_1874 : vector<16xi32>
    %shift_right_arithmetic3A_1876 = arith.constant 16 : i32
    %shift_right_arithmetic3A_1877 = vector.broadcast %shift_right_arithmetic3A_1876 : i32 to vector<16xi32>
    %shift_right_arithmetic3A_1878 = arith.shrsi %mul3A_1875, %shift_right_arithmetic3A_1877 : vector<16xi32>
    %add3A_1879 = vector.broadcast %add3A_1694 : i32 to vector<16xi32>
    %add3A_1880 = arith.addi %add3A_1879, %shift_right_arithmetic3A_1878 : vector<16xi32>
    %mul3A_1881 = arith.constant 3 : i32
    %mul3A_1882 = vector.broadcast %mul3A_1881 : i32 to vector<16xi32>
    %mul3A_1883 = arith.muli %mul3A_1882, %shift_right_arithmetic3A_1878 : vector<16xi32>
    %sub3A_1884 = arith.subi %add3A_1872, %mul3A_1883 : vector<16xi32>
    %shift_right_arithmetic3A_1885 = arith.constant 12 : i32
    %shift_right_arithmetic3A_1886 = vector.broadcast %shift_right_arithmetic3A_1885 : i32 to vector<16xi32>
    %shift_right_arithmetic3A_1887 = arith.shrsi %add3A_1880, %shift_right_arithmetic3A_1886 : vector<16xi32>
    %and3A_1888 = arith.constant 4095 : i32
    %and3A_1889 = vector.broadcast %and3A_1888 : i32 to vector<16xi32>
    %and3A_1890 = arith.andi %add3A_1880, %and3A_1889 : vector<16xi32>
    %mul3A_1891 = arith.constant 12288 : i32
    %mul3A_1892 = vector.broadcast %mul3A_1891 : i32 to vector<16xi32>
    %mul3A_1893 = arith.muli %shift_right_arithmetic3A_1887, %mul3A_1892 : vector<16xi32>
    %mul3A_1894 = arith.constant 4096 : i32
    %mul3A_1895 = vector.broadcast %mul3A_1894 : i32 to vector<16xi32>
    %mul3A_1896 = arith.muli %sub3A_1884, %mul3A_1895 : vector<16xi32>
    %add3A_1897 = arith.addi %mul3A_1893, %mul3A_1896 : vector<16xi32>
    %add3A_1898 = arith.addi %add3A_1897, %and3A_1890 : vector<16xi32>
    %swap3A_1899 = arith.constant 6 : i32
    %swap3A_1900 = arith.index_cast %swap3A_1899 : i32 to index
    %swap3A_1901 = arith.constant 80 : index
    %swap3A_1902 = tpu.vector_load %arg8[%swap3A_1900, %swap3A_1901] {strides = array<i32>} : memref<12x128xi32, #tpu.memory_space<vmem>>, vector<1x16xi32>,
    %swap3A_1903 = vector.shape_cast %swap3A_1902 : vector<1x16xi32> to vector<16xi32>
    %swap3A_1904 = vector.shape_cast %add3A_1898 : vector<16xi32> to vector<1x16xi32>
    tpu.vector_store %arg8[%swap3A_1900, %swap3A_1901], %swap3A_1904 {strides = array<i32>} : memref<12x128xi32, #tpu.memory_space<vmem>>, vector<1x16xi32>,
    %add3A_1905 = arith.constant 96 : i32
    %add3A_1906 = vector.broadcast %add3A_1905 : i32 to vector<16xi32>
    %add3A_1907 = arith.addi %add3A_1906, %iota3A : vector<16xi32>
    %mul3A_1908 = arith.constant 21846 : i32
    %mul3A_1909 = vector.broadcast %mul3A_1908 : i32 to vector<16xi32>
    %mul3A_1910 = arith.muli %add3A_1907, %mul3A_1909 : vector<16xi32>
    %shift_right_arithmetic3A_1911 = arith.constant 16 : i32
    %shift_right_arithmetic3A_1912 = vector.broadcast %shift_right_arithmetic3A_1911 : i32 to vector<16xi32>
    %shift_right_arithmetic3A_1913 = arith.shrsi %mul3A_1910, %shift_right_arithmetic3A_1912 : vector<16xi32>
    %add3A_1914 = vector.broadcast %add3A_1694 : i32 to vector<16xi32>
    %add3A_1915 = arith.addi %add3A_1914, %shift_right_arithmetic3A_1913 : vector<16xi32>
    %mul3A_1916 = arith.constant 3 : i32
    %mul3A_1917 = vector.broadcast %mul3A_1916 : i32 to vector<16xi32>
    %mul3A_1918 = arith.muli %mul3A_1917, %shift_right_arithmetic3A_1913 : vector<16xi32>
    %sub3A_1919 = arith.subi %add3A_1907, %mul3A_1918 : vector<16xi32>
    %shift_right_arithmetic3A_1920 = arith.constant 12 : i32
    %shift_right_arithmetic3A_1921 = vector.broadcast %shift_right_arithmetic3A_1920 : i32 to vector<16xi32>
    %shift_right_arithmetic3A_1922 = arith.shrsi %add3A_1915, %shift_right_arithmetic3A_1921 : vector<16xi32>
    %and3A_1923 = arith.constant 4095 : i32
    %and3A_1924 = vector.broadcast %and3A_1923 : i32 to vector<16xi32>
    %and3A_1925 = arith.andi %add3A_1915, %and3A_1924 : vector<16xi32>
    %mul3A_1926 = arith.constant 12288 : i32
    %mul3A_1927 = vector.broadcast %mul3A_1926 : i32 to vector<16xi32>
    %mul3A_1928 = arith.muli %shift_right_arithmetic3A_1922, %mul3A_1927 : vector<16xi32>
    %mul3A_1929 = arith.constant 4096 : i32
    %mul3A_1930 = vector.broadcast %mul3A_1929 : i32 to vector<16xi32>
    %mul3A_1931 = arith.muli %sub3A_1919, %mul3A_1930 : vector<16xi32>
    %add3A_1932 = arith.addi %mul3A_1928, %mul3A_1931 : vector<16xi32>
    %add3A_1933 = arith.addi %add3A_1932, %and3A_1925 : vector<16xi32>
    %swap3A_1934 = arith.constant 6 : i32
    %swap3A_1935 = arith.index_cast %swap3A_1934 : i32 to index
    %swap3A_1936 = arith.constant 96 : index
    %swap3A_1937 = tpu.vector_load %arg8[%swap3A_1935, %swap3A_1936] {strides = array<i32>} : memref<12x128xi32, #tpu.memory_space<vmem>>, vector<1x16xi32>,
    %swap3A_1938 = vector.shape_cast %swap3A_1937 : vector<1x16xi32> to vector<16xi32>
    %swap3A_1939 = vector.shape_cast %add3A_1933 : vector<16xi32> to vector<1x16xi32>
    tpu.vector_store %arg8[%swap3A_1935, %swap3A_1936], %swap3A_1939 {strides = array<i32>} : memref<12x128xi32, #tpu.memory_space<vmem>>, vector<1x16xi32>,
    %add3A_1940 = arith.constant 112 : i32
    %add3A_1941 = vector.broadcast %add3A_1940 : i32 to vector<16xi32>
    %add3A_1942 = arith.addi %add3A_1941, %iota3A : vector<16xi32>
    %mul3A_1943 = arith.constant 21846 : i32
    %mul3A_1944 = vector.broadcast %mul3A_1943 : i32 to vector<16xi32>
    %mul3A_1945 = arith.muli %add3A_1942, %mul3A_1944 : vector<16xi32>
    %shift_right_arithmetic3A_1946 = arith.constant 16 : i32
    %shift_right_arithmetic3A_1947 = vector.broadcast %shift_right_arithmetic3A_1946 : i32 to vector<16xi32>
    %shift_right_arithmetic3A_1948 = arith.shrsi %mul3A_1945, %shift_right_arithmetic3A_1947 : vector<16xi32>
    %add3A_1949 = vector.broadcast %add3A_1694 : i32 to vector<16xi32>
    %add3A_1950 = arith.addi %add3A_1949, %shift_right_arithmetic3A_1948 : vector<16xi32>
    %mul3A_1951 = arith.constant 3 : i32
    %mul3A_1952 = vector.broadcast %mul3A_1951 : i32 to vector<16xi32>
    %mul3A_1953 = arith.muli %mul3A_1952, %shift_right_arithmetic3A_1948 : vector<16xi32>
    %sub3A_1954 = arith.subi %add3A_1942, %mul3A_1953 : vector<16xi32>
    %shift_right_arithmetic3A_1955 = arith.constant 12 : i32
    %shift_right_arithmetic3A_1956 = vector.broadcast %shift_right_arithmetic3A_1955 : i32 to vector<16xi32>
    %shift_right_arithmetic3A_1957 = arith.shrsi %add3A_1950, %shift_right_arithmetic3A_1956 : vector<16xi32>
    %and3A_1958 = arith.constant 4095 : i32
    %and3A_1959 = vector.broadcast %and3A_1958 : i32 to vector<16xi32>
    %and3A_1960 = arith.andi %add3A_1950, %and3A_1959 : vector<16xi32>
    %mul3A_1961 = arith.constant 12288 : i32
    %mul3A_1962 = vector.broadcast %mul3A_1961 : i32 to vector<16xi32>
    %mul3A_1963 = arith.muli %shift_right_arithmetic3A_1957, %mul3A_1962 : vector<16xi32>
    %mul3A_1964 = arith.constant 4096 : i32
    %mul3A_1965 = vector.broadcast %mul3A_1964 : i32 to vector<16xi32>
    %mul3A_1966 = arith.muli %sub3A_1954, %mul3A_1965 : vector<16xi32>
    %add3A_1967 = arith.addi %mul3A_1963, %mul3A_1966 : vector<16xi32>
    %add3A_1968 = arith.addi %add3A_1967, %and3A_1960 : vector<16xi32>
    %swap3A_1969 = arith.constant 6 : i32
    %swap3A_1970 = arith.index_cast %swap3A_1969 : i32 to index
    %swap3A_1971 = arith.constant 112 : index
    %swap3A_1972 = tpu.vector_load %arg8[%swap3A_1970, %swap3A_1971] {strides = array<i32>} : memref<12x128xi32, #tpu.memory_space<vmem>>, vector<1x16xi32>,
    %swap3A_1973 = vector.shape_cast %swap3A_1972 : vector<1x16xi32> to vector<16xi32>
    %swap3A_1974 = vector.shape_cast %add3A_1968 : vector<16xi32> to vector<1x16xi32>
    tpu.vector_store %arg8[%swap3A_1970, %swap3A_1971], %swap3A_1974 {strides = array<i32>} : memref<12x128xi32, #tpu.memory_space<vmem>>, vector<1x16xi32>,
    %add3A_1975 = arith.constant 298 : i32
    %add3A_1976 = arith.addi %mul3A_4, %add3A_1975 : i32
    %add3A_1977 = arith.constant 2 : i32
    %add3A_1978 = vector.broadcast %add3A_1977 : i32 to vector<16xi32>
    %add3A_1979 = arith.addi %add3A_1978, %iota3A : vector<16xi32>
    %mul3A_1980 = arith.constant 21846 : i32
    %mul3A_1981 = vector.broadcast %mul3A_1980 : i32 to vector<16xi32>
    %mul3A_1982 = arith.muli %add3A_1979, %mul3A_1981 : vector<16xi32>
    %shift_right_arithmetic3A_1983 = arith.constant 16 : i32
    %shift_right_arithmetic3A_1984 = vector.broadcast %shift_right_arithmetic3A_1983 : i32 to vector<16xi32>
    %shift_right_arithmetic3A_1985 = arith.shrsi %mul3A_1982, %shift_right_arithmetic3A_1984 : vector<16xi32>
    %add3A_1986 = vector.broadcast %add3A_1976 : i32 to vector<16xi32>
    %add3A_1987 = arith.addi %add3A_1986, %shift_right_arithmetic3A_1985 : vector<16xi32>
    %mul3A_1988 = arith.constant 3 : i32
    %mul3A_1989 = vector.broadcast %mul3A_1988 : i32 to vector<16xi32>
    %mul3A_1990 = arith.muli %mul3A_1989, %shift_right_arithmetic3A_1985 : vector<16xi32>
    %sub3A_1991 = arith.subi %add3A_1979, %mul3A_1990 : vector<16xi32>
    %shift_right_arithmetic3A_1992 = arith.constant 12 : i32
    %shift_right_arithmetic3A_1993 = vector.broadcast %shift_right_arithmetic3A_1992 : i32 to vector<16xi32>
    %shift_right_arithmetic3A_1994 = arith.shrsi %add3A_1987, %shift_right_arithmetic3A_1993 : vector<16xi32>
    %and3A_1995 = arith.constant 4095 : i32
    %and3A_1996 = vector.broadcast %and3A_1995 : i32 to vector<16xi32>
    %and3A_1997 = arith.andi %add3A_1987, %and3A_1996 : vector<16xi32>
    %mul3A_1998 = arith.constant 12288 : i32
    %mul3A_1999 = vector.broadcast %mul3A_1998 : i32 to vector<16xi32>
    %mul3A_2000 = arith.muli %shift_right_arithmetic3A_1994, %mul3A_1999 : vector<16xi32>
    %mul3A_2001 = arith.constant 4096 : i32
    %mul3A_2002 = vector.broadcast %mul3A_2001 : i32 to vector<16xi32>
    %mul3A_2003 = arith.muli %sub3A_1991, %mul3A_2002 : vector<16xi32>
    %add3A_2004 = arith.addi %mul3A_2000, %mul3A_2003 : vector<16xi32>
    %add3A_2005 = arith.addi %add3A_2004, %and3A_1997 : vector<16xi32>
    %swap3A_2006 = arith.constant 7 : i32
    %swap3A_2007 = arith.index_cast %swap3A_2006 : i32 to index
    %swap3A_2008 = arith.constant 0 : index
    %swap3A_2009 = tpu.vector_load %arg8[%swap3A_2007, %swap3A_2008] {strides = array<i32>} : memref<12x128xi32, #tpu.memory_space<vmem>>, vector<1x16xi32>,
    %swap3A_2010 = vector.shape_cast %swap3A_2009 : vector<1x16xi32> to vector<16xi32>
    %swap3A_2011 = vector.shape_cast %add3A_2005 : vector<16xi32> to vector<1x16xi32>
    tpu.vector_store %arg8[%swap3A_2007, %swap3A_2008], %swap3A_2011 {strides = array<i32>} : memref<12x128xi32, #tpu.memory_space<vmem>>, vector<1x16xi32>,
    %add3A_2012 = arith.constant 18 : i32
    %add3A_2013 = vector.broadcast %add3A_2012 : i32 to vector<16xi32>
    %add3A_2014 = arith.addi %add3A_2013, %iota3A : vector<16xi32>
    %mul3A_2015 = arith.constant 21846 : i32
    %mul3A_2016 = vector.broadcast %mul3A_2015 : i32 to vector<16xi32>
    %mul3A_2017 = arith.muli %add3A_2014, %mul3A_2016 : vector<16xi32>
    %shift_right_arithmetic3A_2018 = arith.constant 16 : i32
    %shift_right_arithmetic3A_2019 = vector.broadcast %shift_right_arithmetic3A_2018 : i32 to vector<16xi32>
    %shift_right_arithmetic3A_2020 = arith.shrsi %mul3A_2017, %shift_right_arithmetic3A_2019 : vector<16xi32>
    %add3A_2021 = vector.broadcast %add3A_1976 : i32 to vector<16xi32>
    %add3A_2022 = arith.addi %add3A_2021, %shift_right_arithmetic3A_2020 : vector<16xi32>
    %mul3A_2023 = arith.constant 3 : i32
    %mul3A_2024 = vector.broadcast %mul3A_2023 : i32 to vector<16xi32>
    %mul3A_2025 = arith.muli %mul3A_2024, %shift_right_arithmetic3A_2020 : vector<16xi32>
    %sub3A_2026 = arith.subi %add3A_2014, %mul3A_2025 : vector<16xi32>
    %shift_right_arithmetic3A_2027 = arith.constant 12 : i32
    %shift_right_arithmetic3A_2028 = vector.broadcast %shift_right_arithmetic3A_2027 : i32 to vector<16xi32>
    %shift_right_arithmetic3A_2029 = arith.shrsi %add3A_2022, %shift_right_arithmetic3A_2028 : vector<16xi32>
    %and3A_2030 = arith.constant 4095 : i32
    %and3A_2031 = vector.broadcast %and3A_2030 : i32 to vector<16xi32>
    %and3A_2032 = arith.andi %add3A_2022, %and3A_2031 : vector<16xi32>
    %mul3A_2033 = arith.constant 12288 : i32
    %mul3A_2034 = vector.broadcast %mul3A_2033 : i32 to vector<16xi32>
    %mul3A_2035 = arith.muli %shift_right_arithmetic3A_2029, %mul3A_2034 : vector<16xi32>
    %mul3A_2036 = arith.constant 4096 : i32
    %mul3A_2037 = vector.broadcast %mul3A_2036 : i32 to vector<16xi32>
    %mul3A_2038 = arith.muli %sub3A_2026, %mul3A_2037 : vector<16xi32>
    %add3A_2039 = arith.addi %mul3A_2035, %mul3A_2038 : vector<16xi32>
    %add3A_2040 = arith.addi %add3A_2039, %and3A_2032 : vector<16xi32>
    %swap3A_2041 = arith.constant 7 : i32
    %swap3A_2042 = arith.index_cast %swap3A_2041 : i32 to index
    %swap3A_2043 = arith.constant 16 : index
    %swap3A_2044 = tpu.vector_load %arg8[%swap3A_2042, %swap3A_2043] {strides = array<i32>} : memref<12x128xi32, #tpu.memory_space<vmem>>, vector<1x16xi32>,
    %swap3A_2045 = vector.shape_cast %swap3A_2044 : vector<1x16xi32> to vector<16xi32>
    %swap3A_2046 = vector.shape_cast %add3A_2040 : vector<16xi32> to vector<1x16xi32>
    tpu.vector_store %arg8[%swap3A_2042, %swap3A_2043], %swap3A_2046 {strides = array<i32>} : memref<12x128xi32, #tpu.memory_space<vmem>>, vector<1x16xi32>,
    %add3A_2047 = arith.constant 34 : i32
    %add3A_2048 = vector.broadcast %add3A_2047 : i32 to vector<16xi32>
    %add3A_2049 = arith.addi %add3A_2048, %iota3A : vector<16xi32>
    %mul3A_2050 = arith.constant 21846 : i32
    %mul3A_2051 = vector.broadcast %mul3A_2050 : i32 to vector<16xi32>
    %mul3A_2052 = arith.muli %add3A_2049, %mul3A_2051 : vector<16xi32>
    %shift_right_arithmetic3A_2053 = arith.constant 16 : i32
    %shift_right_arithmetic3A_2054 = vector.broadcast %shift_right_arithmetic3A_2053 : i32 to vector<16xi32>
    %shift_right_arithmetic3A_2055 = arith.shrsi %mul3A_2052, %shift_right_arithmetic3A_2054 : vector<16xi32>
    %add3A_2056 = vector.broadcast %add3A_1976 : i32 to vector<16xi32>
    %add3A_2057 = arith.addi %add3A_2056, %shift_right_arithmetic3A_2055 : vector<16xi32>
    %mul3A_2058 = arith.constant 3 : i32
    %mul3A_2059 = vector.broadcast %mul3A_2058 : i32 to vector<16xi32>
    %mul3A_2060 = arith.muli %mul3A_2059, %shift_right_arithmetic3A_2055 : vector<16xi32>
    %sub3A_2061 = arith.subi %add3A_2049, %mul3A_2060 : vector<16xi32>
    %shift_right_arithmetic3A_2062 = arith.constant 12 : i32
    %shift_right_arithmetic3A_2063 = vector.broadcast %shift_right_arithmetic3A_2062 : i32 to vector<16xi32>
    %shift_right_arithmetic3A_2064 = arith.shrsi %add3A_2057, %shift_right_arithmetic3A_2063 : vector<16xi32>
    %and3A_2065 = arith.constant 4095 : i32
    %and3A_2066 = vector.broadcast %and3A_2065 : i32 to vector<16xi32>
    %and3A_2067 = arith.andi %add3A_2057, %and3A_2066 : vector<16xi32>
    %mul3A_2068 = arith.constant 12288 : i32
    %mul3A_2069 = vector.broadcast %mul3A_2068 : i32 to vector<16xi32>
    %mul3A_2070 = arith.muli %shift_right_arithmetic3A_2064, %mul3A_2069 : vector<16xi32>
    %mul3A_2071 = arith.constant 4096 : i32
    %mul3A_2072 = vector.broadcast %mul3A_2071 : i32 to vector<16xi32>
    %mul3A_2073 = arith.muli %sub3A_2061, %mul3A_2072 : vector<16xi32>
    %add3A_2074 = arith.addi %mul3A_2070, %mul3A_2073 : vector<16xi32>
    %add3A_2075 = arith.addi %add3A_2074, %and3A_2067 : vector<16xi32>
    %swap3A_2076 = arith.constant 7 : i32
    %swap3A_2077 = arith.index_cast %swap3A_2076 : i32 to index
    %swap3A_2078 = arith.constant 32 : index
    %swap3A_2079 = tpu.vector_load %arg8[%swap3A_2077, %swap3A_2078] {strides = array<i32>} : memref<12x128xi32, #tpu.memory_space<vmem>>, vector<1x16xi32>,
    %swap3A_2080 = vector.shape_cast %swap3A_2079 : vector<1x16xi32> to vector<16xi32>
    %swap3A_2081 = vector.shape_cast %add3A_2075 : vector<16xi32> to vector<1x16xi32>
    tpu.vector_store %arg8[%swap3A_2077, %swap3A_2078], %swap3A_2081 {strides = array<i32>} : memref<12x128xi32, #tpu.memory_space<vmem>>, vector<1x16xi32>,
    %add3A_2082 = arith.constant 50 : i32
    %add3A_2083 = vector.broadcast %add3A_2082 : i32 to vector<16xi32>
    %add3A_2084 = arith.addi %add3A_2083, %iota3A : vector<16xi32>
    %mul3A_2085 = arith.constant 21846 : i32
    %mul3A_2086 = vector.broadcast %mul3A_2085 : i32 to vector<16xi32>
    %mul3A_2087 = arith.muli %add3A_2084, %mul3A_2086 : vector<16xi32>
    %shift_right_arithmetic3A_2088 = arith.constant 16 : i32
    %shift_right_arithmetic3A_2089 = vector.broadcast %shift_right_arithmetic3A_2088 : i32 to vector<16xi32>
    %shift_right_arithmetic3A_2090 = arith.shrsi %mul3A_2087, %shift_right_arithmetic3A_2089 : vector<16xi32>
    %add3A_2091 = vector.broadcast %add3A_1976 : i32 to vector<16xi32>
    %add3A_2092 = arith.addi %add3A_2091, %shift_right_arithmetic3A_2090 : vector<16xi32>
    %mul3A_2093 = arith.constant 3 : i32
    %mul3A_2094 = vector.broadcast %mul3A_2093 : i32 to vector<16xi32>
    %mul3A_2095 = arith.muli %mul3A_2094, %shift_right_arithmetic3A_2090 : vector<16xi32>
    %sub3A_2096 = arith.subi %add3A_2084, %mul3A_2095 : vector<16xi32>
    %shift_right_arithmetic3A_2097 = arith.constant 12 : i32
    %shift_right_arithmetic3A_2098 = vector.broadcast %shift_right_arithmetic3A_2097 : i32 to vector<16xi32>
    %shift_right_arithmetic3A_2099 = arith.shrsi %add3A_2092, %shift_right_arithmetic3A_2098 : vector<16xi32>
    %and3A_2100 = arith.constant 4095 : i32
    %and3A_2101 = vector.broadcast %and3A_2100 : i32 to vector<16xi32>
    %and3A_2102 = arith.andi %add3A_2092, %and3A_2101 : vector<16xi32>
    %mul3A_2103 = arith.constant 12288 : i32
    %mul3A_2104 = vector.broadcast %mul3A_2103 : i32 to vector<16xi32>
    %mul3A_2105 = arith.muli %shift_right_arithmetic3A_2099, %mul3A_2104 : vector<16xi32>
    %mul3A_2106 = arith.constant 4096 : i32
    %mul3A_2107 = vector.broadcast %mul3A_2106 : i32 to vector<16xi32>
    %mul3A_2108 = arith.muli %sub3A_2096, %mul3A_2107 : vector<16xi32>
    %add3A_2109 = arith.addi %mul3A_2105, %mul3A_2108 : vector<16xi32>
    %add3A_2110 = arith.addi %add3A_2109, %and3A_2102 : vector<16xi32>
    %swap3A_2111 = arith.constant 7 : i32
    %swap3A_2112 = arith.index_cast %swap3A_2111 : i32 to index
    %swap3A_2113 = arith.constant 48 : index
    %swap3A_2114 = tpu.vector_load %arg8[%swap3A_2112, %swap3A_2113] {strides = array<i32>} : memref<12x128xi32, #tpu.memory_space<vmem>>, vector<1x16xi32>,
    %swap3A_2115 = vector.shape_cast %swap3A_2114 : vector<1x16xi32> to vector<16xi32>
    %swap3A_2116 = vector.shape_cast %add3A_2110 : vector<16xi32> to vector<1x16xi32>
    tpu.vector_store %arg8[%swap3A_2112, %swap3A_2113], %swap3A_2116 {strides = array<i32>} : memref<12x128xi32, #tpu.memory_space<vmem>>, vector<1x16xi32>,
    %add3A_2117 = arith.constant 66 : i32
    %add3A_2118 = vector.broadcast %add3A_2117 : i32 to vector<16xi32>
    %add3A_2119 = arith.addi %add3A_2118, %iota3A : vector<16xi32>
    %mul3A_2120 = arith.constant 21846 : i32
    %mul3A_2121 = vector.broadcast %mul3A_2120 : i32 to vector<16xi32>
    %mul3A_2122 = arith.muli %add3A_2119, %mul3A_2121 : vector<16xi32>
    %shift_right_arithmetic3A_2123 = arith.constant 16 : i32
    %shift_right_arithmetic3A_2124 = vector.broadcast %shift_right_arithmetic3A_2123 : i32 to vector<16xi32>
    %shift_right_arithmetic3A_2125 = arith.shrsi %mul3A_2122, %shift_right_arithmetic3A_2124 : vector<16xi32>
    %add3A_2126 = vector.broadcast %add3A_1976 : i32 to vector<16xi32>
    %add3A_2127 = arith.addi %add3A_2126, %shift_right_arithmetic3A_2125 : vector<16xi32>
    %mul3A_2128 = arith.constant 3 : i32
    %mul3A_2129 = vector.broadcast %mul3A_2128 : i32 to vector<16xi32>
    %mul3A_2130 = arith.muli %mul3A_2129, %shift_right_arithmetic3A_2125 : vector<16xi32>
    %sub3A_2131 = arith.subi %add3A_2119, %mul3A_2130 : vector<16xi32>
    %shift_right_arithmetic3A_2132 = arith.constant 12 : i32
    %shift_right_arithmetic3A_2133 = vector.broadcast %shift_right_arithmetic3A_2132 : i32 to vector<16xi32>
    %shift_right_arithmetic3A_2134 = arith.shrsi %add3A_2127, %shift_right_arithmetic3A_2133 : vector<16xi32>
    %and3A_2135 = arith.constant 4095 : i32
    %and3A_2136 = vector.broadcast %and3A_2135 : i32 to vector<16xi32>
    %and3A_2137 = arith.andi %add3A_2127, %and3A_2136 : vector<16xi32>
    %mul3A_2138 = arith.constant 12288 : i32
    %mul3A_2139 = vector.broadcast %mul3A_2138 : i32 to vector<16xi32>
    %mul3A_2140 = arith.muli %shift_right_arithmetic3A_2134, %mul3A_2139 : vector<16xi32>
    %mul3A_2141 = arith.constant 4096 : i32
    %mul3A_2142 = vector.broadcast %mul3A_2141 : i32 to vector<16xi32>
    %mul3A_2143 = arith.muli %sub3A_2131, %mul3A_2142 : vector<16xi32>
    %add3A_2144 = arith.addi %mul3A_2140, %mul3A_2143 : vector<16xi32>
    %add3A_2145 = arith.addi %add3A_2144, %and3A_2137 : vector<16xi32>
    %swap3A_2146 = arith.constant 7 : i32
    %swap3A_2147 = arith.index_cast %swap3A_2146 : i32 to index
    %swap3A_2148 = arith.constant 64 : index
    %swap3A_2149 = tpu.vector_load %arg8[%swap3A_2147, %swap3A_2148] {strides = array<i32>} : memref<12x128xi32, #tpu.memory_space<vmem>>, vector<1x16xi32>,
    %swap3A_2150 = vector.shape_cast %swap3A_2149 : vector<1x16xi32> to vector<16xi32>
    %swap3A_2151 = vector.shape_cast %add3A_2145 : vector<16xi32> to vector<1x16xi32>
    tpu.vector_store %arg8[%swap3A_2147, %swap3A_2148], %swap3A_2151 {strides = array<i32>} : memref<12x128xi32, #tpu.memory_space<vmem>>, vector<1x16xi32>,
    %add3A_2152 = arith.constant 82 : i32
    %add3A_2153 = vector.broadcast %add3A_2152 : i32 to vector<16xi32>
    %add3A_2154 = arith.addi %add3A_2153, %iota3A : vector<16xi32>
    %mul3A_2155 = arith.constant 21846 : i32
    %mul3A_2156 = vector.broadcast %mul3A_2155 : i32 to vector<16xi32>
    %mul3A_2157 = arith.muli %add3A_2154, %mul3A_2156 : vector<16xi32>
    %shift_right_arithmetic3A_2158 = arith.constant 16 : i32
    %shift_right_arithmetic3A_2159 = vector.broadcast %shift_right_arithmetic3A_2158 : i32 to vector<16xi32>
    %shift_right_arithmetic3A_2160 = arith.shrsi %mul3A_2157, %shift_right_arithmetic3A_2159 : vector<16xi32>
    %add3A_2161 = vector.broadcast %add3A_1976 : i32 to vector<16xi32>
    %add3A_2162 = arith.addi %add3A_2161, %shift_right_arithmetic3A_2160 : vector<16xi32>
    %mul3A_2163 = arith.constant 3 : i32
    %mul3A_2164 = vector.broadcast %mul3A_2163 : i32 to vector<16xi32>
    %mul3A_2165 = arith.muli %mul3A_2164, %shift_right_arithmetic3A_2160 : vector<16xi32>
    %sub3A_2166 = arith.subi %add3A_2154, %mul3A_2165 : vector<16xi32>
    %shift_right_arithmetic3A_2167 = arith.constant 12 : i32
    %shift_right_arithmetic3A_2168 = vector.broadcast %shift_right_arithmetic3A_2167 : i32 to vector<16xi32>
    %shift_right_arithmetic3A_2169 = arith.shrsi %add3A_2162, %shift_right_arithmetic3A_2168 : vector<16xi32>
    %and3A_2170 = arith.constant 4095 : i32
    %and3A_2171 = vector.broadcast %and3A_2170 : i32 to vector<16xi32>
    %and3A_2172 = arith.andi %add3A_2162, %and3A_2171 : vector<16xi32>
    %mul3A_2173 = arith.constant 12288 : i32
    %mul3A_2174 = vector.broadcast %mul3A_2173 : i32 to vector<16xi32>
    %mul3A_2175 = arith.muli %shift_right_arithmetic3A_2169, %mul3A_2174 : vector<16xi32>
    %mul3A_2176 = arith.constant 4096 : i32
    %mul3A_2177 = vector.broadcast %mul3A_2176 : i32 to vector<16xi32>
    %mul3A_2178 = arith.muli %sub3A_2166, %mul3A_2177 : vector<16xi32>
    %add3A_2179 = arith.addi %mul3A_2175, %mul3A_2178 : vector<16xi32>
    %add3A_2180 = arith.addi %add3A_2179, %and3A_2172 : vector<16xi32>
    %swap3A_2181 = arith.constant 7 : i32
    %swap3A_2182 = arith.index_cast %swap3A_2181 : i32 to index
    %swap3A_2183 = arith.constant 80 : index
    %swap3A_2184 = tpu.vector_load %arg8[%swap3A_2182, %swap3A_2183] {strides = array<i32>} : memref<12x128xi32, #tpu.memory_space<vmem>>, vector<1x16xi32>,
    %swap3A_2185 = vector.shape_cast %swap3A_2184 : vector<1x16xi32> to vector<16xi32>
    %swap3A_2186 = vector.shape_cast %add3A_2180 : vector<16xi32> to vector<1x16xi32>
    tpu.vector_store %arg8[%swap3A_2182, %swap3A_2183], %swap3A_2186 {strides = array<i32>} : memref<12x128xi32, #tpu.memory_space<vmem>>, vector<1x16xi32>,
    %add3A_2187 = arith.constant 98 : i32
    %add3A_2188 = vector.broadcast %add3A_2187 : i32 to vector<16xi32>
    %add3A_2189 = arith.addi %add3A_2188, %iota3A : vector<16xi32>
    %mul3A_2190 = arith.constant 21846 : i32
    %mul3A_2191 = vector.broadcast %mul3A_2190 : i32 to vector<16xi32>
    %mul3A_2192 = arith.muli %add3A_2189, %mul3A_2191 : vector<16xi32>
    %shift_right_arithmetic3A_2193 = arith.constant 16 : i32
    %shift_right_arithmetic3A_2194 = vector.broadcast %shift_right_arithmetic3A_2193 : i32 to vector<16xi32>
    %shift_right_arithmetic3A_2195 = arith.shrsi %mul3A_2192, %shift_right_arithmetic3A_2194 : vector<16xi32>
    %add3A_2196 = vector.broadcast %add3A_1976 : i32 to vector<16xi32>
    %add3A_2197 = arith.addi %add3A_2196, %shift_right_arithmetic3A_2195 : vector<16xi32>
    %mul3A_2198 = arith.constant 3 : i32
    %mul3A_2199 = vector.broadcast %mul3A_2198 : i32 to vector<16xi32>
    %mul3A_2200 = arith.muli %mul3A_2199, %shift_right_arithmetic3A_2195 : vector<16xi32>
    %sub3A_2201 = arith.subi %add3A_2189, %mul3A_2200 : vector<16xi32>
    %shift_right_arithmetic3A_2202 = arith.constant 12 : i32
    %shift_right_arithmetic3A_2203 = vector.broadcast %shift_right_arithmetic3A_2202 : i32 to vector<16xi32>
    %shift_right_arithmetic3A_2204 = arith.shrsi %add3A_2197, %shift_right_arithmetic3A_2203 : vector<16xi32>
    %and3A_2205 = arith.constant 4095 : i32
    %and3A_2206 = vector.broadcast %and3A_2205 : i32 to vector<16xi32>
    %and3A_2207 = arith.andi %add3A_2197, %and3A_2206 : vector<16xi32>
    %mul3A_2208 = arith.constant 12288 : i32
    %mul3A_2209 = vector.broadcast %mul3A_2208 : i32 to vector<16xi32>
    %mul3A_2210 = arith.muli %shift_right_arithmetic3A_2204, %mul3A_2209 : vector<16xi32>
    %mul3A_2211 = arith.constant 4096 : i32
    %mul3A_2212 = vector.broadcast %mul3A_2211 : i32 to vector<16xi32>
    %mul3A_2213 = arith.muli %sub3A_2201, %mul3A_2212 : vector<16xi32>
    %add3A_2214 = arith.addi %mul3A_2210, %mul3A_2213 : vector<16xi32>
    %add3A_2215 = arith.addi %add3A_2214, %and3A_2207 : vector<16xi32>
    %swap3A_2216 = arith.constant 7 : i32
    %swap3A_2217 = arith.index_cast %swap3A_2216 : i32 to index
    %swap3A_2218 = arith.constant 96 : index
    %swap3A_2219 = tpu.vector_load %arg8[%swap3A_2217, %swap3A_2218] {strides = array<i32>} : memref<12x128xi32, #tpu.memory_space<vmem>>, vector<1x16xi32>,
    %swap3A_2220 = vector.shape_cast %swap3A_2219 : vector<1x16xi32> to vector<16xi32>
    %swap3A_2221 = vector.shape_cast %add3A_2215 : vector<16xi32> to vector<1x16xi32>
    tpu.vector_store %arg8[%swap3A_2217, %swap3A_2218], %swap3A_2221 {strides = array<i32>} : memref<12x128xi32, #tpu.memory_space<vmem>>, vector<1x16xi32>,
    %add3A_2222 = arith.constant 114 : i32
    %add3A_2223 = vector.broadcast %add3A_2222 : i32 to vector<16xi32>
    %add3A_2224 = arith.addi %add3A_2223, %iota3A : vector<16xi32>
    %mul3A_2225 = arith.constant 21846 : i32
    %mul3A_2226 = vector.broadcast %mul3A_2225 : i32 to vector<16xi32>
    %mul3A_2227 = arith.muli %add3A_2224, %mul3A_2226 : vector<16xi32>
    %shift_right_arithmetic3A_2228 = arith.constant 16 : i32
    %shift_right_arithmetic3A_2229 = vector.broadcast %shift_right_arithmetic3A_2228 : i32 to vector<16xi32>
    %shift_right_arithmetic3A_2230 = arith.shrsi %mul3A_2227, %shift_right_arithmetic3A_2229 : vector<16xi32>
    %add3A_2231 = vector.broadcast %add3A_1976 : i32 to vector<16xi32>
    %add3A_2232 = arith.addi %add3A_2231, %shift_right_arithmetic3A_2230 : vector<16xi32>
    %mul3A_2233 = arith.constant 3 : i32
    %mul3A_2234 = vector.broadcast %mul3A_2233 : i32 to vector<16xi32>
    %mul3A_2235 = arith.muli %mul3A_2234, %shift_right_arithmetic3A_2230 : vector<16xi32>
    %sub3A_2236 = arith.subi %add3A_2224, %mul3A_2235 : vector<16xi32>
    %shift_right_arithmetic3A_2237 = arith.constant 12 : i32
    %shift_right_arithmetic3A_2238 = vector.broadcast %shift_right_arithmetic3A_2237 : i32 to vector<16xi32>
    %shift_right_arithmetic3A_2239 = arith.shrsi %add3A_2232, %shift_right_arithmetic3A_2238 : vector<16xi32>
    %and3A_2240 = arith.constant 4095 : i32
    %and3A_2241 = vector.broadcast %and3A_2240 : i32 to vector<16xi32>
    %and3A_2242 = arith.andi %add3A_2232, %and3A_2241 : vector<16xi32>
    %mul3A_2243 = arith.constant 12288 : i32
    %mul3A_2244 = vector.broadcast %mul3A_2243 : i32 to vector<16xi32>
    %mul3A_2245 = arith.muli %shift_right_arithmetic3A_2239, %mul3A_2244 : vector<16xi32>
    %mul3A_2246 = arith.constant 4096 : i32
    %mul3A_2247 = vector.broadcast %mul3A_2246 : i32 to vector<16xi32>
    %mul3A_2248 = arith.muli %sub3A_2236, %mul3A_2247 : vector<16xi32>
    %add3A_2249 = arith.addi %mul3A_2245, %mul3A_2248 : vector<16xi32>
    %add3A_2250 = arith.addi %add3A_2249, %and3A_2242 : vector<16xi32>
    %swap3A_2251 = arith.constant 7 : i32
    %swap3A_2252 = arith.index_cast %swap3A_2251 : i32 to index
    %swap3A_2253 = arith.constant 112 : index
    %swap3A_2254 = tpu.vector_load %arg8[%swap3A_2252, %swap3A_2253] {strides = array<i32>} : memref<12x128xi32, #tpu.memory_space<vmem>>, vector<1x16xi32>,
    %swap3A_2255 = vector.shape_cast %swap3A_2254 : vector<1x16xi32> to vector<16xi32>
    %swap3A_2256 = vector.shape_cast %add3A_2250 : vector<16xi32> to vector<1x16xi32>
    tpu.vector_store %arg8[%swap3A_2252, %swap3A_2253], %swap3A_2256 {strides = array<i32>} : memref<12x128xi32, #tpu.memory_space<vmem>>, vector<1x16xi32>,
    %add3A_2257 = arith.constant 341 : i32
    %add3A_2258 = arith.addi %mul3A_4, %add3A_2257 : i32
    %add3A_2259 = arith.constant 1 : i32
    %add3A_2260 = vector.broadcast %add3A_2259 : i32 to vector<16xi32>
    %add3A_2261 = arith.addi %add3A_2260, %iota3A : vector<16xi32>
    %mul3A_2262 = arith.constant 21846 : i32
    %mul3A_2263 = vector.broadcast %mul3A_2262 : i32 to vector<16xi32>
    %mul3A_2264 = arith.muli %add3A_2261, %mul3A_2263 : vector<16xi32>
    %shift_right_arithmetic3A_2265 = arith.constant 16 : i32
    %shift_right_arithmetic3A_2266 = vector.broadcast %shift_right_arithmetic3A_2265 : i32 to vector<16xi32>
    %shift_right_arithmetic3A_2267 = arith.shrsi %mul3A_2264, %shift_right_arithmetic3A_2266 : vector<16xi32>
    %add3A_2268 = vector.broadcast %add3A_2258 : i32 to vector<16xi32>
    %add3A_2269 = arith.addi %add3A_2268, %shift_right_arithmetic3A_2267 : vector<16xi32>
    %mul3A_2270 = arith.constant 3 : i32
    %mul3A_2271 = vector.broadcast %mul3A_2270 : i32 to vector<16xi32>
    %mul3A_2272 = arith.muli %mul3A_2271, %shift_right_arithmetic3A_2267 : vector<16xi32>
    %sub3A_2273 = arith.subi %add3A_2261, %mul3A_2272 : vector<16xi32>
    %shift_right_arithmetic3A_2274 = arith.constant 12 : i32
    %shift_right_arithmetic3A_2275 = vector.broadcast %shift_right_arithmetic3A_2274 : i32 to vector<16xi32>
    %shift_right_arithmetic3A_2276 = arith.shrsi %add3A_2269, %shift_right_arithmetic3A_2275 : vector<16xi32>
    %and3A_2277 = arith.constant 4095 : i32
    %and3A_2278 = vector.broadcast %and3A_2277 : i32 to vector<16xi32>
    %and3A_2279 = arith.andi %add3A_2269, %and3A_2278 : vector<16xi32>
    %mul3A_2280 = arith.constant 12288 : i32
    %mul3A_2281 = vector.broadcast %mul3A_2280 : i32 to vector<16xi32>
    %mul3A_2282 = arith.muli %shift_right_arithmetic3A_2276, %mul3A_2281 : vector<16xi32>
    %mul3A_2283 = arith.constant 4096 : i32
    %mul3A_2284 = vector.broadcast %mul3A_2283 : i32 to vector<16xi32>
    %mul3A_2285 = arith.muli %sub3A_2273, %mul3A_2284 : vector<16xi32>
    %add3A_2286 = arith.addi %mul3A_2282, %mul3A_2285 : vector<16xi32>
    %add3A_2287 = arith.addi %add3A_2286, %and3A_2279 : vector<16xi32>
    %swap3A_2288 = arith.constant 8 : i32
    %swap3A_2289 = arith.index_cast %swap3A_2288 : i32 to index
    %swap3A_2290 = arith.constant 0 : index
    %swap3A_2291 = tpu.vector_load %arg8[%swap3A_2289, %swap3A_2290] {strides = array<i32>} : memref<12x128xi32, #tpu.memory_space<vmem>>, vector<1x16xi32>,
    %swap3A_2292 = vector.shape_cast %swap3A_2291 : vector<1x16xi32> to vector<16xi32>
    %swap3A_2293 = vector.shape_cast %add3A_2287 : vector<16xi32> to vector<1x16xi32>
    tpu.vector_store %arg8[%swap3A_2289, %swap3A_2290], %swap3A_2293 {strides = array<i32>} : memref<12x128xi32, #tpu.memory_space<vmem>>, vector<1x16xi32>,
    %add3A_2294 = arith.constant 17 : i32
    %add3A_2295 = vector.broadcast %add3A_2294 : i32 to vector<16xi32>
    %add3A_2296 = arith.addi %add3A_2295, %iota3A : vector<16xi32>
    %mul3A_2297 = arith.constant 21846 : i32
    %mul3A_2298 = vector.broadcast %mul3A_2297 : i32 to vector<16xi32>
    %mul3A_2299 = arith.muli %add3A_2296, %mul3A_2298 : vector<16xi32>
    %shift_right_arithmetic3A_2300 = arith.constant 16 : i32
    %shift_right_arithmetic3A_2301 = vector.broadcast %shift_right_arithmetic3A_2300 : i32 to vector<16xi32>
    %shift_right_arithmetic3A_2302 = arith.shrsi %mul3A_2299, %shift_right_arithmetic3A_2301 : vector<16xi32>
    %add3A_2303 = vector.broadcast %add3A_2258 : i32 to vector<16xi32>
    %add3A_2304 = arith.addi %add3A_2303, %shift_right_arithmetic3A_2302 : vector<16xi32>
    %mul3A_2305 = arith.constant 3 : i32
    %mul3A_2306 = vector.broadcast %mul3A_2305 : i32 to vector<16xi32>
    %mul3A_2307 = arith.muli %mul3A_2306, %shift_right_arithmetic3A_2302 : vector<16xi32>
    %sub3A_2308 = arith.subi %add3A_2296, %mul3A_2307 : vector<16xi32>
    %shift_right_arithmetic3A_2309 = arith.constant 12 : i32
    %shift_right_arithmetic3A_2310 = vector.broadcast %shift_right_arithmetic3A_2309 : i32 to vector<16xi32>
    %shift_right_arithmetic3A_2311 = arith.shrsi %add3A_2304, %shift_right_arithmetic3A_2310 : vector<16xi32>
    %and3A_2312 = arith.constant 4095 : i32
    %and3A_2313 = vector.broadcast %and3A_2312 : i32 to vector<16xi32>
    %and3A_2314 = arith.andi %add3A_2304, %and3A_2313 : vector<16xi32>
    %mul3A_2315 = arith.constant 12288 : i32
    %mul3A_2316 = vector.broadcast %mul3A_2315 : i32 to vector<16xi32>
    %mul3A_2317 = arith.muli %shift_right_arithmetic3A_2311, %mul3A_2316 : vector<16xi32>
    %mul3A_2318 = arith.constant 4096 : i32
    %mul3A_2319 = vector.broadcast %mul3A_2318 : i32 to vector<16xi32>
    %mul3A_2320 = arith.muli %sub3A_2308, %mul3A_2319 : vector<16xi32>
    %add3A_2321 = arith.addi %mul3A_2317, %mul3A_2320 : vector<16xi32>
    %add3A_2322 = arith.addi %add3A_2321, %and3A_2314 : vector<16xi32>
    %swap3A_2323 = arith.constant 8 : i32
    %swap3A_2324 = arith.index_cast %swap3A_2323 : i32 to index
    %swap3A_2325 = arith.constant 16 : index
    %swap3A_2326 = tpu.vector_load %arg8[%swap3A_2324, %swap3A_2325] {strides = array<i32>} : memref<12x128xi32, #tpu.memory_space<vmem>>, vector<1x16xi32>,
    %swap3A_2327 = vector.shape_cast %swap3A_2326 : vector<1x16xi32> to vector<16xi32>
    %swap3A_2328 = vector.shape_cast %add3A_2322 : vector<16xi32> to vector<1x16xi32>
    tpu.vector_store %arg8[%swap3A_2324, %swap3A_2325], %swap3A_2328 {strides = array<i32>} : memref<12x128xi32, #tpu.memory_space<vmem>>, vector<1x16xi32>,
    %add3A_2329 = arith.constant 33 : i32
    %add3A_2330 = vector.broadcast %add3A_2329 : i32 to vector<16xi32>
    %add3A_2331 = arith.addi %add3A_2330, %iota3A : vector<16xi32>
    %mul3A_2332 = arith.constant 21846 : i32
    %mul3A_2333 = vector.broadcast %mul3A_2332 : i32 to vector<16xi32>
    %mul3A_2334 = arith.muli %add3A_2331, %mul3A_2333 : vector<16xi32>
    %shift_right_arithmetic3A_2335 = arith.constant 16 : i32
    %shift_right_arithmetic3A_2336 = vector.broadcast %shift_right_arithmetic3A_2335 : i32 to vector<16xi32>
    %shift_right_arithmetic3A_2337 = arith.shrsi %mul3A_2334, %shift_right_arithmetic3A_2336 : vector<16xi32>
    %add3A_2338 = vector.broadcast %add3A_2258 : i32 to vector<16xi32>
    %add3A_2339 = arith.addi %add3A_2338, %shift_right_arithmetic3A_2337 : vector<16xi32>
    %mul3A_2340 = arith.constant 3 : i32
    %mul3A_2341 = vector.broadcast %mul3A_2340 : i32 to vector<16xi32>
    %mul3A_2342 = arith.muli %mul3A_2341, %shift_right_arithmetic3A_2337 : vector<16xi32>
    %sub3A_2343 = arith.subi %add3A_2331, %mul3A_2342 : vector<16xi32>
    %shift_right_arithmetic3A_2344 = arith.constant 12 : i32
    %shift_right_arithmetic3A_2345 = vector.broadcast %shift_right_arithmetic3A_2344 : i32 to vector<16xi32>
    %shift_right_arithmetic3A_2346 = arith.shrsi %add3A_2339, %shift_right_arithmetic3A_2345 : vector<16xi32>
    %and3A_2347 = arith.constant 4095 : i32
    %and3A_2348 = vector.broadcast %and3A_2347 : i32 to vector<16xi32>
    %and3A_2349 = arith.andi %add3A_2339, %and3A_2348 : vector<16xi32>
    %mul3A_2350 = arith.constant 12288 : i32
    %mul3A_2351 = vector.broadcast %mul3A_2350 : i32 to vector<16xi32>
    %mul3A_2352 = arith.muli %shift_right_arithmetic3A_2346, %mul3A_2351 : vector<16xi32>
    %mul3A_2353 = arith.constant 4096 : i32
    %mul3A_2354 = vector.broadcast %mul3A_2353 : i32 to vector<16xi32>
    %mul3A_2355 = arith.muli %sub3A_2343, %mul3A_2354 : vector<16xi32>
    %add3A_2356 = arith.addi %mul3A_2352, %mul3A_2355 : vector<16xi32>
    %add3A_2357 = arith.addi %add3A_2356, %and3A_2349 : vector<16xi32>
    %swap3A_2358 = arith.constant 8 : i32
    %swap3A_2359 = arith.index_cast %swap3A_2358 : i32 to index
    %swap3A_2360 = arith.constant 32 : index
    %swap3A_2361 = tpu.vector_load %arg8[%swap3A_2359, %swap3A_2360] {strides = array<i32>} : memref<12x128xi32, #tpu.memory_space<vmem>>, vector<1x16xi32>,
    %swap3A_2362 = vector.shape_cast %swap3A_2361 : vector<1x16xi32> to vector<16xi32>
    %swap3A_2363 = vector.shape_cast %add3A_2357 : vector<16xi32> to vector<1x16xi32>
    tpu.vector_store %arg8[%swap3A_2359, %swap3A_2360], %swap3A_2363 {strides = array<i32>} : memref<12x128xi32, #tpu.memory_space<vmem>>, vector<1x16xi32>,
    %add3A_2364 = arith.constant 49 : i32
    %add3A_2365 = vector.broadcast %add3A_2364 : i32 to vector<16xi32>
    %add3A_2366 = arith.addi %add3A_2365, %iota3A : vector<16xi32>
    %mul3A_2367 = arith.constant 21846 : i32
    %mul3A_2368 = vector.broadcast %mul3A_2367 : i32 to vector<16xi32>
    %mul3A_2369 = arith.muli %add3A_2366, %mul3A_2368 : vector<16xi32>
    %shift_right_arithmetic3A_2370 = arith.constant 16 : i32
    %shift_right_arithmetic3A_2371 = vector.broadcast %shift_right_arithmetic3A_2370 : i32 to vector<16xi32>
    %shift_right_arithmetic3A_2372 = arith.shrsi %mul3A_2369, %shift_right_arithmetic3A_2371 : vector<16xi32>
    %add3A_2373 = vector.broadcast %add3A_2258 : i32 to vector<16xi32>
    %add3A_2374 = arith.addi %add3A_2373, %shift_right_arithmetic3A_2372 : vector<16xi32>
    %mul3A_2375 = arith.constant 3 : i32
    %mul3A_2376 = vector.broadcast %mul3A_2375 : i32 to vector<16xi32>
    %mul3A_2377 = arith.muli %mul3A_2376, %shift_right_arithmetic3A_2372 : vector<16xi32>
    %sub3A_2378 = arith.subi %add3A_2366, %mul3A_2377 : vector<16xi32>
    %shift_right_arithmetic3A_2379 = arith.constant 12 : i32
    %shift_right_arithmetic3A_2380 = vector.broadcast %shift_right_arithmetic3A_2379 : i32 to vector<16xi32>
    %shift_right_arithmetic3A_2381 = arith.shrsi %add3A_2374, %shift_right_arithmetic3A_2380 : vector<16xi32>
    %and3A_2382 = arith.constant 4095 : i32
    %and3A_2383 = vector.broadcast %and3A_2382 : i32 to vector<16xi32>
    %and3A_2384 = arith.andi %add3A_2374, %and3A_2383 : vector<16xi32>
    %mul3A_2385 = arith.constant 12288 : i32
    %mul3A_2386 = vector.broadcast %mul3A_2385 : i32 to vector<16xi32>
    %mul3A_2387 = arith.muli %shift_right_arithmetic3A_2381, %mul3A_2386 : vector<16xi32>
    %mul3A_2388 = arith.constant 4096 : i32
    %mul3A_2389 = vector.broadcast %mul3A_2388 : i32 to vector<16xi32>
    %mul3A_2390 = arith.muli %sub3A_2378, %mul3A_2389 : vector<16xi32>
    %add3A_2391 = arith.addi %mul3A_2387, %mul3A_2390 : vector<16xi32>
    %add3A_2392 = arith.addi %add3A_2391, %and3A_2384 : vector<16xi32>
    %swap3A_2393 = arith.constant 8 : i32
    %swap3A_2394 = arith.index_cast %swap3A_2393 : i32 to index
    %swap3A_2395 = arith.constant 48 : index
    %swap3A_2396 = tpu.vector_load %arg8[%swap3A_2394, %swap3A_2395] {strides = array<i32>} : memref<12x128xi32, #tpu.memory_space<vmem>>, vector<1x16xi32>,
    %swap3A_2397 = vector.shape_cast %swap3A_2396 : vector<1x16xi32> to vector<16xi32>
    %swap3A_2398 = vector.shape_cast %add3A_2392 : vector<16xi32> to vector<1x16xi32>
    tpu.vector_store %arg8[%swap3A_2394, %swap3A_2395], %swap3A_2398 {strides = array<i32>} : memref<12x128xi32, #tpu.memory_space<vmem>>, vector<1x16xi32>,
    %add3A_2399 = arith.constant 65 : i32
    %add3A_2400 = vector.broadcast %add3A_2399 : i32 to vector<16xi32>
    %add3A_2401 = arith.addi %add3A_2400, %iota3A : vector<16xi32>
    %mul3A_2402 = arith.constant 21846 : i32
    %mul3A_2403 = vector.broadcast %mul3A_2402 : i32 to vector<16xi32>
    %mul3A_2404 = arith.muli %add3A_2401, %mul3A_2403 : vector<16xi32>
    %shift_right_arithmetic3A_2405 = arith.constant 16 : i32
    %shift_right_arithmetic3A_2406 = vector.broadcast %shift_right_arithmetic3A_2405 : i32 to vector<16xi32>
    %shift_right_arithmetic3A_2407 = arith.shrsi %mul3A_2404, %shift_right_arithmetic3A_2406 : vector<16xi32>
    %add3A_2408 = vector.broadcast %add3A_2258 : i32 to vector<16xi32>
    %add3A_2409 = arith.addi %add3A_2408, %shift_right_arithmetic3A_2407 : vector<16xi32>
    %mul3A_2410 = arith.constant 3 : i32
    %mul3A_2411 = vector.broadcast %mul3A_2410 : i32 to vector<16xi32>
    %mul3A_2412 = arith.muli %mul3A_2411, %shift_right_arithmetic3A_2407 : vector<16xi32>
    %sub3A_2413 = arith.subi %add3A_2401, %mul3A_2412 : vector<16xi32>
    %shift_right_arithmetic3A_2414 = arith.constant 12 : i32
    %shift_right_arithmetic3A_2415 = vector.broadcast %shift_right_arithmetic3A_2414 : i32 to vector<16xi32>
    %shift_right_arithmetic3A_2416 = arith.shrsi %add3A_2409, %shift_right_arithmetic3A_2415 : vector<16xi32>
    %and3A_2417 = arith.constant 4095 : i32
    %and3A_2418 = vector.broadcast %and3A_2417 : i32 to vector<16xi32>
    %and3A_2419 = arith.andi %add3A_2409, %and3A_2418 : vector<16xi32>
    %mul3A_2420 = arith.constant 12288 : i32
    %mul3A_2421 = vector.broadcast %mul3A_2420 : i32 to vector<16xi32>
    %mul3A_2422 = arith.muli %shift_right_arithmetic3A_2416, %mul3A_2421 : vector<16xi32>
    %mul3A_2423 = arith.constant 4096 : i32
    %mul3A_2424 = vector.broadcast %mul3A_2423 : i32 to vector<16xi32>
    %mul3A_2425 = arith.muli %sub3A_2413, %mul3A_2424 : vector<16xi32>
    %add3A_2426 = arith.addi %mul3A_2422, %mul3A_2425 : vector<16xi32>
    %add3A_2427 = arith.addi %add3A_2426, %and3A_2419 : vector<16xi32>
    %swap3A_2428 = arith.constant 8 : i32
    %swap3A_2429 = arith.index_cast %swap3A_2428 : i32 to index
    %swap3A_2430 = arith.constant 64 : index
    %swap3A_2431 = tpu.vector_load %arg8[%swap3A_2429, %swap3A_2430] {strides = array<i32>} : memref<12x128xi32, #tpu.memory_space<vmem>>, vector<1x16xi32>,
    %swap3A_2432 = vector.shape_cast %swap3A_2431 : vector<1x16xi32> to vector<16xi32>
    %swap3A_2433 = vector.shape_cast %add3A_2427 : vector<16xi32> to vector<1x16xi32>
    tpu.vector_store %arg8[%swap3A_2429, %swap3A_2430], %swap3A_2433 {strides = array<i32>} : memref<12x128xi32, #tpu.memory_space<vmem>>, vector<1x16xi32>,
    %add3A_2434 = arith.constant 81 : i32
    %add3A_2435 = vector.broadcast %add3A_2434 : i32 to vector<16xi32>
    %add3A_2436 = arith.addi %add3A_2435, %iota3A : vector<16xi32>
    %mul3A_2437 = arith.constant 21846 : i32
    %mul3A_2438 = vector.broadcast %mul3A_2437 : i32 to vector<16xi32>
    %mul3A_2439 = arith.muli %add3A_2436, %mul3A_2438 : vector<16xi32>
    %shift_right_arithmetic3A_2440 = arith.constant 16 : i32
    %shift_right_arithmetic3A_2441 = vector.broadcast %shift_right_arithmetic3A_2440 : i32 to vector<16xi32>
    %shift_right_arithmetic3A_2442 = arith.shrsi %mul3A_2439, %shift_right_arithmetic3A_2441 : vector<16xi32>
    %add3A_2443 = vector.broadcast %add3A_2258 : i32 to vector<16xi32>
    %add3A_2444 = arith.addi %add3A_2443, %shift_right_arithmetic3A_2442 : vector<16xi32>
    %mul3A_2445 = arith.constant 3 : i32
    %mul3A_2446 = vector.broadcast %mul3A_2445 : i32 to vector<16xi32>
    %mul3A_2447 = arith.muli %mul3A_2446, %shift_right_arithmetic3A_2442 : vector<16xi32>
    %sub3A_2448 = arith.subi %add3A_2436, %mul3A_2447 : vector<16xi32>
    %shift_right_arithmetic3A_2449 = arith.constant 12 : i32
    %shift_right_arithmetic3A_2450 = vector.broadcast %shift_right_arithmetic3A_2449 : i32 to vector<16xi32>
    %shift_right_arithmetic3A_2451 = arith.shrsi %add3A_2444, %shift_right_arithmetic3A_2450 : vector<16xi32>
    %and3A_2452 = arith.constant 4095 : i32
    %and3A_2453 = vector.broadcast %and3A_2452 : i32 to vector<16xi32>
    %and3A_2454 = arith.andi %add3A_2444, %and3A_2453 : vector<16xi32>
    %mul3A_2455 = arith.constant 12288 : i32
    %mul3A_2456 = vector.broadcast %mul3A_2455 : i32 to vector<16xi32>
    %mul3A_2457 = arith.muli %shift_right_arithmetic3A_2451, %mul3A_2456 : vector<16xi32>
    %mul3A_2458 = arith.constant 4096 : i32
    %mul3A_2459 = vector.broadcast %mul3A_2458 : i32 to vector<16xi32>
    %mul3A_2460 = arith.muli %sub3A_2448, %mul3A_2459 : vector<16xi32>
    %add3A_2461 = arith.addi %mul3A_2457, %mul3A_2460 : vector<16xi32>
    %add3A_2462 = arith.addi %add3A_2461, %and3A_2454 : vector<16xi32>
    %swap3A_2463 = arith.constant 8 : i32
    %swap3A_2464 = arith.index_cast %swap3A_2463 : i32 to index
    %swap3A_2465 = arith.constant 80 : index
    %swap3A_2466 = tpu.vector_load %arg8[%swap3A_2464, %swap3A_2465] {strides = array<i32>} : memref<12x128xi32, #tpu.memory_space<vmem>>, vector<1x16xi32>,
    %swap3A_2467 = vector.shape_cast %swap3A_2466 : vector<1x16xi32> to vector<16xi32>
    %swap3A_2468 = vector.shape_cast %add3A_2462 : vector<16xi32> to vector<1x16xi32>
    tpu.vector_store %arg8[%swap3A_2464, %swap3A_2465], %swap3A_2468 {strides = array<i32>} : memref<12x128xi32, #tpu.memory_space<vmem>>, vector<1x16xi32>,
    %add3A_2469 = arith.constant 97 : i32
    %add3A_2470 = vector.broadcast %add3A_2469 : i32 to vector<16xi32>
    %add3A_2471 = arith.addi %add3A_2470, %iota3A : vector<16xi32>
    %mul3A_2472 = arith.constant 21846 : i32
    %mul3A_2473 = vector.broadcast %mul3A_2472 : i32 to vector<16xi32>
    %mul3A_2474 = arith.muli %add3A_2471, %mul3A_2473 : vector<16xi32>
    %shift_right_arithmetic3A_2475 = arith.constant 16 : i32
    %shift_right_arithmetic3A_2476 = vector.broadcast %shift_right_arithmetic3A_2475 : i32 to vector<16xi32>
    %shift_right_arithmetic3A_2477 = arith.shrsi %mul3A_2474, %shift_right_arithmetic3A_2476 : vector<16xi32>
    %add3A_2478 = vector.broadcast %add3A_2258 : i32 to vector<16xi32>
    %add3A_2479 = arith.addi %add3A_2478, %shift_right_arithmetic3A_2477 : vector<16xi32>
    %mul3A_2480 = arith.constant 3 : i32
    %mul3A_2481 = vector.broadcast %mul3A_2480 : i32 to vector<16xi32>
    %mul3A_2482 = arith.muli %mul3A_2481, %shift_right_arithmetic3A_2477 : vector<16xi32>
    %sub3A_2483 = arith.subi %add3A_2471, %mul3A_2482 : vector<16xi32>
    %shift_right_arithmetic3A_2484 = arith.constant 12 : i32
    %shift_right_arithmetic3A_2485 = vector.broadcast %shift_right_arithmetic3A_2484 : i32 to vector<16xi32>
    %shift_right_arithmetic3A_2486 = arith.shrsi %add3A_2479, %shift_right_arithmetic3A_2485 : vector<16xi32>
    %and3A_2487 = arith.constant 4095 : i32
    %and3A_2488 = vector.broadcast %and3A_2487 : i32 to vector<16xi32>
    %and3A_2489 = arith.andi %add3A_2479, %and3A_2488 : vector<16xi32>
    %mul3A_2490 = arith.constant 12288 : i32
    %mul3A_2491 = vector.broadcast %mul3A_2490 : i32 to vector<16xi32>
    %mul3A_2492 = arith.muli %shift_right_arithmetic3A_2486, %mul3A_2491 : vector<16xi32>
    %mul3A_2493 = arith.constant 4096 : i32
    %mul3A_2494 = vector.broadcast %mul3A_2493 : i32 to vector<16xi32>
    %mul3A_2495 = arith.muli %sub3A_2483, %mul3A_2494 : vector<16xi32>
    %add3A_2496 = arith.addi %mul3A_2492, %mul3A_2495 : vector<16xi32>
    %add3A_2497 = arith.addi %add3A_2496, %and3A_2489 : vector<16xi32>
    %swap3A_2498 = arith.constant 8 : i32
    %swap3A_2499 = arith.index_cast %swap3A_2498 : i32 to index
    %swap3A_2500 = arith.constant 96 : index
    %swap3A_2501 = tpu.vector_load %arg8[%swap3A_2499, %swap3A_2500] {strides = array<i32>} : memref<12x128xi32, #tpu.memory_space<vmem>>, vector<1x16xi32>,
    %swap3A_2502 = vector.shape_cast %swap3A_2501 : vector<1x16xi32> to vector<16xi32>
    %swap3A_2503 = vector.shape_cast %add3A_2497 : vector<16xi32> to vector<1x16xi32>
    tpu.vector_store %arg8[%swap3A_2499, %swap3A_2500], %swap3A_2503 {strides = array<i32>} : memref<12x128xi32, #tpu.memory_space<vmem>>, vector<1x16xi32>,
    %add3A_2504 = arith.constant 113 : i32
    %add3A_2505 = vector.broadcast %add3A_2504 : i32 to vector<16xi32>
    %add3A_2506 = arith.addi %add3A_2505, %iota3A : vector<16xi32>
    %mul3A_2507 = arith.constant 21846 : i32
    %mul3A_2508 = vector.broadcast %mul3A_2507 : i32 to vector<16xi32>
    %mul3A_2509 = arith.muli %add3A_2506, %mul3A_2508 : vector<16xi32>
    %shift_right_arithmetic3A_2510 = arith.constant 16 : i32
    %shift_right_arithmetic3A_2511 = vector.broadcast %shift_right_arithmetic3A_2510 : i32 to vector<16xi32>
    %shift_right_arithmetic3A_2512 = arith.shrsi %mul3A_2509, %shift_right_arithmetic3A_2511 : vector<16xi32>
    %add3A_2513 = vector.broadcast %add3A_2258 : i32 to vector<16xi32>
    %add3A_2514 = arith.addi %add3A_2513, %shift_right_arithmetic3A_2512 : vector<16xi32>
    %mul3A_2515 = arith.constant 3 : i32
    %mul3A_2516 = vector.broadcast %mul3A_2515 : i32 to vector<16xi32>
    %mul3A_2517 = arith.muli %mul3A_2516, %shift_right_arithmetic3A_2512 : vector<16xi32>
    %sub3A_2518 = arith.subi %add3A_2506, %mul3A_2517 : vector<16xi32>
    %shift_right_arithmetic3A_2519 = arith.constant 12 : i32
    %shift_right_arithmetic3A_2520 = vector.broadcast %shift_right_arithmetic3A_2519 : i32 to vector<16xi32>
    %shift_right_arithmetic3A_2521 = arith.shrsi %add3A_2514, %shift_right_arithmetic3A_2520 : vector<16xi32>
    %and3A_2522 = arith.constant 4095 : i32
    %and3A_2523 = vector.broadcast %and3A_2522 : i32 to vector<16xi32>
    %and3A_2524 = arith.andi %add3A_2514, %and3A_2523 : vector<16xi32>
    %mul3A_2525 = arith.constant 12288 : i32
    %mul3A_2526 = vector.broadcast %mul3A_2525 : i32 to vector<16xi32>
    %mul3A_2527 = arith.muli %shift_right_arithmetic3A_2521, %mul3A_2526 : vector<16xi32>
    %mul3A_2528 = arith.constant 4096 : i32
    %mul3A_2529 = vector.broadcast %mul3A_2528 : i32 to vector<16xi32>
    %mul3A_2530 = arith.muli %sub3A_2518, %mul3A_2529 : vector<16xi32>
    %add3A_2531 = arith.addi %mul3A_2527, %mul3A_2530 : vector<16xi32>
    %add3A_2532 = arith.addi %add3A_2531, %and3A_2524 : vector<16xi32>
    %swap3A_2533 = arith.constant 8 : i32
    %swap3A_2534 = arith.index_cast %swap3A_2533 : i32 to index
    %swap3A_2535 = arith.constant 112 : index
    %swap3A_2536 = tpu.vector_load %arg8[%swap3A_2534, %swap3A_2535] {strides = array<i32>} : memref<12x128xi32, #tpu.memory_space<vmem>>, vector<1x16xi32>,
    %swap3A_2537 = vector.shape_cast %swap3A_2536 : vector<1x16xi32> to vector<16xi32>
    %swap3A_2538 = vector.shape_cast %add3A_2532 : vector<16xi32> to vector<1x16xi32>
    tpu.vector_store %arg8[%swap3A_2534, %swap3A_2535], %swap3A_2538 {strides = array<i32>} : memref<12x128xi32, #tpu.memory_space<vmem>>, vector<1x16xi32>,
    %add3A_2539 = arith.constant 384 : i32
    %add3A_2540 = arith.addi %mul3A_4, %add3A_2539 : i32
    %add3A_2541 = arith.constant 0 : i32
    %add3A_2542 = vector.broadcast %add3A_2541 : i32 to vector<16xi32>
    %add3A_2543 = arith.addi %add3A_2542, %iota3A : vector<16xi32>
    %mul3A_2544 = arith.constant 21846 : i32
    %mul3A_2545 = vector.broadcast %mul3A_2544 : i32 to vector<16xi32>
    %mul3A_2546 = arith.muli %add3A_2543, %mul3A_2545 : vector<16xi32>
    %shift_right_arithmetic3A_2547 = arith.constant 16 : i32
    %shift_right_arithmetic3A_2548 = vector.broadcast %shift_right_arithmetic3A_2547 : i32 to vector<16xi32>
    %shift_right_arithmetic3A_2549 = arith.shrsi %mul3A_2546, %shift_right_arithmetic3A_2548 : vector<16xi32>
    %add3A_2550 = vector.broadcast %add3A_2540 : i32 to vector<16xi32>
    %add3A_2551 = arith.addi %add3A_2550, %shift_right_arithmetic3A_2549 : vector<16xi32>
    %mul3A_2552 = arith.constant 3 : i32
    %mul3A_2553 = vector.broadcast %mul3A_2552 : i32 to vector<16xi32>
    %mul3A_2554 = arith.muli %mul3A_2553, %shift_right_arithmetic3A_2549 : vector<16xi32>
    %sub3A_2555 = arith.subi %add3A_2543, %mul3A_2554 : vector<16xi32>
    %shift_right_arithmetic3A_2556 = arith.constant 12 : i32
    %shift_right_arithmetic3A_2557 = vector.broadcast %shift_right_arithmetic3A_2556 : i32 to vector<16xi32>
    %shift_right_arithmetic3A_2558 = arith.shrsi %add3A_2551, %shift_right_arithmetic3A_2557 : vector<16xi32>
    %and3A_2559 = arith.constant 4095 : i32
    %and3A_2560 = vector.broadcast %and3A_2559 : i32 to vector<16xi32>
    %and3A_2561 = arith.andi %add3A_2551, %and3A_2560 : vector<16xi32>
    %mul3A_2562 = arith.constant 12288 : i32
    %mul3A_2563 = vector.broadcast %mul3A_2562 : i32 to vector<16xi32>
    %mul3A_2564 = arith.muli %shift_right_arithmetic3A_2558, %mul3A_2563 : vector<16xi32>
    %mul3A_2565 = arith.constant 4096 : i32
    %mul3A_2566 = vector.broadcast %mul3A_2565 : i32 to vector<16xi32>
    %mul3A_2567 = arith.muli %sub3A_2555, %mul3A_2566 : vector<16xi32>
    %add3A_2568 = arith.addi %mul3A_2564, %mul3A_2567 : vector<16xi32>
    %add3A_2569 = arith.addi %add3A_2568, %and3A_2561 : vector<16xi32>
    %swap3A_2570 = arith.constant 9 : i32
    %swap3A_2571 = arith.index_cast %swap3A_2570 : i32 to index
    %swap3A_2572 = arith.constant 0 : index
    %swap3A_2573 = tpu.vector_load %arg8[%swap3A_2571, %swap3A_2572] {strides = array<i32>} : memref<12x128xi32, #tpu.memory_space<vmem>>, vector<1x16xi32>,
    %swap3A_2574 = vector.shape_cast %swap3A_2573 : vector<1x16xi32> to vector<16xi32>
    %swap3A_2575 = vector.shape_cast %add3A_2569 : vector<16xi32> to vector<1x16xi32>
    tpu.vector_store %arg8[%swap3A_2571, %swap3A_2572], %swap3A_2575 {strides = array<i32>} : memref<12x128xi32, #tpu.memory_space<vmem>>, vector<1x16xi32>,
    %add3A_2576 = arith.constant 16 : i32
    %add3A_2577 = vector.broadcast %add3A_2576 : i32 to vector<16xi32>
    %add3A_2578 = arith.addi %add3A_2577, %iota3A : vector<16xi32>
    %mul3A_2579 = arith.constant 21846 : i32
    %mul3A_2580 = vector.broadcast %mul3A_2579 : i32 to vector<16xi32>
    %mul3A_2581 = arith.muli %add3A_2578, %mul3A_2580 : vector<16xi32>
    %shift_right_arithmetic3A_2582 = arith.constant 16 : i32
    %shift_right_arithmetic3A_2583 = vector.broadcast %shift_right_arithmetic3A_2582 : i32 to vector<16xi32>
    %shift_right_arithmetic3A_2584 = arith.shrsi %mul3A_2581, %shift_right_arithmetic3A_2583 : vector<16xi32>
    %add3A_2585 = vector.broadcast %add3A_2540 : i32 to vector<16xi32>
    %add3A_2586 = arith.addi %add3A_2585, %shift_right_arithmetic3A_2584 : vector<16xi32>
    %mul3A_2587 = arith.constant 3 : i32
    %mul3A_2588 = vector.broadcast %mul3A_2587 : i32 to vector<16xi32>
    %mul3A_2589 = arith.muli %mul3A_2588, %shift_right_arithmetic3A_2584 : vector<16xi32>
    %sub3A_2590 = arith.subi %add3A_2578, %mul3A_2589 : vector<16xi32>
    %shift_right_arithmetic3A_2591 = arith.constant 12 : i32
    %shift_right_arithmetic3A_2592 = vector.broadcast %shift_right_arithmetic3A_2591 : i32 to vector<16xi32>
    %shift_right_arithmetic3A_2593 = arith.shrsi %add3A_2586, %shift_right_arithmetic3A_2592 : vector<16xi32>
    %and3A_2594 = arith.constant 4095 : i32
    %and3A_2595 = vector.broadcast %and3A_2594 : i32 to vector<16xi32>
    %and3A_2596 = arith.andi %add3A_2586, %and3A_2595 : vector<16xi32>
    %mul3A_2597 = arith.constant 12288 : i32
    %mul3A_2598 = vector.broadcast %mul3A_2597 : i32 to vector<16xi32>
    %mul3A_2599 = arith.muli %shift_right_arithmetic3A_2593, %mul3A_2598 : vector<16xi32>
    %mul3A_2600 = arith.constant 4096 : i32
    %mul3A_2601 = vector.broadcast %mul3A_2600 : i32 to vector<16xi32>
    %mul3A_2602 = arith.muli %sub3A_2590, %mul3A_2601 : vector<16xi32>
    %add3A_2603 = arith.addi %mul3A_2599, %mul3A_2602 : vector<16xi32>
    %add3A_2604 = arith.addi %add3A_2603, %and3A_2596 : vector<16xi32>
    %swap3A_2605 = arith.constant 9 : i32
    %swap3A_2606 = arith.index_cast %swap3A_2605 : i32 to index
    %swap3A_2607 = arith.constant 16 : index
    %swap3A_2608 = tpu.vector_load %arg8[%swap3A_2606, %swap3A_2607] {strides = array<i32>} : memref<12x128xi32, #tpu.memory_space<vmem>>, vector<1x16xi32>,
    %swap3A_2609 = vector.shape_cast %swap3A_2608 : vector<1x16xi32> to vector<16xi32>
    %swap3A_2610 = vector.shape_cast %add3A_2604 : vector<16xi32> to vector<1x16xi32>
    tpu.vector_store %arg8[%swap3A_2606, %swap3A_2607], %swap3A_2610 {strides = array<i32>} : memref<12x128xi32, #tpu.memory_space<vmem>>, vector<1x16xi32>,
    %add3A_2611 = arith.constant 32 : i32
    %add3A_2612 = vector.broadcast %add3A_2611 : i32 to vector<16xi32>
    %add3A_2613 = arith.addi %add3A_2612, %iota3A : vector<16xi32>
    %mul3A_2614 = arith.constant 21846 : i32
    %mul3A_2615 = vector.broadcast %mul3A_2614 : i32 to vector<16xi32>
    %mul3A_2616 = arith.muli %add3A_2613, %mul3A_2615 : vector<16xi32>
    %shift_right_arithmetic3A_2617 = arith.constant 16 : i32
    %shift_right_arithmetic3A_2618 = vector.broadcast %shift_right_arithmetic3A_2617 : i32 to vector<16xi32>
    %shift_right_arithmetic3A_2619 = arith.shrsi %mul3A_2616, %shift_right_arithmetic3A_2618 : vector<16xi32>
    %add3A_2620 = vector.broadcast %add3A_2540 : i32 to vector<16xi32>
    %add3A_2621 = arith.addi %add3A_2620, %shift_right_arithmetic3A_2619 : vector<16xi32>
    %mul3A_2622 = arith.constant 3 : i32
    %mul3A_2623 = vector.broadcast %mul3A_2622 : i32 to vector<16xi32>
    %mul3A_2624 = arith.muli %mul3A_2623, %shift_right_arithmetic3A_2619 : vector<16xi32>
    %sub3A_2625 = arith.subi %add3A_2613, %mul3A_2624 : vector<16xi32>
    %shift_right_arithmetic3A_2626 = arith.constant 12 : i32
    %shift_right_arithmetic3A_2627 = vector.broadcast %shift_right_arithmetic3A_2626 : i32 to vector<16xi32>
    %shift_right_arithmetic3A_2628 = arith.shrsi %add3A_2621, %shift_right_arithmetic3A_2627 : vector<16xi32>
    %and3A_2629 = arith.constant 4095 : i32
    %and3A_2630 = vector.broadcast %and3A_2629 : i32 to vector<16xi32>
    %and3A_2631 = arith.andi %add3A_2621, %and3A_2630 : vector<16xi32>
    %mul3A_2632 = arith.constant 12288 : i32
    %mul3A_2633 = vector.broadcast %mul3A_2632 : i32 to vector<16xi32>
    %mul3A_2634 = arith.muli %shift_right_arithmetic3A_2628, %mul3A_2633 : vector<16xi32>
    %mul3A_2635 = arith.constant 4096 : i32
    %mul3A_2636 = vector.broadcast %mul3A_2635 : i32 to vector<16xi32>
    %mul3A_2637 = arith.muli %sub3A_2625, %mul3A_2636 : vector<16xi32>
    %add3A_2638 = arith.addi %mul3A_2634, %mul3A_2637 : vector<16xi32>
    %add3A_2639 = arith.addi %add3A_2638, %and3A_2631 : vector<16xi32>
    %swap3A_2640 = arith.constant 9 : i32
    %swap3A_2641 = arith.index_cast %swap3A_2640 : i32 to index
    %swap3A_2642 = arith.constant 32 : index
    %swap3A_2643 = tpu.vector_load %arg8[%swap3A_2641, %swap3A_2642] {strides = array<i32>} : memref<12x128xi32, #tpu.memory_space<vmem>>, vector<1x16xi32>,
    %swap3A_2644 = vector.shape_cast %swap3A_2643 : vector<1x16xi32> to vector<16xi32>
    %swap3A_2645 = vector.shape_cast %add3A_2639 : vector<16xi32> to vector<1x16xi32>
    tpu.vector_store %arg8[%swap3A_2641, %swap3A_2642], %swap3A_2645 {strides = array<i32>} : memref<12x128xi32, #tpu.memory_space<vmem>>, vector<1x16xi32>,
    %add3A_2646 = arith.constant 48 : i32
    %add3A_2647 = vector.broadcast %add3A_2646 : i32 to vector<16xi32>
    %add3A_2648 = arith.addi %add3A_2647, %iota3A : vector<16xi32>
    %mul3A_2649 = arith.constant 21846 : i32
    %mul3A_2650 = vector.broadcast %mul3A_2649 : i32 to vector<16xi32>
    %mul3A_2651 = arith.muli %add3A_2648, %mul3A_2650 : vector<16xi32>
    %shift_right_arithmetic3A_2652 = arith.constant 16 : i32
    %shift_right_arithmetic3A_2653 = vector.broadcast %shift_right_arithmetic3A_2652 : i32 to vector<16xi32>
    %shift_right_arithmetic3A_2654 = arith.shrsi %mul3A_2651, %shift_right_arithmetic3A_2653 : vector<16xi32>
    %add3A_2655 = vector.broadcast %add3A_2540 : i32 to vector<16xi32>
    %add3A_2656 = arith.addi %add3A_2655, %shift_right_arithmetic3A_2654 : vector<16xi32>
    %mul3A_2657 = arith.constant 3 : i32
    %mul3A_2658 = vector.broadcast %mul3A_2657 : i32 to vector<16xi32>
    %mul3A_2659 = arith.muli %mul3A_2658, %shift_right_arithmetic3A_2654 : vector<16xi32>
    %sub3A_2660 = arith.subi %add3A_2648, %mul3A_2659 : vector<16xi32>
    %shift_right_arithmetic3A_2661 = arith.constant 12 : i32
    %shift_right_arithmetic3A_2662 = vector.broadcast %shift_right_arithmetic3A_2661 : i32 to vector<16xi32>
    %shift_right_arithmetic3A_2663 = arith.shrsi %add3A_2656, %shift_right_arithmetic3A_2662 : vector<16xi32>
    %and3A_2664 = arith.constant 4095 : i32
    %and3A_2665 = vector.broadcast %and3A_2664 : i32 to vector<16xi32>
    %and3A_2666 = arith.andi %add3A_2656, %and3A_2665 : vector<16xi32>
    %mul3A_2667 = arith.constant 12288 : i32
    %mul3A_2668 = vector.broadcast %mul3A_2667 : i32 to vector<16xi32>
    %mul3A_2669 = arith.muli %shift_right_arithmetic3A_2663, %mul3A_2668 : vector<16xi32>
    %mul3A_2670 = arith.constant 4096 : i32
    %mul3A_2671 = vector.broadcast %mul3A_2670 : i32 to vector<16xi32>
    %mul3A_2672 = arith.muli %sub3A_2660, %mul3A_2671 : vector<16xi32>
    %add3A_2673 = arith.addi %mul3A_2669, %mul3A_2672 : vector<16xi32>
    %add3A_2674 = arith.addi %add3A_2673, %and3A_2666 : vector<16xi32>
    %swap3A_2675 = arith.constant 9 : i32
    %swap3A_2676 = arith.index_cast %swap3A_2675 : i32 to index
    %swap3A_2677 = arith.constant 48 : index
    %swap3A_2678 = tpu.vector_load %arg8[%swap3A_2676, %swap3A_2677] {strides = array<i32>} : memref<12x128xi32, #tpu.memory_space<vmem>>, vector<1x16xi32>,
    %swap3A_2679 = vector.shape_cast %swap3A_2678 : vector<1x16xi32> to vector<16xi32>
    %swap3A_2680 = vector.shape_cast %add3A_2674 : vector<16xi32> to vector<1x16xi32>
    tpu.vector_store %arg8[%swap3A_2676, %swap3A_2677], %swap3A_2680 {strides = array<i32>} : memref<12x128xi32, #tpu.memory_space<vmem>>, vector<1x16xi32>,
    %add3A_2681 = arith.constant 64 : i32
    %add3A_2682 = vector.broadcast %add3A_2681 : i32 to vector<16xi32>
    %add3A_2683 = arith.addi %add3A_2682, %iota3A : vector<16xi32>
    %mul3A_2684 = arith.constant 21846 : i32
    %mul3A_2685 = vector.broadcast %mul3A_2684 : i32 to vector<16xi32>
    %mul3A_2686 = arith.muli %add3A_2683, %mul3A_2685 : vector<16xi32>
    %shift_right_arithmetic3A_2687 = arith.constant 16 : i32
    %shift_right_arithmetic3A_2688 = vector.broadcast %shift_right_arithmetic3A_2687 : i32 to vector<16xi32>
    %shift_right_arithmetic3A_2689 = arith.shrsi %mul3A_2686, %shift_right_arithmetic3A_2688 : vector<16xi32>
    %add3A_2690 = vector.broadcast %add3A_2540 : i32 to vector<16xi32>
    %add3A_2691 = arith.addi %add3A_2690, %shift_right_arithmetic3A_2689 : vector<16xi32>
    %mul3A_2692 = arith.constant 3 : i32
    %mul3A_2693 = vector.broadcast %mul3A_2692 : i32 to vector<16xi32>
    %mul3A_2694 = arith.muli %mul3A_2693, %shift_right_arithmetic3A_2689 : vector<16xi32>
    %sub3A_2695 = arith.subi %add3A_2683, %mul3A_2694 : vector<16xi32>
    %shift_right_arithmetic3A_2696 = arith.constant 12 : i32
    %shift_right_arithmetic3A_2697 = vector.broadcast %shift_right_arithmetic3A_2696 : i32 to vector<16xi32>
    %shift_right_arithmetic3A_2698 = arith.shrsi %add3A_2691, %shift_right_arithmetic3A_2697 : vector<16xi32>
    %and3A_2699 = arith.constant 4095 : i32
    %and3A_2700 = vector.broadcast %and3A_2699 : i32 to vector<16xi32>
    %and3A_2701 = arith.andi %add3A_2691, %and3A_2700 : vector<16xi32>
    %mul3A_2702 = arith.constant 12288 : i32
    %mul3A_2703 = vector.broadcast %mul3A_2702 : i32 to vector<16xi32>
    %mul3A_2704 = arith.muli %shift_right_arithmetic3A_2698, %mul3A_2703 : vector<16xi32>
    %mul3A_2705 = arith.constant 4096 : i32
    %mul3A_2706 = vector.broadcast %mul3A_2705 : i32 to vector<16xi32>
    %mul3A_2707 = arith.muli %sub3A_2695, %mul3A_2706 : vector<16xi32>
    %add3A_2708 = arith.addi %mul3A_2704, %mul3A_2707 : vector<16xi32>
    %add3A_2709 = arith.addi %add3A_2708, %and3A_2701 : vector<16xi32>
    %swap3A_2710 = arith.constant 9 : i32
    %swap3A_2711 = arith.index_cast %swap3A_2710 : i32 to index
    %swap3A_2712 = arith.constant 64 : index
    %swap3A_2713 = tpu.vector_load %arg8[%swap3A_2711, %swap3A_2712] {strides = array<i32>} : memref<12x128xi32, #tpu.memory_space<vmem>>, vector<1x16xi32>,
    %swap3A_2714 = vector.shape_cast %swap3A_2713 : vector<1x16xi32> to vector<16xi32>
    %swap3A_2715 = vector.shape_cast %add3A_2709 : vector<16xi32> to vector<1x16xi32>
    tpu.vector_store %arg8[%swap3A_2711, %swap3A_2712], %swap3A_2715 {strides = array<i32>} : memref<12x128xi32, #tpu.memory_space<vmem>>, vector<1x16xi32>,
    %add3A_2716 = arith.constant 80 : i32
    %add3A_2717 = vector.broadcast %add3A_2716 : i32 to vector<16xi32>
    %add3A_2718 = arith.addi %add3A_2717, %iota3A : vector<16xi32>
    %mul3A_2719 = arith.constant 21846 : i32
    %mul3A_2720 = vector.broadcast %mul3A_2719 : i32 to vector<16xi32>
    %mul3A_2721 = arith.muli %add3A_2718, %mul3A_2720 : vector<16xi32>
    %shift_right_arithmetic3A_2722 = arith.constant 16 : i32
    %shift_right_arithmetic3A_2723 = vector.broadcast %shift_right_arithmetic3A_2722 : i32 to vector<16xi32>
    %shift_right_arithmetic3A_2724 = arith.shrsi %mul3A_2721, %shift_right_arithmetic3A_2723 : vector<16xi32>
    %add3A_2725 = vector.broadcast %add3A_2540 : i32 to vector<16xi32>
    %add3A_2726 = arith.addi %add3A_2725, %shift_right_arithmetic3A_2724 : vector<16xi32>
    %mul3A_2727 = arith.constant 3 : i32
    %mul3A_2728 = vector.broadcast %mul3A_2727 : i32 to vector<16xi32>
    %mul3A_2729 = arith.muli %mul3A_2728, %shift_right_arithmetic3A_2724 : vector<16xi32>
    %sub3A_2730 = arith.subi %add3A_2718, %mul3A_2729 : vector<16xi32>
    %shift_right_arithmetic3A_2731 = arith.constant 12 : i32
    %shift_right_arithmetic3A_2732 = vector.broadcast %shift_right_arithmetic3A_2731 : i32 to vector<16xi32>
    %shift_right_arithmetic3A_2733 = arith.shrsi %add3A_2726, %shift_right_arithmetic3A_2732 : vector<16xi32>
    %and3A_2734 = arith.constant 4095 : i32
    %and3A_2735 = vector.broadcast %and3A_2734 : i32 to vector<16xi32>
    %and3A_2736 = arith.andi %add3A_2726, %and3A_2735 : vector<16xi32>
    %mul3A_2737 = arith.constant 12288 : i32
    %mul3A_2738 = vector.broadcast %mul3A_2737 : i32 to vector<16xi32>
    %mul3A_2739 = arith.muli %shift_right_arithmetic3A_2733, %mul3A_2738 : vector<16xi32>
    %mul3A_2740 = arith.constant 4096 : i32
    %mul3A_2741 = vector.broadcast %mul3A_2740 : i32 to vector<16xi32>
    %mul3A_2742 = arith.muli %sub3A_2730, %mul3A_2741 : vector<16xi32>
    %add3A_2743 = arith.addi %mul3A_2739, %mul3A_2742 : vector<16xi32>
    %add3A_2744 = arith.addi %add3A_2743, %and3A_2736 : vector<16xi32>
    %swap3A_2745 = arith.constant 9 : i32
    %swap3A_2746 = arith.index_cast %swap3A_2745 : i32 to index
    %swap3A_2747 = arith.constant 80 : index
    %swap3A_2748 = tpu.vector_load %arg8[%swap3A_2746, %swap3A_2747] {strides = array<i32>} : memref<12x128xi32, #tpu.memory_space<vmem>>, vector<1x16xi32>,
    %swap3A_2749 = vector.shape_cast %swap3A_2748 : vector<1x16xi32> to vector<16xi32>
    %swap3A_2750 = vector.shape_cast %add3A_2744 : vector<16xi32> to vector<1x16xi32>
    tpu.vector_store %arg8[%swap3A_2746, %swap3A_2747], %swap3A_2750 {strides = array<i32>} : memref<12x128xi32, #tpu.memory_space<vmem>>, vector<1x16xi32>,
    %add3A_2751 = arith.constant 96 : i32
    %add3A_2752 = vector.broadcast %add3A_2751 : i32 to vector<16xi32>
    %add3A_2753 = arith.addi %add3A_2752, %iota3A : vector<16xi32>
    %mul3A_2754 = arith.constant 21846 : i32
    %mul3A_2755 = vector.broadcast %mul3A_2754 : i32 to vector<16xi32>
    %mul3A_2756 = arith.muli %add3A_2753, %mul3A_2755 : vector<16xi32>
    %shift_right_arithmetic3A_2757 = arith.constant 16 : i32
    %shift_right_arithmetic3A_2758 = vector.broadcast %shift_right_arithmetic3A_2757 : i32 to vector<16xi32>
    %shift_right_arithmetic3A_2759 = arith.shrsi %mul3A_2756, %shift_right_arithmetic3A_2758 : vector<16xi32>
    %add3A_2760 = vector.broadcast %add3A_2540 : i32 to vector<16xi32>
    %add3A_2761 = arith.addi %add3A_2760, %shift_right_arithmetic3A_2759 : vector<16xi32>
    %mul3A_2762 = arith.constant 3 : i32
    %mul3A_2763 = vector.broadcast %mul3A_2762 : i32 to vector<16xi32>
    %mul3A_2764 = arith.muli %mul3A_2763, %shift_right_arithmetic3A_2759 : vector<16xi32>
    %sub3A_2765 = arith.subi %add3A_2753, %mul3A_2764 : vector<16xi32>
    %shift_right_arithmetic3A_2766 = arith.constant 12 : i32
    %shift_right_arithmetic3A_2767 = vector.broadcast %shift_right_arithmetic3A_2766 : i32 to vector<16xi32>
    %shift_right_arithmetic3A_2768 = arith.shrsi %add3A_2761, %shift_right_arithmetic3A_2767 : vector<16xi32>
    %and3A_2769 = arith.constant 4095 : i32
    %and3A_2770 = vector.broadcast %and3A_2769 : i32 to vector<16xi32>
    %and3A_2771 = arith.andi %add3A_2761, %and3A_2770 : vector<16xi32>
    %mul3A_2772 = arith.constant 12288 : i32
    %mul3A_2773 = vector.broadcast %mul3A_2772 : i32 to vector<16xi32>
    %mul3A_2774 = arith.muli %shift_right_arithmetic3A_2768, %mul3A_2773 : vector<16xi32>
    %mul3A_2775 = arith.constant 4096 : i32
    %mul3A_2776 = vector.broadcast %mul3A_2775 : i32 to vector<16xi32>
    %mul3A_2777 = arith.muli %sub3A_2765, %mul3A_2776 : vector<16xi32>
    %add3A_2778 = arith.addi %mul3A_2774, %mul3A_2777 : vector<16xi32>
    %add3A_2779 = arith.addi %add3A_2778, %and3A_2771 : vector<16xi32>
    %swap3A_2780 = arith.constant 9 : i32
    %swap3A_2781 = arith.index_cast %swap3A_2780 : i32 to index
    %swap3A_2782 = arith.constant 96 : index
    %swap3A_2783 = tpu.vector_load %arg8[%swap3A_2781, %swap3A_2782] {strides = array<i32>} : memref<12x128xi32, #tpu.memory_space<vmem>>, vector<1x16xi32>,
    %swap3A_2784 = vector.shape_cast %swap3A_2783 : vector<1x16xi32> to vector<16xi32>
    %swap3A_2785 = vector.shape_cast %add3A_2779 : vector<16xi32> to vector<1x16xi32>
    tpu.vector_store %arg8[%swap3A_2781, %swap3A_2782], %swap3A_2785 {strides = array<i32>} : memref<12x128xi32, #tpu.memory_space<vmem>>, vector<1x16xi32>,
    %add3A_2786 = arith.constant 112 : i32
    %add3A_2787 = vector.broadcast %add3A_2786 : i32 to vector<16xi32>
    %add3A_2788 = arith.addi %add3A_2787, %iota3A : vector<16xi32>
    %mul3A_2789 = arith.constant 21846 : i32
    %mul3A_2790 = vector.broadcast %mul3A_2789 : i32 to vector<16xi32>
    %mul3A_2791 = arith.muli %add3A_2788, %mul3A_2790 : vector<16xi32>
    %shift_right_arithmetic3A_2792 = arith.constant 16 : i32
    %shift_right_arithmetic3A_2793 = vector.broadcast %shift_right_arithmetic3A_2792 : i32 to vector<16xi32>
    %shift_right_arithmetic3A_2794 = arith.shrsi %mul3A_2791, %shift_right_arithmetic3A_2793 : vector<16xi32>
    %add3A_2795 = vector.broadcast %add3A_2540 : i32 to vector<16xi32>
    %add3A_2796 = arith.addi %add3A_2795, %shift_right_arithmetic3A_2794 : vector<16xi32>
    %mul3A_2797 = arith.constant 3 : i32
    %mul3A_2798 = vector.broadcast %mul3A_2797 : i32 to vector<16xi32>
    %mul3A_2799 = arith.muli %mul3A_2798, %shift_right_arithmetic3A_2794 : vector<16xi32>
    %sub3A_2800 = arith.subi %add3A_2788, %mul3A_2799 : vector<16xi32>
    %shift_right_arithmetic3A_2801 = arith.constant 12 : i32
    %shift_right_arithmetic3A_2802 = vector.broadcast %shift_right_arithmetic3A_2801 : i32 to vector<16xi32>
    %shift_right_arithmetic3A_2803 = arith.shrsi %add3A_2796, %shift_right_arithmetic3A_2802 : vector<16xi32>
    %and3A_2804 = arith.constant 4095 : i32
    %and3A_2805 = vector.broadcast %and3A_2804 : i32 to vector<16xi32>
    %and3A_2806 = arith.andi %add3A_2796, %and3A_2805 : vector<16xi32>
    %mul3A_2807 = arith.constant 12288 : i32
    %mul3A_2808 = vector.broadcast %mul3A_2807 : i32 to vector<16xi32>
    %mul3A_2809 = arith.muli %shift_right_arithmetic3A_2803, %mul3A_2808 : vector<16xi32>
    %mul3A_2810 = arith.constant 4096 : i32
    %mul3A_2811 = vector.broadcast %mul3A_2810 : i32 to vector<16xi32>
    %mul3A_2812 = arith.muli %sub3A_2800, %mul3A_2811 : vector<16xi32>
    %add3A_2813 = arith.addi %mul3A_2809, %mul3A_2812 : vector<16xi32>
    %add3A_2814 = arith.addi %add3A_2813, %and3A_2806 : vector<16xi32>
    %swap3A_2815 = arith.constant 9 : i32
    %swap3A_2816 = arith.index_cast %swap3A_2815 : i32 to index
    %swap3A_2817 = arith.constant 112 : index
    %swap3A_2818 = tpu.vector_load %arg8[%swap3A_2816, %swap3A_2817] {strides = array<i32>} : memref<12x128xi32, #tpu.memory_space<vmem>>, vector<1x16xi32>,
    %swap3A_2819 = vector.shape_cast %swap3A_2818 : vector<1x16xi32> to vector<16xi32>
    %swap3A_2820 = vector.shape_cast %add3A_2814 : vector<16xi32> to vector<1x16xi32>
    tpu.vector_store %arg8[%swap3A_2816, %swap3A_2817], %swap3A_2820 {strides = array<i32>} : memref<12x128xi32, #tpu.memory_space<vmem>>, vector<1x16xi32>,
    %add3A_2821 = arith.constant 426 : i32
    %add3A_2822 = arith.addi %mul3A_4, %add3A_2821 : i32
    %add3A_2823 = arith.constant 2 : i32
    %add3A_2824 = vector.broadcast %add3A_2823 : i32 to vector<16xi32>
    %add3A_2825 = arith.addi %add3A_2824, %iota3A : vector<16xi32>
    %mul3A_2826 = arith.constant 21846 : i32
    %mul3A_2827 = vector.broadcast %mul3A_2826 : i32 to vector<16xi32>
    %mul3A_2828 = arith.muli %add3A_2825, %mul3A_2827 : vector<16xi32>
    %shift_right_arithmetic3A_2829 = arith.constant 16 : i32
    %shift_right_arithmetic3A_2830 = vector.broadcast %shift_right_arithmetic3A_2829 : i32 to vector<16xi32>
    %shift_right_arithmetic3A_2831 = arith.shrsi %mul3A_2828, %shift_right_arithmetic3A_2830 : vector<16xi32>
    %add3A_2832 = vector.broadcast %add3A_2822 : i32 to vector<16xi32>
    %add3A_2833 = arith.addi %add3A_2832, %shift_right_arithmetic3A_2831 : vector<16xi32>
    %mul3A_2834 = arith.constant 3 : i32
    %mul3A_2835 = vector.broadcast %mul3A_2834 : i32 to vector<16xi32>
    %mul3A_2836 = arith.muli %mul3A_2835, %shift_right_arithmetic3A_2831 : vector<16xi32>
    %sub3A_2837 = arith.subi %add3A_2825, %mul3A_2836 : vector<16xi32>
    %shift_right_arithmetic3A_2838 = arith.constant 12 : i32
    %shift_right_arithmetic3A_2839 = vector.broadcast %shift_right_arithmetic3A_2838 : i32 to vector<16xi32>
    %shift_right_arithmetic3A_2840 = arith.shrsi %add3A_2833, %shift_right_arithmetic3A_2839 : vector<16xi32>
    %and3A_2841 = arith.constant 4095 : i32
    %and3A_2842 = vector.broadcast %and3A_2841 : i32 to vector<16xi32>
    %and3A_2843 = arith.andi %add3A_2833, %and3A_2842 : vector<16xi32>
    %mul3A_2844 = arith.constant 12288 : i32
    %mul3A_2845 = vector.broadcast %mul3A_2844 : i32 to vector<16xi32>
    %mul3A_2846 = arith.muli %shift_right_arithmetic3A_2840, %mul3A_2845 : vector<16xi32>
    %mul3A_2847 = arith.constant 4096 : i32
    %mul3A_2848 = vector.broadcast %mul3A_2847 : i32 to vector<16xi32>
    %mul3A_2849 = arith.muli %sub3A_2837, %mul3A_2848 : vector<16xi32>
    %add3A_2850 = arith.addi %mul3A_2846, %mul3A_2849 : vector<16xi32>
    %add3A_2851 = arith.addi %add3A_2850, %and3A_2843 : vector<16xi32>
    %swap3A_2852 = arith.constant 10 : i32
    %swap3A_2853 = arith.index_cast %swap3A_2852 : i32 to index
    %swap3A_2854 = arith.constant 0 : index
    %swap3A_2855 = tpu.vector_load %arg8[%swap3A_2853, %swap3A_2854] {strides = array<i32>} : memref<12x128xi32, #tpu.memory_space<vmem>>, vector<1x16xi32>,
    %swap3A_2856 = vector.shape_cast %swap3A_2855 : vector<1x16xi32> to vector<16xi32>
    %swap3A_2857 = vector.shape_cast %add3A_2851 : vector<16xi32> to vector<1x16xi32>
    tpu.vector_store %arg8[%swap3A_2853, %swap3A_2854], %swap3A_2857 {strides = array<i32>} : memref<12x128xi32, #tpu.memory_space<vmem>>, vector<1x16xi32>,
    %add3A_2858 = arith.constant 18 : i32
    %add3A_2859 = vector.broadcast %add3A_2858 : i32 to vector<16xi32>
    %add3A_2860 = arith.addi %add3A_2859, %iota3A : vector<16xi32>
    %mul3A_2861 = arith.constant 21846 : i32
    %mul3A_2862 = vector.broadcast %mul3A_2861 : i32 to vector<16xi32>
    %mul3A_2863 = arith.muli %add3A_2860, %mul3A_2862 : vector<16xi32>
    %shift_right_arithmetic3A_2864 = arith.constant 16 : i32
    %shift_right_arithmetic3A_2865 = vector.broadcast %shift_right_arithmetic3A_2864 : i32 to vector<16xi32>
    %shift_right_arithmetic3A_2866 = arith.shrsi %mul3A_2863, %shift_right_arithmetic3A_2865 : vector<16xi32>
    %add3A_2867 = vector.broadcast %add3A_2822 : i32 to vector<16xi32>
    %add3A_2868 = arith.addi %add3A_2867, %shift_right_arithmetic3A_2866 : vector<16xi32>
    %mul3A_2869 = arith.constant 3 : i32
    %mul3A_2870 = vector.broadcast %mul3A_2869 : i32 to vector<16xi32>
    %mul3A_2871 = arith.muli %mul3A_2870, %shift_right_arithmetic3A_2866 : vector<16xi32>
    %sub3A_2872 = arith.subi %add3A_2860, %mul3A_2871 : vector<16xi32>
    %shift_right_arithmetic3A_2873 = arith.constant 12 : i32
    %shift_right_arithmetic3A_2874 = vector.broadcast %shift_right_arithmetic3A_2873 : i32 to vector<16xi32>
    %shift_right_arithmetic3A_2875 = arith.shrsi %add3A_2868, %shift_right_arithmetic3A_2874 : vector<16xi32>
    %and3A_2876 = arith.constant 4095 : i32
    %and3A_2877 = vector.broadcast %and3A_2876 : i32 to vector<16xi32>
    %and3A_2878 = arith.andi %add3A_2868, %and3A_2877 : vector<16xi32>
    %mul3A_2879 = arith.constant 12288 : i32
    %mul3A_2880 = vector.broadcast %mul3A_2879 : i32 to vector<16xi32>
    %mul3A_2881 = arith.muli %shift_right_arithmetic3A_2875, %mul3A_2880 : vector<16xi32>
    %mul3A_2882 = arith.constant 4096 : i32
    %mul3A_2883 = vector.broadcast %mul3A_2882 : i32 to vector<16xi32>
    %mul3A_2884 = arith.muli %sub3A_2872, %mul3A_2883 : vector<16xi32>
    %add3A_2885 = arith.addi %mul3A_2881, %mul3A_2884 : vector<16xi32>
    %add3A_2886 = arith.addi %add3A_2885, %and3A_2878 : vector<16xi32>
    %swap3A_2887 = arith.constant 10 : i32
    %swap3A_2888 = arith.index_cast %swap3A_2887 : i32 to index
    %swap3A_2889 = arith.constant 16 : index
    %swap3A_2890 = tpu.vector_load %arg8[%swap3A_2888, %swap3A_2889] {strides = array<i32>} : memref<12x128xi32, #tpu.memory_space<vmem>>, vector<1x16xi32>,
    %swap3A_2891 = vector.shape_cast %swap3A_2890 : vector<1x16xi32> to vector<16xi32>
    %swap3A_2892 = vector.shape_cast %add3A_2886 : vector<16xi32> to vector<1x16xi32>
    tpu.vector_store %arg8[%swap3A_2888, %swap3A_2889], %swap3A_2892 {strides = array<i32>} : memref<12x128xi32, #tpu.memory_space<vmem>>, vector<1x16xi32>,
    %add3A_2893 = arith.constant 34 : i32
    %add3A_2894 = vector.broadcast %add3A_2893 : i32 to vector<16xi32>
    %add3A_2895 = arith.addi %add3A_2894, %iota3A : vector<16xi32>
    %mul3A_2896 = arith.constant 21846 : i32
    %mul3A_2897 = vector.broadcast %mul3A_2896 : i32 to vector<16xi32>
    %mul3A_2898 = arith.muli %add3A_2895, %mul3A_2897 : vector<16xi32>
    %shift_right_arithmetic3A_2899 = arith.constant 16 : i32
    %shift_right_arithmetic3A_2900 = vector.broadcast %shift_right_arithmetic3A_2899 : i32 to vector<16xi32>
    %shift_right_arithmetic3A_2901 = arith.shrsi %mul3A_2898, %shift_right_arithmetic3A_2900 : vector<16xi32>
    %add3A_2902 = vector.broadcast %add3A_2822 : i32 to vector<16xi32>
    %add3A_2903 = arith.addi %add3A_2902, %shift_right_arithmetic3A_2901 : vector<16xi32>
    %mul3A_2904 = arith.constant 3 : i32
    %mul3A_2905 = vector.broadcast %mul3A_2904 : i32 to vector<16xi32>
    %mul3A_2906 = arith.muli %mul3A_2905, %shift_right_arithmetic3A_2901 : vector<16xi32>
    %sub3A_2907 = arith.subi %add3A_2895, %mul3A_2906 : vector<16xi32>
    %shift_right_arithmetic3A_2908 = arith.constant 12 : i32
    %shift_right_arithmetic3A_2909 = vector.broadcast %shift_right_arithmetic3A_2908 : i32 to vector<16xi32>
    %shift_right_arithmetic3A_2910 = arith.shrsi %add3A_2903, %shift_right_arithmetic3A_2909 : vector<16xi32>
    %and3A_2911 = arith.constant 4095 : i32
    %and3A_2912 = vector.broadcast %and3A_2911 : i32 to vector<16xi32>
    %and3A_2913 = arith.andi %add3A_2903, %and3A_2912 : vector<16xi32>
    %mul3A_2914 = arith.constant 12288 : i32
    %mul3A_2915 = vector.broadcast %mul3A_2914 : i32 to vector<16xi32>
    %mul3A_2916 = arith.muli %shift_right_arithmetic3A_2910, %mul3A_2915 : vector<16xi32>
    %mul3A_2917 = arith.constant 4096 : i32
    %mul3A_2918 = vector.broadcast %mul3A_2917 : i32 to vector<16xi32>
    %mul3A_2919 = arith.muli %sub3A_2907, %mul3A_2918 : vector<16xi32>
    %add3A_2920 = arith.addi %mul3A_2916, %mul3A_2919 : vector<16xi32>
    %add3A_2921 = arith.addi %add3A_2920, %and3A_2913 : vector<16xi32>
    %swap3A_2922 = arith.constant 10 : i32
    %swap3A_2923 = arith.index_cast %swap3A_2922 : i32 to index
    %swap3A_2924 = arith.constant 32 : index
    %swap3A_2925 = tpu.vector_load %arg8[%swap3A_2923, %swap3A_2924] {strides = array<i32>} : memref<12x128xi32, #tpu.memory_space<vmem>>, vector<1x16xi32>,
    %swap3A_2926 = vector.shape_cast %swap3A_2925 : vector<1x16xi32> to vector<16xi32>
    %swap3A_2927 = vector.shape_cast %add3A_2921 : vector<16xi32> to vector<1x16xi32>
    tpu.vector_store %arg8[%swap3A_2923, %swap3A_2924], %swap3A_2927 {strides = array<i32>} : memref<12x128xi32, #tpu.memory_space<vmem>>, vector<1x16xi32>,
    %add3A_2928 = arith.constant 50 : i32
    %add3A_2929 = vector.broadcast %add3A_2928 : i32 to vector<16xi32>
    %add3A_2930 = arith.addi %add3A_2929, %iota3A : vector<16xi32>
    %mul3A_2931 = arith.constant 21846 : i32
    %mul3A_2932 = vector.broadcast %mul3A_2931 : i32 to vector<16xi32>
    %mul3A_2933 = arith.muli %add3A_2930, %mul3A_2932 : vector<16xi32>
    %shift_right_arithmetic3A_2934 = arith.constant 16 : i32
    %shift_right_arithmetic3A_2935 = vector.broadcast %shift_right_arithmetic3A_2934 : i32 to vector<16xi32>
    %shift_right_arithmetic3A_2936 = arith.shrsi %mul3A_2933, %shift_right_arithmetic3A_2935 : vector<16xi32>
    %add3A_2937 = vector.broadcast %add3A_2822 : i32 to vector<16xi32>
    %add3A_2938 = arith.addi %add3A_2937, %shift_right_arithmetic3A_2936 : vector<16xi32>
    %mul3A_2939 = arith.constant 3 : i32
    %mul3A_2940 = vector.broadcast %mul3A_2939 : i32 to vector<16xi32>
    %mul3A_2941 = arith.muli %mul3A_2940, %shift_right_arithmetic3A_2936 : vector<16xi32>
    %sub3A_2942 = arith.subi %add3A_2930, %mul3A_2941 : vector<16xi32>
    %shift_right_arithmetic3A_2943 = arith.constant 12 : i32
    %shift_right_arithmetic3A_2944 = vector.broadcast %shift_right_arithmetic3A_2943 : i32 to vector<16xi32>
    %shift_right_arithmetic3A_2945 = arith.shrsi %add3A_2938, %shift_right_arithmetic3A_2944 : vector<16xi32>
    %and3A_2946 = arith.constant 4095 : i32
    %and3A_2947 = vector.broadcast %and3A_2946 : i32 to vector<16xi32>
    %and3A_2948 = arith.andi %add3A_2938, %and3A_2947 : vector<16xi32>
    %mul3A_2949 = arith.constant 12288 : i32
    %mul3A_2950 = vector.broadcast %mul3A_2949 : i32 to vector<16xi32>
    %mul3A_2951 = arith.muli %shift_right_arithmetic3A_2945, %mul3A_2950 : vector<16xi32>
    %mul3A_2952 = arith.constant 4096 : i32
    %mul3A_2953 = vector.broadcast %mul3A_2952 : i32 to vector<16xi32>
    %mul3A_2954 = arith.muli %sub3A_2942, %mul3A_2953 : vector<16xi32>
    %add3A_2955 = arith.addi %mul3A_2951, %mul3A_2954 : vector<16xi32>
    %add3A_2956 = arith.addi %add3A_2955, %and3A_2948 : vector<16xi32>
    %swap3A_2957 = arith.constant 10 : i32
    %swap3A_2958 = arith.index_cast %swap3A_2957 : i32 to index
    %swap3A_2959 = arith.constant 48 : index
    %swap3A_2960 = tpu.vector_load %arg8[%swap3A_2958, %swap3A_2959] {strides = array<i32>} : memref<12x128xi32, #tpu.memory_space<vmem>>, vector<1x16xi32>,
    %swap3A_2961 = vector.shape_cast %swap3A_2960 : vector<1x16xi32> to vector<16xi32>
    %swap3A_2962 = vector.shape_cast %add3A_2956 : vector<16xi32> to vector<1x16xi32>
    tpu.vector_store %arg8[%swap3A_2958, %swap3A_2959], %swap3A_2962 {strides = array<i32>} : memref<12x128xi32, #tpu.memory_space<vmem>>, vector<1x16xi32>,
    %add3A_2963 = arith.constant 66 : i32
    %add3A_2964 = vector.broadcast %add3A_2963 : i32 to vector<16xi32>
    %add3A_2965 = arith.addi %add3A_2964, %iota3A : vector<16xi32>
    %mul3A_2966 = arith.constant 21846 : i32
    %mul3A_2967 = vector.broadcast %mul3A_2966 : i32 to vector<16xi32>
    %mul3A_2968 = arith.muli %add3A_2965, %mul3A_2967 : vector<16xi32>
    %shift_right_arithmetic3A_2969 = arith.constant 16 : i32
    %shift_right_arithmetic3A_2970 = vector.broadcast %shift_right_arithmetic3A_2969 : i32 to vector<16xi32>
    %shift_right_arithmetic3A_2971 = arith.shrsi %mul3A_2968, %shift_right_arithmetic3A_2970 : vector<16xi32>
    %add3A_2972 = vector.broadcast %add3A_2822 : i32 to vector<16xi32>
    %add3A_2973 = arith.addi %add3A_2972, %shift_right_arithmetic3A_2971 : vector<16xi32>
    %mul3A_2974 = arith.constant 3 : i32
    %mul3A_2975 = vector.broadcast %mul3A_2974 : i32 to vector<16xi32>
    %mul3A_2976 = arith.muli %mul3A_2975, %shift_right_arithmetic3A_2971 : vector<16xi32>
    %sub3A_2977 = arith.subi %add3A_2965, %mul3A_2976 : vector<16xi32>
    %shift_right_arithmetic3A_2978 = arith.constant 12 : i32
    %shift_right_arithmetic3A_2979 = vector.broadcast %shift_right_arithmetic3A_2978 : i32 to vector<16xi32>
    %shift_right_arithmetic3A_2980 = arith.shrsi %add3A_2973, %shift_right_arithmetic3A_2979 : vector<16xi32>
    %and3A_2981 = arith.constant 4095 : i32
    %and3A_2982 = vector.broadcast %and3A_2981 : i32 to vector<16xi32>
    %and3A_2983 = arith.andi %add3A_2973, %and3A_2982 : vector<16xi32>
    %mul3A_2984 = arith.constant 12288 : i32
    %mul3A_2985 = vector.broadcast %mul3A_2984 : i32 to vector<16xi32>
    %mul3A_2986 = arith.muli %shift_right_arithmetic3A_2980, %mul3A_2985 : vector<16xi32>
    %mul3A_2987 = arith.constant 4096 : i32
    %mul3A_2988 = vector.broadcast %mul3A_2987 : i32 to vector<16xi32>
    %mul3A_2989 = arith.muli %sub3A_2977, %mul3A_2988 : vector<16xi32>
    %add3A_2990 = arith.addi %mul3A_2986, %mul3A_2989 : vector<16xi32>
    %add3A_2991 = arith.addi %add3A_2990, %and3A_2983 : vector<16xi32>
    %swap3A_2992 = arith.constant 10 : i32
    %swap3A_2993 = arith.index_cast %swap3A_2992 : i32 to index
    %swap3A_2994 = arith.constant 64 : index
    %swap3A_2995 = tpu.vector_load %arg8[%swap3A_2993, %swap3A_2994] {strides = array<i32>} : memref<12x128xi32, #tpu.memory_space<vmem>>, vector<1x16xi32>,
    %swap3A_2996 = vector.shape_cast %swap3A_2995 : vector<1x16xi32> to vector<16xi32>
    %swap3A_2997 = vector.shape_cast %add3A_2991 : vector<16xi32> to vector<1x16xi32>
    tpu.vector_store %arg8[%swap3A_2993, %swap3A_2994], %swap3A_2997 {strides = array<i32>} : memref<12x128xi32, #tpu.memory_space<vmem>>, vector<1x16xi32>,
    %add3A_2998 = arith.constant 82 : i32
    %add3A_2999 = vector.broadcast %add3A_2998 : i32 to vector<16xi32>
    %add3A_3000 = arith.addi %add3A_2999, %iota3A : vector<16xi32>
    %mul3A_3001 = arith.constant 21846 : i32
    %mul3A_3002 = vector.broadcast %mul3A_3001 : i32 to vector<16xi32>
    %mul3A_3003 = arith.muli %add3A_3000, %mul3A_3002 : vector<16xi32>
    %shift_right_arithmetic3A_3004 = arith.constant 16 : i32
    %shift_right_arithmetic3A_3005 = vector.broadcast %shift_right_arithmetic3A_3004 : i32 to vector<16xi32>
    %shift_right_arithmetic3A_3006 = arith.shrsi %mul3A_3003, %shift_right_arithmetic3A_3005 : vector<16xi32>
    %add3A_3007 = vector.broadcast %add3A_2822 : i32 to vector<16xi32>
    %add3A_3008 = arith.addi %add3A_3007, %shift_right_arithmetic3A_3006 : vector<16xi32>
    %mul3A_3009 = arith.constant 3 : i32
    %mul3A_3010 = vector.broadcast %mul3A_3009 : i32 to vector<16xi32>
    %mul3A_3011 = arith.muli %mul3A_3010, %shift_right_arithmetic3A_3006 : vector<16xi32>
    %sub3A_3012 = arith.subi %add3A_3000, %mul3A_3011 : vector<16xi32>
    %shift_right_arithmetic3A_3013 = arith.constant 12 : i32
    %shift_right_arithmetic3A_3014 = vector.broadcast %shift_right_arithmetic3A_3013 : i32 to vector<16xi32>
    %shift_right_arithmetic3A_3015 = arith.shrsi %add3A_3008, %shift_right_arithmetic3A_3014 : vector<16xi32>
    %and3A_3016 = arith.constant 4095 : i32
    %and3A_3017 = vector.broadcast %and3A_3016 : i32 to vector<16xi32>
    %and3A_3018 = arith.andi %add3A_3008, %and3A_3017 : vector<16xi32>
    %mul3A_3019 = arith.constant 12288 : i32
    %mul3A_3020 = vector.broadcast %mul3A_3019 : i32 to vector<16xi32>
    %mul3A_3021 = arith.muli %shift_right_arithmetic3A_3015, %mul3A_3020 : vector<16xi32>
    %mul3A_3022 = arith.constant 4096 : i32
    %mul3A_3023 = vector.broadcast %mul3A_3022 : i32 to vector<16xi32>
    %mul3A_3024 = arith.muli %sub3A_3012, %mul3A_3023 : vector<16xi32>
    %add3A_3025 = arith.addi %mul3A_3021, %mul3A_3024 : vector<16xi32>
    %add3A_3026 = arith.addi %add3A_3025, %and3A_3018 : vector<16xi32>
    %swap3A_3027 = arith.constant 10 : i32
    %swap3A_3028 = arith.index_cast %swap3A_3027 : i32 to index
    %swap3A_3029 = arith.constant 80 : index
    %swap3A_3030 = tpu.vector_load %arg8[%swap3A_3028, %swap3A_3029] {strides = array<i32>} : memref<12x128xi32, #tpu.memory_space<vmem>>, vector<1x16xi32>,
    %swap3A_3031 = vector.shape_cast %swap3A_3030 : vector<1x16xi32> to vector<16xi32>
    %swap3A_3032 = vector.shape_cast %add3A_3026 : vector<16xi32> to vector<1x16xi32>
    tpu.vector_store %arg8[%swap3A_3028, %swap3A_3029], %swap3A_3032 {strides = array<i32>} : memref<12x128xi32, #tpu.memory_space<vmem>>, vector<1x16xi32>,
    %add3A_3033 = arith.constant 98 : i32
    %add3A_3034 = vector.broadcast %add3A_3033 : i32 to vector<16xi32>
    %add3A_3035 = arith.addi %add3A_3034, %iota3A : vector<16xi32>
    %mul3A_3036 = arith.constant 21846 : i32
    %mul3A_3037 = vector.broadcast %mul3A_3036 : i32 to vector<16xi32>
    %mul3A_3038 = arith.muli %add3A_3035, %mul3A_3037 : vector<16xi32>
    %shift_right_arithmetic3A_3039 = arith.constant 16 : i32
    %shift_right_arithmetic3A_3040 = vector.broadcast %shift_right_arithmetic3A_3039 : i32 to vector<16xi32>
    %shift_right_arithmetic3A_3041 = arith.shrsi %mul3A_3038, %shift_right_arithmetic3A_3040 : vector<16xi32>
    %add3A_3042 = vector.broadcast %add3A_2822 : i32 to vector<16xi32>
    %add3A_3043 = arith.addi %add3A_3042, %shift_right_arithmetic3A_3041 : vector<16xi32>
    %mul3A_3044 = arith.constant 3 : i32
    %mul3A_3045 = vector.broadcast %mul3A_3044 : i32 to vector<16xi32>
    %mul3A_3046 = arith.muli %mul3A_3045, %shift_right_arithmetic3A_3041 : vector<16xi32>
    %sub3A_3047 = arith.subi %add3A_3035, %mul3A_3046 : vector<16xi32>
    %shift_right_arithmetic3A_3048 = arith.constant 12 : i32
    %shift_right_arithmetic3A_3049 = vector.broadcast %shift_right_arithmetic3A_3048 : i32 to vector<16xi32>
    %shift_right_arithmetic3A_3050 = arith.shrsi %add3A_3043, %shift_right_arithmetic3A_3049 : vector<16xi32>
    %and3A_3051 = arith.constant 4095 : i32
    %and3A_3052 = vector.broadcast %and3A_3051 : i32 to vector<16xi32>
    %and3A_3053 = arith.andi %add3A_3043, %and3A_3052 : vector<16xi32>
    %mul3A_3054 = arith.constant 12288 : i32
    %mul3A_3055 = vector.broadcast %mul3A_3054 : i32 to vector<16xi32>
    %mul3A_3056 = arith.muli %shift_right_arithmetic3A_3050, %mul3A_3055 : vector<16xi32>
    %mul3A_3057 = arith.constant 4096 : i32
    %mul3A_3058 = vector.broadcast %mul3A_3057 : i32 to vector<16xi32>
    %mul3A_3059 = arith.muli %sub3A_3047, %mul3A_3058 : vector<16xi32>
    %add3A_3060 = arith.addi %mul3A_3056, %mul3A_3059 : vector<16xi32>
    %add3A_3061 = arith.addi %add3A_3060, %and3A_3053 : vector<16xi32>
    %swap3A_3062 = arith.constant 10 : i32
    %swap3A_3063 = arith.index_cast %swap3A_3062 : i32 to index
    %swap3A_3064 = arith.constant 96 : index
    %swap3A_3065 = tpu.vector_load %arg8[%swap3A_3063, %swap3A_3064] {strides = array<i32>} : memref<12x128xi32, #tpu.memory_space<vmem>>, vector<1x16xi32>,
    %swap3A_3066 = vector.shape_cast %swap3A_3065 : vector<1x16xi32> to vector<16xi32>
    %swap3A_3067 = vector.shape_cast %add3A_3061 : vector<16xi32> to vector<1x16xi32>
    tpu.vector_store %arg8[%swap3A_3063, %swap3A_3064], %swap3A_3067 {strides = array<i32>} : memref<12x128xi32, #tpu.memory_space<vmem>>, vector<1x16xi32>,
    %add3A_3068 = arith.constant 114 : i32
    %add3A_3069 = vector.broadcast %add3A_3068 : i32 to vector<16xi32>
    %add3A_3070 = arith.addi %add3A_3069, %iota3A : vector<16xi32>
    %mul3A_3071 = arith.constant 21846 : i32
    %mul3A_3072 = vector.broadcast %mul3A_3071 : i32 to vector<16xi32>
    %mul3A_3073 = arith.muli %add3A_3070, %mul3A_3072 : vector<16xi32>
    %shift_right_arithmetic3A_3074 = arith.constant 16 : i32
    %shift_right_arithmetic3A_3075 = vector.broadcast %shift_right_arithmetic3A_3074 : i32 to vector<16xi32>
    %shift_right_arithmetic3A_3076 = arith.shrsi %mul3A_3073, %shift_right_arithmetic3A_3075 : vector<16xi32>
    %add3A_3077 = vector.broadcast %add3A_2822 : i32 to vector<16xi32>
    %add3A_3078 = arith.addi %add3A_3077, %shift_right_arithmetic3A_3076 : vector<16xi32>
    %mul3A_3079 = arith.constant 3 : i32
    %mul3A_3080 = vector.broadcast %mul3A_3079 : i32 to vector<16xi32>
    %mul3A_3081 = arith.muli %mul3A_3080, %shift_right_arithmetic3A_3076 : vector<16xi32>
    %sub3A_3082 = arith.subi %add3A_3070, %mul3A_3081 : vector<16xi32>
    %shift_right_arithmetic3A_3083 = arith.constant 12 : i32
    %shift_right_arithmetic3A_3084 = vector.broadcast %shift_right_arithmetic3A_3083 : i32 to vector<16xi32>
    %shift_right_arithmetic3A_3085 = arith.shrsi %add3A_3078, %shift_right_arithmetic3A_3084 : vector<16xi32>
    %and3A_3086 = arith.constant 4095 : i32
    %and3A_3087 = vector.broadcast %and3A_3086 : i32 to vector<16xi32>
    %and3A_3088 = arith.andi %add3A_3078, %and3A_3087 : vector<16xi32>
    %mul3A_3089 = arith.constant 12288 : i32
    %mul3A_3090 = vector.broadcast %mul3A_3089 : i32 to vector<16xi32>
    %mul3A_3091 = arith.muli %shift_right_arithmetic3A_3085, %mul3A_3090 : vector<16xi32>
    %mul3A_3092 = arith.constant 4096 : i32
    %mul3A_3093 = vector.broadcast %mul3A_3092 : i32 to vector<16xi32>
    %mul3A_3094 = arith.muli %sub3A_3082, %mul3A_3093 : vector<16xi32>
    %add3A_3095 = arith.addi %mul3A_3091, %mul3A_3094 : vector<16xi32>
    %add3A_3096 = arith.addi %add3A_3095, %and3A_3088 : vector<16xi32>
    %swap3A_3097 = arith.constant 10 : i32
    %swap3A_3098 = arith.index_cast %swap3A_3097 : i32 to index
    %swap3A_3099 = arith.constant 112 : index
    %swap3A_3100 = tpu.vector_load %arg8[%swap3A_3098, %swap3A_3099] {strides = array<i32>} : memref<12x128xi32, #tpu.memory_space<vmem>>, vector<1x16xi32>,
    %swap3A_3101 = vector.shape_cast %swap3A_3100 : vector<1x16xi32> to vector<16xi32>
    %swap3A_3102 = vector.shape_cast %add3A_3096 : vector<16xi32> to vector<1x16xi32>
    tpu.vector_store %arg8[%swap3A_3098, %swap3A_3099], %swap3A_3102 {strides = array<i32>} : memref<12x128xi32, #tpu.memory_space<vmem>>, vector<1x16xi32>,
    %add3A_3103 = arith.constant 469 : i32
    %add3A_3104 = arith.addi %mul3A_4, %add3A_3103 : i32
    %add3A_3105 = arith.constant 1 : i32
    %add3A_3106 = vector.broadcast %add3A_3105 : i32 to vector<16xi32>
    %add3A_3107 = arith.addi %add3A_3106, %iota3A : vector<16xi32>
    %mul3A_3108 = arith.constant 21846 : i32
    %mul3A_3109 = vector.broadcast %mul3A_3108 : i32 to vector<16xi32>
    %mul3A_3110 = arith.muli %add3A_3107, %mul3A_3109 : vector<16xi32>
    %shift_right_arithmetic3A_3111 = arith.constant 16 : i32
    %shift_right_arithmetic3A_3112 = vector.broadcast %shift_right_arithmetic3A_3111 : i32 to vector<16xi32>
    %shift_right_arithmetic3A_3113 = arith.shrsi %mul3A_3110, %shift_right_arithmetic3A_3112 : vector<16xi32>
    %add3A_3114 = vector.broadcast %add3A_3104 : i32 to vector<16xi32>
    %add3A_3115 = arith.addi %add3A_3114, %shift_right_arithmetic3A_3113 : vector<16xi32>
    %mul3A_3116 = arith.constant 3 : i32
    %mul3A_3117 = vector.broadcast %mul3A_3116 : i32 to vector<16xi32>
    %mul3A_3118 = arith.muli %mul3A_3117, %shift_right_arithmetic3A_3113 : vector<16xi32>
    %sub3A_3119 = arith.subi %add3A_3107, %mul3A_3118 : vector<16xi32>
    %shift_right_arithmetic3A_3120 = arith.constant 12 : i32
    %shift_right_arithmetic3A_3121 = vector.broadcast %shift_right_arithmetic3A_3120 : i32 to vector<16xi32>
    %shift_right_arithmetic3A_3122 = arith.shrsi %add3A_3115, %shift_right_arithmetic3A_3121 : vector<16xi32>
    %and3A_3123 = arith.constant 4095 : i32
    %and3A_3124 = vector.broadcast %and3A_3123 : i32 to vector<16xi32>
    %and3A_3125 = arith.andi %add3A_3115, %and3A_3124 : vector<16xi32>
    %mul3A_3126 = arith.constant 12288 : i32
    %mul3A_3127 = vector.broadcast %mul3A_3126 : i32 to vector<16xi32>
    %mul3A_3128 = arith.muli %shift_right_arithmetic3A_3122, %mul3A_3127 : vector<16xi32>
    %mul3A_3129 = arith.constant 4096 : i32
    %mul3A_3130 = vector.broadcast %mul3A_3129 : i32 to vector<16xi32>
    %mul3A_3131 = arith.muli %sub3A_3119, %mul3A_3130 : vector<16xi32>
    %add3A_3132 = arith.addi %mul3A_3128, %mul3A_3131 : vector<16xi32>
    %add3A_3133 = arith.addi %add3A_3132, %and3A_3125 : vector<16xi32>
    %swap3A_3134 = arith.constant 11 : i32
    %swap3A_3135 = arith.index_cast %swap3A_3134 : i32 to index
    %swap3A_3136 = arith.constant 0 : index
    %swap3A_3137 = tpu.vector_load %arg8[%swap3A_3135, %swap3A_3136] {strides = array<i32>} : memref<12x128xi32, #tpu.memory_space<vmem>>, vector<1x16xi32>,
    %swap3A_3138 = vector.shape_cast %swap3A_3137 : vector<1x16xi32> to vector<16xi32>
    %swap3A_3139 = vector.shape_cast %add3A_3133 : vector<16xi32> to vector<1x16xi32>
    tpu.vector_store %arg8[%swap3A_3135, %swap3A_3136], %swap3A_3139 {strides = array<i32>} : memref<12x128xi32, #tpu.memory_space<vmem>>, vector<1x16xi32>,
    %add3A_3140 = arith.constant 17 : i32
    %add3A_3141 = vector.broadcast %add3A_3140 : i32 to vector<16xi32>
    %add3A_3142 = arith.addi %add3A_3141, %iota3A : vector<16xi32>
    %mul3A_3143 = arith.constant 21846 : i32
    %mul3A_3144 = vector.broadcast %mul3A_3143 : i32 to vector<16xi32>
    %mul3A_3145 = arith.muli %add3A_3142, %mul3A_3144 : vector<16xi32>
    %shift_right_arithmetic3A_3146 = arith.constant 16 : i32
    %shift_right_arithmetic3A_3147 = vector.broadcast %shift_right_arithmetic3A_3146 : i32 to vector<16xi32>
    %shift_right_arithmetic3A_3148 = arith.shrsi %mul3A_3145, %shift_right_arithmetic3A_3147 : vector<16xi32>
    %add3A_3149 = vector.broadcast %add3A_3104 : i32 to vector<16xi32>
    %add3A_3150 = arith.addi %add3A_3149, %shift_right_arithmetic3A_3148 : vector<16xi32>
    %mul3A_3151 = arith.constant 3 : i32
    %mul3A_3152 = vector.broadcast %mul3A_3151 : i32 to vector<16xi32>
    %mul3A_3153 = arith.muli %mul3A_3152, %shift_right_arithmetic3A_3148 : vector<16xi32>
    %sub3A_3154 = arith.subi %add3A_3142, %mul3A_3153 : vector<16xi32>
    %shift_right_arithmetic3A_3155 = arith.constant 12 : i32
    %shift_right_arithmetic3A_3156 = vector.broadcast %shift_right_arithmetic3A_3155 : i32 to vector<16xi32>
    %shift_right_arithmetic3A_3157 = arith.shrsi %add3A_3150, %shift_right_arithmetic3A_3156 : vector<16xi32>
    %and3A_3158 = arith.constant 4095 : i32
    %and3A_3159 = vector.broadcast %and3A_3158 : i32 to vector<16xi32>
    %and3A_3160 = arith.andi %add3A_3150, %and3A_3159 : vector<16xi32>
    %mul3A_3161 = arith.constant 12288 : i32
    %mul3A_3162 = vector.broadcast %mul3A_3161 : i32 to vector<16xi32>
    %mul3A_3163 = arith.muli %shift_right_arithmetic3A_3157, %mul3A_3162 : vector<16xi32>
    %mul3A_3164 = arith.constant 4096 : i32
    %mul3A_3165 = vector.broadcast %mul3A_3164 : i32 to vector<16xi32>
    %mul3A_3166 = arith.muli %sub3A_3154, %mul3A_3165 : vector<16xi32>
    %add3A_3167 = arith.addi %mul3A_3163, %mul3A_3166 : vector<16xi32>
    %add3A_3168 = arith.addi %add3A_3167, %and3A_3160 : vector<16xi32>
    %swap3A_3169 = arith.constant 11 : i32
    %swap3A_3170 = arith.index_cast %swap3A_3169 : i32 to index
    %swap3A_3171 = arith.constant 16 : index
    %swap3A_3172 = tpu.vector_load %arg8[%swap3A_3170, %swap3A_3171] {strides = array<i32>} : memref<12x128xi32, #tpu.memory_space<vmem>>, vector<1x16xi32>,
    %swap3A_3173 = vector.shape_cast %swap3A_3172 : vector<1x16xi32> to vector<16xi32>
    %swap3A_3174 = vector.shape_cast %add3A_3168 : vector<16xi32> to vector<1x16xi32>
    tpu.vector_store %arg8[%swap3A_3170, %swap3A_3171], %swap3A_3174 {strides = array<i32>} : memref<12x128xi32, #tpu.memory_space<vmem>>, vector<1x16xi32>,
    %add3A_3175 = arith.constant 33 : i32
    %add3A_3176 = vector.broadcast %add3A_3175 : i32 to vector<16xi32>
    %add3A_3177 = arith.addi %add3A_3176, %iota3A : vector<16xi32>
    %mul3A_3178 = arith.constant 21846 : i32
    %mul3A_3179 = vector.broadcast %mul3A_3178 : i32 to vector<16xi32>
    %mul3A_3180 = arith.muli %add3A_3177, %mul3A_3179 : vector<16xi32>
    %shift_right_arithmetic3A_3181 = arith.constant 16 : i32
    %shift_right_arithmetic3A_3182 = vector.broadcast %shift_right_arithmetic3A_3181 : i32 to vector<16xi32>
    %shift_right_arithmetic3A_3183 = arith.shrsi %mul3A_3180, %shift_right_arithmetic3A_3182 : vector<16xi32>
    %add3A_3184 = vector.broadcast %add3A_3104 : i32 to vector<16xi32>
    %add3A_3185 = arith.addi %add3A_3184, %shift_right_arithmetic3A_3183 : vector<16xi32>
    %mul3A_3186 = arith.constant 3 : i32
    %mul3A_3187 = vector.broadcast %mul3A_3186 : i32 to vector<16xi32>
    %mul3A_3188 = arith.muli %mul3A_3187, %shift_right_arithmetic3A_3183 : vector<16xi32>
    %sub3A_3189 = arith.subi %add3A_3177, %mul3A_3188 : vector<16xi32>
    %shift_right_arithmetic3A_3190 = arith.constant 12 : i32
    %shift_right_arithmetic3A_3191 = vector.broadcast %shift_right_arithmetic3A_3190 : i32 to vector<16xi32>
    %shift_right_arithmetic3A_3192 = arith.shrsi %add3A_3185, %shift_right_arithmetic3A_3191 : vector<16xi32>
    %and3A_3193 = arith.constant 4095 : i32
    %and3A_3194 = vector.broadcast %and3A_3193 : i32 to vector<16xi32>
    %and3A_3195 = arith.andi %add3A_3185, %and3A_3194 : vector<16xi32>
    %mul3A_3196 = arith.constant 12288 : i32
    %mul3A_3197 = vector.broadcast %mul3A_3196 : i32 to vector<16xi32>
    %mul3A_3198 = arith.muli %shift_right_arithmetic3A_3192, %mul3A_3197 : vector<16xi32>
    %mul3A_3199 = arith.constant 4096 : i32
    %mul3A_3200 = vector.broadcast %mul3A_3199 : i32 to vector<16xi32>
    %mul3A_3201 = arith.muli %sub3A_3189, %mul3A_3200 : vector<16xi32>
    %add3A_3202 = arith.addi %mul3A_3198, %mul3A_3201 : vector<16xi32>
    %add3A_3203 = arith.addi %add3A_3202, %and3A_3195 : vector<16xi32>
    %swap3A_3204 = arith.constant 11 : i32
    %swap3A_3205 = arith.index_cast %swap3A_3204 : i32 to index
    %swap3A_3206 = arith.constant 32 : index
    %swap3A_3207 = tpu.vector_load %arg8[%swap3A_3205, %swap3A_3206] {strides = array<i32>} : memref<12x128xi32, #tpu.memory_space<vmem>>, vector<1x16xi32>,
    %swap3A_3208 = vector.shape_cast %swap3A_3207 : vector<1x16xi32> to vector<16xi32>
    %swap3A_3209 = vector.shape_cast %add3A_3203 : vector<16xi32> to vector<1x16xi32>
    tpu.vector_store %arg8[%swap3A_3205, %swap3A_3206], %swap3A_3209 {strides = array<i32>} : memref<12x128xi32, #tpu.memory_space<vmem>>, vector<1x16xi32>,
    %add3A_3210 = arith.constant 49 : i32
    %add3A_3211 = vector.broadcast %add3A_3210 : i32 to vector<16xi32>
    %add3A_3212 = arith.addi %add3A_3211, %iota3A : vector<16xi32>
    %mul3A_3213 = arith.constant 21846 : i32
    %mul3A_3214 = vector.broadcast %mul3A_3213 : i32 to vector<16xi32>
    %mul3A_3215 = arith.muli %add3A_3212, %mul3A_3214 : vector<16xi32>
    %shift_right_arithmetic3A_3216 = arith.constant 16 : i32
    %shift_right_arithmetic3A_3217 = vector.broadcast %shift_right_arithmetic3A_3216 : i32 to vector<16xi32>
    %shift_right_arithmetic3A_3218 = arith.shrsi %mul3A_3215, %shift_right_arithmetic3A_3217 : vector<16xi32>
    %add3A_3219 = vector.broadcast %add3A_3104 : i32 to vector<16xi32>
    %add3A_3220 = arith.addi %add3A_3219, %shift_right_arithmetic3A_3218 : vector<16xi32>
    %mul3A_3221 = arith.constant 3 : i32
    %mul3A_3222 = vector.broadcast %mul3A_3221 : i32 to vector<16xi32>
    %mul3A_3223 = arith.muli %mul3A_3222, %shift_right_arithmetic3A_3218 : vector<16xi32>
    %sub3A_3224 = arith.subi %add3A_3212, %mul3A_3223 : vector<16xi32>
    %shift_right_arithmetic3A_3225 = arith.constant 12 : i32
    %shift_right_arithmetic3A_3226 = vector.broadcast %shift_right_arithmetic3A_3225 : i32 to vector<16xi32>
    %shift_right_arithmetic3A_3227 = arith.shrsi %add3A_3220, %shift_right_arithmetic3A_3226 : vector<16xi32>
    %and3A_3228 = arith.constant 4095 : i32
    %and3A_3229 = vector.broadcast %and3A_3228 : i32 to vector<16xi32>
    %and3A_3230 = arith.andi %add3A_3220, %and3A_3229 : vector<16xi32>
    %mul3A_3231 = arith.constant 12288 : i32
    %mul3A_3232 = vector.broadcast %mul3A_3231 : i32 to vector<16xi32>
    %mul3A_3233 = arith.muli %shift_right_arithmetic3A_3227, %mul3A_3232 : vector<16xi32>
    %mul3A_3234 = arith.constant 4096 : i32
    %mul3A_3235 = vector.broadcast %mul3A_3234 : i32 to vector<16xi32>
    %mul3A_3236 = arith.muli %sub3A_3224, %mul3A_3235 : vector<16xi32>
    %add3A_3237 = arith.addi %mul3A_3233, %mul3A_3236 : vector<16xi32>
    %add3A_3238 = arith.addi %add3A_3237, %and3A_3230 : vector<16xi32>
    %swap3A_3239 = arith.constant 11 : i32
    %swap3A_3240 = arith.index_cast %swap3A_3239 : i32 to index
    %swap3A_3241 = arith.constant 48 : index
    %swap3A_3242 = tpu.vector_load %arg8[%swap3A_3240, %swap3A_3241] {strides = array<i32>} : memref<12x128xi32, #tpu.memory_space<vmem>>, vector<1x16xi32>,
    %swap3A_3243 = vector.shape_cast %swap3A_3242 : vector<1x16xi32> to vector<16xi32>
    %swap3A_3244 = vector.shape_cast %add3A_3238 : vector<16xi32> to vector<1x16xi32>
    tpu.vector_store %arg8[%swap3A_3240, %swap3A_3241], %swap3A_3244 {strides = array<i32>} : memref<12x128xi32, #tpu.memory_space<vmem>>, vector<1x16xi32>,
    %add3A_3245 = arith.constant 65 : i32
    %add3A_3246 = vector.broadcast %add3A_3245 : i32 to vector<16xi32>
    %add3A_3247 = arith.addi %add3A_3246, %iota3A : vector<16xi32>
    %mul3A_3248 = arith.constant 21846 : i32
    %mul3A_3249 = vector.broadcast %mul3A_3248 : i32 to vector<16xi32>
    %mul3A_3250 = arith.muli %add3A_3247, %mul3A_3249 : vector<16xi32>
    %shift_right_arithmetic3A_3251 = arith.constant 16 : i32
    %shift_right_arithmetic3A_3252 = vector.broadcast %shift_right_arithmetic3A_3251 : i32 to vector<16xi32>
    %shift_right_arithmetic3A_3253 = arith.shrsi %mul3A_3250, %shift_right_arithmetic3A_3252 : vector<16xi32>
    %add3A_3254 = vector.broadcast %add3A_3104 : i32 to vector<16xi32>
    %add3A_3255 = arith.addi %add3A_3254, %shift_right_arithmetic3A_3253 : vector<16xi32>
    %mul3A_3256 = arith.constant 3 : i32
    %mul3A_3257 = vector.broadcast %mul3A_3256 : i32 to vector<16xi32>
    %mul3A_3258 = arith.muli %mul3A_3257, %shift_right_arithmetic3A_3253 : vector<16xi32>
    %sub3A_3259 = arith.subi %add3A_3247, %mul3A_3258 : vector<16xi32>
    %shift_right_arithmetic3A_3260 = arith.constant 12 : i32
    %shift_right_arithmetic3A_3261 = vector.broadcast %shift_right_arithmetic3A_3260 : i32 to vector<16xi32>
    %shift_right_arithmetic3A_3262 = arith.shrsi %add3A_3255, %shift_right_arithmetic3A_3261 : vector<16xi32>
    %and3A_3263 = arith.constant 4095 : i32
    %and3A_3264 = vector.broadcast %and3A_3263 : i32 to vector<16xi32>
    %and3A_3265 = arith.andi %add3A_3255, %and3A_3264 : vector<16xi32>
    %mul3A_3266 = arith.constant 12288 : i32
    %mul3A_3267 = vector.broadcast %mul3A_3266 : i32 to vector<16xi32>
    %mul3A_3268 = arith.muli %shift_right_arithmetic3A_3262, %mul3A_3267 : vector<16xi32>
    %mul3A_3269 = arith.constant 4096 : i32
    %mul3A_3270 = vector.broadcast %mul3A_3269 : i32 to vector<16xi32>
    %mul3A_3271 = arith.muli %sub3A_3259, %mul3A_3270 : vector<16xi32>
    %add3A_3272 = arith.addi %mul3A_3268, %mul3A_3271 : vector<16xi32>
    %add3A_3273 = arith.addi %add3A_3272, %and3A_3265 : vector<16xi32>
    %swap3A_3274 = arith.constant 11 : i32
    %swap3A_3275 = arith.index_cast %swap3A_3274 : i32 to index
    %swap3A_3276 = arith.constant 64 : index
    %swap3A_3277 = tpu.vector_load %arg8[%swap3A_3275, %swap3A_3276] {strides = array<i32>} : memref<12x128xi32, #tpu.memory_space<vmem>>, vector<1x16xi32>,
    %swap3A_3278 = vector.shape_cast %swap3A_3277 : vector<1x16xi32> to vector<16xi32>
    %swap3A_3279 = vector.shape_cast %add3A_3273 : vector<16xi32> to vector<1x16xi32>
    tpu.vector_store %arg8[%swap3A_3275, %swap3A_3276], %swap3A_3279 {strides = array<i32>} : memref<12x128xi32, #tpu.memory_space<vmem>>, vector<1x16xi32>,
    %add3A_3280 = arith.constant 81 : i32
    %add3A_3281 = vector.broadcast %add3A_3280 : i32 to vector<16xi32>
    %add3A_3282 = arith.addi %add3A_3281, %iota3A : vector<16xi32>
    %mul3A_3283 = arith.constant 21846 : i32
    %mul3A_3284 = vector.broadcast %mul3A_3283 : i32 to vector<16xi32>
    %mul3A_3285 = arith.muli %add3A_3282, %mul3A_3284 : vector<16xi32>
    %shift_right_arithmetic3A_3286 = arith.constant 16 : i32
    %shift_right_arithmetic3A_3287 = vector.broadcast %shift_right_arithmetic3A_3286 : i32 to vector<16xi32>
    %shift_right_arithmetic3A_3288 = arith.shrsi %mul3A_3285, %shift_right_arithmetic3A_3287 : vector<16xi32>
    %add3A_3289 = vector.broadcast %add3A_3104 : i32 to vector<16xi32>
    %add3A_3290 = arith.addi %add3A_3289, %shift_right_arithmetic3A_3288 : vector<16xi32>
    %mul3A_3291 = arith.constant 3 : i32
    %mul3A_3292 = vector.broadcast %mul3A_3291 : i32 to vector<16xi32>
    %mul3A_3293 = arith.muli %mul3A_3292, %shift_right_arithmetic3A_3288 : vector<16xi32>
    %sub3A_3294 = arith.subi %add3A_3282, %mul3A_3293 : vector<16xi32>
    %shift_right_arithmetic3A_3295 = arith.constant 12 : i32
    %shift_right_arithmetic3A_3296 = vector.broadcast %shift_right_arithmetic3A_3295 : i32 to vector<16xi32>
    %shift_right_arithmetic3A_3297 = arith.shrsi %add3A_3290, %shift_right_arithmetic3A_3296 : vector<16xi32>
    %and3A_3298 = arith.constant 4095 : i32
    %and3A_3299 = vector.broadcast %and3A_3298 : i32 to vector<16xi32>
    %and3A_3300 = arith.andi %add3A_3290, %and3A_3299 : vector<16xi32>
    %mul3A_3301 = arith.constant 12288 : i32
    %mul3A_3302 = vector.broadcast %mul3A_3301 : i32 to vector<16xi32>
    %mul3A_3303 = arith.muli %shift_right_arithmetic3A_3297, %mul3A_3302 : vector<16xi32>
    %mul3A_3304 = arith.constant 4096 : i32
    %mul3A_3305 = vector.broadcast %mul3A_3304 : i32 to vector<16xi32>
    %mul3A_3306 = arith.muli %sub3A_3294, %mul3A_3305 : vector<16xi32>
    %add3A_3307 = arith.addi %mul3A_3303, %mul3A_3306 : vector<16xi32>
    %add3A_3308 = arith.addi %add3A_3307, %and3A_3300 : vector<16xi32>
    %swap3A_3309 = arith.constant 11 : i32
    %swap3A_3310 = arith.index_cast %swap3A_3309 : i32 to index
    %swap3A_3311 = arith.constant 80 : index
    %swap3A_3312 = tpu.vector_load %arg8[%swap3A_3310, %swap3A_3311] {strides = array<i32>} : memref<12x128xi32, #tpu.memory_space<vmem>>, vector<1x16xi32>,
    %swap3A_3313 = vector.shape_cast %swap3A_3312 : vector<1x16xi32> to vector<16xi32>
    %swap3A_3314 = vector.shape_cast %add3A_3308 : vector<16xi32> to vector<1x16xi32>
    tpu.vector_store %arg8[%swap3A_3310, %swap3A_3311], %swap3A_3314 {strides = array<i32>} : memref<12x128xi32, #tpu.memory_space<vmem>>, vector<1x16xi32>,
    %add3A_3315 = arith.constant 97 : i32
    %add3A_3316 = vector.broadcast %add3A_3315 : i32 to vector<16xi32>
    %add3A_3317 = arith.addi %add3A_3316, %iota3A : vector<16xi32>
    %mul3A_3318 = arith.constant 21846 : i32
    %mul3A_3319 = vector.broadcast %mul3A_3318 : i32 to vector<16xi32>
    %mul3A_3320 = arith.muli %add3A_3317, %mul3A_3319 : vector<16xi32>
    %shift_right_arithmetic3A_3321 = arith.constant 16 : i32
    %shift_right_arithmetic3A_3322 = vector.broadcast %shift_right_arithmetic3A_3321 : i32 to vector<16xi32>
    %shift_right_arithmetic3A_3323 = arith.shrsi %mul3A_3320, %shift_right_arithmetic3A_3322 : vector<16xi32>
    %add3A_3324 = vector.broadcast %add3A_3104 : i32 to vector<16xi32>
    %add3A_3325 = arith.addi %add3A_3324, %shift_right_arithmetic3A_3323 : vector<16xi32>
    %mul3A_3326 = arith.constant 3 : i32
    %mul3A_3327 = vector.broadcast %mul3A_3326 : i32 to vector<16xi32>
    %mul3A_3328 = arith.muli %mul3A_3327, %shift_right_arithmetic3A_3323 : vector<16xi32>
    %sub3A_3329 = arith.subi %add3A_3317, %mul3A_3328 : vector<16xi32>
    %shift_right_arithmetic3A_3330 = arith.constant 12 : i32
    %shift_right_arithmetic3A_3331 = vector.broadcast %shift_right_arithmetic3A_3330 : i32 to vector<16xi32>
    %shift_right_arithmetic3A_3332 = arith.shrsi %add3A_3325, %shift_right_arithmetic3A_3331 : vector<16xi32>
    %and3A_3333 = arith.constant 4095 : i32
    %and3A_3334 = vector.broadcast %and3A_3333 : i32 to vector<16xi32>
    %and3A_3335 = arith.andi %add3A_3325, %and3A_3334 : vector<16xi32>
    %mul3A_3336 = arith.constant 12288 : i32
    %mul3A_3337 = vector.broadcast %mul3A_3336 : i32 to vector<16xi32>
    %mul3A_3338 = arith.muli %shift_right_arithmetic3A_3332, %mul3A_3337 : vector<16xi32>
    %mul3A_3339 = arith.constant 4096 : i32
    %mul3A_3340 = vector.broadcast %mul3A_3339 : i32 to vector<16xi32>
    %mul3A_3341 = arith.muli %sub3A_3329, %mul3A_3340 : vector<16xi32>
    %add3A_3342 = arith.addi %mul3A_3338, %mul3A_3341 : vector<16xi32>
    %add3A_3343 = arith.addi %add3A_3342, %and3A_3335 : vector<16xi32>
    %swap3A_3344 = arith.constant 11 : i32
    %swap3A_3345 = arith.index_cast %swap3A_3344 : i32 to index
    %swap3A_3346 = arith.constant 96 : index
    %swap3A_3347 = tpu.vector_load %arg8[%swap3A_3345, %swap3A_3346] {strides = array<i32>} : memref<12x128xi32, #tpu.memory_space<vmem>>, vector<1x16xi32>,
    %swap3A_3348 = vector.shape_cast %swap3A_3347 : vector<1x16xi32> to vector<16xi32>
    %swap3A_3349 = vector.shape_cast %add3A_3343 : vector<16xi32> to vector<1x16xi32>
    tpu.vector_store %arg8[%swap3A_3345, %swap3A_3346], %swap3A_3349 {strides = array<i32>} : memref<12x128xi32, #tpu.memory_space<vmem>>, vector<1x16xi32>,
    %add3A_3350 = arith.constant 113 : i32
    %add3A_3351 = vector.broadcast %add3A_3350 : i32 to vector<16xi32>
    %add3A_3352 = arith.addi %add3A_3351, %iota3A : vector<16xi32>
    %mul3A_3353 = arith.constant 21846 : i32
    %mul3A_3354 = vector.broadcast %mul3A_3353 : i32 to vector<16xi32>
    %mul3A_3355 = arith.muli %add3A_3352, %mul3A_3354 : vector<16xi32>
    %shift_right_arithmetic3A_3356 = arith.constant 16 : i32
    %shift_right_arithmetic3A_3357 = vector.broadcast %shift_right_arithmetic3A_3356 : i32 to vector<16xi32>
    %shift_right_arithmetic3A_3358 = arith.shrsi %mul3A_3355, %shift_right_arithmetic3A_3357 : vector<16xi32>
    %add3A_3359 = vector.broadcast %add3A_3104 : i32 to vector<16xi32>
    %add3A_3360 = arith.addi %add3A_3359, %shift_right_arithmetic3A_3358 : vector<16xi32>
    %mul3A_3361 = arith.constant 3 : i32
    %mul3A_3362 = vector.broadcast %mul3A_3361 : i32 to vector<16xi32>
    %mul3A_3363 = arith.muli %mul3A_3362, %shift_right_arithmetic3A_3358 : vector<16xi32>
    %sub3A_3364 = arith.subi %add3A_3352, %mul3A_3363 : vector<16xi32>
    %shift_right_arithmetic3A_3365 = arith.constant 12 : i32
    %shift_right_arithmetic3A_3366 = vector.broadcast %shift_right_arithmetic3A_3365 : i32 to vector<16xi32>
    %shift_right_arithmetic3A_3367 = arith.shrsi %add3A_3360, %shift_right_arithmetic3A_3366 : vector<16xi32>
    %and3A_3368 = arith.constant 4095 : i32
    %and3A_3369 = vector.broadcast %and3A_3368 : i32 to vector<16xi32>
    %and3A_3370 = arith.andi %add3A_3360, %and3A_3369 : vector<16xi32>
    %mul3A_3371 = arith.constant 12288 : i32
    %mul3A_3372 = vector.broadcast %mul3A_3371 : i32 to vector<16xi32>
    %mul3A_3373 = arith.muli %shift_right_arithmetic3A_3367, %mul3A_3372 : vector<16xi32>
    %mul3A_3374 = arith.constant 4096 : i32
    %mul3A_3375 = vector.broadcast %mul3A_3374 : i32 to vector<16xi32>
    %mul3A_3376 = arith.muli %sub3A_3364, %mul3A_3375 : vector<16xi32>
    %add3A_3377 = arith.addi %mul3A_3373, %mul3A_3376 : vector<16xi32>
    %add3A_3378 = arith.addi %add3A_3377, %and3A_3370 : vector<16xi32>
    %swap3A_3379 = arith.constant 11 : i32
    %swap3A_3380 = arith.index_cast %swap3A_3379 : i32 to index
    %swap3A_3381 = arith.constant 112 : index
    %swap3A_3382 = tpu.vector_load %arg8[%swap3A_3380, %swap3A_3381] {strides = array<i32>} : memref<12x128xi32, #tpu.memory_space<vmem>>, vector<1x16xi32>,
    %swap3A_3383 = vector.shape_cast %swap3A_3382 : vector<1x16xi32> to vector<16xi32>
    %swap3A_3384 = vector.shape_cast %add3A_3378 : vector<16xi32> to vector<1x16xi32>
    tpu.vector_store %arg8[%swap3A_3380, %swap3A_3381], %swap3A_3384 {strides = array<i32>} : memref<12x128xi32, #tpu.memory_space<vmem>>, vector<1x16xi32>,
    %dma_start3A = arith.constant 0 : i32
    %dma_start3A_3385 = tpu.memref_slice %arg7[%dma_start3A] : memref<1536xi32, #tpu.memory_space<vmem>> -> memref<128xi32, #tpu.memory_space<vmem>>
    %dma_start3A_3386 = arith.constant 0 : i32
    %dma_start3A_3387 = arith.constant 0 : i32
    %dma_start3A_3388 = tpu.memref_slice %arg2[%dma_start3A_3386, %dma_start3A_3387] : memref<32768x128xf32, #tpu.memory_space<hbm>> -> memref<32768x128xf32, #tpu.memory_space<hbm>>
    tpu.enqueue_indirect_dma source(%dma_start3A_3388 : memref<32768x128xf32, #tpu.memory_space<hbm>>) target(%arg9 : memref<128x128xf32, #tpu.memory_space<vmem>>) offsets(%dma_start3A_3385 : memref<128xi32, #tpu.memory_space<vmem>>) semaphore(%arg13 : memref<!tpu.dma_semaphore, #tpu.memory_space<semaphore_mem>>)
    %dma_start3A_3389 = arith.constant 0 : i32
    %dma_start3A_3390 = tpu.memref_slice %arg7[%dma_start3A_3389] : memref<1536xi32, #tpu.memory_space<vmem>> -> memref<128xi32, #tpu.memory_space<vmem>>
    %dma_start3A_3391 = arith.constant 0 : i32
    %dma_start3A_3392 = arith.constant 0 : i32
    %dma_start3A_3393 = tpu.memref_slice %arg3[%dma_start3A_3391, %dma_start3A_3392] : memref<32768x128xf32, #tpu.memory_space<hbm>> -> memref<32768x128xf32, #tpu.memory_space<hbm>>
    tpu.enqueue_indirect_dma source(%dma_start3A_3393 : memref<32768x128xf32, #tpu.memory_space<hbm>>) target(%arg11 : memref<128x128xf32, #tpu.memory_space<vmem>>) offsets(%dma_start3A_3390 : memref<128xi32, #tpu.memory_space<vmem>>) semaphore(%arg15 : memref<!tpu.dma_semaphore, #tpu.memory_space<semaphore_mem>>)
    %dma_wait3A = arith.constant 0 : i32
    %dma_wait3A_3394 = tpu.memref_slice %arg7[%dma_wait3A] : memref<1536xi32, #tpu.memory_space<vmem>> -> memref<128xi32, #tpu.memory_space<vmem>>
    %dma_wait3A_3395 = arith.constant 0 : i32
    %dma_wait3A_3396 = arith.constant 0 : i32
    %dma_wait3A_3397 = tpu.memref_slice %arg2[%dma_wait3A_3395, %dma_wait3A_3396] : memref<32768x128xf32, #tpu.memory_space<hbm>> -> memref<32768x128xf32, #tpu.memory_space<hbm>>
    tpu.wait_indirect_dma semaphore(%arg13 : memref<!tpu.dma_semaphore, #tpu.memory_space<semaphore_mem>>) src(%dma_wait3A_3397 : memref<32768x128xf32, #tpu.memory_space<hbm>>) dst(%arg9 : memref<128x128xf32, #tpu.memory_space<vmem>>)
    %dma_start3A_3398 = arith.constant 0 : i32
    %dma_start3A_3399 = arith.constant 0 : i32
    %dma_start3A_3400 = tpu.memref_slice %arg8[%dma_start3A_3398, %dma_start3A_3399] : memref<12x128xi32, #tpu.memory_space<vmem>> -> memref<1x128xi32, #tpu.memory_space<vmem>>
    %dma_start3A_3401 = tpu.memref_squeeze %dma_start3A_3400 : memref<1x128xi32, #tpu.memory_space<vmem>> -> memref<128xi32, #tpu.memory_space<vmem>>
    %dma_start3A_3402 = arith.constant 0 : i32
    %dma_start3A_3403 = arith.constant 0 : i32
    %dma_start3A_3404 = tpu.memref_slice %arg5[%dma_start3A_3402, %dma_start3A_3403] : memref<49152x128xf32, #tpu.memory_space<hbm>> -> memref<49152x128xf32, #tpu.memory_space<hbm>>
    tpu.enqueue_indirect_dma source(%arg9 : memref<128x128xf32, #tpu.memory_space<vmem>>) target(%dma_start3A_3404 : memref<49152x128xf32, #tpu.memory_space<hbm>>) offsets(%dma_start3A_3401 : memref<128xi32, #tpu.memory_space<vmem>>) semaphore(%arg17 : memref<!tpu.dma_semaphore, #tpu.memory_space<semaphore_mem>>)
    %dma_wait3A_3405 = arith.constant 0 : i32
    %dma_wait3A_3406 = tpu.memref_slice %arg7[%dma_wait3A_3405] : memref<1536xi32, #tpu.memory_space<vmem>> -> memref<128xi32, #tpu.memory_space<vmem>>
    %dma_wait3A_3407 = arith.constant 0 : i32
    %dma_wait3A_3408 = arith.constant 0 : i32
    %dma_wait3A_3409 = tpu.memref_slice %arg3[%dma_wait3A_3407, %dma_wait3A_3408] : memref<32768x128xf32, #tpu.memory_space<hbm>> -> memref<32768x128xf32, #tpu.memory_space<hbm>>
    tpu.wait_indirect_dma semaphore(%arg15 : memref<!tpu.dma_semaphore, #tpu.memory_space<semaphore_mem>>) src(%dma_wait3A_3409 : memref<32768x128xf32, #tpu.memory_space<hbm>>) dst(%arg11 : memref<128x128xf32, #tpu.memory_space<vmem>>)
    %dma_start3A_3410 = arith.constant 0 : i32
    %dma_start3A_3411 = arith.constant 0 : i32
    %dma_start3A_3412 = tpu.memref_slice %arg8[%dma_start3A_3410, %dma_start3A_3411] : memref<12x128xi32, #tpu.memory_space<vmem>> -> memref<1x128xi32, #tpu.memory_space<vmem>>
    %dma_start3A_3413 = tpu.memref_squeeze %dma_start3A_3412 : memref<1x128xi32, #tpu.memory_space<vmem>> -> memref<128xi32, #tpu.memory_space<vmem>>
    %dma_start3A_3414 = arith.constant 0 : i32
    %dma_start3A_3415 = arith.constant 0 : i32
    %dma_start3A_3416 = tpu.memref_slice %arg6[%dma_start3A_3414, %dma_start3A_3415] : memref<49152x128xf32, #tpu.memory_space<hbm>> -> memref<49152x128xf32, #tpu.memory_space<hbm>>
    tpu.enqueue_indirect_dma source(%arg11 : memref<128x128xf32, #tpu.memory_space<vmem>>) target(%dma_start3A_3416 : memref<49152x128xf32, #tpu.memory_space<hbm>>) offsets(%dma_start3A_3413 : memref<128xi32, #tpu.memory_space<vmem>>) semaphore(%arg19 : memref<!tpu.dma_semaphore, #tpu.memory_space<semaphore_mem>>)
    %dma_start3A_3417 = arith.constant 128 : i32
    %dma_start3A_3418 = tpu.memref_slice %arg7[%dma_start3A_3417] : memref<1536xi32, #tpu.memory_space<vmem>> -> memref<128xi32, #tpu.memory_space<vmem>>
    %dma_start3A_3419 = arith.constant 0 : i32
    %dma_start3A_3420 = arith.constant 0 : i32
    %dma_start3A_3421 = tpu.memref_slice %arg2[%dma_start3A_3419, %dma_start3A_3420] : memref<32768x128xf32, #tpu.memory_space<hbm>> -> memref<32768x128xf32, #tpu.memory_space<hbm>>
    tpu.enqueue_indirect_dma source(%dma_start3A_3421 : memref<32768x128xf32, #tpu.memory_space<hbm>>) target(%arg10 : memref<128x128xf32, #tpu.memory_space<vmem>>) offsets(%dma_start3A_3418 : memref<128xi32, #tpu.memory_space<vmem>>) semaphore(%arg14 : memref<!tpu.dma_semaphore, #tpu.memory_space<semaphore_mem>>)
    %dma_start3A_3422 = arith.constant 128 : i32
    %dma_start3A_3423 = tpu.memref_slice %arg7[%dma_start3A_3422] : memref<1536xi32, #tpu.memory_space<vmem>> -> memref<128xi32, #tpu.memory_space<vmem>>
    %dma_start3A_3424 = arith.constant 0 : i32
    %dma_start3A_3425 = arith.constant 0 : i32
    %dma_start3A_3426 = tpu.memref_slice %arg3[%dma_start3A_3424, %dma_start3A_3425] : memref<32768x128xf32, #tpu.memory_space<hbm>> -> memref<32768x128xf32, #tpu.memory_space<hbm>>
    tpu.enqueue_indirect_dma source(%dma_start3A_3426 : memref<32768x128xf32, #tpu.memory_space<hbm>>) target(%arg12 : memref<128x128xf32, #tpu.memory_space<vmem>>) offsets(%dma_start3A_3423 : memref<128xi32, #tpu.memory_space<vmem>>) semaphore(%arg16 : memref<!tpu.dma_semaphore, #tpu.memory_space<semaphore_mem>>)
    %dma_wait3A_3427 = arith.constant 128 : i32
    %dma_wait3A_3428 = tpu.memref_slice %arg7[%dma_wait3A_3427] : memref<1536xi32, #tpu.memory_space<vmem>> -> memref<128xi32, #tpu.memory_space<vmem>>
    %dma_wait3A_3429 = arith.constant 0 : i32
    %dma_wait3A_3430 = arith.constant 0 : i32
    %dma_wait3A_3431 = tpu.memref_slice %arg2[%dma_wait3A_3429, %dma_wait3A_3430] : memref<32768x128xf32, #tpu.memory_space<hbm>> -> memref<32768x128xf32, #tpu.memory_space<hbm>>
    tpu.wait_indirect_dma semaphore(%arg14 : memref<!tpu.dma_semaphore, #tpu.memory_space<semaphore_mem>>) src(%dma_wait3A_3431 : memref<32768x128xf32, #tpu.memory_space<hbm>>) dst(%arg10 : memref<128x128xf32, #tpu.memory_space<vmem>>)
    %dma_start3A_3432 = arith.constant 1 : i32
    %dma_start3A_3433 = arith.constant 0 : i32
    %dma_start3A_3434 = tpu.memref_slice %arg8[%dma_start3A_3432, %dma_start3A_3433] : memref<12x128xi32, #tpu.memory_space<vmem>> -> memref<1x128xi32, #tpu.memory_space<vmem>>
    %dma_start3A_3435 = tpu.memref_squeeze %dma_start3A_3434 : memref<1x128xi32, #tpu.memory_space<vmem>> -> memref<128xi32, #tpu.memory_space<vmem>>
    %dma_start3A_3436 = arith.constant 0 : i32
    %dma_start3A_3437 = arith.constant 0 : i32
    %dma_start3A_3438 = tpu.memref_slice %arg5[%dma_start3A_3436, %dma_start3A_3437] : memref<49152x128xf32, #tpu.memory_space<hbm>> -> memref<49152x128xf32, #tpu.memory_space<hbm>>
    tpu.enqueue_indirect_dma source(%arg10 : memref<128x128xf32, #tpu.memory_space<vmem>>) target(%dma_start3A_3438 : memref<49152x128xf32, #tpu.memory_space<hbm>>) offsets(%dma_start3A_3435 : memref<128xi32, #tpu.memory_space<vmem>>) semaphore(%arg18 : memref<!tpu.dma_semaphore, #tpu.memory_space<semaphore_mem>>)
    %dma_wait3A_3439 = arith.constant 128 : i32
    %dma_wait3A_3440 = tpu.memref_slice %arg7[%dma_wait3A_3439] : memref<1536xi32, #tpu.memory_space<vmem>> -> memref<128xi32, #tpu.memory_space<vmem>>
    %dma_wait3A_3441 = arith.constant 0 : i32
    %dma_wait3A_3442 = arith.constant 0 : i32
    %dma_wait3A_3443 = tpu.memref_slice %arg3[%dma_wait3A_3441, %dma_wait3A_3442] : memref<32768x128xf32, #tpu.memory_space<hbm>> -> memref<32768x128xf32, #tpu.memory_space<hbm>>
    tpu.wait_indirect_dma semaphore(%arg16 : memref<!tpu.dma_semaphore, #tpu.memory_space<semaphore_mem>>) src(%dma_wait3A_3443 : memref<32768x128xf32, #tpu.memory_space<hbm>>) dst(%arg12 : memref<128x128xf32, #tpu.memory_space<vmem>>)
    %dma_start3A_3444 = arith.constant 1 : i32
    %dma_start3A_3445 = arith.constant 0 : i32
    %dma_start3A_3446 = tpu.memref_slice %arg8[%dma_start3A_3444, %dma_start3A_3445] : memref<12x128xi32, #tpu.memory_space<vmem>> -> memref<1x128xi32, #tpu.memory_space<vmem>>
    %dma_start3A_3447 = tpu.memref_squeeze %dma_start3A_3446 : memref<1x128xi32, #tpu.memory_space<vmem>> -> memref<128xi32, #tpu.memory_space<vmem>>
    %dma_start3A_3448 = arith.constant 0 : i32
    %dma_start3A_3449 = arith.constant 0 : i32
    %dma_start3A_3450 = tpu.memref_slice %arg6[%dma_start3A_3448, %dma_start3A_3449] : memref<49152x128xf32, #tpu.memory_space<hbm>> -> memref<49152x128xf32, #tpu.memory_space<hbm>>
    tpu.enqueue_indirect_dma source(%arg12 : memref<128x128xf32, #tpu.memory_space<vmem>>) target(%dma_start3A_3450 : memref<49152x128xf32, #tpu.memory_space<hbm>>) offsets(%dma_start3A_3447 : memref<128xi32, #tpu.memory_space<vmem>>) semaphore(%arg20 : memref<!tpu.dma_semaphore, #tpu.memory_space<semaphore_mem>>)
    %dma_wait3A_3451 = arith.constant 0 : i32
    %dma_wait3A_3452 = arith.constant 0 : i32
    %dma_wait3A_3453 = tpu.memref_slice %arg8[%dma_wait3A_3451, %dma_wait3A_3452] : memref<12x128xi32, #tpu.memory_space<vmem>> -> memref<1x128xi32, #tpu.memory_space<vmem>>
    %dma_wait3A_3454 = tpu.memref_squeeze %dma_wait3A_3453 : memref<1x128xi32, #tpu.memory_space<vmem>> -> memref<128xi32, #tpu.memory_space<vmem>>
    %dma_wait3A_3455 = arith.constant 0 : i32
    %dma_wait3A_3456 = arith.constant 0 : i32
    %dma_wait3A_3457 = tpu.memref_slice %arg5[%dma_wait3A_3455, %dma_wait3A_3456] : memref<49152x128xf32, #tpu.memory_space<hbm>> -> memref<49152x128xf32, #tpu.memory_space<hbm>>
    tpu.wait_indirect_dma semaphore(%arg17 : memref<!tpu.dma_semaphore, #tpu.memory_space<semaphore_mem>>) src(%arg9 : memref<128x128xf32, #tpu.memory_space<vmem>>) dst(%dma_wait3A_3457 : memref<49152x128xf32, #tpu.memory_space<hbm>>)
    %dma_wait3A_3458 = arith.constant 0 : i32
    %dma_wait3A_3459 = arith.constant 0 : i32
    %dma_wait3A_3460 = tpu.memref_slice %arg8[%dma_wait3A_3458, %dma_wait3A_3459] : memref<12x128xi32, #tpu.memory_space<vmem>> -> memref<1x128xi32, #tpu.memory_space<vmem>>
    %dma_wait3A_3461 = tpu.memref_squeeze %dma_wait3A_3460 : memref<1x128xi32, #tpu.memory_space<vmem>> -> memref<128xi32, #tpu.memory_space<vmem>>
    %dma_wait3A_3462 = arith.constant 0 : i32
    %dma_wait3A_3463 = arith.constant 0 : i32
    %dma_wait3A_3464 = tpu.memref_slice %arg6[%dma_wait3A_3462, %dma_wait3A_3463] : memref<49152x128xf32, #tpu.memory_space<hbm>> -> memref<49152x128xf32, #tpu.memory_space<hbm>>
    tpu.wait_indirect_dma semaphore(%arg19 : memref<!tpu.dma_semaphore, #tpu.memory_space<semaphore_mem>>) src(%arg11 : memref<128x128xf32, #tpu.memory_space<vmem>>) dst(%dma_wait3A_3464 : memref<49152x128xf32, #tpu.memory_space<hbm>>)
    %dma_start3A_3465 = arith.constant 256 : i32
    %dma_start3A_3466 = tpu.memref_slice %arg7[%dma_start3A_3465] : memref<1536xi32, #tpu.memory_space<vmem>> -> memref<128xi32, #tpu.memory_space<vmem>>
    %dma_start3A_3467 = arith.constant 0 : i32
    %dma_start3A_3468 = arith.constant 0 : i32
    %dma_start3A_3469 = tpu.memref_slice %arg2[%dma_start3A_3467, %dma_start3A_3468] : memref<32768x128xf32, #tpu.memory_space<hbm>> -> memref<32768x128xf32, #tpu.memory_space<hbm>>
    tpu.enqueue_indirect_dma source(%dma_start3A_3469 : memref<32768x128xf32, #tpu.memory_space<hbm>>) target(%arg9 : memref<128x128xf32, #tpu.memory_space<vmem>>) offsets(%dma_start3A_3466 : memref<128xi32, #tpu.memory_space<vmem>>) semaphore(%arg13 : memref<!tpu.dma_semaphore, #tpu.memory_space<semaphore_mem>>)
    %dma_start3A_3470 = arith.constant 256 : i32
    %dma_start3A_3471 = tpu.memref_slice %arg7[%dma_start3A_3470] : memref<1536xi32, #tpu.memory_space<vmem>> -> memref<128xi32, #tpu.memory_space<vmem>>
    %dma_start3A_3472 = arith.constant 0 : i32
    %dma_start3A_3473 = arith.constant 0 : i32
    %dma_start3A_3474 = tpu.memref_slice %arg3[%dma_start3A_3472, %dma_start3A_3473] : memref<32768x128xf32, #tpu.memory_space<hbm>> -> memref<32768x128xf32, #tpu.memory_space<hbm>>
    tpu.enqueue_indirect_dma source(%dma_start3A_3474 : memref<32768x128xf32, #tpu.memory_space<hbm>>) target(%arg11 : memref<128x128xf32, #tpu.memory_space<vmem>>) offsets(%dma_start3A_3471 : memref<128xi32, #tpu.memory_space<vmem>>) semaphore(%arg15 : memref<!tpu.dma_semaphore, #tpu.memory_space<semaphore_mem>>)
    %dma_wait3A_3475 = arith.constant 256 : i32
    %dma_wait3A_3476 = tpu.memref_slice %arg7[%dma_wait3A_3475] : memref<1536xi32, #tpu.memory_space<vmem>> -> memref<128xi32, #tpu.memory_space<vmem>>
    %dma_wait3A_3477 = arith.constant 0 : i32
    %dma_wait3A_3478 = arith.constant 0 : i32
    %dma_wait3A_3479 = tpu.memref_slice %arg2[%dma_wait3A_3477, %dma_wait3A_3478] : memref<32768x128xf32, #tpu.memory_space<hbm>> -> memref<32768x128xf32, #tpu.memory_space<hbm>>
    tpu.wait_indirect_dma semaphore(%arg13 : memref<!tpu.dma_semaphore, #tpu.memory_space<semaphore_mem>>) src(%dma_wait3A_3479 : memref<32768x128xf32, #tpu.memory_space<hbm>>) dst(%arg9 : memref<128x128xf32, #tpu.memory_space<vmem>>)
    %dma_start3A_3480 = arith.constant 2 : i32
    %dma_start3A_3481 = arith.constant 0 : i32
    %dma_start3A_3482 = tpu.memref_slice %arg8[%dma_start3A_3480, %dma_start3A_3481] : memref<12x128xi32, #tpu.memory_space<vmem>> -> memref<1x128xi32, #tpu.memory_space<vmem>>
    %dma_start3A_3483 = tpu.memref_squeeze %dma_start3A_3482 : memref<1x128xi32, #tpu.memory_space<vmem>> -> memref<128xi32, #tpu.memory_space<vmem>>
    %dma_start3A_3484 = arith.constant 0 : i32
    %dma_start3A_3485 = arith.constant 0 : i32
    %dma_start3A_3486 = tpu.memref_slice %arg5[%dma_start3A_3484, %dma_start3A_3485] : memref<49152x128xf32, #tpu.memory_space<hbm>> -> memref<49152x128xf32, #tpu.memory_space<hbm>>
    tpu.enqueue_indirect_dma source(%arg9 : memref<128x128xf32, #tpu.memory_space<vmem>>) target(%dma_start3A_3486 : memref<49152x128xf32, #tpu.memory_space<hbm>>) offsets(%dma_start3A_3483 : memref<128xi32, #tpu.memory_space<vmem>>) semaphore(%arg17 : memref<!tpu.dma_semaphore, #tpu.memory_space<semaphore_mem>>)
    %dma_wait3A_3487 = arith.constant 256 : i32
    %dma_wait3A_3488 = tpu.memref_slice %arg7[%dma_wait3A_3487] : memref<1536xi32, #tpu.memory_space<vmem>> -> memref<128xi32, #tpu.memory_space<vmem>>
    %dma_wait3A_3489 = arith.constant 0 : i32
    %dma_wait3A_3490 = arith.constant 0 : i32
    %dma_wait3A_3491 = tpu.memref_slice %arg3[%dma_wait3A_3489, %dma_wait3A_3490] : memref<32768x128xf32, #tpu.memory_space<hbm>> -> memref<32768x128xf32, #tpu.memory_space<hbm>>
    tpu.wait_indirect_dma semaphore(%arg15 : memref<!tpu.dma_semaphore, #tpu.memory_space<semaphore_mem>>) src(%dma_wait3A_3491 : memref<32768x128xf32, #tpu.memory_space<hbm>>) dst(%arg11 : memref<128x128xf32, #tpu.memory_space<vmem>>)
    %dma_start3A_3492 = arith.constant 2 : i32
    %dma_start3A_3493 = arith.constant 0 : i32
    %dma_start3A_3494 = tpu.memref_slice %arg8[%dma_start3A_3492, %dma_start3A_3493] : memref<12x128xi32, #tpu.memory_space<vmem>> -> memref<1x128xi32, #tpu.memory_space<vmem>>
    %dma_start3A_3495 = tpu.memref_squeeze %dma_start3A_3494 : memref<1x128xi32, #tpu.memory_space<vmem>> -> memref<128xi32, #tpu.memory_space<vmem>>
    %dma_start3A_3496 = arith.constant 0 : i32
    %dma_start3A_3497 = arith.constant 0 : i32
    %dma_start3A_3498 = tpu.memref_slice %arg6[%dma_start3A_3496, %dma_start3A_3497] : memref<49152x128xf32, #tpu.memory_space<hbm>> -> memref<49152x128xf32, #tpu.memory_space<hbm>>
    tpu.enqueue_indirect_dma source(%arg11 : memref<128x128xf32, #tpu.memory_space<vmem>>) target(%dma_start3A_3498 : memref<49152x128xf32, #tpu.memory_space<hbm>>) offsets(%dma_start3A_3495 : memref<128xi32, #tpu.memory_space<vmem>>) semaphore(%arg19 : memref<!tpu.dma_semaphore, #tpu.memory_space<semaphore_mem>>)
    %dma_wait3A_3499 = arith.constant 1 : i32
    %dma_wait3A_3500 = arith.constant 0 : i32
    %dma_wait3A_3501 = tpu.memref_slice %arg8[%dma_wait3A_3499, %dma_wait3A_3500] : memref<12x128xi32, #tpu.memory_space<vmem>> -> memref<1x128xi32, #tpu.memory_space<vmem>>
    %dma_wait3A_3502 = tpu.memref_squeeze %dma_wait3A_3501 : memref<1x128xi32, #tpu.memory_space<vmem>> -> memref<128xi32, #tpu.memory_space<vmem>>
    %dma_wait3A_3503 = arith.constant 0 : i32
    %dma_wait3A_3504 = arith.constant 0 : i32
    %dma_wait3A_3505 = tpu.memref_slice %arg5[%dma_wait3A_3503, %dma_wait3A_3504] : memref<49152x128xf32, #tpu.memory_space<hbm>> -> memref<49152x128xf32, #tpu.memory_space<hbm>>
    tpu.wait_indirect_dma semaphore(%arg18 : memref<!tpu.dma_semaphore, #tpu.memory_space<semaphore_mem>>) src(%arg10 : memref<128x128xf32, #tpu.memory_space<vmem>>) dst(%dma_wait3A_3505 : memref<49152x128xf32, #tpu.memory_space<hbm>>)
    %dma_wait3A_3506 = arith.constant 1 : i32
    %dma_wait3A_3507 = arith.constant 0 : i32
    %dma_wait3A_3508 = tpu.memref_slice %arg8[%dma_wait3A_3506, %dma_wait3A_3507] : memref<12x128xi32, #tpu.memory_space<vmem>> -> memref<1x128xi32, #tpu.memory_space<vmem>>
    %dma_wait3A_3509 = tpu.memref_squeeze %dma_wait3A_3508 : memref<1x128xi32, #tpu.memory_space<vmem>> -> memref<128xi32, #tpu.memory_space<vmem>>
    %dma_wait3A_3510 = arith.constant 0 : i32
    %dma_wait3A_3511 = arith.constant 0 : i32
    %dma_wait3A_3512 = tpu.memref_slice %arg6[%dma_wait3A_3510, %dma_wait3A_3511] : memref<49152x128xf32, #tpu.memory_space<hbm>> -> memref<49152x128xf32, #tpu.memory_space<hbm>>
    tpu.wait_indirect_dma semaphore(%arg20 : memref<!tpu.dma_semaphore, #tpu.memory_space<semaphore_mem>>) src(%arg12 : memref<128x128xf32, #tpu.memory_space<vmem>>) dst(%dma_wait3A_3512 : memref<49152x128xf32, #tpu.memory_space<hbm>>)
    %dma_start3A_3513 = arith.constant 384 : i32
    %dma_start3A_3514 = tpu.memref_slice %arg7[%dma_start3A_3513] : memref<1536xi32, #tpu.memory_space<vmem>> -> memref<128xi32, #tpu.memory_space<vmem>>
    %dma_start3A_3515 = arith.constant 0 : i32
    %dma_start3A_3516 = arith.constant 0 : i32
    %dma_start3A_3517 = tpu.memref_slice %arg2[%dma_start3A_3515, %dma_start3A_3516] : memref<32768x128xf32, #tpu.memory_space<hbm>> -> memref<32768x128xf32, #tpu.memory_space<hbm>>
    tpu.enqueue_indirect_dma source(%dma_start3A_3517 : memref<32768x128xf32, #tpu.memory_space<hbm>>) target(%arg10 : memref<128x128xf32, #tpu.memory_space<vmem>>) offsets(%dma_start3A_3514 : memref<128xi32, #tpu.memory_space<vmem>>) semaphore(%arg14 : memref<!tpu.dma_semaphore, #tpu.memory_space<semaphore_mem>>)
    %dma_start3A_3518 = arith.constant 384 : i32
    %dma_start3A_3519 = tpu.memref_slice %arg7[%dma_start3A_3518] : memref<1536xi32, #tpu.memory_space<vmem>> -> memref<128xi32, #tpu.memory_space<vmem>>
    %dma_start3A_3520 = arith.constant 0 : i32
    %dma_start3A_3521 = arith.constant 0 : i32
    %dma_start3A_3522 = tpu.memref_slice %arg3[%dma_start3A_3520, %dma_start3A_3521] : memref<32768x128xf32, #tpu.memory_space<hbm>> -> memref<32768x128xf32, #tpu.memory_space<hbm>>
    tpu.enqueue_indirect_dma source(%dma_start3A_3522 : memref<32768x128xf32, #tpu.memory_space<hbm>>) target(%arg12 : memref<128x128xf32, #tpu.memory_space<vmem>>) offsets(%dma_start3A_3519 : memref<128xi32, #tpu.memory_space<vmem>>) semaphore(%arg16 : memref<!tpu.dma_semaphore, #tpu.memory_space<semaphore_mem>>)
    %dma_wait3A_3523 = arith.constant 384 : i32
    %dma_wait3A_3524 = tpu.memref_slice %arg7[%dma_wait3A_3523] : memref<1536xi32, #tpu.memory_space<vmem>> -> memref<128xi32, #tpu.memory_space<vmem>>
    %dma_wait3A_3525 = arith.constant 0 : i32
    %dma_wait3A_3526 = arith.constant 0 : i32
    %dma_wait3A_3527 = tpu.memref_slice %arg2[%dma_wait3A_3525, %dma_wait3A_3526] : memref<32768x128xf32, #tpu.memory_space<hbm>> -> memref<32768x128xf32, #tpu.memory_space<hbm>>
    tpu.wait_indirect_dma semaphore(%arg14 : memref<!tpu.dma_semaphore, #tpu.memory_space<semaphore_mem>>) src(%dma_wait3A_3527 : memref<32768x128xf32, #tpu.memory_space<hbm>>) dst(%arg10 : memref<128x128xf32, #tpu.memory_space<vmem>>)
    %dma_start3A_3528 = arith.constant 3 : i32
    %dma_start3A_3529 = arith.constant 0 : i32
    %dma_start3A_3530 = tpu.memref_slice %arg8[%dma_start3A_3528, %dma_start3A_3529] : memref<12x128xi32, #tpu.memory_space<vmem>> -> memref<1x128xi32, #tpu.memory_space<vmem>>
    %dma_start3A_3531 = tpu.memref_squeeze %dma_start3A_3530 : memref<1x128xi32, #tpu.memory_space<vmem>> -> memref<128xi32, #tpu.memory_space<vmem>>
    %dma_start3A_3532 = arith.constant 0 : i32
    %dma_start3A_3533 = arith.constant 0 : i32
    %dma_start3A_3534 = tpu.memref_slice %arg5[%dma_start3A_3532, %dma_start3A_3533] : memref<49152x128xf32, #tpu.memory_space<hbm>> -> memref<49152x128xf32, #tpu.memory_space<hbm>>
    tpu.enqueue_indirect_dma source(%arg10 : memref<128x128xf32, #tpu.memory_space<vmem>>) target(%dma_start3A_3534 : memref<49152x128xf32, #tpu.memory_space<hbm>>) offsets(%dma_start3A_3531 : memref<128xi32, #tpu.memory_space<vmem>>) semaphore(%arg18 : memref<!tpu.dma_semaphore, #tpu.memory_space<semaphore_mem>>)
    %dma_wait3A_3535 = arith.constant 384 : i32
    %dma_wait3A_3536 = tpu.memref_slice %arg7[%dma_wait3A_3535] : memref<1536xi32, #tpu.memory_space<vmem>> -> memref<128xi32, #tpu.memory_space<vmem>>
    %dma_wait3A_3537 = arith.constant 0 : i32
    %dma_wait3A_3538 = arith.constant 0 : i32
    %dma_wait3A_3539 = tpu.memref_slice %arg3[%dma_wait3A_3537, %dma_wait3A_3538] : memref<32768x128xf32, #tpu.memory_space<hbm>> -> memref<32768x128xf32, #tpu.memory_space<hbm>>
    tpu.wait_indirect_dma semaphore(%arg16 : memref<!tpu.dma_semaphore, #tpu.memory_space<semaphore_mem>>) src(%dma_wait3A_3539 : memref<32768x128xf32, #tpu.memory_space<hbm>>) dst(%arg12 : memref<128x128xf32, #tpu.memory_space<vmem>>)
    %dma_start3A_3540 = arith.constant 3 : i32
    %dma_start3A_3541 = arith.constant 0 : i32
    %dma_start3A_3542 = tpu.memref_slice %arg8[%dma_start3A_3540, %dma_start3A_3541] : memref<12x128xi32, #tpu.memory_space<vmem>> -> memref<1x128xi32, #tpu.memory_space<vmem>>
    %dma_start3A_3543 = tpu.memref_squeeze %dma_start3A_3542 : memref<1x128xi32, #tpu.memory_space<vmem>> -> memref<128xi32, #tpu.memory_space<vmem>>
    %dma_start3A_3544 = arith.constant 0 : i32
    %dma_start3A_3545 = arith.constant 0 : i32
    %dma_start3A_3546 = tpu.memref_slice %arg6[%dma_start3A_3544, %dma_start3A_3545] : memref<49152x128xf32, #tpu.memory_space<hbm>> -> memref<49152x128xf32, #tpu.memory_space<hbm>>
    tpu.enqueue_indirect_dma source(%arg12 : memref<128x128xf32, #tpu.memory_space<vmem>>) target(%dma_start3A_3546 : memref<49152x128xf32, #tpu.memory_space<hbm>>) offsets(%dma_start3A_3543 : memref<128xi32, #tpu.memory_space<vmem>>) semaphore(%arg20 : memref<!tpu.dma_semaphore, #tpu.memory_space<semaphore_mem>>)
    %dma_wait3A_3547 = arith.constant 2 : i32
    %dma_wait3A_3548 = arith.constant 0 : i32
    %dma_wait3A_3549 = tpu.memref_slice %arg8[%dma_wait3A_3547, %dma_wait3A_3548] : memref<12x128xi32, #tpu.memory_space<vmem>> -> memref<1x128xi32, #tpu.memory_space<vmem>>
    %dma_wait3A_3550 = tpu.memref_squeeze %dma_wait3A_3549 : memref<1x128xi32, #tpu.memory_space<vmem>> -> memref<128xi32, #tpu.memory_space<vmem>>
    %dma_wait3A_3551 = arith.constant 0 : i32
    %dma_wait3A_3552 = arith.constant 0 : i32
    %dma_wait3A_3553 = tpu.memref_slice %arg5[%dma_wait3A_3551, %dma_wait3A_3552] : memref<49152x128xf32, #tpu.memory_space<hbm>> -> memref<49152x128xf32, #tpu.memory_space<hbm>>
    tpu.wait_indirect_dma semaphore(%arg17 : memref<!tpu.dma_semaphore, #tpu.memory_space<semaphore_mem>>) src(%arg9 : memref<128x128xf32, #tpu.memory_space<vmem>>) dst(%dma_wait3A_3553 : memref<49152x128xf32, #tpu.memory_space<hbm>>)
    %dma_wait3A_3554 = arith.constant 2 : i32
    %dma_wait3A_3555 = arith.constant 0 : i32
    %dma_wait3A_3556 = tpu.memref_slice %arg8[%dma_wait3A_3554, %dma_wait3A_3555] : memref<12x128xi32, #tpu.memory_space<vmem>> -> memref<1x128xi32, #tpu.memory_space<vmem>>
    %dma_wait3A_3557 = tpu.memref_squeeze %dma_wait3A_3556 : memref<1x128xi32, #tpu.memory_space<vmem>> -> memref<128xi32, #tpu.memory_space<vmem>>
    %dma_wait3A_3558 = arith.constant 0 : i32
    %dma_wait3A_3559 = arith.constant 0 : i32
    %dma_wait3A_3560 = tpu.memref_slice %arg6[%dma_wait3A_3558, %dma_wait3A_3559] : memref<49152x128xf32, #tpu.memory_space<hbm>> -> memref<49152x128xf32, #tpu.memory_space<hbm>>
    tpu.wait_indirect_dma semaphore(%arg19 : memref<!tpu.dma_semaphore, #tpu.memory_space<semaphore_mem>>) src(%arg11 : memref<128x128xf32, #tpu.memory_space<vmem>>) dst(%dma_wait3A_3560 : memref<49152x128xf32, #tpu.memory_space<hbm>>)
    %dma_start3A_3561 = arith.constant 512 : i32
    %dma_start3A_3562 = tpu.memref_slice %arg7[%dma_start3A_3561] : memref<1536xi32, #tpu.memory_space<vmem>> -> memref<128xi32, #tpu.memory_space<vmem>>
    %dma_start3A_3563 = arith.constant 0 : i32
    %dma_start3A_3564 = arith.constant 0 : i32
    %dma_start3A_3565 = tpu.memref_slice %arg2[%dma_start3A_3563, %dma_start3A_3564] : memref<32768x128xf32, #tpu.memory_space<hbm>> -> memref<32768x128xf32, #tpu.memory_space<hbm>>
    tpu.enqueue_indirect_dma source(%dma_start3A_3565 : memref<32768x128xf32, #tpu.memory_space<hbm>>) target(%arg9 : memref<128x128xf32, #tpu.memory_space<vmem>>) offsets(%dma_start3A_3562 : memref<128xi32, #tpu.memory_space<vmem>>) semaphore(%arg13 : memref<!tpu.dma_semaphore, #tpu.memory_space<semaphore_mem>>)
    %dma_start3A_3566 = arith.constant 512 : i32
    %dma_start3A_3567 = tpu.memref_slice %arg7[%dma_start3A_3566] : memref<1536xi32, #tpu.memory_space<vmem>> -> memref<128xi32, #tpu.memory_space<vmem>>
    %dma_start3A_3568 = arith.constant 0 : i32
    %dma_start3A_3569 = arith.constant 0 : i32
    %dma_start3A_3570 = tpu.memref_slice %arg3[%dma_start3A_3568, %dma_start3A_3569] : memref<32768x128xf32, #tpu.memory_space<hbm>> -> memref<32768x128xf32, #tpu.memory_space<hbm>>
    tpu.enqueue_indirect_dma source(%dma_start3A_3570 : memref<32768x128xf32, #tpu.memory_space<hbm>>) target(%arg11 : memref<128x128xf32, #tpu.memory_space<vmem>>) offsets(%dma_start3A_3567 : memref<128xi32, #tpu.memory_space<vmem>>) semaphore(%arg15 : memref<!tpu.dma_semaphore, #tpu.memory_space<semaphore_mem>>)
    %dma_wait3A_3571 = arith.constant 512 : i32
    %dma_wait3A_3572 = tpu.memref_slice %arg7[%dma_wait3A_3571] : memref<1536xi32, #tpu.memory_space<vmem>> -> memref<128xi32, #tpu.memory_space<vmem>>
    %dma_wait3A_3573 = arith.constant 0 : i32
    %dma_wait3A_3574 = arith.constant 0 : i32
    %dma_wait3A_3575 = tpu.memref_slice %arg2[%dma_wait3A_3573, %dma_wait3A_3574] : memref<32768x128xf32, #tpu.memory_space<hbm>> -> memref<32768x128xf32, #tpu.memory_space<hbm>>
    tpu.wait_indirect_dma semaphore(%arg13 : memref<!tpu.dma_semaphore, #tpu.memory_space<semaphore_mem>>) src(%dma_wait3A_3575 : memref<32768x128xf32, #tpu.memory_space<hbm>>) dst(%arg9 : memref<128x128xf32, #tpu.memory_space<vmem>>)
    %dma_start3A_3576 = arith.constant 4 : i32
    %dma_start3A_3577 = arith.constant 0 : i32
    %dma_start3A_3578 = tpu.memref_slice %arg8[%dma_start3A_3576, %dma_start3A_3577] : memref<12x128xi32, #tpu.memory_space<vmem>> -> memref<1x128xi32, #tpu.memory_space<vmem>>
    %dma_start3A_3579 = tpu.memref_squeeze %dma_start3A_3578 : memref<1x128xi32, #tpu.memory_space<vmem>> -> memref<128xi32, #tpu.memory_space<vmem>>
    %dma_start3A_3580 = arith.constant 0 : i32
    %dma_start3A_3581 = arith.constant 0 : i32
    %dma_start3A_3582 = tpu.memref_slice %arg5[%dma_start3A_3580, %dma_start3A_3581] : memref<49152x128xf32, #tpu.memory_space<hbm>> -> memref<49152x128xf32, #tpu.memory_space<hbm>>
    tpu.enqueue_indirect_dma source(%arg9 : memref<128x128xf32, #tpu.memory_space<vmem>>) target(%dma_start3A_3582 : memref<49152x128xf32, #tpu.memory_space<hbm>>) offsets(%dma_start3A_3579 : memref<128xi32, #tpu.memory_space<vmem>>) semaphore(%arg17 : memref<!tpu.dma_semaphore, #tpu.memory_space<semaphore_mem>>)
    %dma_wait3A_3583 = arith.constant 512 : i32
    %dma_wait3A_3584 = tpu.memref_slice %arg7[%dma_wait3A_3583] : memref<1536xi32, #tpu.memory_space<vmem>> -> memref<128xi32, #tpu.memory_space<vmem>>
    %dma_wait3A_3585 = arith.constant 0 : i32
    %dma_wait3A_3586 = arith.constant 0 : i32
    %dma_wait3A_3587 = tpu.memref_slice %arg3[%dma_wait3A_3585, %dma_wait3A_3586] : memref<32768x128xf32, #tpu.memory_space<hbm>> -> memref<32768x128xf32, #tpu.memory_space<hbm>>
    tpu.wait_indirect_dma semaphore(%arg15 : memref<!tpu.dma_semaphore, #tpu.memory_space<semaphore_mem>>) src(%dma_wait3A_3587 : memref<32768x128xf32, #tpu.memory_space<hbm>>) dst(%arg11 : memref<128x128xf32, #tpu.memory_space<vmem>>)
    %dma_start3A_3588 = arith.constant 4 : i32
    %dma_start3A_3589 = arith.constant 0 : i32
    %dma_start3A_3590 = tpu.memref_slice %arg8[%dma_start3A_3588, %dma_start3A_3589] : memref<12x128xi32, #tpu.memory_space<vmem>> -> memref<1x128xi32, #tpu.memory_space<vmem>>
    %dma_start3A_3591 = tpu.memref_squeeze %dma_start3A_3590 : memref<1x128xi32, #tpu.memory_space<vmem>> -> memref<128xi32, #tpu.memory_space<vmem>>
    %dma_start3A_3592 = arith.constant 0 : i32
    %dma_start3A_3593 = arith.constant 0 : i32
    %dma_start3A_3594 = tpu.memref_slice %arg6[%dma_start3A_3592, %dma_start3A_3593] : memref<49152x128xf32, #tpu.memory_space<hbm>> -> memref<49152x128xf32, #tpu.memory_space<hbm>>
    tpu.enqueue_indirect_dma source(%arg11 : memref<128x128xf32, #tpu.memory_space<vmem>>) target(%dma_start3A_3594 : memref<49152x128xf32, #tpu.memory_space<hbm>>) offsets(%dma_start3A_3591 : memref<128xi32, #tpu.memory_space<vmem>>) semaphore(%arg19 : memref<!tpu.dma_semaphore, #tpu.memory_space<semaphore_mem>>)
    %dma_wait3A_3595 = arith.constant 3 : i32
    %dma_wait3A_3596 = arith.constant 0 : i32
    %dma_wait3A_3597 = tpu.memref_slice %arg8[%dma_wait3A_3595, %dma_wait3A_3596] : memref<12x128xi32, #tpu.memory_space<vmem>> -> memref<1x128xi32, #tpu.memory_space<vmem>>
    %dma_wait3A_3598 = tpu.memref_squeeze %dma_wait3A_3597 : memref<1x128xi32, #tpu.memory_space<vmem>> -> memref<128xi32, #tpu.memory_space<vmem>>
    %dma_wait3A_3599 = arith.constant 0 : i32
    %dma_wait3A_3600 = arith.constant 0 : i32
    %dma_wait3A_3601 = tpu.memref_slice %arg5[%dma_wait3A_3599, %dma_wait3A_3600] : memref<49152x128xf32, #tpu.memory_space<hbm>> -> memref<49152x128xf32, #tpu.memory_space<hbm>>
    tpu.wait_indirect_dma semaphore(%arg18 : memref<!tpu.dma_semaphore, #tpu.memory_space<semaphore_mem>>) src(%arg10 : memref<128x128xf32, #tpu.memory_space<vmem>>) dst(%dma_wait3A_3601 : memref<49152x128xf32, #tpu.memory_space<hbm>>)
    %dma_wait3A_3602 = arith.constant 3 : i32
    %dma_wait3A_3603 = arith.constant 0 : i32
    %dma_wait3A_3604 = tpu.memref_slice %arg8[%dma_wait3A_3602, %dma_wait3A_3603] : memref<12x128xi32, #tpu.memory_space<vmem>> -> memref<1x128xi32, #tpu.memory_space<vmem>>
    %dma_wait3A_3605 = tpu.memref_squeeze %dma_wait3A_3604 : memref<1x128xi32, #tpu.memory_space<vmem>> -> memref<128xi32, #tpu.memory_space<vmem>>
    %dma_wait3A_3606 = arith.constant 0 : i32
    %dma_wait3A_3607 = arith.constant 0 : i32
    %dma_wait3A_3608 = tpu.memref_slice %arg6[%dma_wait3A_3606, %dma_wait3A_3607] : memref<49152x128xf32, #tpu.memory_space<hbm>> -> memref<49152x128xf32, #tpu.memory_space<hbm>>
    tpu.wait_indirect_dma semaphore(%arg20 : memref<!tpu.dma_semaphore, #tpu.memory_space<semaphore_mem>>) src(%arg12 : memref<128x128xf32, #tpu.memory_space<vmem>>) dst(%dma_wait3A_3608 : memref<49152x128xf32, #tpu.memory_space<hbm>>)
    %dma_start3A_3609 = arith.constant 640 : i32
    %dma_start3A_3610 = tpu.memref_slice %arg7[%dma_start3A_3609] : memref<1536xi32, #tpu.memory_space<vmem>> -> memref<128xi32, #tpu.memory_space<vmem>>
    %dma_start3A_3611 = arith.constant 0 : i32
    %dma_start3A_3612 = arith.constant 0 : i32
    %dma_start3A_3613 = tpu.memref_slice %arg2[%dma_start3A_3611, %dma_start3A_3612] : memref<32768x128xf32, #tpu.memory_space<hbm>> -> memref<32768x128xf32, #tpu.memory_space<hbm>>
    tpu.enqueue_indirect_dma source(%dma_start3A_3613 : memref<32768x128xf32, #tpu.memory_space<hbm>>) target(%arg10 : memref<128x128xf32, #tpu.memory_space<vmem>>) offsets(%dma_start3A_3610 : memref<128xi32, #tpu.memory_space<vmem>>) semaphore(%arg14 : memref<!tpu.dma_semaphore, #tpu.memory_space<semaphore_mem>>)
    %dma_start3A_3614 = arith.constant 640 : i32
    %dma_start3A_3615 = tpu.memref_slice %arg7[%dma_start3A_3614] : memref<1536xi32, #tpu.memory_space<vmem>> -> memref<128xi32, #tpu.memory_space<vmem>>
    %dma_start3A_3616 = arith.constant 0 : i32
    %dma_start3A_3617 = arith.constant 0 : i32
    %dma_start3A_3618 = tpu.memref_slice %arg3[%dma_start3A_3616, %dma_start3A_3617] : memref<32768x128xf32, #tpu.memory_space<hbm>> -> memref<32768x128xf32, #tpu.memory_space<hbm>>
    tpu.enqueue_indirect_dma source(%dma_start3A_3618 : memref<32768x128xf32, #tpu.memory_space<hbm>>) target(%arg12 : memref<128x128xf32, #tpu.memory_space<vmem>>) offsets(%dma_start3A_3615 : memref<128xi32, #tpu.memory_space<vmem>>) semaphore(%arg16 : memref<!tpu.dma_semaphore, #tpu.memory_space<semaphore_mem>>)
    %dma_wait3A_3619 = arith.constant 640 : i32
    %dma_wait3A_3620 = tpu.memref_slice %arg7[%dma_wait3A_3619] : memref<1536xi32, #tpu.memory_space<vmem>> -> memref<128xi32, #tpu.memory_space<vmem>>
    %dma_wait3A_3621 = arith.constant 0 : i32
    %dma_wait3A_3622 = arith.constant 0 : i32
    %dma_wait3A_3623 = tpu.memref_slice %arg2[%dma_wait3A_3621, %dma_wait3A_3622] : memref<32768x128xf32, #tpu.memory_space<hbm>> -> memref<32768x128xf32, #tpu.memory_space<hbm>>
    tpu.wait_indirect_dma semaphore(%arg14 : memref<!tpu.dma_semaphore, #tpu.memory_space<semaphore_mem>>) src(%dma_wait3A_3623 : memref<32768x128xf32, #tpu.memory_space<hbm>>) dst(%arg10 : memref<128x128xf32, #tpu.memory_space<vmem>>)
    %dma_start3A_3624 = arith.constant 5 : i32
    %dma_start3A_3625 = arith.constant 0 : i32
    %dma_start3A_3626 = tpu.memref_slice %arg8[%dma_start3A_3624, %dma_start3A_3625] : memref<12x128xi32, #tpu.memory_space<vmem>> -> memref<1x128xi32, #tpu.memory_space<vmem>>
    %dma_start3A_3627 = tpu.memref_squeeze %dma_start3A_3626 : memref<1x128xi32, #tpu.memory_space<vmem>> -> memref<128xi32, #tpu.memory_space<vmem>>
    %dma_start3A_3628 = arith.constant 0 : i32
    %dma_start3A_3629 = arith.constant 0 : i32
    %dma_start3A_3630 = tpu.memref_slice %arg5[%dma_start3A_3628, %dma_start3A_3629] : memref<49152x128xf32, #tpu.memory_space<hbm>> -> memref<49152x128xf32, #tpu.memory_space<hbm>>
    tpu.enqueue_indirect_dma source(%arg10 : memref<128x128xf32, #tpu.memory_space<vmem>>) target(%dma_start3A_3630 : memref<49152x128xf32, #tpu.memory_space<hbm>>) offsets(%dma_start3A_3627 : memref<128xi32, #tpu.memory_space<vmem>>) semaphore(%arg18 : memref<!tpu.dma_semaphore, #tpu.memory_space<semaphore_mem>>)
    %dma_wait3A_3631 = arith.constant 640 : i32
    %dma_wait3A_3632 = tpu.memref_slice %arg7[%dma_wait3A_3631] : memref<1536xi32, #tpu.memory_space<vmem>> -> memref<128xi32, #tpu.memory_space<vmem>>
    %dma_wait3A_3633 = arith.constant 0 : i32
    %dma_wait3A_3634 = arith.constant 0 : i32
    %dma_wait3A_3635 = tpu.memref_slice %arg3[%dma_wait3A_3633, %dma_wait3A_3634] : memref<32768x128xf32, #tpu.memory_space<hbm>> -> memref<32768x128xf32, #tpu.memory_space<hbm>>
    tpu.wait_indirect_dma semaphore(%arg16 : memref<!tpu.dma_semaphore, #tpu.memory_space<semaphore_mem>>) src(%dma_wait3A_3635 : memref<32768x128xf32, #tpu.memory_space<hbm>>) dst(%arg12 : memref<128x128xf32, #tpu.memory_space<vmem>>)
    %dma_start3A_3636 = arith.constant 5 : i32
    %dma_start3A_3637 = arith.constant 0 : i32
    %dma_start3A_3638 = tpu.memref_slice %arg8[%dma_start3A_3636, %dma_start3A_3637] : memref<12x128xi32, #tpu.memory_space<vmem>> -> memref<1x128xi32, #tpu.memory_space<vmem>>
    %dma_start3A_3639 = tpu.memref_squeeze %dma_start3A_3638 : memref<1x128xi32, #tpu.memory_space<vmem>> -> memref<128xi32, #tpu.memory_space<vmem>>
    %dma_start3A_3640 = arith.constant 0 : i32
    %dma_start3A_3641 = arith.constant 0 : i32
    %dma_start3A_3642 = tpu.memref_slice %arg6[%dma_start3A_3640, %dma_start3A_3641] : memref<49152x128xf32, #tpu.memory_space<hbm>> -> memref<49152x128xf32, #tpu.memory_space<hbm>>
    tpu.enqueue_indirect_dma source(%arg12 : memref<128x128xf32, #tpu.memory_space<vmem>>) target(%dma_start3A_3642 : memref<49152x128xf32, #tpu.memory_space<hbm>>) offsets(%dma_start3A_3639 : memref<128xi32, #tpu.memory_space<vmem>>) semaphore(%arg20 : memref<!tpu.dma_semaphore, #tpu.memory_space<semaphore_mem>>)
    %dma_wait3A_3643 = arith.constant 4 : i32
    %dma_wait3A_3644 = arith.constant 0 : i32
    %dma_wait3A_3645 = tpu.memref_slice %arg8[%dma_wait3A_3643, %dma_wait3A_3644] : memref<12x128xi32, #tpu.memory_space<vmem>> -> memref<1x128xi32, #tpu.memory_space<vmem>>
    %dma_wait3A_3646 = tpu.memref_squeeze %dma_wait3A_3645 : memref<1x128xi32, #tpu.memory_space<vmem>> -> memref<128xi32, #tpu.memory_space<vmem>>
    %dma_wait3A_3647 = arith.constant 0 : i32
    %dma_wait3A_3648 = arith.constant 0 : i32
    %dma_wait3A_3649 = tpu.memref_slice %arg5[%dma_wait3A_3647, %dma_wait3A_3648] : memref<49152x128xf32, #tpu.memory_space<hbm>> -> memref<49152x128xf32, #tpu.memory_space<hbm>>
    tpu.wait_indirect_dma semaphore(%arg17 : memref<!tpu.dma_semaphore, #tpu.memory_space<semaphore_mem>>) src(%arg9 : memref<128x128xf32, #tpu.memory_space<vmem>>) dst(%dma_wait3A_3649 : memref<49152x128xf32, #tpu.memory_space<hbm>>)
    %dma_wait3A_3650 = arith.constant 4 : i32
    %dma_wait3A_3651 = arith.constant 0 : i32
    %dma_wait3A_3652 = tpu.memref_slice %arg8[%dma_wait3A_3650, %dma_wait3A_3651] : memref<12x128xi32, #tpu.memory_space<vmem>> -> memref<1x128xi32, #tpu.memory_space<vmem>>
    %dma_wait3A_3653 = tpu.memref_squeeze %dma_wait3A_3652 : memref<1x128xi32, #tpu.memory_space<vmem>> -> memref<128xi32, #tpu.memory_space<vmem>>
    %dma_wait3A_3654 = arith.constant 0 : i32
    %dma_wait3A_3655 = arith.constant 0 : i32
    %dma_wait3A_3656 = tpu.memref_slice %arg6[%dma_wait3A_3654, %dma_wait3A_3655] : memref<49152x128xf32, #tpu.memory_space<hbm>> -> memref<49152x128xf32, #tpu.memory_space<hbm>>
    tpu.wait_indirect_dma semaphore(%arg19 : memref<!tpu.dma_semaphore, #tpu.memory_space<semaphore_mem>>) src(%arg11 : memref<128x128xf32, #tpu.memory_space<vmem>>) dst(%dma_wait3A_3656 : memref<49152x128xf32, #tpu.memory_space<hbm>>)
    %dma_start3A_3657 = arith.constant 768 : i32
    %dma_start3A_3658 = tpu.memref_slice %arg7[%dma_start3A_3657] : memref<1536xi32, #tpu.memory_space<vmem>> -> memref<128xi32, #tpu.memory_space<vmem>>
    %dma_start3A_3659 = arith.constant 0 : i32
    %dma_start3A_3660 = arith.constant 0 : i32
    %dma_start3A_3661 = tpu.memref_slice %arg2[%dma_start3A_3659, %dma_start3A_3660] : memref<32768x128xf32, #tpu.memory_space<hbm>> -> memref<32768x128xf32, #tpu.memory_space<hbm>>
    tpu.enqueue_indirect_dma source(%dma_start3A_3661 : memref<32768x128xf32, #tpu.memory_space<hbm>>) target(%arg9 : memref<128x128xf32, #tpu.memory_space<vmem>>) offsets(%dma_start3A_3658 : memref<128xi32, #tpu.memory_space<vmem>>) semaphore(%arg13 : memref<!tpu.dma_semaphore, #tpu.memory_space<semaphore_mem>>)
    %dma_start3A_3662 = arith.constant 768 : i32
    %dma_start3A_3663 = tpu.memref_slice %arg7[%dma_start3A_3662] : memref<1536xi32, #tpu.memory_space<vmem>> -> memref<128xi32, #tpu.memory_space<vmem>>
    %dma_start3A_3664 = arith.constant 0 : i32
    %dma_start3A_3665 = arith.constant 0 : i32
    %dma_start3A_3666 = tpu.memref_slice %arg3[%dma_start3A_3664, %dma_start3A_3665] : memref<32768x128xf32, #tpu.memory_space<hbm>> -> memref<32768x128xf32, #tpu.memory_space<hbm>>
    tpu.enqueue_indirect_dma source(%dma_start3A_3666 : memref<32768x128xf32, #tpu.memory_space<hbm>>) target(%arg11 : memref<128x128xf32, #tpu.memory_space<vmem>>) offsets(%dma_start3A_3663 : memref<128xi32, #tpu.memory_space<vmem>>) semaphore(%arg15 : memref<!tpu.dma_semaphore, #tpu.memory_space<semaphore_mem>>)
    %dma_wait3A_3667 = arith.constant 768 : i32
    %dma_wait3A_3668 = tpu.memref_slice %arg7[%dma_wait3A_3667] : memref<1536xi32, #tpu.memory_space<vmem>> -> memref<128xi32, #tpu.memory_space<vmem>>
    %dma_wait3A_3669 = arith.constant 0 : i32
    %dma_wait3A_3670 = arith.constant 0 : i32
    %dma_wait3A_3671 = tpu.memref_slice %arg2[%dma_wait3A_3669, %dma_wait3A_3670] : memref<32768x128xf32, #tpu.memory_space<hbm>> -> memref<32768x128xf32, #tpu.memory_space<hbm>>
    tpu.wait_indirect_dma semaphore(%arg13 : memref<!tpu.dma_semaphore, #tpu.memory_space<semaphore_mem>>) src(%dma_wait3A_3671 : memref<32768x128xf32, #tpu.memory_space<hbm>>) dst(%arg9 : memref<128x128xf32, #tpu.memory_space<vmem>>)
    %dma_start3A_3672 = arith.constant 6 : i32
    %dma_start3A_3673 = arith.constant 0 : i32
    %dma_start3A_3674 = tpu.memref_slice %arg8[%dma_start3A_3672, %dma_start3A_3673] : memref<12x128xi32, #tpu.memory_space<vmem>> -> memref<1x128xi32, #tpu.memory_space<vmem>>
    %dma_start3A_3675 = tpu.memref_squeeze %dma_start3A_3674 : memref<1x128xi32, #tpu.memory_space<vmem>> -> memref<128xi32, #tpu.memory_space<vmem>>
    %dma_start3A_3676 = arith.constant 0 : i32
    %dma_start3A_3677 = arith.constant 0 : i32
    %dma_start3A_3678 = tpu.memref_slice %arg5[%dma_start3A_3676, %dma_start3A_3677] : memref<49152x128xf32, #tpu.memory_space<hbm>> -> memref<49152x128xf32, #tpu.memory_space<hbm>>
    tpu.enqueue_indirect_dma source(%arg9 : memref<128x128xf32, #tpu.memory_space<vmem>>) target(%dma_start3A_3678 : memref<49152x128xf32, #tpu.memory_space<hbm>>) offsets(%dma_start3A_3675 : memref<128xi32, #tpu.memory_space<vmem>>) semaphore(%arg17 : memref<!tpu.dma_semaphore, #tpu.memory_space<semaphore_mem>>)
    %dma_wait3A_3679 = arith.constant 768 : i32
    %dma_wait3A_3680 = tpu.memref_slice %arg7[%dma_wait3A_3679] : memref<1536xi32, #tpu.memory_space<vmem>> -> memref<128xi32, #tpu.memory_space<vmem>>
    %dma_wait3A_3681 = arith.constant 0 : i32
    %dma_wait3A_3682 = arith.constant 0 : i32
    %dma_wait3A_3683 = tpu.memref_slice %arg3[%dma_wait3A_3681, %dma_wait3A_3682] : memref<32768x128xf32, #tpu.memory_space<hbm>> -> memref<32768x128xf32, #tpu.memory_space<hbm>>
    tpu.wait_indirect_dma semaphore(%arg15 : memref<!tpu.dma_semaphore, #tpu.memory_space<semaphore_mem>>) src(%dma_wait3A_3683 : memref<32768x128xf32, #tpu.memory_space<hbm>>) dst(%arg11 : memref<128x128xf32, #tpu.memory_space<vmem>>)
    %dma_start3A_3684 = arith.constant 6 : i32
    %dma_start3A_3685 = arith.constant 0 : i32
    %dma_start3A_3686 = tpu.memref_slice %arg8[%dma_start3A_3684, %dma_start3A_3685] : memref<12x128xi32, #tpu.memory_space<vmem>> -> memref<1x128xi32, #tpu.memory_space<vmem>>
    %dma_start3A_3687 = tpu.memref_squeeze %dma_start3A_3686 : memref<1x128xi32, #tpu.memory_space<vmem>> -> memref<128xi32, #tpu.memory_space<vmem>>
    %dma_start3A_3688 = arith.constant 0 : i32
    %dma_start3A_3689 = arith.constant 0 : i32
    %dma_start3A_3690 = tpu.memref_slice %arg6[%dma_start3A_3688, %dma_start3A_3689] : memref<49152x128xf32, #tpu.memory_space<hbm>> -> memref<49152x128xf32, #tpu.memory_space<hbm>>
    tpu.enqueue_indirect_dma source(%arg11 : memref<128x128xf32, #tpu.memory_space<vmem>>) target(%dma_start3A_3690 : memref<49152x128xf32, #tpu.memory_space<hbm>>) offsets(%dma_start3A_3687 : memref<128xi32, #tpu.memory_space<vmem>>) semaphore(%arg19 : memref<!tpu.dma_semaphore, #tpu.memory_space<semaphore_mem>>)
    %dma_wait3A_3691 = arith.constant 5 : i32
    %dma_wait3A_3692 = arith.constant 0 : i32
    %dma_wait3A_3693 = tpu.memref_slice %arg8[%dma_wait3A_3691, %dma_wait3A_3692] : memref<12x128xi32, #tpu.memory_space<vmem>> -> memref<1x128xi32, #tpu.memory_space<vmem>>
    %dma_wait3A_3694 = tpu.memref_squeeze %dma_wait3A_3693 : memref<1x128xi32, #tpu.memory_space<vmem>> -> memref<128xi32, #tpu.memory_space<vmem>>
    %dma_wait3A_3695 = arith.constant 0 : i32
    %dma_wait3A_3696 = arith.constant 0 : i32
    %dma_wait3A_3697 = tpu.memref_slice %arg5[%dma_wait3A_3695, %dma_wait3A_3696] : memref<49152x128xf32, #tpu.memory_space<hbm>> -> memref<49152x128xf32, #tpu.memory_space<hbm>>
    tpu.wait_indirect_dma semaphore(%arg18 : memref<!tpu.dma_semaphore, #tpu.memory_space<semaphore_mem>>) src(%arg10 : memref<128x128xf32, #tpu.memory_space<vmem>>) dst(%dma_wait3A_3697 : memref<49152x128xf32, #tpu.memory_space<hbm>>)
    %dma_wait3A_3698 = arith.constant 5 : i32
    %dma_wait3A_3699 = arith.constant 0 : i32
    %dma_wait3A_3700 = tpu.memref_slice %arg8[%dma_wait3A_3698, %dma_wait3A_3699] : memref<12x128xi32, #tpu.memory_space<vmem>> -> memref<1x128xi32, #tpu.memory_space<vmem>>
    %dma_wait3A_3701 = tpu.memref_squeeze %dma_wait3A_3700 : memref<1x128xi32, #tpu.memory_space<vmem>> -> memref<128xi32, #tpu.memory_space<vmem>>
    %dma_wait3A_3702 = arith.constant 0 : i32
    %dma_wait3A_3703 = arith.constant 0 : i32
    %dma_wait3A_3704 = tpu.memref_slice %arg6[%dma_wait3A_3702, %dma_wait3A_3703] : memref<49152x128xf32, #tpu.memory_space<hbm>> -> memref<49152x128xf32, #tpu.memory_space<hbm>>
    tpu.wait_indirect_dma semaphore(%arg20 : memref<!tpu.dma_semaphore, #tpu.memory_space<semaphore_mem>>) src(%arg12 : memref<128x128xf32, #tpu.memory_space<vmem>>) dst(%dma_wait3A_3704 : memref<49152x128xf32, #tpu.memory_space<hbm>>)
    %dma_start3A_3705 = arith.constant 896 : i32
    %dma_start3A_3706 = tpu.memref_slice %arg7[%dma_start3A_3705] : memref<1536xi32, #tpu.memory_space<vmem>> -> memref<128xi32, #tpu.memory_space<vmem>>
    %dma_start3A_3707 = arith.constant 0 : i32
    %dma_start3A_3708 = arith.constant 0 : i32
    %dma_start3A_3709 = tpu.memref_slice %arg2[%dma_start3A_3707, %dma_start3A_3708] : memref<32768x128xf32, #tpu.memory_space<hbm>> -> memref<32768x128xf32, #tpu.memory_space<hbm>>
    tpu.enqueue_indirect_dma source(%dma_start3A_3709 : memref<32768x128xf32, #tpu.memory_space<hbm>>) target(%arg10 : memref<128x128xf32, #tpu.memory_space<vmem>>) offsets(%dma_start3A_3706 : memref<128xi32, #tpu.memory_space<vmem>>) semaphore(%arg14 : memref<!tpu.dma_semaphore, #tpu.memory_space<semaphore_mem>>)
    %dma_start3A_3710 = arith.constant 896 : i32
    %dma_start3A_3711 = tpu.memref_slice %arg7[%dma_start3A_3710] : memref<1536xi32, #tpu.memory_space<vmem>> -> memref<128xi32, #tpu.memory_space<vmem>>
    %dma_start3A_3712 = arith.constant 0 : i32
    %dma_start3A_3713 = arith.constant 0 : i32
    %dma_start3A_3714 = tpu.memref_slice %arg3[%dma_start3A_3712, %dma_start3A_3713] : memref<32768x128xf32, #tpu.memory_space<hbm>> -> memref<32768x128xf32, #tpu.memory_space<hbm>>
    tpu.enqueue_indirect_dma source(%dma_start3A_3714 : memref<32768x128xf32, #tpu.memory_space<hbm>>) target(%arg12 : memref<128x128xf32, #tpu.memory_space<vmem>>) offsets(%dma_start3A_3711 : memref<128xi32, #tpu.memory_space<vmem>>) semaphore(%arg16 : memref<!tpu.dma_semaphore, #tpu.memory_space<semaphore_mem>>)
    %dma_wait3A_3715 = arith.constant 896 : i32
    %dma_wait3A_3716 = tpu.memref_slice %arg7[%dma_wait3A_3715] : memref<1536xi32, #tpu.memory_space<vmem>> -> memref<128xi32, #tpu.memory_space<vmem>>
    %dma_wait3A_3717 = arith.constant 0 : i32
    %dma_wait3A_3718 = arith.constant 0 : i32
    %dma_wait3A_3719 = tpu.memref_slice %arg2[%dma_wait3A_3717, %dma_wait3A_3718] : memref<32768x128xf32, #tpu.memory_space<hbm>> -> memref<32768x128xf32, #tpu.memory_space<hbm>>
    tpu.wait_indirect_dma semaphore(%arg14 : memref<!tpu.dma_semaphore, #tpu.memory_space<semaphore_mem>>) src(%dma_wait3A_3719 : memref<32768x128xf32, #tpu.memory_space<hbm>>) dst(%arg10 : memref<128x128xf32, #tpu.memory_space<vmem>>)
    %dma_start3A_3720 = arith.constant 7 : i32
    %dma_start3A_3721 = arith.constant 0 : i32
    %dma_start3A_3722 = tpu.memref_slice %arg8[%dma_start3A_3720, %dma_start3A_3721] : memref<12x128xi32, #tpu.memory_space<vmem>> -> memref<1x128xi32, #tpu.memory_space<vmem>>
    %dma_start3A_3723 = tpu.memref_squeeze %dma_start3A_3722 : memref<1x128xi32, #tpu.memory_space<vmem>> -> memref<128xi32, #tpu.memory_space<vmem>>
    %dma_start3A_3724 = arith.constant 0 : i32
    %dma_start3A_3725 = arith.constant 0 : i32
    %dma_start3A_3726 = tpu.memref_slice %arg5[%dma_start3A_3724, %dma_start3A_3725] : memref<49152x128xf32, #tpu.memory_space<hbm>> -> memref<49152x128xf32, #tpu.memory_space<hbm>>
    tpu.enqueue_indirect_dma source(%arg10 : memref<128x128xf32, #tpu.memory_space<vmem>>) target(%dma_start3A_3726 : memref<49152x128xf32, #tpu.memory_space<hbm>>) offsets(%dma_start3A_3723 : memref<128xi32, #tpu.memory_space<vmem>>) semaphore(%arg18 : memref<!tpu.dma_semaphore, #tpu.memory_space<semaphore_mem>>)
    %dma_wait3A_3727 = arith.constant 896 : i32
    %dma_wait3A_3728 = tpu.memref_slice %arg7[%dma_wait3A_3727] : memref<1536xi32, #tpu.memory_space<vmem>> -> memref<128xi32, #tpu.memory_space<vmem>>
    %dma_wait3A_3729 = arith.constant 0 : i32
    %dma_wait3A_3730 = arith.constant 0 : i32
    %dma_wait3A_3731 = tpu.memref_slice %arg3[%dma_wait3A_3729, %dma_wait3A_3730] : memref<32768x128xf32, #tpu.memory_space<hbm>> -> memref<32768x128xf32, #tpu.memory_space<hbm>>
    tpu.wait_indirect_dma semaphore(%arg16 : memref<!tpu.dma_semaphore, #tpu.memory_space<semaphore_mem>>) src(%dma_wait3A_3731 : memref<32768x128xf32, #tpu.memory_space<hbm>>) dst(%arg12 : memref<128x128xf32, #tpu.memory_space<vmem>>)
    %dma_start3A_3732 = arith.constant 7 : i32
    %dma_start3A_3733 = arith.constant 0 : i32
    %dma_start3A_3734 = tpu.memref_slice %arg8[%dma_start3A_3732, %dma_start3A_3733] : memref<12x128xi32, #tpu.memory_space<vmem>> -> memref<1x128xi32, #tpu.memory_space<vmem>>
    %dma_start3A_3735 = tpu.memref_squeeze %dma_start3A_3734 : memref<1x128xi32, #tpu.memory_space<vmem>> -> memref<128xi32, #tpu.memory_space<vmem>>
    %dma_start3A_3736 = arith.constant 0 : i32
    %dma_start3A_3737 = arith.constant 0 : i32
    %dma_start3A_3738 = tpu.memref_slice %arg6[%dma_start3A_3736, %dma_start3A_3737] : memref<49152x128xf32, #tpu.memory_space<hbm>> -> memref<49152x128xf32, #tpu.memory_space<hbm>>
    tpu.enqueue_indirect_dma source(%arg12 : memref<128x128xf32, #tpu.memory_space<vmem>>) target(%dma_start3A_3738 : memref<49152x128xf32, #tpu.memory_space<hbm>>) offsets(%dma_start3A_3735 : memref<128xi32, #tpu.memory_space<vmem>>) semaphore(%arg20 : memref<!tpu.dma_semaphore, #tpu.memory_space<semaphore_mem>>)
    %dma_wait3A_3739 = arith.constant 6 : i32
    %dma_wait3A_3740 = arith.constant 0 : i32
    %dma_wait3A_3741 = tpu.memref_slice %arg8[%dma_wait3A_3739, %dma_wait3A_3740] : memref<12x128xi32, #tpu.memory_space<vmem>> -> memref<1x128xi32, #tpu.memory_space<vmem>>
    %dma_wait3A_3742 = tpu.memref_squeeze %dma_wait3A_3741 : memref<1x128xi32, #tpu.memory_space<vmem>> -> memref<128xi32, #tpu.memory_space<vmem>>
    %dma_wait3A_3743 = arith.constant 0 : i32
    %dma_wait3A_3744 = arith.constant 0 : i32
    %dma_wait3A_3745 = tpu.memref_slice %arg5[%dma_wait3A_3743, %dma_wait3A_3744] : memref<49152x128xf32, #tpu.memory_space<hbm>> -> memref<49152x128xf32, #tpu.memory_space<hbm>>
    tpu.wait_indirect_dma semaphore(%arg17 : memref<!tpu.dma_semaphore, #tpu.memory_space<semaphore_mem>>) src(%arg9 : memref<128x128xf32, #tpu.memory_space<vmem>>) dst(%dma_wait3A_3745 : memref<49152x128xf32, #tpu.memory_space<hbm>>)
    %dma_wait3A_3746 = arith.constant 6 : i32
    %dma_wait3A_3747 = arith.constant 0 : i32
    %dma_wait3A_3748 = tpu.memref_slice %arg8[%dma_wait3A_3746, %dma_wait3A_3747] : memref<12x128xi32, #tpu.memory_space<vmem>> -> memref<1x128xi32, #tpu.memory_space<vmem>>
    %dma_wait3A_3749 = tpu.memref_squeeze %dma_wait3A_3748 : memref<1x128xi32, #tpu.memory_space<vmem>> -> memref<128xi32, #tpu.memory_space<vmem>>
    %dma_wait3A_3750 = arith.constant 0 : i32
    %dma_wait3A_3751 = arith.constant 0 : i32
    %dma_wait3A_3752 = tpu.memref_slice %arg6[%dma_wait3A_3750, %dma_wait3A_3751] : memref<49152x128xf32, #tpu.memory_space<hbm>> -> memref<49152x128xf32, #tpu.memory_space<hbm>>
    tpu.wait_indirect_dma semaphore(%arg19 : memref<!tpu.dma_semaphore, #tpu.memory_space<semaphore_mem>>) src(%arg11 : memref<128x128xf32, #tpu.memory_space<vmem>>) dst(%dma_wait3A_3752 : memref<49152x128xf32, #tpu.memory_space<hbm>>)
    %dma_start3A_3753 = arith.constant 1024 : i32
    %dma_start3A_3754 = tpu.memref_slice %arg7[%dma_start3A_3753] : memref<1536xi32, #tpu.memory_space<vmem>> -> memref<128xi32, #tpu.memory_space<vmem>>
    %dma_start3A_3755 = arith.constant 0 : i32
    %dma_start3A_3756 = arith.constant 0 : i32
    %dma_start3A_3757 = tpu.memref_slice %arg2[%dma_start3A_3755, %dma_start3A_3756] : memref<32768x128xf32, #tpu.memory_space<hbm>> -> memref<32768x128xf32, #tpu.memory_space<hbm>>
    tpu.enqueue_indirect_dma source(%dma_start3A_3757 : memref<32768x128xf32, #tpu.memory_space<hbm>>) target(%arg9 : memref<128x128xf32, #tpu.memory_space<vmem>>) offsets(%dma_start3A_3754 : memref<128xi32, #tpu.memory_space<vmem>>) semaphore(%arg13 : memref<!tpu.dma_semaphore, #tpu.memory_space<semaphore_mem>>)
    %dma_start3A_3758 = arith.constant 1024 : i32
    %dma_start3A_3759 = tpu.memref_slice %arg7[%dma_start3A_3758] : memref<1536xi32, #tpu.memory_space<vmem>> -> memref<128xi32, #tpu.memory_space<vmem>>
    %dma_start3A_3760 = arith.constant 0 : i32
    %dma_start3A_3761 = arith.constant 0 : i32
    %dma_start3A_3762 = tpu.memref_slice %arg3[%dma_start3A_3760, %dma_start3A_3761] : memref<32768x128xf32, #tpu.memory_space<hbm>> -> memref<32768x128xf32, #tpu.memory_space<hbm>>
    tpu.enqueue_indirect_dma source(%dma_start3A_3762 : memref<32768x128xf32, #tpu.memory_space<hbm>>) target(%arg11 : memref<128x128xf32, #tpu.memory_space<vmem>>) offsets(%dma_start3A_3759 : memref<128xi32, #tpu.memory_space<vmem>>) semaphore(%arg15 : memref<!tpu.dma_semaphore, #tpu.memory_space<semaphore_mem>>)
    %dma_wait3A_3763 = arith.constant 1024 : i32
    %dma_wait3A_3764 = tpu.memref_slice %arg7[%dma_wait3A_3763] : memref<1536xi32, #tpu.memory_space<vmem>> -> memref<128xi32, #tpu.memory_space<vmem>>
    %dma_wait3A_3765 = arith.constant 0 : i32
    %dma_wait3A_3766 = arith.constant 0 : i32
    %dma_wait3A_3767 = tpu.memref_slice %arg2[%dma_wait3A_3765, %dma_wait3A_3766] : memref<32768x128xf32, #tpu.memory_space<hbm>> -> memref<32768x128xf32, #tpu.memory_space<hbm>>
    tpu.wait_indirect_dma semaphore(%arg13 : memref<!tpu.dma_semaphore, #tpu.memory_space<semaphore_mem>>) src(%dma_wait3A_3767 : memref<32768x128xf32, #tpu.memory_space<hbm>>) dst(%arg9 : memref<128x128xf32, #tpu.memory_space<vmem>>)
    %dma_start3A_3768 = arith.constant 8 : i32
    %dma_start3A_3769 = arith.constant 0 : i32
    %dma_start3A_3770 = tpu.memref_slice %arg8[%dma_start3A_3768, %dma_start3A_3769] : memref<12x128xi32, #tpu.memory_space<vmem>> -> memref<1x128xi32, #tpu.memory_space<vmem>>
    %dma_start3A_3771 = tpu.memref_squeeze %dma_start3A_3770 : memref<1x128xi32, #tpu.memory_space<vmem>> -> memref<128xi32, #tpu.memory_space<vmem>>
    %dma_start3A_3772 = arith.constant 0 : i32
    %dma_start3A_3773 = arith.constant 0 : i32
    %dma_start3A_3774 = tpu.memref_slice %arg5[%dma_start3A_3772, %dma_start3A_3773] : memref<49152x128xf32, #tpu.memory_space<hbm>> -> memref<49152x128xf32, #tpu.memory_space<hbm>>
    tpu.enqueue_indirect_dma source(%arg9 : memref<128x128xf32, #tpu.memory_space<vmem>>) target(%dma_start3A_3774 : memref<49152x128xf32, #tpu.memory_space<hbm>>) offsets(%dma_start3A_3771 : memref<128xi32, #tpu.memory_space<vmem>>) semaphore(%arg17 : memref<!tpu.dma_semaphore, #tpu.memory_space<semaphore_mem>>)
    %dma_wait3A_3775 = arith.constant 1024 : i32
    %dma_wait3A_3776 = tpu.memref_slice %arg7[%dma_wait3A_3775] : memref<1536xi32, #tpu.memory_space<vmem>> -> memref<128xi32, #tpu.memory_space<vmem>>
    %dma_wait3A_3777 = arith.constant 0 : i32
    %dma_wait3A_3778 = arith.constant 0 : i32
    %dma_wait3A_3779 = tpu.memref_slice %arg3[%dma_wait3A_3777, %dma_wait3A_3778] : memref<32768x128xf32, #tpu.memory_space<hbm>> -> memref<32768x128xf32, #tpu.memory_space<hbm>>
    tpu.wait_indirect_dma semaphore(%arg15 : memref<!tpu.dma_semaphore, #tpu.memory_space<semaphore_mem>>) src(%dma_wait3A_3779 : memref<32768x128xf32, #tpu.memory_space<hbm>>) dst(%arg11 : memref<128x128xf32, #tpu.memory_space<vmem>>)
    %dma_start3A_3780 = arith.constant 8 : i32
    %dma_start3A_3781 = arith.constant 0 : i32
    %dma_start3A_3782 = tpu.memref_slice %arg8[%dma_start3A_3780, %dma_start3A_3781] : memref<12x128xi32, #tpu.memory_space<vmem>> -> memref<1x128xi32, #tpu.memory_space<vmem>>
    %dma_start3A_3783 = tpu.memref_squeeze %dma_start3A_3782 : memref<1x128xi32, #tpu.memory_space<vmem>> -> memref<128xi32, #tpu.memory_space<vmem>>
    %dma_start3A_3784 = arith.constant 0 : i32
    %dma_start3A_3785 = arith.constant 0 : i32
    %dma_start3A_3786 = tpu.memref_slice %arg6[%dma_start3A_3784, %dma_start3A_3785] : memref<49152x128xf32, #tpu.memory_space<hbm>> -> memref<49152x128xf32, #tpu.memory_space<hbm>>
    tpu.enqueue_indirect_dma source(%arg11 : memref<128x128xf32, #tpu.memory_space<vmem>>) target(%dma_start3A_3786 : memref<49152x128xf32, #tpu.memory_space<hbm>>) offsets(%dma_start3A_3783 : memref<128xi32, #tpu.memory_space<vmem>>) semaphore(%arg19 : memref<!tpu.dma_semaphore, #tpu.memory_space<semaphore_mem>>)
    %dma_wait3A_3787 = arith.constant 7 : i32
    %dma_wait3A_3788 = arith.constant 0 : i32
    %dma_wait3A_3789 = tpu.memref_slice %arg8[%dma_wait3A_3787, %dma_wait3A_3788] : memref<12x128xi32, #tpu.memory_space<vmem>> -> memref<1x128xi32, #tpu.memory_space<vmem>>
    %dma_wait3A_3790 = tpu.memref_squeeze %dma_wait3A_3789 : memref<1x128xi32, #tpu.memory_space<vmem>> -> memref<128xi32, #tpu.memory_space<vmem>>
    %dma_wait3A_3791 = arith.constant 0 : i32
    %dma_wait3A_3792 = arith.constant 0 : i32
    %dma_wait3A_3793 = tpu.memref_slice %arg5[%dma_wait3A_3791, %dma_wait3A_3792] : memref<49152x128xf32, #tpu.memory_space<hbm>> -> memref<49152x128xf32, #tpu.memory_space<hbm>>
    tpu.wait_indirect_dma semaphore(%arg18 : memref<!tpu.dma_semaphore, #tpu.memory_space<semaphore_mem>>) src(%arg10 : memref<128x128xf32, #tpu.memory_space<vmem>>) dst(%dma_wait3A_3793 : memref<49152x128xf32, #tpu.memory_space<hbm>>)
    %dma_wait3A_3794 = arith.constant 7 : i32
    %dma_wait3A_3795 = arith.constant 0 : i32
    %dma_wait3A_3796 = tpu.memref_slice %arg8[%dma_wait3A_3794, %dma_wait3A_3795] : memref<12x128xi32, #tpu.memory_space<vmem>> -> memref<1x128xi32, #tpu.memory_space<vmem>>
    %dma_wait3A_3797 = tpu.memref_squeeze %dma_wait3A_3796 : memref<1x128xi32, #tpu.memory_space<vmem>> -> memref<128xi32, #tpu.memory_space<vmem>>
    %dma_wait3A_3798 = arith.constant 0 : i32
    %dma_wait3A_3799 = arith.constant 0 : i32
    %dma_wait3A_3800 = tpu.memref_slice %arg6[%dma_wait3A_3798, %dma_wait3A_3799] : memref<49152x128xf32, #tpu.memory_space<hbm>> -> memref<49152x128xf32, #tpu.memory_space<hbm>>
    tpu.wait_indirect_dma semaphore(%arg20 : memref<!tpu.dma_semaphore, #tpu.memory_space<semaphore_mem>>) src(%arg12 : memref<128x128xf32, #tpu.memory_space<vmem>>) dst(%dma_wait3A_3800 : memref<49152x128xf32, #tpu.memory_space<hbm>>)
    %dma_start3A_3801 = arith.constant 1152 : i32
    %dma_start3A_3802 = tpu.memref_slice %arg7[%dma_start3A_3801] : memref<1536xi32, #tpu.memory_space<vmem>> -> memref<128xi32, #tpu.memory_space<vmem>>
    %dma_start3A_3803 = arith.constant 0 : i32
    %dma_start3A_3804 = arith.constant 0 : i32
    %dma_start3A_3805 = tpu.memref_slice %arg2[%dma_start3A_3803, %dma_start3A_3804] : memref<32768x128xf32, #tpu.memory_space<hbm>> -> memref<32768x128xf32, #tpu.memory_space<hbm>>
    tpu.enqueue_indirect_dma source(%dma_start3A_3805 : memref<32768x128xf32, #tpu.memory_space<hbm>>) target(%arg10 : memref<128x128xf32, #tpu.memory_space<vmem>>) offsets(%dma_start3A_3802 : memref<128xi32, #tpu.memory_space<vmem>>) semaphore(%arg14 : memref<!tpu.dma_semaphore, #tpu.memory_space<semaphore_mem>>)
    %dma_start3A_3806 = arith.constant 1152 : i32
    %dma_start3A_3807 = tpu.memref_slice %arg7[%dma_start3A_3806] : memref<1536xi32, #tpu.memory_space<vmem>> -> memref<128xi32, #tpu.memory_space<vmem>>
    %dma_start3A_3808 = arith.constant 0 : i32
    %dma_start3A_3809 = arith.constant 0 : i32
    %dma_start3A_3810 = tpu.memref_slice %arg3[%dma_start3A_3808, %dma_start3A_3809] : memref<32768x128xf32, #tpu.memory_space<hbm>> -> memref<32768x128xf32, #tpu.memory_space<hbm>>
    tpu.enqueue_indirect_dma source(%dma_start3A_3810 : memref<32768x128xf32, #tpu.memory_space<hbm>>) target(%arg12 : memref<128x128xf32, #tpu.memory_space<vmem>>) offsets(%dma_start3A_3807 : memref<128xi32, #tpu.memory_space<vmem>>) semaphore(%arg16 : memref<!tpu.dma_semaphore, #tpu.memory_space<semaphore_mem>>)
    %dma_wait3A_3811 = arith.constant 1152 : i32
    %dma_wait3A_3812 = tpu.memref_slice %arg7[%dma_wait3A_3811] : memref<1536xi32, #tpu.memory_space<vmem>> -> memref<128xi32, #tpu.memory_space<vmem>>
    %dma_wait3A_3813 = arith.constant 0 : i32
    %dma_wait3A_3814 = arith.constant 0 : i32
    %dma_wait3A_3815 = tpu.memref_slice %arg2[%dma_wait3A_3813, %dma_wait3A_3814] : memref<32768x128xf32, #tpu.memory_space<hbm>> -> memref<32768x128xf32, #tpu.memory_space<hbm>>
    tpu.wait_indirect_dma semaphore(%arg14 : memref<!tpu.dma_semaphore, #tpu.memory_space<semaphore_mem>>) src(%dma_wait3A_3815 : memref<32768x128xf32, #tpu.memory_space<hbm>>) dst(%arg10 : memref<128x128xf32, #tpu.memory_space<vmem>>)
    %dma_start3A_3816 = arith.constant 9 : i32
    %dma_start3A_3817 = arith.constant 0 : i32
    %dma_start3A_3818 = tpu.memref_slice %arg8[%dma_start3A_3816, %dma_start3A_3817] : memref<12x128xi32, #tpu.memory_space<vmem>> -> memref<1x128xi32, #tpu.memory_space<vmem>>
    %dma_start3A_3819 = tpu.memref_squeeze %dma_start3A_3818 : memref<1x128xi32, #tpu.memory_space<vmem>> -> memref<128xi32, #tpu.memory_space<vmem>>
    %dma_start3A_3820 = arith.constant 0 : i32
    %dma_start3A_3821 = arith.constant 0 : i32
    %dma_start3A_3822 = tpu.memref_slice %arg5[%dma_start3A_3820, %dma_start3A_3821] : memref<49152x128xf32, #tpu.memory_space<hbm>> -> memref<49152x128xf32, #tpu.memory_space<hbm>>
    tpu.enqueue_indirect_dma source(%arg10 : memref<128x128xf32, #tpu.memory_space<vmem>>) target(%dma_start3A_3822 : memref<49152x128xf32, #tpu.memory_space<hbm>>) offsets(%dma_start3A_3819 : memref<128xi32, #tpu.memory_space<vmem>>) semaphore(%arg18 : memref<!tpu.dma_semaphore, #tpu.memory_space<semaphore_mem>>)
    %dma_wait3A_3823 = arith.constant 1152 : i32
    %dma_wait3A_3824 = tpu.memref_slice %arg7[%dma_wait3A_3823] : memref<1536xi32, #tpu.memory_space<vmem>> -> memref<128xi32, #tpu.memory_space<vmem>>
    %dma_wait3A_3825 = arith.constant 0 : i32
    %dma_wait3A_3826 = arith.constant 0 : i32
    %dma_wait3A_3827 = tpu.memref_slice %arg3[%dma_wait3A_3825, %dma_wait3A_3826] : memref<32768x128xf32, #tpu.memory_space<hbm>> -> memref<32768x128xf32, #tpu.memory_space<hbm>>
    tpu.wait_indirect_dma semaphore(%arg16 : memref<!tpu.dma_semaphore, #tpu.memory_space<semaphore_mem>>) src(%dma_wait3A_3827 : memref<32768x128xf32, #tpu.memory_space<hbm>>) dst(%arg12 : memref<128x128xf32, #tpu.memory_space<vmem>>)
    %dma_start3A_3828 = arith.constant 9 : i32
    %dma_start3A_3829 = arith.constant 0 : i32
    %dma_start3A_3830 = tpu.memref_slice %arg8[%dma_start3A_3828, %dma_start3A_3829] : memref<12x128xi32, #tpu.memory_space<vmem>> -> memref<1x128xi32, #tpu.memory_space<vmem>>
    %dma_start3A_3831 = tpu.memref_squeeze %dma_start3A_3830 : memref<1x128xi32, #tpu.memory_space<vmem>> -> memref<128xi32, #tpu.memory_space<vmem>>
    %dma_start3A_3832 = arith.constant 0 : i32
    %dma_start3A_3833 = arith.constant 0 : i32
    %dma_start3A_3834 = tpu.memref_slice %arg6[%dma_start3A_3832, %dma_start3A_3833] : memref<49152x128xf32, #tpu.memory_space<hbm>> -> memref<49152x128xf32, #tpu.memory_space<hbm>>
    tpu.enqueue_indirect_dma source(%arg12 : memref<128x128xf32, #tpu.memory_space<vmem>>) target(%dma_start3A_3834 : memref<49152x128xf32, #tpu.memory_space<hbm>>) offsets(%dma_start3A_3831 : memref<128xi32, #tpu.memory_space<vmem>>) semaphore(%arg20 : memref<!tpu.dma_semaphore, #tpu.memory_space<semaphore_mem>>)
    %dma_wait3A_3835 = arith.constant 8 : i32
    %dma_wait3A_3836 = arith.constant 0 : i32
    %dma_wait3A_3837 = tpu.memref_slice %arg8[%dma_wait3A_3835, %dma_wait3A_3836] : memref<12x128xi32, #tpu.memory_space<vmem>> -> memref<1x128xi32, #tpu.memory_space<vmem>>
    %dma_wait3A_3838 = tpu.memref_squeeze %dma_wait3A_3837 : memref<1x128xi32, #tpu.memory_space<vmem>> -> memref<128xi32, #tpu.memory_space<vmem>>
    %dma_wait3A_3839 = arith.constant 0 : i32
    %dma_wait3A_3840 = arith.constant 0 : i32
    %dma_wait3A_3841 = tpu.memref_slice %arg5[%dma_wait3A_3839, %dma_wait3A_3840] : memref<49152x128xf32, #tpu.memory_space<hbm>> -> memref<49152x128xf32, #tpu.memory_space<hbm>>
    tpu.wait_indirect_dma semaphore(%arg17 : memref<!tpu.dma_semaphore, #tpu.memory_space<semaphore_mem>>) src(%arg9 : memref<128x128xf32, #tpu.memory_space<vmem>>) dst(%dma_wait3A_3841 : memref<49152x128xf32, #tpu.memory_space<hbm>>)
    %dma_wait3A_3842 = arith.constant 8 : i32
    %dma_wait3A_3843 = arith.constant 0 : i32
    %dma_wait3A_3844 = tpu.memref_slice %arg8[%dma_wait3A_3842, %dma_wait3A_3843] : memref<12x128xi32, #tpu.memory_space<vmem>> -> memref<1x128xi32, #tpu.memory_space<vmem>>
    %dma_wait3A_3845 = tpu.memref_squeeze %dma_wait3A_3844 : memref<1x128xi32, #tpu.memory_space<vmem>> -> memref<128xi32, #tpu.memory_space<vmem>>
    %dma_wait3A_3846 = arith.constant 0 : i32
    %dma_wait3A_3847 = arith.constant 0 : i32
    %dma_wait3A_3848 = tpu.memref_slice %arg6[%dma_wait3A_3846, %dma_wait3A_3847] : memref<49152x128xf32, #tpu.memory_space<hbm>> -> memref<49152x128xf32, #tpu.memory_space<hbm>>
    tpu.wait_indirect_dma semaphore(%arg19 : memref<!tpu.dma_semaphore, #tpu.memory_space<semaphore_mem>>) src(%arg11 : memref<128x128xf32, #tpu.memory_space<vmem>>) dst(%dma_wait3A_3848 : memref<49152x128xf32, #tpu.memory_space<hbm>>)
    %dma_start3A_3849 = arith.constant 1280 : i32
    %dma_start3A_3850 = tpu.memref_slice %arg7[%dma_start3A_3849] : memref<1536xi32, #tpu.memory_space<vmem>> -> memref<128xi32, #tpu.memory_space<vmem>>
    %dma_start3A_3851 = arith.constant 0 : i32
    %dma_start3A_3852 = arith.constant 0 : i32
    %dma_start3A_3853 = tpu.memref_slice %arg2[%dma_start3A_3851, %dma_start3A_3852] : memref<32768x128xf32, #tpu.memory_space<hbm>> -> memref<32768x128xf32, #tpu.memory_space<hbm>>
    tpu.enqueue_indirect_dma source(%dma_start3A_3853 : memref<32768x128xf32, #tpu.memory_space<hbm>>) target(%arg9 : memref<128x128xf32, #tpu.memory_space<vmem>>) offsets(%dma_start3A_3850 : memref<128xi32, #tpu.memory_space<vmem>>) semaphore(%arg13 : memref<!tpu.dma_semaphore, #tpu.memory_space<semaphore_mem>>)
    %dma_start3A_3854 = arith.constant 1280 : i32
    %dma_start3A_3855 = tpu.memref_slice %arg7[%dma_start3A_3854] : memref<1536xi32, #tpu.memory_space<vmem>> -> memref<128xi32, #tpu.memory_space<vmem>>
    %dma_start3A_3856 = arith.constant 0 : i32
    %dma_start3A_3857 = arith.constant 0 : i32
    %dma_start3A_3858 = tpu.memref_slice %arg3[%dma_start3A_3856, %dma_start3A_3857] : memref<32768x128xf32, #tpu.memory_space<hbm>> -> memref<32768x128xf32, #tpu.memory_space<hbm>>
    tpu.enqueue_indirect_dma source(%dma_start3A_3858 : memref<32768x128xf32, #tpu.memory_space<hbm>>) target(%arg11 : memref<128x128xf32, #tpu.memory_space<vmem>>) offsets(%dma_start3A_3855 : memref<128xi32, #tpu.memory_space<vmem>>) semaphore(%arg15 : memref<!tpu.dma_semaphore, #tpu.memory_space<semaphore_mem>>)
    %dma_wait3A_3859 = arith.constant 1280 : i32
    %dma_wait3A_3860 = tpu.memref_slice %arg7[%dma_wait3A_3859] : memref<1536xi32, #tpu.memory_space<vmem>> -> memref<128xi32, #tpu.memory_space<vmem>>
    %dma_wait3A_3861 = arith.constant 0 : i32
    %dma_wait3A_3862 = arith.constant 0 : i32
    %dma_wait3A_3863 = tpu.memref_slice %arg2[%dma_wait3A_3861, %dma_wait3A_3862] : memref<32768x128xf32, #tpu.memory_space<hbm>> -> memref<32768x128xf32, #tpu.memory_space<hbm>>
    tpu.wait_indirect_dma semaphore(%arg13 : memref<!tpu.dma_semaphore, #tpu.memory_space<semaphore_mem>>) src(%dma_wait3A_3863 : memref<32768x128xf32, #tpu.memory_space<hbm>>) dst(%arg9 : memref<128x128xf32, #tpu.memory_space<vmem>>)
    %dma_start3A_3864 = arith.constant 10 : i32
    %dma_start3A_3865 = arith.constant 0 : i32
    %dma_start3A_3866 = tpu.memref_slice %arg8[%dma_start3A_3864, %dma_start3A_3865] : memref<12x128xi32, #tpu.memory_space<vmem>> -> memref<1x128xi32, #tpu.memory_space<vmem>>
    %dma_start3A_3867 = tpu.memref_squeeze %dma_start3A_3866 : memref<1x128xi32, #tpu.memory_space<vmem>> -> memref<128xi32, #tpu.memory_space<vmem>>
    %dma_start3A_3868 = arith.constant 0 : i32
    %dma_start3A_3869 = arith.constant 0 : i32
    %dma_start3A_3870 = tpu.memref_slice %arg5[%dma_start3A_3868, %dma_start3A_3869] : memref<49152x128xf32, #tpu.memory_space<hbm>> -> memref<49152x128xf32, #tpu.memory_space<hbm>>
    tpu.enqueue_indirect_dma source(%arg9 : memref<128x128xf32, #tpu.memory_space<vmem>>) target(%dma_start3A_3870 : memref<49152x128xf32, #tpu.memory_space<hbm>>) offsets(%dma_start3A_3867 : memref<128xi32, #tpu.memory_space<vmem>>) semaphore(%arg17 : memref<!tpu.dma_semaphore, #tpu.memory_space<semaphore_mem>>)
    %dma_wait3A_3871 = arith.constant 1280 : i32
    %dma_wait3A_3872 = tpu.memref_slice %arg7[%dma_wait3A_3871] : memref<1536xi32, #tpu.memory_space<vmem>> -> memref<128xi32, #tpu.memory_space<vmem>>
    %dma_wait3A_3873 = arith.constant 0 : i32
    %dma_wait3A_3874 = arith.constant 0 : i32
    %dma_wait3A_3875 = tpu.memref_slice %arg3[%dma_wait3A_3873, %dma_wait3A_3874] : memref<32768x128xf32, #tpu.memory_space<hbm>> -> memref<32768x128xf32, #tpu.memory_space<hbm>>
    tpu.wait_indirect_dma semaphore(%arg15 : memref<!tpu.dma_semaphore, #tpu.memory_space<semaphore_mem>>) src(%dma_wait3A_3875 : memref<32768x128xf32, #tpu.memory_space<hbm>>) dst(%arg11 : memref<128x128xf32, #tpu.memory_space<vmem>>)
    %dma_start3A_3876 = arith.constant 10 : i32
    %dma_start3A_3877 = arith.constant 0 : i32
    %dma_start3A_3878 = tpu.memref_slice %arg8[%dma_start3A_3876, %dma_start3A_3877] : memref<12x128xi32, #tpu.memory_space<vmem>> -> memref<1x128xi32, #tpu.memory_space<vmem>>
    %dma_start3A_3879 = tpu.memref_squeeze %dma_start3A_3878 : memref<1x128xi32, #tpu.memory_space<vmem>> -> memref<128xi32, #tpu.memory_space<vmem>>
    %dma_start3A_3880 = arith.constant 0 : i32
    %dma_start3A_3881 = arith.constant 0 : i32
    %dma_start3A_3882 = tpu.memref_slice %arg6[%dma_start3A_3880, %dma_start3A_3881] : memref<49152x128xf32, #tpu.memory_space<hbm>> -> memref<49152x128xf32, #tpu.memory_space<hbm>>
    tpu.enqueue_indirect_dma source(%arg11 : memref<128x128xf32, #tpu.memory_space<vmem>>) target(%dma_start3A_3882 : memref<49152x128xf32, #tpu.memory_space<hbm>>) offsets(%dma_start3A_3879 : memref<128xi32, #tpu.memory_space<vmem>>) semaphore(%arg19 : memref<!tpu.dma_semaphore, #tpu.memory_space<semaphore_mem>>)
    %dma_wait3A_3883 = arith.constant 9 : i32
    %dma_wait3A_3884 = arith.constant 0 : i32
    %dma_wait3A_3885 = tpu.memref_slice %arg8[%dma_wait3A_3883, %dma_wait3A_3884] : memref<12x128xi32, #tpu.memory_space<vmem>> -> memref<1x128xi32, #tpu.memory_space<vmem>>
    %dma_wait3A_3886 = tpu.memref_squeeze %dma_wait3A_3885 : memref<1x128xi32, #tpu.memory_space<vmem>> -> memref<128xi32, #tpu.memory_space<vmem>>
    %dma_wait3A_3887 = arith.constant 0 : i32
    %dma_wait3A_3888 = arith.constant 0 : i32
    %dma_wait3A_3889 = tpu.memref_slice %arg5[%dma_wait3A_3887, %dma_wait3A_3888] : memref<49152x128xf32, #tpu.memory_space<hbm>> -> memref<49152x128xf32, #tpu.memory_space<hbm>>
    tpu.wait_indirect_dma semaphore(%arg18 : memref<!tpu.dma_semaphore, #tpu.memory_space<semaphore_mem>>) src(%arg10 : memref<128x128xf32, #tpu.memory_space<vmem>>) dst(%dma_wait3A_3889 : memref<49152x128xf32, #tpu.memory_space<hbm>>)
    %dma_wait3A_3890 = arith.constant 9 : i32
    %dma_wait3A_3891 = arith.constant 0 : i32
    %dma_wait3A_3892 = tpu.memref_slice %arg8[%dma_wait3A_3890, %dma_wait3A_3891] : memref<12x128xi32, #tpu.memory_space<vmem>> -> memref<1x128xi32, #tpu.memory_space<vmem>>
    %dma_wait3A_3893 = tpu.memref_squeeze %dma_wait3A_3892 : memref<1x128xi32, #tpu.memory_space<vmem>> -> memref<128xi32, #tpu.memory_space<vmem>>
    %dma_wait3A_3894 = arith.constant 0 : i32
    %dma_wait3A_3895 = arith.constant 0 : i32
    %dma_wait3A_3896 = tpu.memref_slice %arg6[%dma_wait3A_3894, %dma_wait3A_3895] : memref<49152x128xf32, #tpu.memory_space<hbm>> -> memref<49152x128xf32, #tpu.memory_space<hbm>>
    tpu.wait_indirect_dma semaphore(%arg20 : memref<!tpu.dma_semaphore, #tpu.memory_space<semaphore_mem>>) src(%arg12 : memref<128x128xf32, #tpu.memory_space<vmem>>) dst(%dma_wait3A_3896 : memref<49152x128xf32, #tpu.memory_space<hbm>>)
    %dma_start3A_3897 = arith.constant 1408 : i32
    %dma_start3A_3898 = tpu.memref_slice %arg7[%dma_start3A_3897] : memref<1536xi32, #tpu.memory_space<vmem>> -> memref<128xi32, #tpu.memory_space<vmem>>
    %dma_start3A_3899 = arith.constant 0 : i32
    %dma_start3A_3900 = arith.constant 0 : i32
    %dma_start3A_3901 = tpu.memref_slice %arg2[%dma_start3A_3899, %dma_start3A_3900] : memref<32768x128xf32, #tpu.memory_space<hbm>> -> memref<32768x128xf32, #tpu.memory_space<hbm>>
    tpu.enqueue_indirect_dma source(%dma_start3A_3901 : memref<32768x128xf32, #tpu.memory_space<hbm>>) target(%arg10 : memref<128x128xf32, #tpu.memory_space<vmem>>) offsets(%dma_start3A_3898 : memref<128xi32, #tpu.memory_space<vmem>>) semaphore(%arg14 : memref<!tpu.dma_semaphore, #tpu.memory_space<semaphore_mem>>)
    %dma_start3A_3902 = arith.constant 1408 : i32
    %dma_start3A_3903 = tpu.memref_slice %arg7[%dma_start3A_3902] : memref<1536xi32, #tpu.memory_space<vmem>> -> memref<128xi32, #tpu.memory_space<vmem>>
    %dma_start3A_3904 = arith.constant 0 : i32
    %dma_start3A_3905 = arith.constant 0 : i32
    %dma_start3A_3906 = tpu.memref_slice %arg3[%dma_start3A_3904, %dma_start3A_3905] : memref<32768x128xf32, #tpu.memory_space<hbm>> -> memref<32768x128xf32, #tpu.memory_space<hbm>>
    tpu.enqueue_indirect_dma source(%dma_start3A_3906 : memref<32768x128xf32, #tpu.memory_space<hbm>>) target(%arg12 : memref<128x128xf32, #tpu.memory_space<vmem>>) offsets(%dma_start3A_3903 : memref<128xi32, #tpu.memory_space<vmem>>) semaphore(%arg16 : memref<!tpu.dma_semaphore, #tpu.memory_space<semaphore_mem>>)
    %dma_wait3A_3907 = arith.constant 1408 : i32
    %dma_wait3A_3908 = tpu.memref_slice %arg7[%dma_wait3A_3907] : memref<1536xi32, #tpu.memory_space<vmem>> -> memref<128xi32, #tpu.memory_space<vmem>>
    %dma_wait3A_3909 = arith.constant 0 : i32
    %dma_wait3A_3910 = arith.constant 0 : i32
    %dma_wait3A_3911 = tpu.memref_slice %arg2[%dma_wait3A_3909, %dma_wait3A_3910] : memref<32768x128xf32, #tpu.memory_space<hbm>> -> memref<32768x128xf32, #tpu.memory_space<hbm>>
    tpu.wait_indirect_dma semaphore(%arg14 : memref<!tpu.dma_semaphore, #tpu.memory_space<semaphore_mem>>) src(%dma_wait3A_3911 : memref<32768x128xf32, #tpu.memory_space<hbm>>) dst(%arg10 : memref<128x128xf32, #tpu.memory_space<vmem>>)
    %dma_start3A_3912 = arith.constant 11 : i32
    %dma_start3A_3913 = arith.constant 0 : i32
    %dma_start3A_3914 = tpu.memref_slice %arg8[%dma_start3A_3912, %dma_start3A_3913] : memref<12x128xi32, #tpu.memory_space<vmem>> -> memref<1x128xi32, #tpu.memory_space<vmem>>
    %dma_start3A_3915 = tpu.memref_squeeze %dma_start3A_3914 : memref<1x128xi32, #tpu.memory_space<vmem>> -> memref<128xi32, #tpu.memory_space<vmem>>
    %dma_start3A_3916 = arith.constant 0 : i32
    %dma_start3A_3917 = arith.constant 0 : i32
    %dma_start3A_3918 = tpu.memref_slice %arg5[%dma_start3A_3916, %dma_start3A_3917] : memref<49152x128xf32, #tpu.memory_space<hbm>> -> memref<49152x128xf32, #tpu.memory_space<hbm>>
    tpu.enqueue_indirect_dma source(%arg10 : memref<128x128xf32, #tpu.memory_space<vmem>>) target(%dma_start3A_3918 : memref<49152x128xf32, #tpu.memory_space<hbm>>) offsets(%dma_start3A_3915 : memref<128xi32, #tpu.memory_space<vmem>>) semaphore(%arg18 : memref<!tpu.dma_semaphore, #tpu.memory_space<semaphore_mem>>)
    %dma_wait3A_3919 = arith.constant 1408 : i32
    %dma_wait3A_3920 = tpu.memref_slice %arg7[%dma_wait3A_3919] : memref<1536xi32, #tpu.memory_space<vmem>> -> memref<128xi32, #tpu.memory_space<vmem>>
    %dma_wait3A_3921 = arith.constant 0 : i32
    %dma_wait3A_3922 = arith.constant 0 : i32
    %dma_wait3A_3923 = tpu.memref_slice %arg3[%dma_wait3A_3921, %dma_wait3A_3922] : memref<32768x128xf32, #tpu.memory_space<hbm>> -> memref<32768x128xf32, #tpu.memory_space<hbm>>
    tpu.wait_indirect_dma semaphore(%arg16 : memref<!tpu.dma_semaphore, #tpu.memory_space<semaphore_mem>>) src(%dma_wait3A_3923 : memref<32768x128xf32, #tpu.memory_space<hbm>>) dst(%arg12 : memref<128x128xf32, #tpu.memory_space<vmem>>)
    %dma_start3A_3924 = arith.constant 11 : i32
    %dma_start3A_3925 = arith.constant 0 : i32
    %dma_start3A_3926 = tpu.memref_slice %arg8[%dma_start3A_3924, %dma_start3A_3925] : memref<12x128xi32, #tpu.memory_space<vmem>> -> memref<1x128xi32, #tpu.memory_space<vmem>>
    %dma_start3A_3927 = tpu.memref_squeeze %dma_start3A_3926 : memref<1x128xi32, #tpu.memory_space<vmem>> -> memref<128xi32, #tpu.memory_space<vmem>>
    %dma_start3A_3928 = arith.constant 0 : i32
    %dma_start3A_3929 = arith.constant 0 : i32
    %dma_start3A_3930 = tpu.memref_slice %arg6[%dma_start3A_3928, %dma_start3A_3929] : memref<49152x128xf32, #tpu.memory_space<hbm>> -> memref<49152x128xf32, #tpu.memory_space<hbm>>
    tpu.enqueue_indirect_dma source(%arg12 : memref<128x128xf32, #tpu.memory_space<vmem>>) target(%dma_start3A_3930 : memref<49152x128xf32, #tpu.memory_space<hbm>>) offsets(%dma_start3A_3927 : memref<128xi32, #tpu.memory_space<vmem>>) semaphore(%arg20 : memref<!tpu.dma_semaphore, #tpu.memory_space<semaphore_mem>>)
    %dma_wait3A_3931 = arith.constant 10 : i32
    %dma_wait3A_3932 = arith.constant 0 : i32
    %dma_wait3A_3933 = tpu.memref_slice %arg8[%dma_wait3A_3931, %dma_wait3A_3932] : memref<12x128xi32, #tpu.memory_space<vmem>> -> memref<1x128xi32, #tpu.memory_space<vmem>>
    %dma_wait3A_3934 = tpu.memref_squeeze %dma_wait3A_3933 : memref<1x128xi32, #tpu.memory_space<vmem>> -> memref<128xi32, #tpu.memory_space<vmem>>
    %dma_wait3A_3935 = arith.constant 0 : i32
    %dma_wait3A_3936 = arith.constant 0 : i32
    %dma_wait3A_3937 = tpu.memref_slice %arg5[%dma_wait3A_3935, %dma_wait3A_3936] : memref<49152x128xf32, #tpu.memory_space<hbm>> -> memref<49152x128xf32, #tpu.memory_space<hbm>>
    tpu.wait_indirect_dma semaphore(%arg17 : memref<!tpu.dma_semaphore, #tpu.memory_space<semaphore_mem>>) src(%arg9 : memref<128x128xf32, #tpu.memory_space<vmem>>) dst(%dma_wait3A_3937 : memref<49152x128xf32, #tpu.memory_space<hbm>>)
    %dma_wait3A_3938 = arith.constant 10 : i32
    %dma_wait3A_3939 = arith.constant 0 : i32
    %dma_wait3A_3940 = tpu.memref_slice %arg8[%dma_wait3A_3938, %dma_wait3A_3939] : memref<12x128xi32, #tpu.memory_space<vmem>> -> memref<1x128xi32, #tpu.memory_space<vmem>>
    %dma_wait3A_3941 = tpu.memref_squeeze %dma_wait3A_3940 : memref<1x128xi32, #tpu.memory_space<vmem>> -> memref<128xi32, #tpu.memory_space<vmem>>
    %dma_wait3A_3942 = arith.constant 0 : i32
    %dma_wait3A_3943 = arith.constant 0 : i32
    %dma_wait3A_3944 = tpu.memref_slice %arg6[%dma_wait3A_3942, %dma_wait3A_3943] : memref<49152x128xf32, #tpu.memory_space<hbm>> -> memref<49152x128xf32, #tpu.memory_space<hbm>>
    tpu.wait_indirect_dma semaphore(%arg19 : memref<!tpu.dma_semaphore, #tpu.memory_space<semaphore_mem>>) src(%arg11 : memref<128x128xf32, #tpu.memory_space<vmem>>) dst(%dma_wait3A_3944 : memref<49152x128xf32, #tpu.memory_space<hbm>>)
    %dma_wait3A_3945 = arith.constant 11 : i32
    %dma_wait3A_3946 = arith.constant 0 : i32
    %dma_wait3A_3947 = tpu.memref_slice %arg8[%dma_wait3A_3945, %dma_wait3A_3946] : memref<12x128xi32, #tpu.memory_space<vmem>> -> memref<1x128xi32, #tpu.memory_space<vmem>>
    %dma_wait3A_3948 = tpu.memref_squeeze %dma_wait3A_3947 : memref<1x128xi32, #tpu.memory_space<vmem>> -> memref<128xi32, #tpu.memory_space<vmem>>
    %dma_wait3A_3949 = arith.constant 0 : i32
    %dma_wait3A_3950 = arith.constant 0 : i32
    %dma_wait3A_3951 = tpu.memref_slice %arg5[%dma_wait3A_3949, %dma_wait3A_3950] : memref<49152x128xf32, #tpu.memory_space<hbm>> -> memref<49152x128xf32, #tpu.memory_space<hbm>>
    tpu.wait_indirect_dma semaphore(%arg18 : memref<!tpu.dma_semaphore, #tpu.memory_space<semaphore_mem>>) src(%arg10 : memref<128x128xf32, #tpu.memory_space<vmem>>) dst(%dma_wait3A_3951 : memref<49152x128xf32, #tpu.memory_space<hbm>>)
    %dma_wait3A_3952 = arith.constant 11 : i32
    %dma_wait3A_3953 = arith.constant 0 : i32
    %dma_wait3A_3954 = tpu.memref_slice %arg8[%dma_wait3A_3952, %dma_wait3A_3953] : memref<12x128xi32, #tpu.memory_space<vmem>> -> memref<1x128xi32, #tpu.memory_space<vmem>>
    %dma_wait3A_3955 = tpu.memref_squeeze %dma_wait3A_3954 : memref<1x128xi32, #tpu.memory_space<vmem>> -> memref<128xi32, #tpu.memory_space<vmem>>
    %dma_wait3A_3956 = arith.constant 0 : i32
    %dma_wait3A_3957 = arith.constant 0 : i32
    %dma_wait3A_3958 = tpu.memref_slice %arg6[%dma_wait3A_3956, %dma_wait3A_3957] : memref<49152x128xf32, #tpu.memory_space<hbm>> -> memref<49152x128xf32, #tpu.memory_space<hbm>>
    tpu.wait_indirect_dma semaphore(%arg20 : memref<!tpu.dma_semaphore, #tpu.memory_space<semaphore_mem>>) src(%arg12 : memref<128x128xf32, #tpu.memory_space<vmem>>) dst(%dma_wait3A_3958 : memref<49152x128xf32, #tpu.memory_space<hbm>>)
    return
  }
}

module attributes {stable_mosaic.version = 14 : i64} {
  func.func @_tc_body(%arg0: i32, %arg1: memref<256x2048xf32, #tpu.memory_space<vmem>>, %arg2: memref<1x2048xf32, #tpu.memory_space<vmem>>, %arg3: memref<1x1xf32, #tpu.memory_space<vmem>>, %arg4: memref<2048x512xf32, #tpu.memory_space<vmem>>, %arg5: memref<1x512xf32, #tpu.memory_space<vmem>>, %arg6: memref<512x128xf32, #tpu.memory_space<vmem>>, %arg7: memref<1x128xf32, #tpu.memory_space<vmem>>, %arg8: memref<256x2048xf32, #tpu.memory_space<vmem>>, %arg9: memref<256x128xf32, #tpu.memory_space<vmem>>, %arg10: memref<256x1xi32, #tpu.memory_space<vmem>>, %arg11: memref<256x3xi32, #tpu.memory_space<vmem>>, %arg12: memref<256x3xi32, #tpu.memory_space<vmem>>) attributes {dimension_semantics = [#tpu.dimension_semantics<arbitrary>], iteration_bounds = array<i64: 64>, scalar_prefetch = 0 : i64, scratch_operands = 0 : i64, tpu.core_type = #tpu.core_type<tc>, window_params = [{transform_indices = @transform_0, window_bounds = array<i64: 256, 2048>}, {pipeline_mode = #tpu.pipeline_mode<synchronous>, transform_indices = @transform_1, window_bounds = array<i64: 1, 2048>}, {pipeline_mode = #tpu.pipeline_mode<synchronous>, transform_indices = @transform_2, window_bounds = array<i64: 1, 1>}, {pipeline_mode = #tpu.pipeline_mode<synchronous>, transform_indices = @transform_3, window_bounds = array<i64: 2048, 512>}, {pipeline_mode = #tpu.pipeline_mode<synchronous>, transform_indices = @transform_4, window_bounds = array<i64: 1, 512>}, {pipeline_mode = #tpu.pipeline_mode<synchronous>, transform_indices = @transform_5, window_bounds = array<i64: 512, 128>}, {pipeline_mode = #tpu.pipeline_mode<synchronous>, transform_indices = @transform_6, window_bounds = array<i64: 1, 128>}, {transform_indices = @transform_7, window_bounds = array<i64: 256, 2048>}, {transform_indices = @transform_8, window_bounds = array<i64: 256, 128>}, {transform_indices = @transform_9, window_bounds = array<i64: 256, 1>}, {transform_indices = @transform_10, window_bounds = array<i64: 256, 3>}, {transform_indices = @transform_11, window_bounds = array<i64: 256, 3>}]} {
    %get3A = arith.constant 0 : index
    %get3A_0 = arith.constant 0 : index
    %get3A_1 = vector.load %arg1[%get3A, %get3A_0] : memref<256x2048xf32, #tpu.memory_space<vmem>>, vector<256x2048xf32>
    %swap3A = arith.constant 0 : index
    %swap3A_2 = arith.constant 0 : index
    %swap3A_3 = vector.load %arg8[%swap3A, %swap3A_2] : memref<256x2048xf32, #tpu.memory_space<vmem>>, vector<256x2048xf32>
    tpu.vector_store %arg8[%swap3A, %swap3A_2], %get3A_1 {strides = array<i32>} : memref<256x2048xf32, #tpu.memory_space<vmem>>, vector<256x2048xf32>,
    %convert_element_type3A = arith.truncf %get3A_1 : vector<256x2048xf32> to vector<256x2048xbf16>
    %convert_element_type3A_4 = arith.extf %convert_element_type3A : vector<256x2048xbf16> to vector<256x2048xf32>
    %get3A_5 = arith.constant 0 : index
    %get3A_6 = arith.constant 0 : index
    %get3A_7 = vector.load %arg2[%get3A_5, %get3A_6] : memref<1x2048xf32, #tpu.memory_space<vmem>>, vector<1x2048xf32>
    %convert_element_type3A_8 = arith.truncf %get3A_7 : vector<1x2048xf32> to vector<1x2048xbf16>
    %convert_element_type3A_9 = arith.extf %convert_element_type3A_8 : vector<1x2048xbf16> to vector<1x2048xf32>
    %mul3A = vector.broadcast %convert_element_type3A_9 : vector<1x2048xf32> to vector<256x2048xf32>
    %mul3A_10 = arith.mulf %convert_element_type3A_4, %mul3A : vector<256x2048xf32>
    %reduce_sum3A = arith.constant dense<0.000000e+00> : vector<256xf32>
    %reduce_sum3A_11 = vector.multi_reduction <add>, %mul3A_10, %reduce_sum3A [1] : vector<256x2048xf32> to vector<256xf32>
    %broadcast_in_dim3A = vector.shape_cast %reduce_sum3A_11 : vector<256xf32> to vector<256x1xf32>
    %get3A_12 = arith.constant 0 : index
    %get3A_13 = arith.constant 0 : index
    %get3A_14 = vector.load %arg3[%get3A_12, %get3A_13] : memref<1x1xf32, #tpu.memory_space<vmem>>, vector<1x1xf32>
    %add3A = vector.broadcast %get3A_14 : vector<1x1xf32> to vector<256x1xf32>
    %add3A_15 = arith.addf %broadcast_in_dim3A, %add3A : vector<256x1xf32>
    %gt3A = arith.constant 0.000000e+00 : f32
    %gt3A_16 = vector.broadcast %gt3A : f32 to vector<256x1xf32>
    %gt3A_17 = arith.cmpf ogt, %add3A_15, %gt3A_16 : vector<256x1xf32>
    %swap3A_18 = arith.constant 0 : index
    %swap3A_19 = arith.constant 0 : index
    %swap3A_20 = vector.load %arg10[%swap3A_18, %swap3A_19] : memref<256x1xi32, #tpu.memory_space<vmem>>, vector<256x1xi32>
    %swap3A_21 = arith.extui %gt3A_17 : vector<256x1xi1> to vector<256x1xi32>
    %swap3A_22 = arith.constant dense<0> : vector<256x1xi32>
    %swap3A_23 = arith.cmpi ne, %swap3A_20, %swap3A_22 : vector<256x1xi32>
    tpu.vector_store %arg10[%swap3A_18, %swap3A_19], %swap3A_21 {strides = array<i32>} : memref<256x1xi32, #tpu.memory_space<vmem>>, vector<256x1xi32>,
    %get3A_24 = arith.constant 0 : index
    %get3A_25 = arith.constant 0 : index
    %get3A_26 = vector.load %arg4[%get3A_24, %get3A_25] : memref<2048x512xf32, #tpu.memory_space<vmem>>, vector<2048x512xf32>
    %dot_general3A = arith.constant dense<0.000000e+00> : vector<256x512xf32>
    %dot_general3A_27 = tpu.matmul %get3A_1, %get3A_26, %dot_general3A {dimension_numbers = #tpu.dot_dimension_numbers<[1], [0], [0], [1], [0, 0, 1, 1], [], []>, transpose_lhs_hint = false} : vector<256x2048xf32>, vector<2048x512xf32>, vector<256x512xf32> -> vector<256x512xf32>
    %get3A_28 = arith.constant 0 : index
    %get3A_29 = arith.constant 0 : index
    %get3A_30 = vector.load %arg5[%get3A_28, %get3A_29] : memref<1x512xf32, #tpu.memory_space<vmem>>, vector<1x512xf32>
    %add3A_31 = vector.broadcast %get3A_30 : vector<1x512xf32> to vector<256x512xf32>
    %add3A_32 = arith.addf %dot_general3A_27, %add3A_31 : vector<256x512xf32>
    %max3A = arith.constant 0.000000e+00 : f32
    %max3A_33 = vector.broadcast %max3A : f32 to vector<256x512xf32>
    %max3A_34 = arith.maximumf %add3A_32, %max3A_33 : vector<256x512xf32>
    %get3A_35 = arith.constant 0 : index
    %get3A_36 = arith.constant 0 : index
    %get3A_37 = vector.load %arg6[%get3A_35, %get3A_36] : memref<512x128xf32, #tpu.memory_space<vmem>>, vector<512x128xf32>
    %dot_general3A_38 = arith.constant dense<0.000000e+00> : vector<256x128xf32>
    %dot_general3A_39 = tpu.matmul %max3A_34, %get3A_37, %dot_general3A_38 {dimension_numbers = #tpu.dot_dimension_numbers<[1], [0], [0], [1], [0, 0, 1, 1], [], []>, transpose_lhs_hint = false} : vector<256x512xf32>, vector<512x128xf32>, vector<256x128xf32> -> vector<256x128xf32>
    %get3A_40 = arith.constant 0 : index
    %get3A_41 = arith.constant 0 : index
    %get3A_42 = vector.load %arg7[%get3A_40, %get3A_41] : memref<1x128xf32, #tpu.memory_space<vmem>>, vector<1x128xf32>
    %add3A_43 = vector.broadcast %get3A_42 : vector<1x128xf32> to vector<256x128xf32>
    %add3A_44 = arith.addf %dot_general3A_39, %add3A_43 : vector<256x128xf32>
    %reduce_max3A = arith.constant dense<0xFF800000> : vector<256xf32>
    %reduce_max3A_45 = vector.multi_reduction <maximumf>, %add3A_44, %reduce_max3A [1] : vector<256x128xf32> to vector<256xf32>
    %broadcast_in_dim3A_46 = vector.shape_cast %reduce_max3A_45 : vector<256xf32> to vector<256x1xf32>
    %sub3A = vector.broadcast %broadcast_in_dim3A_46 : vector<256x1xf32> to vector<256x128xf32>
    %sub3A_47 = arith.subf %add3A_44, %sub3A : vector<256x128xf32>
    %exp3A = math.exp %sub3A_47 : vector<256x128xf32>
    %reduce_sum3A_48 = arith.constant dense<0.000000e+00> : vector<256xf32>
    %reduce_sum3A_49 = vector.multi_reduction <add>, %exp3A, %reduce_sum3A_48 [1] : vector<256x128xf32> to vector<256xf32>
    %broadcast_in_dim3A_50 = vector.shape_cast %reduce_sum3A_49 : vector<256xf32> to vector<256x1xf32>
    %div3A = vector.broadcast %broadcast_in_dim3A_50 : vector<256x1xf32> to vector<256x128xf32>
    %div3A_51 = arith.divf %exp3A, %div3A : vector<256x128xf32>
    %swap3A_52 = arith.constant 0 : index
    %swap3A_53 = arith.constant 0 : index
    %swap3A_54 = vector.load %arg9[%swap3A_52, %swap3A_53] : memref<256x128xf32, #tpu.memory_space<vmem>>, vector<256x128xf32>
    tpu.vector_store %arg9[%swap3A_52, %swap3A_53], %div3A_51 {strides = array<i32>} : memref<256x128xf32, #tpu.memory_space<vmem>>, vector<256x128xf32>,
    %iota3A = tpu.iota {dimensions = array<i32: 1>} : vector<256x128xi32>
    %reduce_max3A_55 = arith.constant dense<0xFF800000> : vector<256xf32>
    %reduce_max3A_56 = vector.multi_reduction <maximumf>, %div3A_51, %reduce_max3A_55 [1] : vector<256x128xf32> to vector<256xf32>
    %broadcast_in_dim3A_57 = vector.shape_cast %reduce_max3A_56 : vector<256xf32> to vector<256x1xf32>
    %eq3A = vector.broadcast %broadcast_in_dim3A_57 : vector<256x1xf32> to vector<256x128xf32>
    %eq3A_58 = arith.cmpf oeq, %div3A_51, %eq3A : vector<256x128xf32>
    %jit3A = arith.constant 128 : i32
    %broadcast_in_dim3A_59 = vector.broadcast %jit3A : i32 to vector<256x128xi32>
    %select_n3A = arith.select %eq3A_58, %iota3A, %broadcast_in_dim3A_59 : vector<256x128xi1>, vector<256x128xi32>
    %reduce_min3A = arith.constant dense<2147483647> : vector<256xi32>
    %reduce_min3A_60 = vector.multi_reduction <minsi>, %select_n3A, %reduce_min3A [1] : vector<256x128xi32> to vector<256xi32>
    %broadcast_in_dim3A_61 = vector.shape_cast %reduce_min3A_60 : vector<256xi32> to vector<256x1xi32>
    %eq3A_62 = vector.broadcast %broadcast_in_dim3A_61 : vector<256x1xi32> to vector<256x128xi32>
    %eq3A_63 = arith.cmpi eq, %iota3A, %eq3A_62 : vector<256x128xi32>
    %jit3A_64 = arith.constant -1.000000e+00 : f32
    %broadcast_in_dim3A_65 = vector.broadcast %jit3A_64 : f32 to vector<256x128xf32>
    %select_n3A_66 = arith.select %eq3A_63, %broadcast_in_dim3A_65, %div3A_51 : vector<256x128xi1>, vector<256x128xf32>
    %reduce_max3A_67 = arith.constant dense<0xFF800000> : vector<256xf32>
    %reduce_max3A_68 = vector.multi_reduction <maximumf>, %select_n3A_66, %reduce_max3A_67 [1] : vector<256x128xf32> to vector<256xf32>
    %broadcast_in_dim3A_69 = vector.shape_cast %reduce_max3A_68 : vector<256xf32> to vector<256x1xf32>
    %eq3A_70 = vector.broadcast %broadcast_in_dim3A_69 : vector<256x1xf32> to vector<256x128xf32>
    %eq3A_71 = arith.cmpf oeq, %select_n3A_66, %eq3A_70 : vector<256x128xf32>
    %jit3A_72 = arith.constant 128 : i32
    %broadcast_in_dim3A_73 = vector.broadcast %jit3A_72 : i32 to vector<256x128xi32>
    %select_n3A_74 = arith.select %eq3A_71, %iota3A, %broadcast_in_dim3A_73 : vector<256x128xi1>, vector<256x128xi32>
    %reduce_min3A_75 = arith.constant dense<2147483647> : vector<256xi32>
    %reduce_min3A_76 = vector.multi_reduction <minsi>, %select_n3A_74, %reduce_min3A_75 [1] : vector<256x128xi32> to vector<256xi32>
    %broadcast_in_dim3A_77 = vector.shape_cast %reduce_min3A_76 : vector<256xi32> to vector<256x1xi32>
    %eq3A_78 = vector.broadcast %broadcast_in_dim3A_77 : vector<256x1xi32> to vector<256x128xi32>
    %eq3A_79 = arith.cmpi eq, %iota3A, %eq3A_78 : vector<256x128xi32>
    %jit3A_80 = arith.constant -1.000000e+00 : f32
    %broadcast_in_dim3A_81 = vector.broadcast %jit3A_80 : f32 to vector<256x128xf32>
    %select_n3A_82 = arith.select %eq3A_79, %broadcast_in_dim3A_81, %select_n3A_66 : vector<256x128xi1>, vector<256x128xf32>
    %reduce_max3A_83 = arith.constant dense<0xFF800000> : vector<256xf32>
    %reduce_max3A_84 = vector.multi_reduction <maximumf>, %select_n3A_82, %reduce_max3A_83 [1] : vector<256x128xf32> to vector<256xf32>
    %broadcast_in_dim3A_85 = vector.shape_cast %reduce_max3A_84 : vector<256xf32> to vector<256x1xf32>
    %eq3A_86 = vector.broadcast %broadcast_in_dim3A_85 : vector<256x1xf32> to vector<256x128xf32>
    %eq3A_87 = arith.cmpf oeq, %select_n3A_82, %eq3A_86 : vector<256x128xf32>
    %jit3A_88 = arith.constant 128 : i32
    %broadcast_in_dim3A_89 = vector.broadcast %jit3A_88 : i32 to vector<256x128xi32>
    %select_n3A_90 = arith.select %eq3A_87, %iota3A, %broadcast_in_dim3A_89 : vector<256x128xi1>, vector<256x128xi32>
    %reduce_min3A_91 = arith.constant dense<2147483647> : vector<256xi32>
    %reduce_min3A_92 = vector.multi_reduction <minsi>, %select_n3A_90, %reduce_min3A_91 [1] : vector<256x128xi32> to vector<256xi32>
    %broadcast_in_dim3A_93 = vector.shape_cast %reduce_min3A_92 : vector<256xi32> to vector<256x1xi32>
    %concatenate3A = tpu.concatenate %broadcast_in_dim3A_61, %broadcast_in_dim3A_77, %broadcast_in_dim3A_93 in 1 : vector<256x1xi32>, vector<256x1xi32>, vector<256x1xi32> -> vector<256x3xi32>
    %swap3A_94 = arith.constant 0 : index
    %swap3A_95 = arith.constant 0 : index
    %swap3A_96 = vector.load %arg11[%swap3A_94, %swap3A_95] : memref<256x3xi32, #tpu.memory_space<vmem>>, vector<256x3xi32>
    tpu.vector_store %arg11[%swap3A_94, %swap3A_95], %concatenate3A {strides = array<i32>} : memref<256x3xi32, #tpu.memory_space<vmem>>, vector<256x3xi32>,
    %iota3A_97 = tpu.iota {dimensions = array<i32: 0>} : vector<256x3xi32>
    %mul3A_98 = arith.constant 3 : i32
    %mul3A_99 = vector.broadcast %mul3A_98 : i32 to vector<256x3xi32>
    %mul3A_100 = arith.muli %mul3A_99, %iota3A_97 : vector<256x3xi32>
    %iota3A_101 = tpu.iota {dimensions = array<i32: 1>} : vector<256x3xi32>
    %add3A_102 = arith.addi %mul3A_100, %iota3A_101 : vector<256x3xi32>
    %jit3A_103 = arith.constant 256 : i32
    %eq3A_104 = arith.constant 0 : i32
    %eq3A_105 = arith.cmpi eq, %jit3A_103, %eq3A_104 : i32
    %jit3A_106 = arith.constant 1 : i32
    %select_n3A_107 = arith.select %eq3A_105, %jit3A_106, %jit3A_103 : i32
    %rem3A = vector.broadcast %select_n3A_107 : i32 to vector<256x3xi32>
    %rem3A_108 = arith.remsi %add3A_102, %rem3A : vector<256x3xi32>
    %ne3A = arith.constant 0 : i32
    %ne3A_109 = vector.broadcast %ne3A : i32 to vector<256x3xi32>
    %ne3A_110 = arith.cmpi ne, %rem3A_108, %ne3A_109 : vector<256x3xi32>
    %lt3A = arith.constant 0 : i32
    %lt3A_111 = vector.broadcast %lt3A : i32 to vector<256x3xi32>
    %lt3A_112 = arith.cmpi slt, %rem3A_108, %lt3A_111 : vector<256x3xi32>
    %lt3A_113 = arith.constant 0 : i32
    %lt3A_114 = arith.cmpi slt, %select_n3A_107, %lt3A_113 : i32
    %ne3A_115 = vector.broadcast %lt3A_114 : i1 to vector<256x3xi1>
    %ne3A_116 = vector.broadcast %ne3A_115 : vector<256x3xi1> to vector<256x3xi1>
    %ne3A_117 = arith.xori %lt3A_112, %ne3A_116 : vector<256x3xi1>
    %and3A = arith.andi %ne3A_117, %ne3A_110 : vector<256x3xi1>
    %add3A_118 = vector.broadcast %select_n3A_107 : i32 to vector<256x3xi32>
    %add3A_119 = arith.addi %rem3A_108, %add3A_118 : vector<256x3xi32>
    %select_n3A_120 = arith.select %and3A, %add3A_119, %rem3A_108 : vector<256x3xi1>, vector<256x3xi32>
    %mul3A_121 = arith.constant 128 : i32
    %mul3A_122 = vector.broadcast %mul3A_121 : i32 to vector<256x3xi32>
    %mul3A_123 = arith.muli %mul3A_122, %select_n3A_120 : vector<256x3xi32>
    %add3A_124 = arith.addi %concatenate3A, %mul3A_123 : vector<256x3xi32>
    %swap3A_125 = arith.constant 0 : index
    %swap3A_126 = arith.constant 0 : index
    %swap3A_127 = vector.load %arg12[%swap3A_125, %swap3A_126] : memref<256x3xi32, #tpu.memory_space<vmem>>, vector<256x3xi32>
    tpu.vector_store %arg12[%swap3A_125, %swap3A_126], %add3A_124 {strides = array<i32>} : memref<256x3xi32, #tpu.memory_space<vmem>>, vector<256x3xi32>,
    return
  }
  func.func @transform_0(%arg0: i32) -> (i32, i32) {
    %c0_i32 = arith.constant 0 : i32
    %c0_i32_0 = arith.constant 0 : i32
    return %arg0, %c0_i32 : i32, i32
  }
  func.func @transform_1(%arg0: i32) -> (i32, i32) {
    %c0_i32 = arith.constant 0 : i32
    %c0_i32_0 = arith.constant 0 : i32
    %c0_i32_1 = arith.constant 0 : i32
    return %c0_i32, %c0_i32_0 : i32, i32
  }
  func.func @transform_2(%arg0: i32) -> (i32, i32) {
    %c0_i32 = arith.constant 0 : i32
    %c0_i32_0 = arith.constant 0 : i32
    %c0_i32_1 = arith.constant 0 : i32
    return %c0_i32, %c0_i32_0 : i32, i32
  }
  func.func @transform_3(%arg0: i32) -> (i32, i32) {
    %c0_i32 = arith.constant 0 : i32
    %c0_i32_0 = arith.constant 0 : i32
    %c0_i32_1 = arith.constant 0 : i32
    return %c0_i32, %c0_i32_0 : i32, i32
  }
  func.func @transform_4(%arg0: i32) -> (i32, i32) {
    %c0_i32 = arith.constant 0 : i32
    %c0_i32_0 = arith.constant 0 : i32
    %c0_i32_1 = arith.constant 0 : i32
    return %c0_i32, %c0_i32_0 : i32, i32
  }
  func.func @transform_5(%arg0: i32) -> (i32, i32) {
    %c0_i32 = arith.constant 0 : i32
    %c0_i32_0 = arith.constant 0 : i32
    %c0_i32_1 = arith.constant 0 : i32
    return %c0_i32, %c0_i32_0 : i32, i32
  }
  func.func @transform_6(%arg0: i32) -> (i32, i32) {
    %c0_i32 = arith.constant 0 : i32
    %c0_i32_0 = arith.constant 0 : i32
    %c0_i32_1 = arith.constant 0 : i32
    return %c0_i32, %c0_i32_0 : i32, i32
  }
  func.func @transform_7(%arg0: i32) -> (i32, i32) {
    %c0_i32 = arith.constant 0 : i32
    %c0_i32_0 = arith.constant 0 : i32
    return %arg0, %c0_i32 : i32, i32
  }
  func.func @transform_8(%arg0: i32) -> (i32, i32) {
    %c0_i32 = arith.constant 0 : i32
    %c0_i32_0 = arith.constant 0 : i32
    return %arg0, %c0_i32 : i32, i32
  }
  func.func @transform_9(%arg0: i32) -> (i32, i32) {
    %c0_i32 = arith.constant 0 : i32
    %c0_i32_0 = arith.constant 0 : i32
    return %arg0, %c0_i32 : i32, i32
  }
  func.func @transform_10(%arg0: i32) -> (i32, i32) {
    %c0_i32 = arith.constant 0 : i32
    %c0_i32_0 = arith.constant 0 : i32
    return %arg0, %c0_i32 : i32, i32
  }
  func.func @transform_11(%arg0: i32) -> (i32, i32) {
    %c0_i32 = arith.constant 0 : i32
    %c0_i32_0 = arith.constant 0 : i32
    return %arg0, %c0_i32 : i32, i32
  }
}

module attributes {stable_mosaic.version = 14 : i64} {
  func.func @_finish_body(%arg0: i32, %arg1: memref<1x3x256x128xf32, #tpu.memory_space<vmem>>, %arg2: memref<1x3x256x128xf32, #tpu.memory_space<vmem>>, %arg3: memref<1x3x256x256xf32, #tpu.memory_space<vmem>>) attributes {dimension_semantics = [#tpu.dimension_semantics<arbitrary>], iteration_bounds = array<i64: 64>, scalar_prefetch = 0 : i64, scratch_operands = 0 : i64, tpu.core_type = #tpu.core_type<tc>, window_params = [{transform_indices = @transform_0, window_bounds = array<i64: 1, 3, 256, 128>}, {transform_indices = @transform_1, window_bounds = array<i64: 1, 3, 256, 128>}, {transform_indices = @transform_2, window_bounds = array<i64: 1, 3, 256, 256>}]} {
    %get3A = arith.constant 0 : index
    %get3A_0 = arith.constant 0 : index
    %get3A_1 = arith.constant 0 : index
    %get3A_2 = arith.constant 0 : index
    %get3A_3 = vector.load %arg1[%get3A, %get3A_0, %get3A_1, %get3A_2] : memref<1x3x256x128xf32, #tpu.memory_space<vmem>>, vector<1x3x256x128xf32>
    %get3A_4 = arith.constant 0 : index
    %get3A_5 = arith.constant 0 : index
    %get3A_6 = arith.constant 0 : index
    %get3A_7 = arith.constant 0 : index
    %get3A_8 = vector.load %arg2[%get3A_4, %get3A_5, %get3A_6, %get3A_7] : memref<1x3x256x128xf32, #tpu.memory_space<vmem>>, vector<1x3x256x128xf32>
    %concatenate3A = tpu.concatenate %get3A_3, %get3A_8 in 3 : vector<1x3x256x128xf32>, vector<1x3x256x128xf32> -> vector<1x3x256x256xf32>
    %swap3A = arith.constant 0 : index
    %swap3A_9 = arith.constant 0 : index
    %swap3A_10 = arith.constant 0 : index
    %swap3A_11 = arith.constant 0 : index
    %swap3A_12 = vector.load %arg3[%swap3A, %swap3A_9, %swap3A_10, %swap3A_11] : memref<1x3x256x256xf32, #tpu.memory_space<vmem>>, vector<1x3x256x256xf32>
    tpu.vector_store %arg3[%swap3A, %swap3A_9, %swap3A_10, %swap3A_11], %concatenate3A {strides = array<i32>} : memref<1x3x256x256xf32, #tpu.memory_space<vmem>>, vector<1x3x256x256xf32>,
    return
  }
  func.func @transform_0(%arg0: i32) -> (i32, i32, i32, i32) {
    %jit3A = arith.constant 16 : i32
    %div3A = arith.divsi %arg0, %jit3A : i32
    %sign3A = arith.constant 0 : i32
    %sign3A_0 = arith.cmpi sgt, %arg0, %sign3A : i32
    %sign3A_1 = arith.extui %sign3A_0 : i1 to i32
    %sign3A_2 = arith.constant 0 : i32
    %sign3A_3 = arith.cmpi slt, %arg0, %sign3A_2 : i32
    %sign3A_4 = arith.extui %sign3A_3 : i1 to i32
    %sign3A_5 = arith.subi %sign3A_1, %sign3A_4 : i32
    %sign3A_6 = arith.constant 0 : i32
    %sign3A_7 = arith.cmpi sgt, %jit3A, %sign3A_6 : i32
    %sign3A_8 = arith.extui %sign3A_7 : i1 to i32
    %sign3A_9 = arith.constant 0 : i32
    %sign3A_10 = arith.cmpi slt, %jit3A, %sign3A_9 : i32
    %sign3A_11 = arith.extui %sign3A_10 : i1 to i32
    %sign3A_12 = arith.subi %sign3A_8, %sign3A_11 : i32
    %ne3A = arith.cmpi ne, %sign3A_5, %sign3A_12 : i32
    %rem3A = arith.remsi %arg0, %jit3A : i32
    %ne3A_13 = arith.constant 0 : i32
    %ne3A_14 = arith.cmpi ne, %rem3A, %ne3A_13 : i32
    %and3A = arith.andi %ne3A, %ne3A_14 : i1
    %sub3A = arith.constant 1 : i32
    %sub3A_15 = arith.subi %div3A, %sub3A : i32
    %select_n3A = arith.select %and3A, %sub3A_15, %div3A : i32
    %jit3A_16 = arith.constant 16 : i32
    %eq3A = arith.constant 0 : i32
    %eq3A_17 = arith.cmpi eq, %jit3A_16, %eq3A : i32
    %jit3A_18 = arith.constant 1 : i32
    %select_n3A_19 = arith.select %eq3A_17, %jit3A_18, %jit3A_16 : i32
    %rem3A_20 = arith.remsi %arg0, %select_n3A_19 : i32
    %ne3A_21 = arith.constant 0 : i32
    %ne3A_22 = arith.cmpi ne, %rem3A_20, %ne3A_21 : i32
    %lt3A = arith.constant 0 : i32
    %lt3A_23 = arith.cmpi slt, %rem3A_20, %lt3A : i32
    %lt3A_24 = arith.constant 0 : i32
    %lt3A_25 = arith.cmpi slt, %select_n3A_19, %lt3A_24 : i32
    %ne3A_26 = arith.xori %lt3A_23, %lt3A_25 : i1
    %and3A_27 = arith.andi %ne3A_26, %ne3A_22 : i1
    %add3A = arith.addi %rem3A_20, %select_n3A_19 : i32
    %select_n3A_28 = arith.select %and3A_27, %add3A, %rem3A_20 : i32
    %c0_i32 = arith.constant 0 : i32
    %c0_i32_29 = arith.constant 0 : i32
    %c0_i32_30 = arith.constant 0 : i32
    return %select_n3A, %c0_i32, %select_n3A_28, %c0_i32_29 : i32, i32, i32, i32
  }
  func.func @transform_1(%arg0: i32) -> (i32, i32, i32, i32) {
    %jit3A = arith.constant 16 : i32
    %div3A = arith.divsi %arg0, %jit3A : i32
    %sign3A = arith.constant 0 : i32
    %sign3A_0 = arith.cmpi sgt, %arg0, %sign3A : i32
    %sign3A_1 = arith.extui %sign3A_0 : i1 to i32
    %sign3A_2 = arith.constant 0 : i32
    %sign3A_3 = arith.cmpi slt, %arg0, %sign3A_2 : i32
    %sign3A_4 = arith.extui %sign3A_3 : i1 to i32
    %sign3A_5 = arith.subi %sign3A_1, %sign3A_4 : i32
    %sign3A_6 = arith.constant 0 : i32
    %sign3A_7 = arith.cmpi sgt, %jit3A, %sign3A_6 : i32
    %sign3A_8 = arith.extui %sign3A_7 : i1 to i32
    %sign3A_9 = arith.constant 0 : i32
    %sign3A_10 = arith.cmpi slt, %jit3A, %sign3A_9 : i32
    %sign3A_11 = arith.extui %sign3A_10 : i1 to i32
    %sign3A_12 = arith.subi %sign3A_8, %sign3A_11 : i32
    %ne3A = arith.cmpi ne, %sign3A_5, %sign3A_12 : i32
    %rem3A = arith.remsi %arg0, %jit3A : i32
    %ne3A_13 = arith.constant 0 : i32
    %ne3A_14 = arith.cmpi ne, %rem3A, %ne3A_13 : i32
    %and3A = arith.andi %ne3A, %ne3A_14 : i1
    %sub3A = arith.constant 1 : i32
    %sub3A_15 = arith.subi %div3A, %sub3A : i32
    %select_n3A = arith.select %and3A, %sub3A_15, %div3A : i32
    %jit3A_16 = arith.constant 16 : i32
    %eq3A = arith.constant 0 : i32
    %eq3A_17 = arith.cmpi eq, %jit3A_16, %eq3A : i32
    %jit3A_18 = arith.constant 1 : i32
    %select_n3A_19 = arith.select %eq3A_17, %jit3A_18, %jit3A_16 : i32
    %rem3A_20 = arith.remsi %arg0, %select_n3A_19 : i32
    %ne3A_21 = arith.constant 0 : i32
    %ne3A_22 = arith.cmpi ne, %rem3A_20, %ne3A_21 : i32
    %lt3A = arith.constant 0 : i32
    %lt3A_23 = arith.cmpi slt, %rem3A_20, %lt3A : i32
    %lt3A_24 = arith.constant 0 : i32
    %lt3A_25 = arith.cmpi slt, %select_n3A_19, %lt3A_24 : i32
    %ne3A_26 = arith.xori %lt3A_23, %lt3A_25 : i1
    %and3A_27 = arith.andi %ne3A_26, %ne3A_22 : i1
    %add3A = arith.addi %rem3A_20, %select_n3A_19 : i32
    %select_n3A_28 = arith.select %and3A_27, %add3A, %rem3A_20 : i32
    %c0_i32 = arith.constant 0 : i32
    %c0_i32_29 = arith.constant 0 : i32
    %c0_i32_30 = arith.constant 0 : i32
    return %select_n3A, %c0_i32, %select_n3A_28, %c0_i32_29 : i32, i32, i32, i32
  }
  func.func @transform_2(%arg0: i32) -> (i32, i32, i32, i32) {
    %jit3A = arith.constant 16 : i32
    %div3A = arith.divsi %arg0, %jit3A : i32
    %sign3A = arith.constant 0 : i32
    %sign3A_0 = arith.cmpi sgt, %arg0, %sign3A : i32
    %sign3A_1 = arith.extui %sign3A_0 : i1 to i32
    %sign3A_2 = arith.constant 0 : i32
    %sign3A_3 = arith.cmpi slt, %arg0, %sign3A_2 : i32
    %sign3A_4 = arith.extui %sign3A_3 : i1 to i32
    %sign3A_5 = arith.subi %sign3A_1, %sign3A_4 : i32
    %sign3A_6 = arith.constant 0 : i32
    %sign3A_7 = arith.cmpi sgt, %jit3A, %sign3A_6 : i32
    %sign3A_8 = arith.extui %sign3A_7 : i1 to i32
    %sign3A_9 = arith.constant 0 : i32
    %sign3A_10 = arith.cmpi slt, %jit3A, %sign3A_9 : i32
    %sign3A_11 = arith.extui %sign3A_10 : i1 to i32
    %sign3A_12 = arith.subi %sign3A_8, %sign3A_11 : i32
    %ne3A = arith.cmpi ne, %sign3A_5, %sign3A_12 : i32
    %rem3A = arith.remsi %arg0, %jit3A : i32
    %ne3A_13 = arith.constant 0 : i32
    %ne3A_14 = arith.cmpi ne, %rem3A, %ne3A_13 : i32
    %and3A = arith.andi %ne3A, %ne3A_14 : i1
    %sub3A = arith.constant 1 : i32
    %sub3A_15 = arith.subi %div3A, %sub3A : i32
    %select_n3A = arith.select %and3A, %sub3A_15, %div3A : i32
    %jit3A_16 = arith.constant 16 : i32
    %eq3A = arith.constant 0 : i32
    %eq3A_17 = arith.cmpi eq, %jit3A_16, %eq3A : i32
    %jit3A_18 = arith.constant 1 : i32
    %select_n3A_19 = arith.select %eq3A_17, %jit3A_18, %jit3A_16 : i32
    %rem3A_20 = arith.remsi %arg0, %select_n3A_19 : i32
    %ne3A_21 = arith.constant 0 : i32
    %ne3A_22 = arith.cmpi ne, %rem3A_20, %ne3A_21 : i32
    %lt3A = arith.constant 0 : i32
    %lt3A_23 = arith.cmpi slt, %rem3A_20, %lt3A : i32
    %lt3A_24 = arith.constant 0 : i32
    %lt3A_25 = arith.cmpi slt, %select_n3A_19, %lt3A_24 : i32
    %ne3A_26 = arith.xori %lt3A_23, %lt3A_25 : i1
    %and3A_27 = arith.andi %ne3A_26, %ne3A_22 : i1
    %add3A = arith.addi %rem3A_20, %select_n3A_19 : i32
    %select_n3A_28 = arith.select %and3A_27, %add3A, %rem3A_20 : i32
    %c0_i32 = arith.constant 0 : i32
    %c0_i32_29 = arith.constant 0 : i32
    %c0_i32_30 = arith.constant 0 : i32
    return %select_n3A, %c0_i32, %select_n3A_28, %c0_i32_29 : i32, i32, i32, i32
  }
}

</mosaic_0001>

<sc_bundles>
// kernel: kernel.5.cloned.1.call-start
scs
__scs_entry_jumppad:
0x0: {  	(pc) =	sbr.rel $0x88, $3  }
0x1: {  	(tag) =	ssettag $0x0;
	lr =	simm.s32 $0x1  }
0x2: {  	[smem:$0x3F99] =	sst lr;
	_ =	strace $0xD0000000  }
0x3: {  	_ = 	snop  }
0x4: {  	_ = 	snop  }
0x5: {  	_ = 	snop  }
0x6: {  	_ = 	snop  }
0x7: {  	_ = 	snop  }
__scs_overlays_trampoline_lowered:
0x8: {  	[smem:$0x3FA8] =	sst s0  }
0x9: {  	[smem:$0x3FA9] =	sst s1  }
0xa: {  	[smem:$0x3FAA] =	sst s2  }
0xb: {  	[smem:$0x3FAB] =	sst s3  }
0xc: {  	[smem:$0x3FAC] =	sst s4  }
0xd: {  	[smem:$0x3FAD] =	sst s5  }
0xe: {  	[smem:$0x3FAE] =	sst s6  }
0xf: {  	[smem:$0x3FAF] =	sst s7  }
0x10: {  	[smem:$0x3FB0] =	sst s8  }
0x11: {  	[smem:$0x3FB1] =	sst s9;
	s0 =	simm.s32 @!p0 $0x0  }
0x12: {  	s1 =	sld [smem:$0x3F97];
	s0 =	simm.s32 @p0 $0x1  }
0x13: {  	[smem:$0x3FB2] =	sst s0;
	s0 =	simm.s32 @!p1 $0x0  }
0x14: {  	s2 =	sld [smem:$0x3F96];
	s0 =	simm.s32 @p1 $0x1  }
0x15: {  	[smem:$0x3FB3] =	sst s0;
	s0 =	simm.s32 @!p2 $0x0  }
0x16: {  	s3 =	sld [smem:$0x3FDB];
	s0 =	simm.s32 @p2 $0x1  }
0x17: {  	s4 =	simm.s32 $0x1BF5;
	[smem:$0x3FB5] =	sst s0  }
0x18: {  	s0 =	sld [smem:$0x3F98];
	_ =	swait.ge [sflag:s4], $0x0  }
0x19: {  	s7 =	sld [smem:$0x3F99]  }
0x1a: {  	s8 =	sadd.s32 $0xFFFFE003, lr  }
0x1b: {  	s9 =	sadd.s32 $0xFFFFFEF7, lr;
	s5 =	simm.s32 $0xFFFFFFFF;
	p2 =	slt.u32 s8, $0xFFFFF086  }
0x1c: {  	p1 =	slt.u32 s9, $0xF7A;
	s5 =	simm.s32 @!p2 $0x0  }
0x1d: {  	s5 =	simm.s32 @p1 $0x1;
	p0 =	seq.s32 s7, s2  }
0x1e: {  	s7 =	smul.u32 @!p0 $0xF7A, s2;
	p2 =	seq.s32 @!p0 s5, $0x0  }
0x1f: {  	s9 =	smul.u32 $0xF7A, s1;
	s8 =	simm.s32 @!p0 $0x1BF5;
	p2 =	por !p2, p0  }
0x20: {  	[sflag:s8] =	ssyncset.s32 @!p0 $0xFFFFF086;
	s6 =	sadd.s32 @!p0 s3, s7;
	s7 =	simm.s32 @!p0 $0x108  }
0x21: {  	s3 =	sadd.s32 s3, s9;
	s6 =	sadd.s32 @!p0 $0x88, s6;
	s7 =	simm.s32 @p2 $0x1082  }
0x22: {  	[simem:s7], [sflag:s8] =	dma.local @!p0 [hbm:s6], $0xF7A  }
0x23: {  	s9 =	sor.u32 $0xD0000000, s2;
	s6 =	simm.s32 $0x108;
	_ =	swait.ge @!p0 [sflag:s8], $0x0  }
0x24: {  	s3 =	sadd.s32 $0x88, s3;
	s6 =	simm.s32 @!p1 $0x1082;
	[sflag:s4] =	ssyncset.s32 $0xFFFFF086  }
0x25: {  	[simem:s6], [sflag:s4] =	dma.local [hbm:s3], $0xF7A  }
0x26: {  	[smem:$0x3F99] =	sst s1;
	(tag) =	ssettag s2;
	_ =	strace s9  }
0x27: {  	s1 =	sld [smem:$0x3FA9]  }
0x28: {  	s2 =	sld [smem:$0x3FAA]  }
0x29: {  	s4 =	sld [smem:$0x3FAC]  }
0x2a: {  	p0 =	seq.s32 s5, $0x0;
	s5 =	sld [smem:$0x3FAD]  }
0x2b: {  	s6 =	sld [smem:$0x3FAE]  }
0x2c: {  	s7 =	sld [smem:$0x3FAF]  }
0x2d: {  	s3 =	simm.s32 $0x108;
	s8 =	sld [smem:$0x3FB0]  }
0x2e: {  	s3 =	simm.s32 @!p0 $0x1082;
	s9 =	sld [smem:$0x3FB1]  }
0x2f: {  	lr =	sadd.s32 s0, s3;
	s0 =	sld [smem:$0x3FA8]  }
0x30: {  	s3 =	sld [smem:$0x3FAB]  }
0x31: {  	[smem:$0x3FB4] =	sst s10  }
0x32: {  	s10 =	sld [smem:$0x3FB2];
	_ =	sdelay $0x3  }
0x33: {  	p0 =	seq.s32 s10, $0x1;
	s10 =	sld [smem:$0x3FB4];
	_ =	sdelay $0x3  }
0x34: {  	[smem:$0x3FB4] =	sst s10  }
0x35: {  	s10 =	sld [smem:$0x3FB3];
	_ =	sdelay $0x3  }
0x36: {  	p1 =	seq.s32 s10, $0x1;
	s10 =	sld [smem:$0x3FB4];
	_ =	sdelay $0x3  }
0x37: {  	[smem:$0x3FB4] =	sst s10  }
0x38: {  	s10 =	sld [smem:$0x3FB5]  }
0x39: {  	_ = 	snop;
	(pc) =	sbr.ind lr, $3  }
0x3a: {  	_ = 	snop  }
0x3b: {  	_ = 	snop  }
0x3c: {  	p2 =	seq.s32 s10, $0x1;
	s10 =	sld [smem:$0x3FB4]  }
0x3d: {  	_ =	shalt  }
0x3e: {  	_ =	shalt  }
0x3f: {  	_ =	shalt  }
0x40: {  	_ =	shalt  }
0x41: {  	_ =	shalt  }
0x42: {  	_ =	shalt  }
0x43: {  	_ =	shalt  }
0x44: {  	_ =	shalt  }
0x45: {  	_ =	shalt  }
0x46: {  	_ =	shalt  }
0x47: {  	_ =	shalt  }
0x48: {  	_ =	shalt  }
0x49: {  	_ =	shalt  }
0x4a: {  	_ =	shalt  }
0x4b: {  	_ =	shalt  }
0x4c: {  	_ =	shalt  }
0x4d: {  	_ =	shalt  }
0x4e: {  	_ =	shalt  }
0x4f: {  	_ =	shalt  }
0x50: {  	_ =	shalt  }
0x51: {  	_ =	shalt  }
0x52: {  	_ =	shalt  }
0x53: {  	_ =	shalt  }
0x54: {  	_ =	shalt  }
0x55: {  	_ =	shalt  }
0x56: {  	_ =	shalt  }
0x57: {  	_ =	shalt  }
0x58: {  	_ =	shalt  }
0x59: {  	_ =	shalt  }
0x5a: {  	_ =	shalt  }
0x5b: {  	_ =	shalt  }
0x5c: {  	_ =	shalt  }
0x5d: {  	_ =	shalt  }
0x5e: {  	_ =	shalt  }
0x5f: {  	_ =	shalt  }
0x60: {  	_ =	shalt  }
0x61: {  	_ =	shalt  }
0x62: {  	_ =	shalt  }
0x63: {  	_ =	shalt  }
0x64: {  	_ =	shalt  }
0x65: {  	_ =	shalt  }
0x66: {  	_ =	shalt  }
0x67: {  	_ =	shalt  }
0x68: {  	_ =	shalt  }
0x69: {  	_ =	shalt  }
0x6a: {  	_ =	shalt  }
0x6b: {  	_ =	shalt  }
0x6c: {  	_ =	shalt  }
0x6d: {  	_ =	shalt  }
0x6e: {  	_ =	shalt  }
0x6f: {  	_ =	shalt  }
0x70: {  	_ =	shalt  }
0x71: {  	_ =	shalt  }
0x72: {  	_ =	shalt  }
0x73: {  	_ =	shalt  }
0x74: {  	_ =	shalt  }
0x75: {  	_ =	shalt  }
0x76: {  	_ =	shalt  }
0x77: {  	_ =	shalt  }
0x78: {  	_ =	shalt  }
0x79: {  	_ =	shalt  }
0x7a: {  	_ =	shalt  }
0x7b: {  	_ =	shalt  }
0x7c: {  	_ =	shalt  }
0x7d: {  	_ =	shalt  }
0x7e: {  	_ =	shalt  }
0x7f: {  	_ =	shalt  }
0x80: {  	_ =	shalt  }
0x81: {  	_ =	shalt  }
0x82: {  	_ =	shalt  }
0x83: {  	_ =	shalt  }
0x84: {  	_ =	shalt  }
0x85: {  	_ =	shalt  }
0x86: {  	_ =	shalt  }
0x87: {  	_ =	shalt  }
.Lfunc_end0:
.L_simem_size_0:
called_computation_lowered:
.L_overlay_start_0:
0x88: {  	s2 =	sld [smem:$0x3FD9]  }
0x89: {  	s3 =	sld [smem:$0x3FFE];
	_ =	sdelay $0x1  }
0x8a: {  	s1 =	srdreg.scid  }
0x8b: {  	s0 =	sand.u32 $0x1, s1  }
0x8c: {  	s14 =	sshll.u32 s0, $0xA;
	s2 =	sadd.s32 s3, s2  }
0x8d: {  	s2 =	sadd.s32 s2, s14  }
0x8e: {  	[smem:$0x3FC0] =	sst s2  }
0x8f: {  	_ = 	snop  }
0x90: {  	s2 =	sld [smem:$0x3FD0];
	_ =	sdelay $0x2  }
0x91: {  	s15 =	simm.s32 $0xA;
	s4 =	simm.s32 $0x10  }
0x92: {  	[smem:s4], [sflag:s15] =	dma.local [hbm:s2], $0x1  }
0x93: {  	_ =	swait.eq [sflag:s15], $0x1  }
0x94: {  	[sflag:s15] =	ssyncset.done $0x0  }
0x95: {  	[sflag:s15] =	ssyncadd.s32 $0xFFFFFFFF  }
0x96: {  	s16 =	sld [smem:$0x14];
	(tm) =	ssettm $0x1  }
0x97: {  	s17 =	sld [smem:$0x3FFB];
	_ =	sdelay $0x3  }
0x98: {  	_ =	strace s17  }
0x99: {  	s3 =	sld [smem:$0x3FFC];
	_ =	sdelay $0x3  }
0x9a: {  	_ =	strace s3  }
0x9b: {  	s3 =	sld [smem:$0x3FFD];
	_ =	sdelay $0x3  }
0x9c: {  	_ =	strace s3  }
0x9d: {  	_ =	strace $0x8FFFFFFF  }
0x9e: {  	s18 =	sld [smem:$0x3FDB];
	_ =	sdelay $0x1  }
0x9f: {  	s19 =	simm.s32 $_scs_section_size  }
0xa0: {  	s5 =	simm.s32 $_size__tile_overlayer_lowered;
	s6 =	simm.s32 $_tile_overlayer_lowered  }
0xa1: {  	s22 =	simm.s32 $0x1BFF;
	s21 =	sshll.u32 s6, $0x1;
	s3 =	sadd.s32 s19, s18  }
0xa2: {  	s7 =	simm.s32 $0x0;
	s20 =	sshll.u32 s5, $0x1;
	s5 =	sadd.s32 s21, s3  }
0xa3: {  	[timem:s7], [sflag:s22] =	dma.local [hbm:s5], s20  }
0xa4: {  	_ =	swait.ge [sflag:s22], s20  }
0xa5: {  	s4 =	ssub.s32 $0x0, s20;
	[sflag:s22] =	ssyncset.done $0x0  }
0xa6: {  	[sflag:s22] =	ssyncadd.s32 s4;
	_ =	sdelay $0x1  }
0xa7: {  	s23 =	simm.s32 $0x1B8B  }
0xa8: {  	_ =	swait.ge [sflag:s23], $0x1  }
0xa9: {  	[sflag:s23] =	ssyncset.done $0x0  }
0xaa: {  	s25 =	simm.s32 $0x1B8E;
	s24 =	sld [smem:$0x3FFE];
	[sflag:s23] =	ssyncadd.s32 $0xFFFFFFFF  }
0xab: {  	s26 =	simm.s32 $execute0_lowered;
	[smem:$0x3FD2] =	sst s25  }
0xac: {  	s5 =	sshll.u32 s26, $0x1;
	_ =	strace $0x80000046;
	[dreg:$0x1] =	wrdreg $0xFFFFFFFF  }
0xad: {  	s28 =	simm.s32 $_size_execute0_lowered;
	s3 =	sadd.s32 s3, s5;
	[dreg:$0x0] =	wrdreg $0x0  }
0xae: {  	s5 =	sshll.u32 s28, $0x1;
	[dreg:$0x2] =	wrdreg s3  }
0xaf: {  	[dreg:$0x3] =	wrdreg s5  }
0xb0: {  	[dreg:$0x4] =	wrdreg $0xC0  }
0xb1: {  	_ =	task [dreg:s7], $0x5FFFF  }
0xb2: {  	[dreg:$0x1] =	wrdreg $0xFFFFFFFF  }
0xb3: {  	[dreg:$0x0] =	wrdreg $0x60  }
0xb4: {  	[dreg:$0x2] =	wrdreg s16  }
0xb5: {  	[dreg:$0x3] =	wrdreg s24  }
0xb6: {  	[dreg:$0x4] =	wrdreg $0x9  }
0xb7: {  	_ =	task.clear_ibuf [dreg:s7], $0x5FFFF;
	_ =	strace $0x90000046  }
0xb8: {  	s29 =	simm.s32 $0x9;
	_ =	strace $0x80000048  }
0xb9: {  	_ =	swait.ge [sflag:s29], $0x1  }
0xba: {  	[sflag:s29] =	ssyncadd.s32 $0xFFFFFFFF  }
0xbb: {  	_ =	strace $0x90000048  }
0xbc: {  	_ =	sfence  }
0xbd: {  	s30 =	sld [smem:$0x0];
	_ =	sdelay $0x2  }
0xbe: {  	s31 =	sshll.u32 s1, $0xD;
	s1 =	sshrl.u32 s1, $0x2  }
0xbf: {  	s3 =	sand.u32 $0x4000, s31;
	s1 =	sadd.s32 s1, s30  }
0xc0: {  	s0 =	sor.u32 s3, s0;
	s1 =	sshll.u32 s1, $0x11  }
0xc1: {  	s0 =	sor.u32 s1, s0  }
0xc2: {  	s0 =	sadd.s32 $0x8F2B, s0  }
0xc3: {  	[sflag:s0] =	ssyncadd.remote.s32 $0x1  }
0xc4: {  	_ =	sfence.sel $0xFFFF  }
0xc5: {  	[dreg:$0x0] =	wrdreg $0xFFFFFFFF;
	(pc) =	sbr.abs _section_cstart, $3  }
0xc6: {  	[dreg:$0x1] =	wrdreg $0xFFFFFFFF  }
0xc7: {  	_ =	task.clear_ibuf [dreg:s7], $0x2FFFF;
	_ =	strace $0x9FFFFFFF  }
0xc8: {  	(tm) =	ssettm $0x7FFFFFFF  }
0xc9: {  	_ =	shalt  }
tec
execute0_lowered:
.L_overlay_start_1:
0x0: {  	(tag) =	ssettag $0x1  }
0x1: {  	v0 =	vimm.s32 $0xFEA540  }
0x2: {  	v0 =	vunpack.c.l.s2.s4 v0;
	_ =	sdelay $0x1  }
0x3: {  	v0 =	vunpack.c.l.s4.s8 v0  }
0x4: {  	vm0 =	vcmask $0x2F00;
	vm3 =	vcmask $0x704  }
0x5: {  	v2 =	vimm.s32 $0x0;
	vm8 =	vcmask $0xB08;
	v0 =	vunpack.c.0.s8.s32 v0  }
0x6: {  	vm9 =	vcmask $0x1310;
	vm10 =	vcmask $0x1714;
	vm11 =	vcmask $0x1F1C  }
0x7: {  	vm4 =	vcmask $0x2320;
	v3 =	vimm.s32 $0x77766655;
	v0 =	vand.u32 $0x3, v0  }
0x8: {  	v2 =	vsel vm3, $0x1000, v2;
	v0 =	vnsel vm0, $0x5, v0;
	vm0 =	vcmask $0x3B30  }
0x9: {  	vm5 =	vcmask $0x2B28;
	v15 =	vsel vm0, $0x4, v0;
	v0 =	vsel vm8, $0x2000, v2  }
0xa: {  	vm12 =	vcmask $0x2F2C;
	vm7 =	vcmask $0x3734;
	v0 =	vsel vm9, $0x1000, v0  }
0xb: {  	vm13 =	vcmask $0x3B38;
	vm6 =	vcmask $0x1F00;
	v0 =	vsel vm10, $0x2000, v0  }
0xc: {  	v4 =	vimm.s32 $0x1000;
	vm1 =	vcmask $0x2F20;
	v0 =	vsel vm11, $0x1000, v0  }
0xd: {  	vm2 =	vcmask $0x3730;
	v3 =	vunpack.c.l.s4.s8 v3;
	v0 =	vsel vm4, $0x2000, v0  }
0xe: {  	v5 =	vimm.s32 $0x2000;
	v6 =	vimm.s32 $0xE0E0D0D;
	v0 =	vsel vm5, $0x1000, v0  }
0xf: {  	s0 =	srdreg.scid;
	s2 =	stileid.u32;
	v5 =	vsel vm3, $0x0, v5;
	v3 =	vunpack.c.0.s8.s32 v3;
	v0 =	vsel vm12, $0x2000, v0  }
0x10: {  	s1 =	sand.u32 $0x1, s0;
	s15 =	sshll.u32 s2, $0x1;
	v4 =	vsel vm3, $0x2000, v4;
	v5 =	vsel vm8, $0x1000, v5;
	v0 =	vsel vm7, $0x1000, v0  }
0x11: {  	s2 =	sor.u32 s1, s15;
	v18 =	vsel vm13, $0x2000, v0;
	v0 =	vand.u32 $0xF, v3;
	v3 =	vimm.s32 $0x9080808  }
0x12: {  	v6 =	vunpack.c.0.s8.s32 v6;
	s3 =	sshll.u32 s2, $0x9;
	v5 =	vsel vm9, $0x0, v5;
	v3 =	vunpack.c.0.s8.s32 v3  }
0x13: {  	v1 =	vmov s3;
	v5 =	vsel vm10, $0x1000, v5;
	v0 =	vnsel vm6, $0xA, v0  }
0x14: {  	v1 =	vshrl.u32 v1, $0xC;
	v0 =	vsel vm1, v3, v0;
	v3 =	vsel vm8, $0x0, v4  }
0x15: {  	v5 =	vsel vm11, $0x0, v5;
	v17 =	vsel vm2, $0x9, v0;
	v0 =	vsel vm9, $0x2000, v3  }
0x16: {  	v1 =	vmul.u32 $0x3000, v1;
	v3 =	vimm.s32 $0xDCCCBBBA;
	v0 =	vsel vm10, $0x0, v0  }
0x17: {  	v2 =	vor.u32 s3, v15;
	v3 =	vunpack.c.l.s4.s8 v3;
	v0 =	vsel vm11, $0x2000, v0  }
0x18: {  	v2 =	vand.u32 $0xE07, v2;
	v4 =	vadd.s32 v18, v1;
	v0 =	vsel vm4, $0x0, v0  }
0x19: {  	v2 =	vor.u32 v2, v4;
	v3 =	vunpack.c.0.s8.s32 v3;
	v0 =	vsel vm5, $0x2000, v0  }
0x1a: {  	[tilespmem:$0x1FCD0] =	vst v2;
	v2 =	vor.u32 s3, v17;
	vm10 =	vcmask $0x3330;
	v0 =	vsel vm12, $0x0, v0  }
0x1b: {  	v2 =	vand.u32 $0xE0F, v2;
	v3 =	vand.u32 $0xF, v3;
	v0 =	vsel vm7, $0x2000, v0  }
0x1c: {  	v12 =	vsel vm13, $0x0, v0;
	v0 =	vnsel vm6, $0xF, v3;
	v3 =	vsel vm4, $0x1000, v5  }
0x1d: {  	vm11 =	vcmask $0xF00;
	v0 =	vsel vm1, v6, v0;
	v3 =	vsel vm5, $0x0, v3  }
0x1e: {  	v5 =	vadd.s32 v12, v1;
	v32 =	vsel vm10, $0xE, v0;
	v0 =	vsel vm12, $0x1000, v3  }
0x1f: {  	v6 =	vimm.s32 $0x13131312;
	v2 =	vor.u32 v2, v5;
	v0 =	vsel vm7, $0x0, v0  }
0x20: {  	v3 =	vimm.s32 $0x12121111;
	v36 =	vsel vm13, $0x1000, v0;
	v0 =	vimm.s32 $0x11101010  }
0x21: {  	vm12 =	vcmask $0x1F10;
	[tilespmem:$0x1FCE0] =	vst v2;
	v2 =	vor.u32 s3, v32;
	v0 =	vunpack.c.0.s8.s32 v0  }
0x22: {  	v3 =	vunpack.c.0.s8.s32 v3;
	v2 =	vand.u32 $0xE0F, v2;
	v1 =	vadd.s32 v36, v1  }
0x23: {  	v6 =	vunpack.c.0.s8.s32 v6;
	v2 =	vor.u32 v2, v1;
	v0 =	vnsel vm11, $0x15, v0  }
0x24: {  	[tilespmem:$0x1FCF0] =	vst v2;
	v2 =	vimm.s32 $0x16161515;
	v0 =	vsel vm12, v3, v0  }
0x25: {  	v2 =	vunpack.c.0.s8.s32 v2;
	v3 =	vimm.s32 $0x17171716;
	v0 =	vsel vm1, v6, v0  }
0x26: {  	v33 =	vsel vm0, $0x14, v0;
	v0 =	vunpack.c.0.s8.s32 v3;
	v3 =	vimm.s32 $0x19181818  }
0x27: {  	v2 =	vnsel vm11, $0x1A, v2;
	v3 =	vunpack.c.0.s8.s32 v3  }
0x28: {  	v6 =	vor.u32 s3, v33;
	v0 =	vsel vm12, v0, v2  }
0x29: {  	v6 =	vand.u32 $0xE17, v6;
	v2 =	vimm.s32 $0x1B1B1B1A;
	v0 =	vsel vm1, v3, v0  }
0x2a: {  	v2 =	vunpack.c.0.s8.s32 v2;
	v3 =	vimm.s32 $0x1D1C1C1C;
	v6 =	vor.u32 v6, v4  }
0x2b: {  	v34 =	vsel vm2, $0x19, v0;
	v0 =	vunpack.c.0.s8.s32 v3;
	v3 =	vimm.s32 $0x1E1E1D1D  }
0x2c: {  	v7 =	vor.u32 s3, v34;
	v2 =	vnsel vm11, $0x1F, v2;
	v3 =	vunpack.c.0.s8.s32 v3  }
0x2d: {  	[tilespmem:$0x1FD00] =	vst v6;
	v6 =	vand.u32 $0xE1F, v7;
	v0 =	vsel vm12, v0, v2  }
0x2e: {  	v2 =	vor.u32 v6, v5;
	v0 =	vsel vm1, v3, v0  }
0x2f: {  	[tilespmem:$0x1FD10] =	vst v2;
	v2 =	vimm.s32 $0x21202020;
	v37 =	vsel vm10, $0x1E, v0  }
0x30: {  	v0 =	vunpack.c.0.s8.s32 v2;
	v2 =	vimm.s32 $0x22222121;
	v3 =	vor.u32 s3, v37  }
0x31: {  	v6 =	vimm.s32 $0x23232322;
	v2 =	vunpack.c.0.s8.s32 v2;
	v3 =	vand.u32 $0xE1F, v3  }
0x32: {  	v6 =	vunpack.c.0.s8.s32 v6;
	v0 =	vnsel vm11, $0x25, v0;
	v1 =	vor.u32 v3, v1  }
0x33: {  	v3 =	vimm.s32 $0x29282828;
	[tilespmem:$0x1FD20] =	vst v1;
	v0 =	vsel vm12, v2, v0;
	v1 =	vimm.s32 $0x26262525  }
0x34: {  	v2 =	vimm.s32 $0x32221110;
	v0 =	vsel vm1, v6, v0;
	v1 =	vunpack.c.0.s8.s32 v1  }
0x35: {  	v2 =	vunpack.c.l.s4.s8 v2;
	v38 =	vsel vm0, $0x24, v0;
	v0 =	vimm.s32 $0x27272726  }
0x36: {  	v3 =	vunpack.c.0.s8.s32 v3;
	v0 =	vunpack.c.0.s8.s32 v0  }
0x37: {  	v6 =	vimm.s32 $0x4040303;
	v1 =	vnsel vm11, $0x2A, v1;
	v2 =	vunpack.c.0.s8.s32 v2  }
0x38: {  	v7 =	vor.u32 s3, v38;
	v0 =	vsel vm12, v0, v1;
	v1 =	vunpack.c.0.s8.s32 v6  }
0x39: {  	v6 =	vand.u32 $0xE27, v7;
	v2 =	vnsel vm6, $0x5, v2  }
0x3a: {  	v0 =	vsel vm1, v3, v0;
	v3 =	vimm.s32 $0x88777666;
	v1 =	vsel vm1, v1, v2  }
0x3b: {  	v2 =	vimm.s32 $0xBAAA9998;
	v40 =	vsel vm2, $0x29, v0;
	v41 =	vsel vm10, $0x4, v1  }
0x3c: {  	s16 =	sor.u32 $0x2A, s3;
	v1 =	vunpack.c.l.s4.s8 v2;
	v2 =	vunpack.c.l.s4.s8 v3;
	v3 =	vor.u32 v6, v4  }
0x3d: {  	v4 =	vor.u32 s3, v40;
	[tilespmem:$0x1FD30] =	vst v3;
	v0 =	vadd.s32 s16, v41;
	v3 =	vimm.s32 $0xDDDCCCBB  }
0x3e: {  	v1 =	vunpack.c.0.s8.s32 v1;
	v2 =	vunpack.c.0.s8.s32 v2;
	v6 =	vshrl.u32 v0, $0xC  }
0x3f: {  	v4 =	vand.u32 $0xE2F, v4;
	v3 =	vunpack.c.l.s4.s8 v3;
	v6 =	vmul.u32 $0x3000, v6  }
0x40: {  	v0 =	vand.u32 $0xE3F, v0;
	v1 =	vcombine.low v2, v1;
	v2 =	vor.u32 v4, v5  }
0x41: {  	[tilespmem:$0x1FD40] =	vst v2;
	v2 =	vunpack.c.0.s8.s32 v3;
	v0 =	vor.u32 v0, v6  }
0x42: {  	[tilespmem:$0x1FF20] =	vst v0;
	v45 =	vand.u32 $0xF, v1;
	v0 =	vimm.s32 $0xF0E0E0E  }
0x43: {  	v1 =	vadd.s32 s16, v45;
	v2 =	vand.u32 $0xF, v2;
	v0 =	vunpack.c.0.s8.s32 v0  }
0x44: {  	v4 =	vimm.s32 $0x11111110;
	v3 =	vshrl.u32 v1, $0xC;
	v2 =	vnsel vm6, $0x10, v2  }
0x45: {  	v1 =	vand.u32 $0xE3F, v1;
	v0 =	vsel vm1, v0, v2;
	v2 =	vunpack.c.0.s8.s32 v4  }
0x46: {  	v4 =	vimm.s32 $0x13121212;
	v3 =	vmul.u32 $0x3000, v3;
	v44 =	vsel vm2, $0xF, v0  }
0x47: {  	v0 =	vunpack.c.0.s8.s32 v4;
	v4 =	vimm.s32 $0x14141313;
	v5 =	vadd.s32 s16, v44  }
0x48: {  	v2 =	vnsel vm11, $0x15, v2;
	v4 =	vunpack.c.0.s8.s32 v4;
	v6 =	vshrl.u32 v5, $0xC  }
0x49: {  	v1 =	vor.u32 v1, v3;
	v0 =	vsel vm12, v0, v2;
	v2 =	vmul.u32 $0x3000, v6  }
0x4a: {  	[tilespmem:$0x1FED0] =	vst v1;
	v1 =	vand.u32 $0xE7F, v5;
	v0 =	vsel vm1, v4, v0  }
0x4b: {  	vm14 =	vcmask $0x372C;
	v46 =	vsel vm10, $0x14, v0;
	v0 =	vor.u32 v1, v2  }
0x4c: {  	vm15 =	vcmask $0x3B20;
	v8 =	vimm.s32 $0x29292828;
	[tilespmem:$0x1FEF0] =	vst v0;
	v0 =	vadd.s32 s16, v46  }
0x4d: {  	v7 =	vimm.s32 $0x3FA950;
	v1 =	vimm.s32 $0x17161616;
	v2 =	vshrl.u32 v0, $0xC  }
0x4e: {  	v3 =	vimm.s32 $0x18181717;
	v1 =	vunpack.c.0.s8.s32 v1;
	v2 =	vmul.u32 $0x3000, v2  }
0x4f: {  	v3 =	vunpack.c.0.s8.s32 v3;
	v4 =	vimm.s32 $0x19191918;
	v0 =	vand.u32 $0xE7F, v0  }
0x50: {  	v4 =	vunpack.c.0.s8.s32 v4;
	v1 =	vnsel vm11, $0x1B, v1;
	v0 =	vor.u32 v0, v2  }
0x51: {  	v7 =	vunpack.c.l.s2.s4 v7;
	[tilespmem:$0x1FF30] =	vst v0;
	v0 =	vsel vm12, v3, v1;
	v1 =	vimm.s32 $0x1C1C1B1B  }
0x52: {  	v2 =	vimm.s32 $0x1D1D1D1C;
	v0 =	vsel vm1, v4, v0;
	v1 =	vunpack.c.0.s8.s32 v1  }
0x53: {  	v50 =	vsel vm0, $0x1A, v0;
	v0 =	vunpack.c.0.s8.s32 v2;
	v2 =	vimm.s32 $0x1F1E1E1E  }
0x54: {  	v3 =	vadd.s32 s16, v50;
	v1 =	vnsel vm11, $0x20, v1;
	v2 =	vunpack.c.0.s8.s32 v2  }
0x55: {  	v5 =	vimm.s32 $0x28282727;
	v4 =	vshrl.u32 v3, $0xC;
	v0 =	vsel vm12, v0, v1  }
0x56: {  	v1 =	vmul.u32 $0x3000, v4;
	v0 =	vsel vm1, v2, v0;
	v2 =	vimm.s32 $0x21212120  }
0x57: {  	v49 =	vsel vm2, $0x1F, v0;
	v0 =	vunpack.c.0.s8.s32 v2;
	v2 =	vimm.s32 $0x23222222  }
0x58: {  	v6 =	vimm.s32 $0x29292928;
	v3 =	vand.u32 $0xE7F, v3;
	v2 =	vunpack.c.0.s8.s32 v2  }
0x59: {  	v4 =	vimm.s32 $0x27262626;
	v43 =	vor.u32 v3, v1;
	v0 =	vnsel vm11, $0x25, v0  }
0x5a: {  	v1 =	vadd.s32 s16, v49;
	v0 =	vsel vm12, v2, v0;
	v2 =	vimm.s32 $0x24242323  }
0x5b: {  	v4 =	vunpack.c.0.s8.s32 v4;
	v3 =	vshrl.u32 v1, $0xC;
	v2 =	vunpack.c.0.s8.s32 v2  }
0x5c: {  	v5 =	vunpack.c.0.s8.s32 v5;
	v6 =	vunpack.c.0.s8.s32 v6;
	v3 =	vmul.u32 $0x3000, v3  }
0x5d: {  	v1 =	vand.u32 $0xE7F, v1;
	v4 =	vnsel vm11, $0x2B, v4;
	v0 =	vsel vm1, v2, v0  }
0x5e: {  	v39 =	vor.u32 v1, v3;
	v2 =	vsel vm12, v5, v4;
	v52 =	vsel vm10, $0x24, v0  }
0x5f: {  	v0 =	vsel vm1, v6, v2;
	v2 =	vunpack.c.l.s4.s8 v7;
	v1 =	vadd.s32 s16, v52  }
0x60: {  	vm13 =	vcmask $0x2B00;
	v53 =	vsel vm0, $0x2A, v0;
	v0 =	vshrl.u32 v1, $0xC  }
0x61: {  	v5 =	vimm.s32 $0x87776665;
	v2 =	vunpack.c.0.s8.s32 v2;
	v0 =	vmul.u32 $0x3000, v0  }
0x62: {  	v5 =	vunpack.c.l.s4.s8 v5;
	v3 =	vadd.s32 s16, v53;
	v1 =	vand.u32 $0xE5F, v1  }
0x63: {  	v4 =	vshrl.u32 v3, $0xC;
	v2 =	vand.u32 $0x3, v2;
	v0 =	vor.u32 v1, v0  }
0x64: {  	v2 =	vnsel vm13, $0x5, v2;
	v1 =	vand.u32 $0xE5F, v3;
	[tilespmem:$0x1FF40] =	vst v0;
	v0 =	vmul.u32 $0x3000, v4  }
0x65: {  	v3 =	vunpack.c.0.s8.s32 v5;
	v5 =	vimm.s32 $0xFFFEEED;
	v54 =	vsel vm14, $0x4, v2  }
0x66: {  	s17 =	sor.u32 $0x55, s3;
	v4 =	vimm.s32 $0xDDCCCBBB;
	v51 =	vor.u32 v1, v0;
	v1 =	vimm.s32 $0x9090808  }
0x67: {  	v2 =	vadd.s32 s17, v54;
	v3 =	vand.u32 $0xF, v3;
	v1 =	vunpack.c.0.s8.s32 v1  }
0x68: {  	v4 =	vunpack.c.l.s4.s8 v4;
	v0 =	vshrl.u32 v2, $0xC;
	v3 =	vnsel vm6, $0xA, v3  }
0x69: {  	v0 =	vmul.u32 $0x3000, v0;
	v1 =	vsel vm1, v1, v3;
	v3 =	vunpack.c.l.s4.s8 v5  }
0x6a: {  	v2 =	vand.u32 $0xE5F, v2;
	v57 =	vsel vm10, $0x9, v1;
	v1 =	vunpack.c.0.s8.s32 v4  }
0x6b: {  	v6 =	vimm.s32 $0x14131313;
	v47 =	vor.u32 v2, v0;
	v2 =	vunpack.c.0.s8.s32 v3  }
0x6c: {  	v6 =	vunpack.c.0.s8.s32 v6;
	v4 =	vimm.s32 $0x12121211;
	v1 =	vand.u32 $0xF, v1  }
0x6d: {  	v0 =	vadd.s32 s17, v57;
	v1 =	vnsel vm6, $0x10, v1;
	v2 =	vand.u32 $0xF, v2  }
0x6e: {  	v3 =	vshrl.u32 v0, $0xC;
	v30 =	vsel vm15, v2, v1;
	v1 =	vimm.s32 $0x11111010  }
0x6f: {  	v3 =	vmul.u32 $0x3000, v3;
	v2 =	vadd.s32 s17, v30;
	v1 =	vunpack.c.0.s8.s32 v1  }
0x70: {  	v4 =	vunpack.c.0.s8.s32 v4;
	v0 =	vand.u32 $0xE7F, v0;
	v5 =	vshrl.u32 v2, $0xC  }
0x71: {  	v0 =	vor.u32 v0, v3;
	v5 =	vmul.u32 $0x3000, v5;
	v1 =	vnsel vm11, $0x15, v1  }
0x72: {  	v3 =	vimm.s32 $0x19191818;
	[tilespmem:$0x1FF50] =	vst v0;
	v0 =	vand.u32 $0xE7F, v2;
	v1 =	vsel vm12, v4, v1  }
0x73: {  	v56 =	vor.u32 v0, v5;
	v0 =	vsel vm1, v6, v1;
	v1 =	vimm.s32 $0x16161615  }
0x74: {  	v35 =	vsel vm2, $0x14, v0;
	v0 =	vunpack.c.0.s8.s32 v1;
	v1 =	vimm.s32 $0x18171717  }
0x75: {  	v8 =	vunpack.c.0.s8.s32 v8;
	v3 =	vunpack.c.0.s8.s32 v3;
	v1 =	vunpack.c.0.s8.s32 v1  }
0x76: {  	v5 =	vimm.s32 $0x1D1D1C1C;
	v2 =	vadd.s32 s17, v35;
	v0 =	vnsel vm11, $0x1A, v0  }
0x77: {  	v4 =	vshrl.u32 v2, $0xC;
	v2 =	vand.u32 $0xE6F, v2;
	v0 =	vsel vm12, v1, v0  }
0x78: {  	v1 =	vimm.s32 $0x1C1B1B1B;
	v4 =	vmul.u32 $0x3000, v4;
	v0 =	vsel vm1, v3, v0  }
0x79: {  	v3 =	vunpack.c.0.s8.s32 v1;
	v1 =	vsel vm10, $0x19, v0;
	v0 =	vunpack.c.0.s8.s32 v5  }
0x7a: {  	v5 =	vimm.s32 $0x1E1E1E1D;
	v62 =	vor.u32 v2, v4;
	v4 =	vimm.s32 $0x22222221  }
0x7b: {  	v6 =	vadd.s32 s17, v1;
	v3 =	vnsel vm11, $0x20, v3;
	v5 =	vunpack.c.0.s8.s32 v5  }
0x7c: {  	v7 =	vshrl.u32 v6, $0xC;
	v0 =	vsel vm12, v0, v3;
	v6 =	vand.u32 $0xE7F, v6  }
0x7d: {  	v7 =	vmul.u32 $0x3000, v7;
	v0 =	vsel vm1, v5, v0;
	v5 =	vimm.s32 $0x21212020  }
0x7e: {  	v3 =	vsel vm0, $0x1F, v0;
	v0 =	vunpack.c.0.s8.s32 v5;
	v5 =	vimm.s32 $0x26262625  }
0x7f: {  	v4 =	vunpack.c.0.s8.s32 v4;
	v2 =	vor.u32 v6, v7;
	v5 =	vunpack.c.0.s8.s32 v5  }
0x80: {  	v6 =	vimm.s32 $0x28272727;
	v7 =	vimm.s32 $0x24232323;
	[tilespmem:$0x1FF60] =	vst v2;
	v2 =	vadd.s32 s17, v3  }
0x81: {  	v0 =	vnsel vm11, $0x25, v0;
	v6 =	vunpack.c.0.s8.s32 v6;
	v7 =	vunpack.c.0.s8.s32 v7  }
0x82: {  	v5 =	vnsel vm11, $0x2A, v5;
	v9 =	vshrl.u32 v2, $0xC;
	v0 =	vsel vm12, v4, v0  }
0x83: {  	v4 =	vsel vm12, v6, v5;
	v5 =	vmul.u32 $0x3000, v9;
	v0 =	vsel vm1, v7, v0  }
0x84: {  	v6 =	vand.u32 $0xEFF, v2;
	v4 =	vsel vm1, v8, v4;
	v2 =	vsel vm2, $0x24, v0  }
0x85: {  	v22 =	vsel vm10, $0x29, v4;
	v0 =	vadd.s32 s17, v2  }
0x86: {  	s18 =	sor.u32 $0x80, s3;
	v31 =	vor.u32 v6, v5;
	v4 =	vadd.s32 s17, v22;
	v5 =	vshrl.u32 v0, $0xC  }
0x87: {  	v7 =	vmov s18;
	v6 =	vshrl.u32 v4, $0xC;
	v5 =	vmul.u32 $0x3000, v5  }
0x88: {  	v7 =	vshrl.u32 v7, $0xC;
	v0 =	vand.u32 $0xE7F, v0;
	v6 =	vmul.u32 $0x3000, v6  }
0x89: {  	v7 =	vmul.u32 $0x3000, v7;
	v4 =	vand.u32 $0xEFF, v4;
	v0 =	vor.u32 v0, v5  }
0x8a: {  	[tilespmem:$0x1FF00] =	vst v0;
	v0 =	vor.u32 v4, v6;
	v4 =	vor.u32 s18, v15  }
0x8b: {  	v5 =	vadd.s32 v18, v7;
	v6 =	vor.u32 s18, v17;
	v4 =	vand.u32 $0xE87, v4  }
0x8c: {  	[tilespmem:$0x1FF70] =	vst v0;
	v0 =	vor.u32 v4, v5;
	v4 =	vand.u32 $0xE8F, v6;
	v6 =	vadd.s32 v12, v7  }
0x8d: {  	[tilespmem:$0x1FD50] =	vst v0;
	v0 =	vor.u32 v4, v6;
	v4 =	vor.u32 s18, v32  }
0x8e: {  	v8 =	vor.u32 s18, v33;
	v7 =	vadd.s32 v36, v7;
	v4 =	vand.u32 $0xE8F, v4  }
0x8f: {  	v8 =	vand.u32 $0xE97, v8;
	[tilespmem:$0x1FD60] =	vst v0;
	v0 =	vor.u32 v4, v7;
	v4 =	vor.u32 s18, v34  }
0x90: {  	[tilespmem:$0x1FD70] =	vst v0;
	v0 =	vor.u32 v8, v5;
	v4 =	vand.u32 $0xE9F, v4;
	v8 =	vor.u32 s18, v37  }
0x91: {  	v9 =	vor.u32 s18, v38;
	[tilespmem:$0x1FD80] =	vst v0;
	v0 =	vor.u32 v4, v6;
	v4 =	vand.u32 $0xE9F, v8  }
0x92: {  	s4 =	sor.u32 $0xAA, s3;
	v8 =	vand.u32 $0xEA7, v9;
	[tilespmem:$0x1FD90] =	vst v0;
	v0 =	vor.u32 v4, v7  }
0x93: {  	v4 =	vadd.s32 s4, v41;
	[tilespmem:$0x1FDA0] =	vst v0;
	v0 =	vor.u32 v8, v5  }
0x94: {  	v5 =	vor.u32 s18, v40;
	v7 =	vshrl.u32 v4, $0xC;
	v8 =	vadd.s32 s4, v45  }
0x95: {  	v5 =	vand.u32 $0xEAF, v5;
	v7 =	vmul.u32 $0x3000, v7;
	v9 =	vshrl.u32 v8, $0xC  }
0x96: {  	v4 =	vand.u32 $0xEBF, v4;
	[tilespmem:$0x1FDB0] =	vst v0;
	v0 =	vor.u32 v5, v6;
	v5 =	vmul.u32 $0x3000, v9  }
0x97: {  	v6 =	vadd.s32 s4, v44;
	[tilespmem:$0x1FDC0] =	vst v0;
	v0 =	vor.u32 v4, v7;
	v4 =	vand.u32 $0xEBF, v8  }
0x98: {  	v23 =	vor.u32 v4, v5;
	v4 =	vshrl.u32 v6, $0xC;
	v5 =	vadd.s32 s4, v46  }
0x99: {  	v9 =	vadd.s32 s4, v50;
	v4 =	vmul.u32 $0x3000, v4;
	v7 =	vshrl.u32 v5, $0xC  }
0x9a: {  	v10 =	vshrl.u32 v9, $0xC;
	v6 =	vand.u32 $0xEFF, v6;
	v7 =	vmul.u32 $0x3000, v7  }
0x9b: {  	[tilespmem:$0x1FF80] =	vst v0;
	v0 =	vor.u32 v6, v4;
	v4 =	vand.u32 $0xEFF, v5;
	v5 =	vmul.u32 $0x3000, v10  }
0x9c: {  	v6 =	vadd.s32 s4, v49;
	[tilespmem:$0x1FF10] =	vst v0;
	v0 =	vor.u32 v4, v7;
	v4 =	vand.u32 $0xEFF, v9  }
0x9d: {  	v10 =	vor.u32 v4, v5;
	v4 =	vshrl.u32 v6, $0xC;
	v5 =	vadd.s32 s4, v52  }
0x9e: {  	v9 =	vadd.s32 s4, v53;
	v4 =	vmul.u32 $0x3000, v4;
	v7 =	vshrl.u32 v5, $0xC  }
0x9f: {  	v6 =	vand.u32 $0xEFF, v6;
	v11 =	vshrl.u32 v9, $0xC;
	v7 =	vmul.u32 $0x3000, v7  }
0xa0: {  	s19 =	sor.u32 $0xD5, s3;
	v48 =	vor.u32 v6, v4;
	v4 =	vand.u32 $0xEDF, v5;
	v5 =	vmul.u32 $0x3000, v11  }
0xa1: {  	[tilespmem:$0x1FF90] =	vst v0;
	v0 =	vor.u32 v4, v7;
	v4 =	vand.u32 $0xEDF, v9;
	v7 =	vadd.s32 s19, v54  }
0xa2: {  	[tilespmem:$0x1FFA0] =	vst v0;
	v0 =	vor.u32 v4, v5;
	v4 =	vshrl.u32 v7, $0xC;
	v5 =	vadd.s32 s19, v57  }
0xa3: {  	v4 =	vmul.u32 $0x3000, v4;
	v9 =	vshrl.u32 v5, $0xC  }
0xa4: {  	v11 =	vadd.s32 s19, v30;
	v7 =	vand.u32 $0xEDF, v7;
	v9 =	vmul.u32 $0x3000, v9  }
0xa5: {  	v13 =	vshrl.u32 v11, $0xC;
	v6 =	vor.u32 v7, v4;
	v4 =	vand.u32 $0xEFF, v5  }
0xa6: {  	v5 =	vmul.u32 $0x3000, v13;
	v4 =	vor.u32 v4, v9  }
0xa7: {  	v9 =	vadd.s32 s19, v35;
	[tilespmem:$0x1FFB0] =	vst v4;
	v4 =	vand.u32 $0xEFF, v11  }
0xa8: {  	v13 =	vor.u32 v4, v5;
	v4 =	vshrl.u32 v9, $0xC;
	v5 =	vadd.s32 s19, v1  }
0xa9: {  	v4 =	vmul.u32 $0x3000, v4;
	v11 =	vshrl.u32 v5, $0xC  }
0xaa: {  	v14 =	vadd.s32 s19, v3;
	v9 =	vand.u32 $0xEEF, v9;
	v11 =	vmul.u32 $0x3000, v11  }
0xab: {  	v16 =	vshrl.u32 v14, $0xC;
	v9 =	vor.u32 v9, v4;
	v4 =	vand.u32 $0xEFF, v5  }
0xac: {  	v5 =	vmul.u32 $0x3000, v16;
	v4 =	vor.u32 v4, v11  }
0xad: {  	v11 =	vadd.s32 s19, v2;
	[tilespmem:$0x1FFC0] =	vst v4;
	v4 =	vand.u32 $0xFFF, v14  }
0xae: {  	v14 =	vor.u32 v4, v5;
	v4 =	vshrl.u32 v11, $0xC;
	v5 =	vadd.s32 s19, v22  }
0xaf: {  	s20 =	sor.u32 $0x100, s3;
	v4 =	vmul.u32 $0x3000, v4;
	v16 =	vshrl.u32 v5, $0xC  }
0xb0: {  	v19 =	vmov s20;
	v11 =	vand.u32 $0xEFF, v11;
	v16 =	vmul.u32 $0x3000, v16  }
0xb1: {  	v19 =	vshrl.u32 v19, $0xC;
	v11 =	vor.u32 v11, v4;
	v4 =	vand.u32 $0xFFF, v5  }
0xb2: {  	v5 =	vmul.u32 $0x3000, v19;
	v4 =	vor.u32 v4, v16  }
0xb3: {  	[tilespmem:$0x1FFD0] =	vst v4;
	v4 =	vor.u32 s20, v32  }
0xb4: {  	v16 =	vor.u32 s20, v37;
	v19 =	vadd.s32 v36, v5;
	v4 =	vand.u32 $0xF0F, v4  }
0xb5: {  	v16 =	vand.u32 $0xF1F, v16;
	v4 =	vor.u32 v4, v19  }
0xb6: {  	[tilespmem:$0x1FDD0] =	vst v4;
	v4 =	vor.u32 v16, v19  }
0xb7: {  	[tilespmem:$0x1FDE0] =	vst v4;
	v4 =	vor.u32 s20, v15  }
0xb8: {  	v16 =	vadd.s32 v18, v5;
	v4 =	vand.u32 $0xF07, v4  }
0xb9: {  	v19 =	vor.u32 s20, v33;
	v4 =	vor.u32 v4, v16  }
0xba: {  	[tilespmem:$0x1FDF0] =	vst v4;
	v4 =	vand.u32 $0xF17, v19  }
0xbb: {  	v19 =	vor.u32 s20, v38;
	v4 =	vor.u32 v4, v16  }
0xbc: {  	[tilespmem:$0x1FE00] =	vst v4;
	v4 =	vand.u32 $0xF27, v19  }
0xbd: {  	v19 =	vor.u32 s20, v17;
	v4 =	vor.u32 v4, v16  }
0xbe: {  	v5 =	vadd.s32 v12, v5;
	v16 =	vor.u32 s20, v34;
	[tilespmem:$0x1FE10] =	vst v4;
	v4 =	vand.u32 $0xF0F, v19  }
0xbf: {  	s21 =	sor.u32 $0x12A, s3;
	s23 =	sor.u32 $0x180, s3;
	v16 =	vand.u32 $0xF1F, v16;
	v4 =	vor.u32 v4, v5  }
0xc0: {  	v63 =	vmov s23;
	v19 =	vadd.s32 s21, v41;
	[tilespmem:$0x1FE20] =	vst v4;
	v4 =	vor.u32 v16, v5  }
0xc1: {  	v63 =	vshrl.u32 v63, $0xC;
	v20 =	vadd.s32 s21, v45;
	[tilespmem:$0x1FE30] =	vst v4;
	v4 =	vshrl.u32 v19, $0xC  }
0xc2: {  	v21 =	vshrl.u32 v20, $0xC;
	v16 =	vor.u32 s20, v40;
	v4 =	vmul.u32 $0x3000, v4  }
0xc3: {  	v27 =	vadd.s32 s21, v53;
	v16 =	vand.u32 $0xF2F, v16;
	v19 =	vand.u32 $0xF3F, v19  }
0xc4: {  	v5 =	vor.u32 v16, v5;
	v24 =	vor.u32 v19, v4;
	v4 =	vmul.u32 $0x3000, v21  }
0xc5: {  	v16 =	vadd.s32 s21, v44;
	[tilespmem:$0x1FE40] =	vst v5;
	v5 =	vand.u32 $0xF3F, v20;
	v19 =	vadd.s32 s21, v46  }
0xc6: {  	v21 =	vor.u32 v5, v4;
	v4 =	vshrl.u32 v16, $0xC;
	v5 =	vshrl.u32 v19, $0xC  }
0xc7: {  	v20 =	vadd.s32 s21, v50;
	v4 =	vmul.u32 $0x3000, v4;
	v5 =	vmul.u32 $0x3000, v5  }
0xc8: {  	v26 =	vshrl.u32 v20, $0xC;
	v16 =	vand.u32 $0xF7F, v16;
	v19 =	vand.u32 $0xF7F, v19  }
0xc9: {  	v16 =	vor.u32 v16, v4;
	v25 =	vor.u32 v19, v5;
	v4 =	vmul.u32 $0x3000, v26  }
0xca: {  	v5 =	vand.u32 $0xF7F, v20;
	v19 =	vadd.s32 s21, v49;
	v20 =	vadd.s32 s21, v52  }
0xcb: {  	v42 =	vor.u32 v5, v4;
	v4 =	vshrl.u32 v19, $0xC;
	v5 =	vshrl.u32 v20, $0xC  }
0xcc: {  	s22 =	sor.u32 $0x155, s3;
	v28 =	vshrl.u32 v27, $0xC;
	v4 =	vmul.u32 $0x3000, v4;
	v5 =	vmul.u32 $0x3000, v5  }
0xcd: {  	v29 =	vadd.s32 s22, v30;
	v19 =	vand.u32 $0xF7F, v19;
	v20 =	vand.u32 $0xF5F, v20  }
0xce: {  	v19 =	vor.u32 v19, v4;
	v26 =	vor.u32 v20, v5;
	v4 =	vmul.u32 $0x3000, v28  }
0xcf: {  	v5 =	vand.u32 $0xF5F, v27;
	v20 =	vadd.s32 s22, v54;
	v27 =	vadd.s32 s22, v57  }
0xd0: {  	v55 =	vor.u32 v5, v4;
	v4 =	vshrl.u32 v20, $0xC;
	v5 =	vshrl.u32 v27, $0xC  }
0xd1: {  	v58 =	vshrl.u32 v29, $0xC;
	v4 =	vmul.u32 $0x3000, v4;
	v5 =	vmul.u32 $0x3000, v5  }
0xd2: {  	v59 =	vadd.s32 s22, v3;
	v20 =	vand.u32 $0xF5F, v20;
	v27 =	vand.u32 $0xF7F, v27  }
0xd3: {  	v20 =	vor.u32 v20, v4;
	v28 =	vor.u32 v27, v5;
	v4 =	vmul.u32 $0x3000, v58  }
0xd4: {  	v5 =	vand.u32 $0xF7F, v29;
	v27 =	vadd.s32 s22, v35;
	v29 =	vadd.s32 s22, v1  }
0xd5: {  	v58 =	vor.u32 v5, v4;
	v4 =	vshrl.u32 v27, $0xC;
	v5 =	vshrl.u32 v29, $0xC  }
0xd6: {  	s25 =	sor.u32 $0x1D5, s3;
	v60 =	vshrl.u32 v59, $0xC;
	v4 =	vmul.u32 $0x3000, v4;
	v5 =	vmul.u32 $0x3000, v5  }
0xd7: {  	v3 =	vadd.s32 s25, v3;
	v27 =	vand.u32 $0xF6F, v27;
	v29 =	vand.u32 $0xF7F, v29  }
0xd8: {  	v4 =	vor.u32 v27, v4;
	v27 =	vor.u32 v29, v5;
	v5 =	vmul.u32 $0x3000, v60  }
0xd9: {  	v30 =	vadd.s32 s25, v30;
	v29 =	vand.u32 $0xFFF, v59;
	v59 =	vadd.s32 s22, v2  }
0xda: {  	v37 =	vor.u32 s23, v37;
	v61 =	vor.u32 v29, v5;
	v5 =	vshrl.u32 v59, $0xC  }
0xdb: {  	v32 =	vor.u32 s23, v32;
	v60 =	vadd.s32 s22, v22;
	v5 =	vmul.u32 $0x3000, v5  }
0xdc: {  	v37 =	vand.u32 $0xF9F, v37;
	v29 =	vshrl.u32 v60, $0xC;
	v59 =	vand.u32 $0xF7F, v59  }
0xdd: {  	v29 =	vmul.u32 $0x3000, v29;
	v5 =	vor.u32 v59, v5;
	v59 =	vmul.u32 $0x3000, v63  }
0xde: {  	v32 =	vand.u32 $0xF8F, v32;
	v15 =	vor.u32 s23, v15;
	v60 =	vand.u32 $0xFFF, v60  }
0xdf: {  	s24 =	sor.u32 $0x1AA, s3;
	v15 =	vand.u32 $0xF87, v15;
	v7 =	vor.u32 v60, v29;
	v60 =	vadd.s32 v36, v59  }
0xe0: {  	v52 =	vadd.s32 s24, v52;
	v35 =	vadd.s32 s25, v35;
	[tilespmem:$0x1FFE0] =	vst v7;
	v7 =	vor.u32 v32, v60  }
0xe1: {  	v1 =	vadd.s32 s25, v1;
	v63 =	vadd.s32 v18, v59;
	[tilespmem:$0x1FE50] =	vst v7;
	v7 =	vor.u32 v37, v60  }
0xe2: {  	v32 =	vor.u32 s23, v33;
	v60 =	vor.u32 s23, v38;
	[tilespmem:$0x1FE60] =	vst v7;
	v7 =	vor.u32 v15, v63  }
0xe3: {  	v15 =	vand.u32 $0xF97, v32;
	v38 =	vand.u32 $0xFA7, v60;
	v60 =	vor.u32 s23, v34  }
0xe4: {  	[tilespmem:$0x1FE70] =	vst v7;
	v7 =	vor.u32 v15, v63;
	v15 =	vor.u32 s23, v17;
	v17 =	vadd.s32 v12, v59  }
0xe5: {  	[tilespmem:$0x1FE80] =	vst v7;
	v7 =	vor.u32 v38, v63;
	v15 =	vand.u32 $0xF8F, v15;
	v63 =	vadd.s32 s24, v41  }
0xe6: {  	[tilespmem:$0x1FE90] =	vst v7;
	v7 =	vor.u32 v15, v17;
	v15 =	vand.u32 $0xF9F, v60;
	v41 =	vshrl.u32 v63, $0xC  }
0xe7: {  	v32 =	vand.u32 $0xFBF, v63;
	v60 =	vadd.s32 s24, v46;
	v63 =	vadd.s32 s24, v50  }
0xe8: {  	v50 =	vadd.s32 s24, v49;
	v49 =	vadd.s32 s25, v54;
	v54 =	vshrl.u32 v30, $0xC  }
0xe9: {  	v30 =	vand.u32 $0xFFF, v30;
	[tilespmem:$0x1FEA0] =	vst v7;
	v7 =	vor.u32 v15, v17;
	v15 =	vadd.s32 s24, v45  }
0xea: {  	v45 =	vor.u32 s23, v40;
	v33 =	vmul.u32 $0x3000, v41;
	v46 =	vand.u32 $0xFFF, v63  }
0xeb: {  	v59 =	vshrl.u32 v15, $0xC;
	v34 =	vand.u32 $0xFAF, v45;
	v15 =	vand.u32 $0xFBF, v15  }
0xec: {  	v45 =	vshrl.u32 v63, $0xC;
	v63 =	vshrl.u32 v52, $0xC;
	v37 =	vmul.u32 $0x3000, v59  }
0xed: {  	[tilespmem:$0x1FEB0] =	vst v7;
	v7 =	vor.u32 v34, v17;
	v33 =	vor.u32 v32, v33;
	v17 =	vadd.s32 s24, v44  }
0xee: {  	v44 =	vshrl.u32 v60, $0xC;
	v32 =	vand.u32 $0xFFF, v60;
	v40 =	vmul.u32 $0x3000, v45  }
0xef: {  	v59 =	vadd.s32 s24, v53;
	v60 =	vshrl.u32 v50, $0xC;
	v41 =	vshrl.u32 v17, $0xC  }
0xf0: {  	v38 =	vmul.u32 $0x3000, v44;
	v17 =	vand.u32 $0xFFF, v17;
	v44 =	vmul.u32 $0x3000, v63  }
0xf1: {  	v15 =	vor.u32 v15, v37;
	v34 =	vmul.u32 $0x3000, v41;
	v41 =	vmul.u32 $0x3000, v60  }
0xf2: {  	v37 =	vand.u32 $0xFFF, v50;
	v50 =	vadd.s32 s25, v57;
	v57 =	vshrl.u32 v35, $0xC  }
0xf3: {  	[tilespmem:$0x1FEC0] =	vst v7;
	v60 =	vshrl.u32 v3, $0xC;
	v7 =	vor.u32 v32, v38;
	v32 =	vor.u32 v46, v40  }
0xf4: {  	v38 =	vand.u32 $0xFDF, v52;
	v40 =	vand.u32 $0xFDF, v59;
	v52 =	vshrl.u32 v49, $0xC  }
0xf5: {  	v53 =	vshrl.u32 v50, $0xC;
	v17 =	vor.u32 v17, v34;
	v34 =	vshrl.u32 v59, $0xC  }
0xf6: {  	v46 =	vmul.u32 $0x3000, v54;
	v54 =	vadd.s32 v18, v42;
	v45 =	vmul.u32 $0x3000, v34  }
0xf7: {  	v37 =	vor.u32 v37, v41;
	v38 =	vor.u32 v38, v44;
	v44 =	vmul.u32 $0x3000, v52  }
0xf8: {  	v59 =	vshrl.u32 v1, $0xC;
	v63 =	vor.u32 v40, v45;
	v40 =	vand.u32 $0xFDF, v49  }
0xf9: {  	[tilespmem:$0x1FFF0] =	vst v7;
	v41 =	vand.u32 $0xFFF, v50;
	v7 =	vor.u32 v40, v44;
	v44 =	vmul.u32 $0x3000, v59  }
0xfa: {  	v1 =	vand.u32 $0xFFF, v1;
	v50 =	vadd.s32 v18, v0;
	v0 =	vadd.s32 s25, v2  }
0xfb: {  	v2 =	vshrl.u32 v0, $0xC;
	v34 =	vor.u32 v1, v44;
	v1 =	vand.u32 $0xFFF, v3;
	v3 =	vld [tilespmem:$0x1FED0]  }
0xfc: {  	v42 =	vadd.s32 v12, v48;
	v48 =	vadd.s32 v12, v9;
	v2 =	vmul.u32 $0x3000, v2  }
0xfd: {  	v9 =	vadd.s32 s25, v22;
	v0 =	vand.u32 $0xFFF, v0;
	v45 =	vmul.u32 $0x3000, v53  }
0xfe: {  	v30 =	vor.u32 v30, v46;
	v49 =	vadd.s32 v18, v10;
	v10 =	vor.u32 v0, v2;
	v0 =	vld [tilespmem:$0x1FEF0]  }
0xff: {  	v46 =	vadd.s32 v18, v23;
	v23 =	vadd.s32 v12, v11;
	v29 =	vor.u32 v41, v45  }
0x100: {  	s26 =	rddreg [dreg:$0x1];
	s5 =	simm.s32 $0x0;
	v45 =	vmul.u32 $0x3000, v60;
	v44 =	vadd.s32 v18, v56;
	v3 =	vadd.s32 v18, v3  }
0x101: {  	[smem:$0x7FF] =	sst s5;
	v56 =	vadd.s32 v18, v55;
	v55 =	vadd.s32 v12, v6;
	v6 =	vshrl.u32 v9, $0xC;
	[tilespmem:$0x1FEE0] =	vst v3  }
0x102: {  	s3 =	rddreg [dreg:$0x0];
	v41 =	vmul.u32 $0x3000, v57;
	v9 =	vand.u32 $0xFFF, v9;
	v11 =	vmul.u32 $0x3000, v6;
	_ =	strace $0x80000047  }
0x103: {  	v1 =	vor.u32 v1, v45;
	v45 =	vadd.s32 v18, v31;
	v31 =	vadd.s32 v12, v0;
	v0 =	vld [tilespmem:$0x1FF00]  }
0x104: {  	v35 =	vand.u32 $0xFEF, v35;
	v40 =	vor.u32 v9, v11;
	v9 =	vld [tilespmem:$0x1FF20]  }
0x105: {  	v8 =	vor.u32 v35, v41;
	v11 =	vld [tilespmem:$0x1FF40]  }
0x106: {  	v41 =	vadd.s32 v18, v43;
	v43 =	vadd.s32 v18, v51;
	v51 =	vadd.s32 v18, v13;
	v13 =	vld [tilespmem:$0x1FF60]  }
0x107: {  	v52 =	vadd.s32 v18, v14;
	v14 =	vld [tilespmem:$0x1FF70]  }
0x108: {  	v53 =	vadd.s32 v18, v21;
	v59 =	vadd.s32 v18, v15;
	v15 =	vld [tilespmem:$0x1FF80]  }
0x109: {  	v3 =	vadd.s32 v12, v4;
	v4 =	vadd.s32 v12, v5;
	v5 =	vadd.s32 v12, v17;
	v17 =	vld [tilespmem:$0x1FF90]  }
0x10a: {  	v57 =	vadd.s32 v18, v58;
	v58 =	vadd.s32 v18, v61;
	v6 =	vadd.s32 v12, v37;
	v37 =	vld [tilespmem:$0x1FFE0]  }
0x10b: {  	v61 =	vadd.s32 v18, v63;
	v63 =	vadd.s32 v18, v30;
	v30 =	vadd.s32 v12, v0;
	v0 =	vld [tilespmem:$0x1FF10]  }
0x10c: {  	s9 =	simm.s32 $0x80;
	s10 =	simm.s32 $0xE00;
	v60 =	vadd.s32 v18, v32;
	v18 =	vadd.s32 v18, v1;
	v1 =	vadd.s32 v12, v19;
	v19 =	vld [tilespmem:$0x1FFA0]  }
0x10d: {  	s11 =	simm.s32 $0x8E00;
	s12 =	simm.s32 $0x1;
	s14 =	simm.s32 $0x3;
	v39 =	vadd.s32 v12, v39;
	v47 =	vadd.s32 v12, v47;
	v2 =	vadd.s32 v12, v20;
	v20 =	vld [tilespmem:$0x1FFB0]  }
0x10e: {  	s28 =	simm.s32 $0x480;
	s29 =	simm.s32 $0xA80;
	s30 =	simm.s32 $0x500;
	v62 =	vadd.s32 v12, v62;
	v24 =	vadd.s32 v36, v24;
	v25 =	vadd.s32 v36, v25;
	v21 =	vld [tilespmem:$0x1FFC0]  }
0x10f: {  	s31 =	simm.s32 $0xB00;
	s0 =	simm.s32 $0x580;
	s6 =	ssub.s32 $0x2, s1;
	v26 =	vadd.s32 v36, v26;
	v28 =	vadd.s32 v36, v28;
	v27 =	vadd.s32 v36, v27;
	v22 =	vld [tilespmem:$0x1FFD0]  }
0x110: {  	s1 =	sadd.s32 $0x2A00, s26;
	s2 =	smul.u32 $0xC0, s2;
	s8 =	sshrl.u32 s6, $0x1;
	v33 =	vadd.s32 v36, v33;
	v32 =	vadd.s32 v36, v37;
	v37 =	vld [tilespmem:$0x1FFF0];
	v35 =	vadd.s32 v12, v0  }
0x111: {  	s15 =	simm.s32 $0x4E00;
	s8 =	ssub.s32 s6, s8;
	s6 =	sadd.s32 $0x142A00, s26;
	v0 =	vadd.s32 v12, v16;
	v16 =	vadd.s32 v12, v8;
	v8 =	vadd.s32 v12, v10;
	v10 =	vld [tilespmem:$0x1FF30]  }
0x112: {  	s7 =	sadd.s32 s2, s26;
	s2 =	sadd.s32 $0x82A00, s26;
	s26 =	simm.s32 $0xA00;
	v38 =	vadd.s32 v36, v38;
	v7 =	vadd.s32 v12, v7;
	v29 =	vadd.s32 v36, v29;
	v12 =	vld [tilespmem:$0x1FF50]  }
0x113: {  	s7 =	sadd.s32 $0x1200, s7;
	s16 =	simm.s32 $0xCE00;
	s17 =	simm.s32 $0x2;
	v34 =	vadd.s32 v36, v34;
	v40 =	vadd.s32 v36, v40;
	v9 =	vadd.s32 v36, v9  }
0x114: {  	s18 =	simm.s32 $0x380;
	s4 =	simm.s32 $0xB80;
	s19 =	simm.s32 $0x4;
	v11 =	vadd.s32 v36, v11;
	v13 =	vadd.s32 v36, v13;
	v14 =	vadd.s32 v36, v14  }
0x115: {  	s20 =	simm.s32 $0x5;
	s21 =	simm.s32 $0x7;
	s22 =	simm.s32 $0x980;
	v15 =	vadd.s32 v36, v15;
	v17 =	vadd.s32 v36, v17;
	v19 =	vadd.s32 v36, v19  }
0x116: {  	s23 =	simm.s32 $0x400;
	s24 =	simm.s32 $0x6;
	s25 =	simm.s32 $0x8;
	v20 =	vadd.s32 v36, v20;
	v21 =	vadd.s32 v36, v21;
	v22 =	vadd.s32 v36, v22  }
0x117: {  	[dreg:$0x3] =	wrdreg s7;
	s7 =	smax.u32 s8, $0x1;
	s8 =	simm.s32 $0x9;
	v37 =	vadd.s32 v36, v37;
	v10 =	vadd.s32 v36, v10;
	v12 =	vadd.s32 v36, v12  }
.LBB2_1:
0x118: {  	s13 =	rddreg [dreg:$0x3]  }
0x119: {  	[tilespmem:s5], [sflag:$0x9] =	stream.linear.gather [hbm4b:s13+s5], $0x600, $0x38;
	[tilespmem:$0x10E00] =	vst v63  }
0x11a: {  	_ =	swait.ge [sflag:s8], $0x600  }
0x11b: {  	v36 =	vld [tilespmem:$0x1FCD0];
	_ =	sdelay $0x2  }
0x11c: {  	[sflag:s8] =	ssyncset.done $0x0  }
0x11d: {  	[sflag:s8] =	ssyncadd.s32 $0xFFFFFA00  }
0x11e: {  	[tilespmem:$0x600] =	vst v36;
	v36 =	vld [tilespmem:$0x1FCE0];
	_ =	sdelay $0x4  }
0x11f: {  	[tilespmem:$0x610] =	vst v36;
	v36 =	vld [tilespmem:$0x1FCF0];
	_ =	sdelay $0x4  }
0x120: {  	[tilespmem:$0x620] =	vst v36;
	v36 =	vld [tilespmem:$0x1FD00];
	_ =	sdelay $0x4  }
0x121: {  	[tilespmem:$0x630] =	vst v36;
	v36 =	vld [tilespmem:$0x1FD10];
	_ =	sdelay $0x4  }
0x122: {  	[tilespmem:$0x640] =	vst v36;
	v36 =	vld [tilespmem:$0x1FD20];
	_ =	sdelay $0x4  }
0x123: {  	[tilespmem:$0x650] =	vst v36;
	v36 =	vld [tilespmem:$0x1FD30];
	_ =	sdelay $0x4  }
0x124: {  	[tilespmem:$0x660] =	vst v36;
	v36 =	vld [tilespmem:$0x1FD40];
	_ =	sdelay $0x4  }
0x125: {  	[tilespmem:$0x670] =	vst v36;
	v36 =	vld [tilespmem:$0x1FEE0];
	_ =	sdelay $0x4  }
0x126: {  	[tilespmem:$0x690] =	vst v36;
	v36 =	vld [tilespmem:$0x1FD50];
	_ =	sdelay $0x4  }
0x127: {  	[tilespmem:$0x780] =	vst v36;
	v36 =	vld [tilespmem:$0x1FD60];
	_ =	sdelay $0x4  }
0x128: {  	[tilespmem:$0x790] =	vst v36;
	v36 =	vld [tilespmem:$0x1FD70];
	_ =	sdelay $0x4  }
0x129: {  	[tilespmem:$0x7A0] =	vst v36;
	v36 =	vld [tilespmem:$0x1FD80];
	_ =	sdelay $0x4  }
0x12a: {  	[tilespmem:$0x7B0] =	vst v36;
	v36 =	vld [tilespmem:$0x1FD90];
	_ =	sdelay $0x4  }
0x12b: {  	[tilespmem:$0x7C0] =	vst v36;
	v36 =	vld [tilespmem:$0x1FDA0];
	_ =	sdelay $0x4  }
0x12c: {  	[tilespmem:$0x7D0] =	vst v36;
	v36 =	vld [tilespmem:$0x1FDB0];
	_ =	sdelay $0x4  }
0x12d: {  	[tilespmem:$0x7E0] =	vst v36;
	v36 =	vld [tilespmem:$0x1FDC0];
	_ =	sdelay $0x4  }
0x12e: {  	[tilespmem:$0x7F0] =	vst v36;
	v36 =	vld [tilespmem:$0x1FDF0];
	_ =	sdelay $0x1  }
0x12f: {  	[tilespmem:$0x680] =	vst v9  }
0x130: {  	[tilespmem:$0x6A0] =	vst v31  }
0x131: {  	[tilespmem:$0x6B0] =	vst v10  }
0x132: {  	[tilespmem:$0x900] =	vst v36;
	v36 =	vld [tilespmem:$0x1FE20]  }
0x133: {  	[tilespmem:$0x6C0] =	vst v41  }
0x134: {  	[tilespmem:$0x6D0] =	vst v39  }
0x135: {  	[tilespmem:$0x6E0] =	vst v11  }
0x136: {  	[tilespmem:$0x6F0] =	vst v43  }
0x137: {  	[tilespmem:$0x910] =	vst v36;
	v36 =	vld [tilespmem:$0x1FDD0]  }
0x138: {  	[tilespmem:$0x700] =	vst v47  }
0x139: {  	[tilespmem:$0x710] =	vst v12  }
0x13a: {  	[tilespmem:$0x720] =	vst v44  }
0x13b: {  	[tilespmem:$0x730] =	vst v62  }
0x13c: {  	[tilespmem:$0x920] =	vst v36;
	v36 =	vld [tilespmem:$0x1FE00]  }
0x13d: {  	[tilespmem:$0x740] =	vst v13  }
0x13e: {  	[tilespmem:$0x750] =	vst v45  }
0x13f: {  	[tilespmem:$0x760] =	vst v30  }
0x140: {  	[tilespmem:$0x770] =	vst v14  }
0x141: {  	[tilespmem:$0x930] =	vst v36;
	v36 =	vld [tilespmem:$0x1FE30]  }
0x142: {  	[tilespmem:$0x800] =	vst v15  }
0x143: {  	[tilespmem:$0x810] =	vst v46  }
0x144: {  	[tilespmem:$0x820] =	vst v35  }
0x145: {  	[tilespmem:$0x830] =	vst v17  }
0x146: {  	[tilespmem:$0x940] =	vst v36;
	v36 =	vld [tilespmem:$0x1FDE0]  }
0x147: {  	[tilespmem:$0x840] =	vst v49  }
0x148: {  	[tilespmem:$0x850] =	vst v42  }
0x149: {  	[tilespmem:$0x860] =	vst v19  }
0x14a: {  	[tilespmem:$0x870] =	vst v50  }
0x14b: {  	[tilespmem:$0x950] =	vst v36;
	v36 =	vld [tilespmem:$0x1FE10]  }
0x14c: {  	[tilespmem:$0x880] =	vst v55  }
0x14d: {  	[tilespmem:$0x890] =	vst v20  }
0x14e: {  	[tilespmem:$0x8A0] =	vst v51  }
0x14f: {  	[tilespmem:$0x8B0] =	vst v48  }
0x150: {  	[tilespmem:$0x960] =	vst v36;
	v36 =	vld [tilespmem:$0x1FE40]  }
0x151: {  	[tilespmem:$0x8C0] =	vst v21  }
0x152: {  	[tilespmem:$0x8D0] =	vst v52  }
0x153: {  	[tilespmem:$0x8E0] =	vst v23  }
0x154: {  	[tilespmem:$0x8F0] =	vst v22  }
0x155: {  	[tilespmem:$0x970] =	vst v36;
	v36 =	vld [tilespmem:$0x1FE70]  }
0x156: {  	[tilespmem:$0x980] =	vst v24  }
0x157: {  	[tilespmem:$0x990] =	vst v53  }
0x158: {  	[tilespmem:$0x9A0] =	vst v0  }
0x159: {  	[tilespmem:$0x9B0] =	vst v25  }
0x15a: {  	[tilespmem:$0xA80] =	vst v36;
	v36 =	vld [tilespmem:$0x1FEA0]  }
0x15b: {  	[tilespmem:$0x9C0] =	vst v54  }
0x15c: {  	[tilespmem:$0x9D0] =	vst v1  }
0x15d: {  	[tilespmem:$0x9E0] =	vst v26  }
0x15e: {  	[tilespmem:$0x9F0] =	vst v56  }
0x15f: {  	[tilespmem:$0xA90] =	vst v36;
	v36 =	vld [tilespmem:$0x1FE50]  }
0x160: {  	[tilespmem:$0xA00] =	vst v2  }
0x161: {  	[tilespmem:$0xA10] =	vst v28  }
0x162: {  	[tilespmem:$0xA20] =	vst v57  }
0x163: {  	[tilespmem:$0xA30] =	vst v3  }
0x164: {  	[tilespmem:$0xAA0] =	vst v36;
	v36 =	vld [tilespmem:$0x1FE80]  }
0x165: {  	[tilespmem:$0xA40] =	vst v27  }
0x166: {  	[tilespmem:$0xA50] =	vst v58  }
0x167: {  	[tilespmem:$0xA60] =	vst v4  }
0x168: {  	[tilespmem:$0xA70] =	vst v32  }
0x169: {  	[tilespmem:$0xAB0] =	vst v36;
	v36 =	vld [tilespmem:$0x1FEB0]  }
0x16a: {  	[tilespmem:$0xB00] =	vst v33  }
0x16b: {  	[tilespmem:$0xB10] =	vst v59  }
0x16c: {  	[tilespmem:$0xB20] =	vst v5  }
0x16d: {  	[tilespmem:$0xB30] =	vst v37  }
0x16e: {  	[tilespmem:$0xAC0] =	vst v36;
	v36 =	vld [tilespmem:$0x1FE60]  }
0x16f: {  	[tilespmem:$0xB40] =	vst v60  }
0x170: {  	[tilespmem:$0xB50] =	vst v6  }
0x171: {  	[tilespmem:$0xB60] =	vst v38  }
0x172: {  	[tilespmem:$0xB70] =	vst v61  }
0x173: {  	[tilespmem:$0xAD0] =	vst v36;
	v36 =	vld [tilespmem:$0x1FE90]  }
0x174: {  	[tilespmem:$0xB80] =	vst v7  }
0x175: {  	[tilespmem:$0xB90] =	vst v29  }
0x176: {  	[tilespmem:$0xBA0] =	vst v63  }
0x177: {  	[tilespmem:$0xBB0] =	vst v16  }
0x178: {  	[tilespmem:$0xAE0] =	vst v36;
	v36 =	vld [tilespmem:$0x1FEC0]  }
0x179: {  	[tilespmem:$0xBC0] =	vst v34  }
0x17a: {  	[tilespmem:$0xBD0] =	vst v18  }
0x17b: {  	[tilespmem:$0xBE0] =	vst v8  }
0x17c: {  	[tilespmem:$0xBF0] =	vst v40  }
0x17d: {  	[tilespmem:$0xAF0] =	vst v36  }
0x17e: {  	[tilespmem:s10], [sflag:$0x1] =	stream.indirect.gather [hbm4b:s3+s9], $0x80, s5, s9, $0xb8;
	[tilespmem:$0x10E00] =	vst v63  }
0x17f: {  	_ = 	snop  }
0x180: {  	[tilespmem:s11], [sflag:$0x3] =	stream.indirect.gather [hbm4b:s1+s9], $0x80, s5, s9, $0xb8;
	[tilespmem:$0x10E00] =	vst v63  }
0x181: {  	_ =	swait.ge [sflag:s12], $0x4000  }
0x182: {  	[sflag:s12] =	ssyncset.done $0x0  }
0x183: {  	s13 =	simm.s32 $0x600;
	[sflag:s12] =	ssyncadd.s32 $0xFFFFC000  }
0x184: {  	[hbm4b:s2+s9] =	stream.indirect.scatter [tilespmem:s10], [sflag:$0x5], $0x80, s13, s9, $0xb8;
	[tilespmem:$0x10E00] =	vst v63  }
0x185: {  	_ =	swait.ge [sflag:s14], $0x4000  }
0x186: {  	[sflag:s14] =	ssyncset.done $0x0  }
0x187: {  	[sflag:s14] =	ssyncadd.s32 $0xFFFFC000  }
0x188: {  	[hbm4b:s6+s9] =	stream.indirect.scatter [tilespmem:s11], [sflag:$0x7], $0x80, s13, s9, $0xb8;
	[tilespmem:$0x10E00] =	vst v63  }
0x189: {  	_ = 	snop  }
0x18a: {  	[tilespmem:s15], [sflag:$0x2] =	stream.indirect.gather [hbm4b:s3+s9], $0x80, s9, s9, $0xb8;
	[tilespmem:$0x10E00] =	vst v63  }
0x18b: {  	_ = 	snop  }
0x18c: {  	[tilespmem:s16], [sflag:$0x4] =	stream.indirect.gather [hbm4b:s1+s9], $0x80, s9, s9, $0xb8;
	[tilespmem:$0x10E00] =	vst v63  }
0x18d: {  	_ =	swait.ge [sflag:s17], $0x4000  }
0x18e: {  	[sflag:s17] =	ssyncset.done $0x0  }
0x18f: {  	s13 =	simm.s32 $0x680;
	[sflag:s17] =	ssyncadd.s32 $0xFFFFC000  }
0x190: {  	[hbm4b:s2+s9] =	stream.indirect.scatter [tilespmem:s15], [sflag:$0x6], $0x80, s13, s9, $0xb8;
	[tilespmem:$0x10E00] =	vst v63  }
0x191: {  	_ =	swait.ge [sflag:s19], $0x4000  }
0x192: {  	[sflag:s19] =	ssyncset.done $0x0  }
0x193: {  	[sflag:s19] =	ssyncadd.s32 $0xFFFFC000  }
0x194: {  	[hbm4b:s6+s9] =	stream.indirect.scatter [tilespmem:s16], [sflag:$0x8], $0x80, s13, s9, $0xb8;
	[tilespmem:$0x10E00] =	vst v63  }
0x195: {  	_ =	swait.ge [sflag:s20], $0x4000  }
0x196: {  	[sflag:s20] =	ssyncset.done $0x0  }
0x197: {  	[sflag:s20] =	ssyncadd.s32 $0xFFFFC000  }
0x198: {  	_ =	swait.ge [sflag:s21], $0x4000  }
0x199: {  	[sflag:s21] =	ssyncset.done $0x0  }
0x19a: {  	s13 =	simm.s32 $0x100;
	[sflag:s21] =	ssyncadd.s32 $0xFFFFC000  }
0x19b: {  	[tilespmem:s10], [sflag:$0x1] =	stream.indirect.gather [hbm4b:s3+s9], $0x80, s13, s9, $0xb8;
	[tilespmem:$0x10E00] =	vst v63  }
0x19c: {  	_ = 	snop  }
0x19d: {  	[tilespmem:s11], [sflag:$0x3] =	stream.indirect.gather [hbm4b:s1+s9], $0x80, s13, s9, $0xb8;
	[tilespmem:$0x10E00] =	vst v63  }
0x19e: {  	_ =	swait.ge [sflag:s12], $0x4000  }
0x19f: {  	[sflag:s12] =	ssyncset.done $0x0  }
0x1a0: {  	s13 =	simm.s32 $0x700;
	[sflag:s12] =	ssyncadd.s32 $0xFFFFC000  }
0x1a1: {  	[hbm4b:s2+s9] =	stream.indirect.scatter [tilespmem:s10], [sflag:$0x5], $0x80, s13, s9, $0xb8;
	[tilespmem:$0x10E00] =	vst v63  }
0x1a2: {  	_ =	swait.ge [sflag:s14], $0x4000  }
0x1a3: {  	[sflag:s14] =	ssyncset.done $0x0  }
0x1a4: {  	[sflag:s14] =	ssyncadd.s32 $0xFFFFC000  }
0x1a5: {  	[hbm4b:s6+s9] =	stream.indirect.scatter [tilespmem:s11], [sflag:$0x7], $0x80, s13, s9, $0xb8;
	[tilespmem:$0x10E00] =	vst v63  }
0x1a6: {  	_ =	swait.ge [sflag:s24], $0x4000  }
0x1a7: {  	[sflag:s24] =	ssyncset.done $0x0  }
0x1a8: {  	[sflag:s24] =	ssyncadd.s32 $0xFFFFC000  }
0x1a9: {  	_ =	swait.ge [sflag:s25], $0x4000  }
0x1aa: {  	[sflag:s25] =	ssyncset.done $0x0  }
0x1ab: {  	s13 =	simm.s32 $0x180;
	[sflag:s25] =	ssyncadd.s32 $0xFFFFC000  }
0x1ac: {  	[tilespmem:s15], [sflag:$0x2] =	stream.indirect.gather [hbm4b:s3+s9], $0x80, s13, s9, $0xb8;
	[tilespmem:$0x10E00] =	vst v63  }
0x1ad: {  	_ = 	snop  }
0x1ae: {  	[tilespmem:s16], [sflag:$0x4] =	stream.indirect.gather [hbm4b:s1+s9], $0x80, s13, s9, $0xb8;
	[tilespmem:$0x10E00] =	vst v63  }
0x1af: {  	_ =	swait.ge [sflag:s17], $0x4000  }
0x1b0: {  	[sflag:s17] =	ssyncset.done $0x0  }
0x1b1: {  	s13 =	simm.s32 $0x780;
	[sflag:s17] =	ssyncadd.s32 $0xFFFFC000  }
0x1b2: {  	[hbm4b:s2+s9] =	stream.indirect.scatter [tilespmem:s15], [sflag:$0x6], $0x80, s13, s9, $0xb8;
	[tilespmem:$0x10E00] =	vst v63  }
0x1b3: {  	_ =	swait.ge [sflag:s19], $0x4000  }
0x1b4: {  	[sflag:s19] =	ssyncset.done $0x0  }
0x1b5: {  	[sflag:s19] =	ssyncadd.s32 $0xFFFFC000  }
0x1b6: {  	[hbm4b:s6+s9] =	stream.indirect.scatter [tilespmem:s16], [sflag:$0x8], $0x80, s13, s9, $0xb8;
	[tilespmem:$0x10E00] =	vst v63  }
0x1b7: {  	_ =	swait.ge [sflag:s20], $0x4000  }
0x1b8: {  	[sflag:s20] =	ssyncset.done $0x0  }
0x1b9: {  	[sflag:s20] =	ssyncadd.s32 $0xFFFFC000  }
0x1ba: {  	_ =	swait.ge [sflag:s21], $0x4000  }
0x1bb: {  	[sflag:s21] =	ssyncset.done $0x0  }
0x1bc: {  	s13 =	simm.s32 $0x200;
	[sflag:s21] =	ssyncadd.s32 $0xFFFFC000  }
0x1bd: {  	[tilespmem:s10], [sflag:$0x1] =	stream.indirect.gather [hbm4b:s3+s9], $0x80, s13, s9, $0xb8;
	[tilespmem:$0x10E00] =	vst v63  }
0x1be: {  	_ = 	snop  }
0x1bf: {  	[tilespmem:s11], [sflag:$0x3] =	stream.indirect.gather [hbm4b:s1+s9], $0x80, s13, s9, $0xb8;
	[tilespmem:$0x10E00] =	vst v63  }
0x1c0: {  	_ =	swait.ge [sflag:s12], $0x4000  }
0x1c1: {  	[sflag:s12] =	ssyncset.done $0x0  }
0x1c2: {  	s13 =	simm.s32 $0x800;
	[sflag:s12] =	ssyncadd.s32 $0xFFFFC000  }
0x1c3: {  	[hbm4b:s2+s9] =	stream.indirect.scatter [tilespmem:s10], [sflag:$0x5], $0x80, s13, s9, $0xb8;
	[tilespmem:$0x10E00] =	vst v63  }
0x1c4: {  	_ =	swait.ge [sflag:s14], $0x4000  }
0x1c5: {  	[sflag:s14] =	ssyncset.done $0x0  }
0x1c6: {  	[sflag:s14] =	ssyncadd.s32 $0xFFFFC000  }
0x1c7: {  	[hbm4b:s6+s9] =	stream.indirect.scatter [tilespmem:s11], [sflag:$0x7], $0x80, s13, s9, $0xb8;
	[tilespmem:$0x10E00] =	vst v63  }
0x1c8: {  	_ =	swait.ge [sflag:s24], $0x4000  }
0x1c9: {  	[sflag:s24] =	ssyncset.done $0x0  }
0x1ca: {  	[sflag:s24] =	ssyncadd.s32 $0xFFFFC000  }
0x1cb: {  	_ =	swait.ge [sflag:s25], $0x4000  }
0x1cc: {  	[sflag:s25] =	ssyncset.done $0x0  }
0x1cd: {  	s13 =	simm.s32 $0x280;
	[sflag:s25] =	ssyncadd.s32 $0xFFFFC000  }
0x1ce: {  	[tilespmem:s15], [sflag:$0x2] =	stream.indirect.gather [hbm4b:s3+s9], $0x80, s13, s9, $0xb8;
	[tilespmem:$0x10E00] =	vst v63  }
0x1cf: {  	_ = 	snop  }
0x1d0: {  	[tilespmem:s16], [sflag:$0x4] =	stream.indirect.gather [hbm4b:s1+s9], $0x80, s13, s9, $0xb8;
	[tilespmem:$0x10E00] =	vst v63  }
0x1d1: {  	_ =	swait.ge [sflag:s17], $0x4000  }
0x1d2: {  	[sflag:s17] =	ssyncset.done $0x0  }
0x1d3: {  	s13 =	simm.s32 $0x880;
	[sflag:s17] =	ssyncadd.s32 $0xFFFFC000  }
0x1d4: {  	[hbm4b:s2+s9] =	stream.indirect.scatter [tilespmem:s15], [sflag:$0x6], $0x80, s13, s9, $0xb8;
	[tilespmem:$0x10E00] =	vst v63  }
0x1d5: {  	_ =	swait.ge [sflag:s19], $0x4000  }
0x1d6: {  	[sflag:s19] =	ssyncset.done $0x0  }
0x1d7: {  	[sflag:s19] =	ssyncadd.s32 $0xFFFFC000  }
0x1d8: {  	[hbm4b:s6+s9] =	stream.indirect.scatter [tilespmem:s16], [sflag:$0x8], $0x80, s13, s9, $0xb8;
	[tilespmem:$0x10E00] =	vst v63  }
0x1d9: {  	_ =	swait.ge [sflag:s20], $0x4000  }
0x1da: {  	[sflag:s20] =	ssyncset.done $0x0  }
0x1db: {  	[sflag:s20] =	ssyncadd.s32 $0xFFFFC000  }
0x1dc: {  	_ =	swait.ge [sflag:s21], $0x4000  }
0x1dd: {  	[sflag:s21] =	ssyncset.done $0x0  }
0x1de: {  	s13 =	simm.s32 $0x300;
	[sflag:s21] =	ssyncadd.s32 $0xFFFFC000  }
0x1df: {  	[tilespmem:s10], [sflag:$0x1] =	stream.indirect.gather [hbm4b:s3+s9], $0x80, s13, s9, $0xb8;
	[tilespmem:$0x10E00] =	vst v63  }
0x1e0: {  	_ = 	snop  }
0x1e1: {  	[tilespmem:s11], [sflag:$0x3] =	stream.indirect.gather [hbm4b:s1+s9], $0x80, s13, s9, $0xb8;
	[tilespmem:$0x10E00] =	vst v63  }
0x1e2: {  	_ =	swait.ge [sflag:s12], $0x4000  }
0x1e3: {  	[sflag:s12] =	ssyncset.done $0x0  }
0x1e4: {  	s13 =	simm.s32 $0x900;
	[sflag:s12] =	ssyncadd.s32 $0xFFFFC000  }
0x1e5: {  	[hbm4b:s2+s9] =	stream.indirect.scatter [tilespmem:s10], [sflag:$0x5], $0x80, s13, s9, $0xb8;
	[tilespmem:$0x10E00] =	vst v63  }
0x1e6: {  	_ =	swait.ge [sflag:s14], $0x4000  }
0x1e7: {  	[sflag:s14] =	ssyncset.done $0x0  }
0x1e8: {  	[sflag:s14] =	ssyncadd.s32 $0xFFFFC000  }
0x1e9: {  	[hbm4b:s6+s9] =	stream.indirect.scatter [tilespmem:s11], [sflag:$0x7], $0x80, s13, s9, $0xb8;
	[tilespmem:$0x10E00] =	vst v63  }
0x1ea: {  	_ =	swait.ge [sflag:s24], $0x4000  }
0x1eb: {  	[sflag:s24] =	ssyncset.done $0x0  }
0x1ec: {  	[sflag:s24] =	ssyncadd.s32 $0xFFFFC000  }
0x1ed: {  	_ =	swait.ge [sflag:s25], $0x4000  }
0x1ee: {  	[sflag:s25] =	ssyncset.done $0x0  }
0x1ef: {  	[sflag:s25] =	ssyncadd.s32 $0xFFFFC000  }
0x1f0: {  	[tilespmem:s15], [sflag:$0x2] =	stream.indirect.gather [hbm4b:s3+s9], $0x80, s18, s9, $0xb8;
	[tilespmem:$0x10E00] =	vst v63  }
0x1f1: {  	_ = 	snop  }
0x1f2: {  	[tilespmem:s16], [sflag:$0x4] =	stream.indirect.gather [hbm4b:s1+s9], $0x80, s18, s9, $0xb8;
	[tilespmem:$0x10E00] =	vst v63  }
0x1f3: {  	_ =	swait.ge [sflag:s17], $0x4000  }
0x1f4: {  	[sflag:s17] =	ssyncset.done $0x0  }
0x1f5: {  	[sflag:s17] =	ssyncadd.s32 $0xFFFFC000  }
0x1f6: {  	[hbm4b:s2+s9] =	stream.indirect.scatter [tilespmem:s15], [sflag:$0x6], $0x80, s22, s9, $0xb8;
	[tilespmem:$0x10E00] =	vst v63  }
0x1f7: {  	_ =	swait.ge [sflag:s19], $0x4000  }
0x1f8: {  	[sflag:s19] =	ssyncset.done $0x0  }
0x1f9: {  	[sflag:s19] =	ssyncadd.s32 $0xFFFFC000  }
0x1fa: {  	[hbm4b:s6+s9] =	stream.indirect.scatter [tilespmem:s16], [sflag:$0x8], $0x80, s22, s9, $0xb8;
	[tilespmem:$0x10E00] =	vst v63  }
0x1fb: {  	_ =	swait.ge [sflag:s20], $0x4000  }
0x1fc: {  	[sflag:s20] =	ssyncset.done $0x0  }
0x1fd: {  	[sflag:s20] =	ssyncadd.s32 $0xFFFFC000  }
0x1fe: {  	_ =	swait.ge [sflag:s21], $0x4000  }
0x1ff: {  	[sflag:s21] =	ssyncset.done $0x0  }
0x200: {  	[sflag:s21] =	ssyncadd.s32 $0xFFFFC000  }
0x201: {  	[tilespmem:s10], [sflag:$0x1] =	stream.indirect.gather [hbm4b:s3+s9], $0x80, s23, s9, $0xb8;
	[tilespmem:$0x10E00] =	vst v63  }
0x202: {  	_ = 	snop  }
0x203: {  	[tilespmem:s11], [sflag:$0x3] =	stream.indirect.gather [hbm4b:s1+s9], $0x80, s23, s9, $0xb8;
	[tilespmem:$0x10E00] =	vst v63  }
0x204: {  	_ =	swait.ge [sflag:s12], $0x4000  }
0x205: {  	[sflag:s12] =	ssyncset.done $0x0  }
0x206: {  	[sflag:s12] =	ssyncadd.s32 $0xFFFFC000  }
0x207: {  	[hbm4b:s2+s9] =	stream.indirect.scatter [tilespmem:s10], [sflag:$0x5], $0x80, s26, s9, $0xb8;
	[tilespmem:$0x10E00] =	vst v63  }
0x208: {  	_ =	swait.ge [sflag:s14], $0x4000  }
0x209: {  	[sflag:s14] =	ssyncset.done $0x0  }
0x20a: {  	[sflag:s14] =	ssyncadd.s32 $0xFFFFC000  }
0x20b: {  	[hbm4b:s6+s9] =	stream.indirect.scatter [tilespmem:s11], [sflag:$0x7], $0x80, s26, s9, $0xb8;
	[tilespmem:$0x10E00] =	vst v63  }
0x20c: {  	_ =	swait.ge [sflag:s24], $0x4000  }
0x20d: {  	[sflag:s24] =	ssyncset.done $0x0  }
0x20e: {  	[sflag:s24] =	ssyncadd.s32 $0xFFFFC000  }
0x20f: {  	_ =	swait.ge [sflag:s25], $0x4000  }
0x210: {  	[sflag:s25] =	ssyncset.done $0x0  }
0x211: {  	[sflag:s25] =	ssyncadd.s32 $0xFFFFC000  }
0x212: {  	[tilespmem:s15], [sflag:$0x2] =	stream.indirect.gather [hbm4b:s3+s9], $0x80, s28, s9, $0xb8;
	[tilespmem:$0x10E00] =	vst v63  }
0x213: {  	_ = 	snop  }
0x214: {  	[tilespmem:s16], [sflag:$0x4] =	stream.indirect.gather [hbm4b:s1+s9], $0x80, s28, s9, $0xb8;
	[tilespmem:$0x10E00] =	vst v63  }
0x215: {  	_ =	swait.ge [sflag:s17], $0x4000  }
0x216: {  	[sflag:s17] =	ssyncset.done $0x0  }
0x217: {  	[sflag:s17] =	ssyncadd.s32 $0xFFFFC000  }
0x218: {  	[hbm4b:s2+s9] =	stream.indirect.scatter [tilespmem:s15], [sflag:$0x6], $0x80, s29, s9, $0xb8;
	[tilespmem:$0x10E00] =	vst v63  }
0x219: {  	_ =	swait.ge [sflag:s19], $0x4000  }
0x21a: {  	[sflag:s19] =	ssyncset.done $0x0  }
0x21b: {  	[sflag:s19] =	ssyncadd.s32 $0xFFFFC000  }
0x21c: {  	[hbm4b:s6+s9] =	stream.indirect.scatter [tilespmem:s16], [sflag:$0x8], $0x80, s29, s9, $0xb8;
	[tilespmem:$0x10E00] =	vst v63  }
0x21d: {  	_ =	swait.ge [sflag:s20], $0x4000  }
0x21e: {  	[sflag:s20] =	ssyncset.done $0x0  }
0x21f: {  	[sflag:s20] =	ssyncadd.s32 $0xFFFFC000  }
0x220: {  	_ =	swait.ge [sflag:s21], $0x4000  }
0x221: {  	[sflag:s21] =	ssyncset.done $0x0  }
0x222: {  	[sflag:s21] =	ssyncadd.s32 $0xFFFFC000  }
0x223: {  	[tilespmem:s10], [sflag:$0x1] =	stream.indirect.gather [hbm4b:s3+s9], $0x80, s30, s9, $0xb8;
	[tilespmem:$0x10E00] =	vst v63  }
0x224: {  	_ = 	snop  }
0x225: {  	[tilespmem:s11], [sflag:$0x3] =	stream.indirect.gather [hbm4b:s1+s9], $0x80, s30, s9, $0xb8;
	[tilespmem:$0x10E00] =	vst v63  }
0x226: {  	_ =	swait.ge [sflag:s12], $0x4000  }
0x227: {  	[sflag:s12] =	ssyncset.done $0x0  }
0x228: {  	[sflag:s12] =	ssyncadd.s32 $0xFFFFC000  }
0x229: {  	[hbm4b:s2+s9] =	stream.indirect.scatter [tilespmem:s10], [sflag:$0x5], $0x80, s31, s9, $0xb8;
	[tilespmem:$0x10E00] =	vst v63  }
0x22a: {  	_ =	swait.ge [sflag:s14], $0x4000  }
0x22b: {  	[sflag:s14] =	ssyncset.done $0x0  }
0x22c: {  	[sflag:s14] =	ssyncadd.s32 $0xFFFFC000  }
0x22d: {  	[hbm4b:s6+s9] =	stream.indirect.scatter [tilespmem:s11], [sflag:$0x7], $0x80, s31, s9, $0xb8;
	[tilespmem:$0x10E00] =	vst v63  }
0x22e: {  	_ =	swait.ge [sflag:s24], $0x4000  }
0x22f: {  	[sflag:s24] =	ssyncset.done $0x0  }
0x230: {  	[sflag:s24] =	ssyncadd.s32 $0xFFFFC000  }
0x231: {  	_ =	swait.ge [sflag:s25], $0x4000  }
0x232: {  	[sflag:s25] =	ssyncset.done $0x0  }
0x233: {  	[sflag:s25] =	ssyncadd.s32 $0xFFFFC000  }
0x234: {  	[tilespmem:s15], [sflag:$0x2] =	stream.indirect.gather [hbm4b:s3+s9], $0x80, s0, s9, $0xb8;
	[tilespmem:$0x10E00] =	vst v63  }
0x235: {  	_ = 	snop  }
0x236: {  	[tilespmem:s16], [sflag:$0x4] =	stream.indirect.gather [hbm4b:s1+s9], $0x80, s0, s9, $0xb8;
	[tilespmem:$0x10E00] =	vst v63  }
0x237: {  	_ =	swait.ge [sflag:s17], $0x4000  }
0x238: {  	[sflag:s17] =	ssyncset.done $0x0  }
0x239: {  	[sflag:s17] =	ssyncadd.s32 $0xFFFFC000  }
0x23a: {  	[hbm4b:s2+s9] =	stream.indirect.scatter [tilespmem:s15], [sflag:$0x6], $0x80, s4, s9, $0xb8;
	[tilespmem:$0x10E00] =	vst v63  }
0x23b: {  	_ =	swait.ge [sflag:s19], $0x4000  }
0x23c: {  	[sflag:s19] =	ssyncset.done $0x0  }
0x23d: {  	[sflag:s19] =	ssyncadd.s32 $0xFFFFC000  }
0x23e: {  	[hbm4b:s6+s9] =	stream.indirect.scatter [tilespmem:s16], [sflag:$0x8], $0x80, s4, s9, $0xb8;
	[tilespmem:$0x10E00] =	vst v63  }
0x23f: {  	_ =	swait.ge [sflag:s20], $0x4000  }
0x240: {  	[sflag:s20] =	ssyncset.done $0x0  }
0x241: {  	[sflag:s20] =	ssyncadd.s32 $0xFFFFC000  }
0x242: {  	_ =	swait.ge [sflag:s21], $0x4000  }
0x243: {  	[sflag:s21] =	ssyncset.done $0x0  }
0x244: {  	[sflag:s21] =	ssyncadd.s32 $0xFFFFC000  }
0x245: {  	p0 =	sne.s32 s7, $0x1;
	_ =	swait.ge [sflag:s24], $0x4000  }
.Ltmp0:
0x246: {  	[sflag:s24] =	ssyncset.done $0x0;
	(pc) =	sbr.rel @p0 .LBB2_1-.Ltmp0, $4  }
0x247: {  	[sflag:s24] =	ssyncadd.s32 $0xFFFFC000  }
0x248: {  	_ =	swait.ge [sflag:s25], $0x4000  }
0x249: {  	[sflag:s25] =	ssyncset.done $0x0  }
0x24a: {  	s7 =	sadd.s32 $0xFFFFFFFF, s7;
	[sflag:s25] =	ssyncadd.s32 $0xFFFFC000  }
0x24b: {  	_ =	sfence.sel $0x180000  }
0x24c: {  	[bflag:$0x0] =	sbarrier.arrive $0xFFFF  }
0x24d: {  	_ =	strace $0x90000047  }
0x24e: {  	s0 =	stileid.u32;
	[bflag:$0x2] =	sbarrier.arrive $0xFFFF  }
0x24f: {  	p0 =	sne.s32 s0, $0x0;
	s0 =	rddreg [dreg:$0x2]  }
0x250: {  	s0 =	sadd.s32 @!p0 $0x100000, s0  }
0x251: {  	[sflag:s0] =	ssyncadd.tile.s32 @!p0 $0x1;
	_ =	shalt  }
.Lfunc_end2:
_tile_overlayer_lowered:
.L_overlay_start_2:
0x252: {  	(tag) =	ssettag $0x2  }
0x253: {  	s0 =	rddreg [dreg:$0x0];
	s2 =	stileid.u32  }
0x254: {  	s1 =	rddreg [dreg:$0x1];
	p0 =	sne.s32 s2, $0x0  }
0x255: {  	s3 =	rddreg [dreg:$0x2];
	[bflag:$0x3] =	sbarrier.arrive $0xFFFF;
	s2 =	simm.s32 @!p0 $0x1C09  }
0x256: {  	[timem:s3], [sflag:s2] =	dma.local @!p0 [hbm:s0], s1  }
0x257: {  	s0 =	simm.s32 @!p0 $0x9  }
0x258: {  	_ =	swait.ge @!p0 [sflag:s0], s1  }
0x259: {  	s1 =	ssub.s32 @!p0 $0x0, s1;
	[sflag:s0] =	ssyncset.done @!p0 $0x0  }
0x25a: {  	[sflag:s0] =	ssyncadd.s32 @!p0 s1  }
0x25b: {  	[bflag:$0x3] =	sbarrier.arrive $0xFFFF  }
0x25c: {  	_ =	shalt  }

</sc_bundles>
